<compile_context>
chip_gen: v7x
topology: tpu7x:2x2x1
jax: 0.10.2.dev20260603
libtpu: 0.0.44.dev20260713+nightly
codegen_flags: <defaults>
</compile_context>

<pallas_src>
import functools

import jax
import jax.numpy as jnp
from jax import lax
from jax.experimental import pallas as pl
from jax.experimental.pallas import tpu as pltpu
from jax.experimental.pallas import tpu_sc as plsc

RAP = 0.1
PRIOR_EPS = 1e-4
PROB_EPS = 1e-12

E = 1048576
B = 4096
NC, NS, L = 2, 16, 16
NW = NC * NS
C_PER = E // NW
ROWS_PER = C_PER // 128
S1_SUB_ROWS = 64
S2_SUB = 16384
_mesh = plsc.VectorSubcoreMesh(core_axis_name="c", subcore_axis_name="s")
_sc_params = pltpu.CompilerParams(needs_layout_passes=False)


def _e1a_body(el_ref, es_ref, p_ref):
    p_ref[...] = jnp.exp(el_ref[...]) * jnp.sqrt(
        jnp.clip(es_ref[...], PRIOR_EPS, None))


def _e1b_body(u_ref, w_ref):
    uc = jnp.clip(u_ref[...], 1e-9, 1.0 - 1e-9)
    w_ref[...] = -1.0 / jnp.log(uc)


def _e1a(edge_logits, edge_scores):
    rows = E // 128
    grid = 16
    blk = rows // grid
    spec = pl.BlockSpec((blk, 128), lambda i: (i, 0))
    return pl.pallas_call(
        _e1a_body,
        grid=(grid,),
        in_specs=[spec] * 2,
        out_specs=spec,
        out_shape=jax.ShapeDtypeStruct((rows, 128), jnp.float32),
    )(edge_logits.reshape(rows, 128), edge_scores.reshape(rows, 128))


def _e1b(u):
    rows = E // 128
    grid = 16
    blk = rows // grid
    spec = pl.BlockSpec((blk, 128), lambda i: (i, 0))
    return pl.pallas_call(
        _e1b_body,
        grid=(grid,),
        in_specs=[spec],
        out_specs=spec,
        out_shape=jax.ShapeDtypeStruct((rows, 128), jnp.float32),
    )(u.reshape(rows, 128))


def _fill(ref, n, value):
    v = jnp.full((L,), value, dtype=ref.dtype)

    def body(i, _):
        ref[pl.ds(i * L, L)] = v
        return 0

    lax.fori_loop(0, n // L, body, 0)


SL = B // NS


@functools.partial(
    pl.kernel,
    mesh=_mesh,
    out_type=[jax.ShapeDtypeStruct((NC, B), jnp.float32),
              jax.ShapeDtypeStruct((NC, B), jnp.float32)],
    scratch_types=[
        pltpu.VMEM((C_PER,), jnp.int32),
        pltpu.VMEM((C_PER,), jnp.float32),
        pltpu.VMEM((B,), jnp.float32),
        pltpu.VMEM((B,), jnp.float32),
        pltpu.VMEM((NS, SL), jnp.float32),
        pltpu.VMEM((NS, SL), jnp.float32),
        pltpu.VMEM((SL,), jnp.float32),
        pltpu.VMEM((SL,), jnp.float32),
        pltpu.VMEM_SHARED((NS, NS, SL), jnp.float32),
        pltpu.VMEM_SHARED((NS, NS, SL), jnp.float32),
        pltpu.SemaphoreType.DMA,
        pltpu.SemaphoreType.DMA,
    ],
    compiler_params=_sc_params,
)
def _s1(ids1d, p1d, zpart, cpart, ids_s, p_s, zloc, cloc, mz, mc,
        zred, cred, zsl, csl, sem0, sem1):
    c = lax.axis_index("c")
    s = lax.axis_index("s")
    wid = s * NC + c
    base = wid * C_PER

    cp0 = pltpu.async_copy(ids1d.at[pl.ds(base, C_PER)], ids_s, sem0)
    cp1 = pltpu.async_copy(p1d.at[pl.ds(base, C_PER)], p_s, sem1)
    _fill(zloc, B, 0.0)
    _fill(cloc, B, 0.0)
    cp0.wait()
    cp1.wait()

    iota = lax.broadcasted_iota(jnp.int32, (L,), 0)
    nxt_idx = jnp.minimum(iota + 1, L - 1)
    ones = jnp.ones((L,), jnp.float32)

    def one_vreg(v):
        ds = pl.ds(v * L, L)
        ids16 = ids_s[ds]
        sp = p_s[ds]
        sc = ones
        for d in (1, 2, 4, 8):
            idxs = jnp.maximum(iota - d, 0)
            sh_id = ids16.at[idxs].get(mode="promise_in_bounds")
            sh_p = sp.at[idxs].get(mode="promise_in_bounds")
            sh_c = sc.at[idxs].get(mode="promise_in_bounds")
            ok = (sh_id == ids16) & (iota >= d)
            sp = jnp.where(ok, sp + sh_p, sp)
            sc = jnp.where(ok, sc + sh_c, sc)
        nxt_id = ids16.at[nxt_idx].get(mode="promise_in_bounds")
        is_last = (ids16 != nxt_id) | (iota == L - 1)
        plsc.addupdate_scatter(zloc, [ids16], sp, mask=is_last)
        plsc.addupdate_scatter(cloc, [ids16], sc, mask=is_last)

    @plsc.parallel_loop(0, C_PER // L, unroll=4)
    def _(v):
        one_vreg(v)

    for w in range(NS):
        pltpu.sync_copy(zloc.at[pl.ds(w * SL, SL)], zsl.at[w, s])
        pltpu.sync_copy(cloc.at[pl.ds(w * SL, SL)], csl.at[w, s])
    plsc.subcore_barrier()
    pltpu.sync_copy(zsl.at[s], mz)
    pltpu.sync_copy(csl.at[s], mc)

    def red(i, _):
        ds = pl.ds(i * L, L)
        az = mz[0, ds]
        ac = mc[0, ds]
        for r in range(1, NS):
            az = az + mz[r, ds]
            ac = ac + mc[r, ds]
        zred[ds] = az
        cred[ds] = ac
        return 0

    lax.fori_loop(0, SL // L, red, 0)
    pltpu.sync_copy(zred, zpart.at[c, pl.ds(s * SL, SL)])
    pltpu.sync_copy(cred, cpart.at[c, pl.ds(s * SL, SL)])


N_SUB = C_PER // S2_SUB


@functools.partial(
    pl.kernel,
    mesh=_mesh,
    out_type=[jax.ShapeDtypeStruct((NW, B), jnp.float32),
              jax.ShapeDtypeStruct((NW, B), jnp.float32)],
    scratch_types=[
        pltpu.VMEM((B,), jnp.float32),
        pltpu.VMEM((B,), jnp.float32),
        pltpu.VMEM((B,), jnp.float32),
        pltpu.VMEM((B,), jnp.float32),
        pltpu.VMEM((C_PER + 2 * L,), jnp.int32),
        pltpu.VMEM((C_PER,), jnp.float32),
        pltpu.VMEM((C_PER,), jnp.float32),
        pltpu.VMEM((2 * C_PER // L,), jnp.int32),
        pltpu.VMEM((2 * C_PER // L,), jnp.float32),
        pltpu.VMEM((2 * C_PER // L,), jnp.float32),
        pltpu.SemaphoreType.DMA,
        pltpu.SemaphoreType.DMA,
        pltpu.SemaphoreType.DMA,
    ],
    compiler_params=_sc_params,
)
def _s2(ids1d, p1d, w1d, zpart, cpart, stop, bestv, bestq,
        dinv_s, it_s, mv_s, mq_s, ids_s, p_s, w_s, ei_s, es_s, eq_s,
        sem0, sem1, sem2):
    c = lax.axis_index("c")
    s = lax.axis_index("s")
    wid = s * NC + c

    sems = (sem0, sem1)
    for sub in range(N_SUB):
        base = wid * C_PER + sub * S2_SUB
        pltpu.async_copy(ids1d.at[pl.ds(base, S2_SUB)],
                         ids_s.at[pl.ds(L + sub * S2_SUB, S2_SUB)], sems[sub])
        dst = pl.ds(sub * S2_SUB, S2_SUB)
        pltpu.async_copy(p1d.at[pl.ds(base, S2_SUB)], p_s.at[dst], sems[sub])
        pltpu.async_copy(w1d.at[pl.ds(base, S2_SUB)], w_s.at[dst], sems[sub])
    ids_s[pl.ds(0, L)] = jnp.full((L,), -1, jnp.int32)
    ids_s[pl.ds(L + C_PER, L)] = jnp.full((L,), -1, jnp.int32)

    pltpu.sync_copy(zpart.at[0], mv_s)
    pltpu.sync_copy(zpart.at[1], mq_s)

    def pro_z(i, _):
        ds = pl.ds(i * L, L)
        dinv_s[ds] = mv_s[ds] + mq_s[ds]
        return 0

    lax.fori_loop(0, B // L, pro_z, 0)
    pltpu.sync_copy(cpart.at[0], mv_s)
    pltpu.sync_copy(cpart.at[1], mq_s)

    def pro_c(i, _):
        ds = pl.ds(i * L, L)
        it_s[ds] = 1.0 / (mv_s[ds] + mq_s[ds] + 1.0)
        return 0

    lax.fori_loop(0, B // L, pro_c, 0)
    pltpu.sync_copy(stop, mv_s)

    def pro_d(i, _):
        ds = pl.ds(i * L, L)
        dinv_s[ds] = 1.0 / (dinv_s[ds] + jnp.exp(mv_s[ds]))
        zero = jnp.zeros((L,), jnp.float32)
        mv_s[ds] = zero
        mq_s[ds] = zero
        return 0

    lax.fori_loop(0, B // L, pro_d, 0)

    iota = lax.broadcasted_iota(jnp.int32, (L,), 0)
    nxt_idx = jnp.minimum(iota + 1, L - 1)
    zero_i = jnp.zeros((L,), jnp.int32)
    fifteen = zero_i + (L - 1)
    NV = C_PER // L

    for sub in range(N_SUB):
        dst = pl.ds(sub * S2_SUB, S2_SUB)
        for _ in range(3):
            pltpu.make_async_copy(
                ids1d.at[pl.ds(0, S2_SUB)], p_s.at[dst], sems[sub]).wait()

    @plsc.parallel_loop(0, NV, unroll=4)
    def _(v):
        b16 = L + v * L
        ids16 = ids_s[pl.ds(b16, L)]
        pv = p_s[pl.ds(v * L, L)]
        wv = w_s[pl.ds(v * L, L)]
        dg = plsc.load_gather(dinv_s, [ids16])
        ig = plsc.load_gather(it_s, [ids16])
        q = (1.0 - RAP) * pv * dg + RAP * ig
        sbits = plsc.bitcast(q * wv, jnp.int32)
        cur_s = plsc.bitcast((sbits & ~0xF) | (L - 1 - iota), jnp.float32)
        prv1 = ids_s[pl.ds(b16 - 1, L)]
        for d in (1, 2, 4, 8):
            idxs = jnp.maximum(iota - d, 0)
            sh_s = cur_s.at[idxs].get(mode="promise_in_bounds")
            sh_id = prv1 if d == 1 else ids_s[pl.ds(b16 - d, L)]
            same = sh_id == ids16
            cur_s = jnp.where(same, jnp.maximum(sh_s, cur_s), cur_s)
        win = (L - 1) - (plsc.bitcast(cur_s, jnp.int32) & 0xF)
        q_win = q.at[win].get(mode="promise_in_bounds")
        is_last = ids16 != ids_s[pl.ds(b16 + 1, L)]
        id0 = ids16[0]
        id0s = zero_i + id0
        left_open = (ids16 == id0s) & (prv1[0] == id0)
        direct = is_last & (~left_open)
        plsc.store_scatter(mv_s, [ids16], cur_s, mask=direct)
        plsc.store_scatter(mq_s, [ids16], q_win, mask=direct)
        b0 = plsc.all_reduce_ffs(ids16 != id0s) - 1
        sel = jnp.where(iota == 0, b0, L - 1)
        e_s = cur_s.at[sel].get(mode="promise_in_bounds")
        e_q = q_win.at[sel].get(mode="promise_in_bounds")
        e_i = ids16.at[sel].get(mode="promise_in_bounds")
        eidx = jnp.minimum(2 * v + iota, 2 * NV - 1)
        mask2 = iota < 2
        plsc.store_scatter(ei_s, [eidx], e_i, mask=mask2)
        plsc.store_scatter(es_s, [eidx], e_s, mask=mask2)
        plsc.store_scatter(eq_s, [eidx], e_q, mask=mask2)

    def bodyb(v, _):
        ds = pl.ds(v * L, L)
        ids16 = ei_s[ds]
        cur_s = es_s[ds]
        cur_q = eq_s[ds]
        for d in (1, 2, 4, 8):
            idxs = jnp.maximum(iota - d, 0)
            sh_s = cur_s.at[idxs].get(mode="promise_in_bounds")
            sh_q = cur_q.at[idxs].get(mode="promise_in_bounds")
            sh_id = ids16.at[idxs].get(mode="promise_in_bounds")
            same = sh_id == ids16
            cur_q = jnp.where(same & (sh_s >= cur_s), sh_q, cur_q)
            cur_s = jnp.where(same, jnp.maximum(sh_s, cur_s), cur_s)
        nxt_id = ids16.at[nxt_idx].get(mode="promise_in_bounds")
        is_last = (ids16 != nxt_id) | (iota == L - 1)
        mv = plsc.load_gather(mv_s, [ids16])
        upd = is_last & (cur_s > mv)
        plsc.store_scatter(mv_s, [ids16], cur_s, mask=upd)
        plsc.store_scatter(mq_s, [ids16], cur_q, mask=upd)
        return 0

    lax.fori_loop(0, 2 * NV // L, bodyb, 0)

    pltpu.async_copy(mv_s, bestv.at[wid], sem2)
    pltpu.async_copy(mq_s, bestq.at[wid], sem2)
    pltpu.make_async_copy(mv_s, bestv.at[wid], sem2).wait()
    pltpu.make_async_copy(mq_s, bestq.at[wid], sem2).wait()


def _e3_body(bestv_ref, bestq_ref, zpart_ref, cpart_ref, stop_ref, out_ref):
    best = bestv_ref[0]
    q = bestq_ref[0]
    for w in range(1, NW):
        v = bestv_ref[w]
        upd = v > best
        best = jnp.where(upd, v, best)
        q = jnp.where(upd, bestq_ref[w], q)
    z = zpart_ref[0] + zpart_ref[1]
    cnt = cpart_ref[0] + cpart_ref[1]
    exp_stop = jnp.exp(stop_ref[...])
    dinv = 1.0 / (z + exp_stop)
    it = 1.0 / (cnt + 1.0)
    final_stop = (1.0 - RAP) * exp_stop * dinv + RAP * it
    log_stop = jnp.log(jnp.clip(final_stop, PROB_EPS, None))
    log_edge = jnp.log(jnp.clip(q, PROB_EPS, None))
    out_ref[...] = jnp.where(final_stop >= best, log_stop, log_edge)


def _e3(bestv, bestq, zpart, cpart, stop_logits):
    rb = B // 128
    out = pl.pallas_call(
        _e3_body,
        out_shape=jax.ShapeDtypeStruct((rb, 128), jnp.float32),
    )(bestv.reshape(NW, rb, 128), bestq.reshape(NW, rb, 128),
      zpart.reshape(NC, rb, 128), cpart.reshape(NC, rb, 128),
      stop_logits.reshape(rb, 128))
    return out.reshape(B)


def kernel(edge_logits, stop_logits, edge_scores, u, edge_batch):
    p2 = _e1a(edge_logits, edge_scores)
    zpart, cpart = _s1(edge_batch, p2.reshape(E))
    w2 = _e1b(u)
    bestv, bestq = _s2(edge_batch, p2.reshape(E), w2.reshape(E),
                       zpart, cpart, stop_logits)
    return _e3(bestv, bestq, zpart, cpart, stop_logits)

# --- scband reference (transcript-rebuilt; emitter-appended) ---
"""Pipeline reference for scband-gflow-net-actor-45294725103973 (READ-ONLY COPY).

The authoritative reference and input builder live on the scoring server;
editing this copy changes nothing except your own understanding.
"""

import jax, jax.numpy as jnp
import numpy as np

LARGE_NEG = -1e9
T = 1.0
STOP_BIAS = 0.0
RAP = 0.1
PRIOR_ALPHA = 0.5
PRIOR_EPS = 1e-4
PROB_EPS = 1e-12
EPS = float(np.finfo(np.float32).eps)
B = 4096
E = 1048576


def setup_inputs(seed: int = 0) -> dict:
    key = jax.random.key(seed)
    k1, k2, k3, k4, k5 = jax.random.split(key, 5)
    edge_logits = jax.random.normal(k1, (E,), jnp.float32)
    stop_logits = jax.random.normal(k2, (B,), jnp.float32)
    edge_scores = jax.random.uniform(k3, (E,), jnp.float32)
    u = jax.random.uniform(k4, (E,), jnp.float32)
    edge_batch = jnp.sort(jax.random.randint(k5, (E,), 0, B))
    return {"edge_logits": edge_logits, "stop_logits": stop_logits,
            "edge_scores": edge_scores, "u": u, "edge_batch": edge_batch}


def _forward(edge_logits, stop_logits, edge_scores, u, edge_batch):
    num_graphs = stop_logits.shape[0]
    n_edges = edge_logits.shape[0]
    valid = jnp.ones((n_edges,), dtype=bool)  # no done graphs at step 0
    # prior mixing: logits += alpha * log(clamped scores)
    safe_scores = jnp.clip(edge_scores, PRIOR_EPS, None)
    logits = edge_logits + PRIOR_ALPHA * jnp.log(safe_scores)
    masked = jnp.where(valid, logits, LARGE_NEG)
    scaled_edge = masked / T
    scaled_stop = (stop_logits + STOP_BIAS) / T
    ones_e = jnp.ones((n_edges,), jnp.float32)
    edge_counts = jax.ops.segment_sum(ones_e, edge_batch, num_segments=num_graphs)
    has_edge = edge_counts > 0
    # joint log-softmax over per-graph edges + stop action
    max_edge = jax.ops.segment_max(scaled_edge, edge_batch, num_segments=num_graphs)
    max_edge = jnp.where(has_edge, max_edge, LARGE_NEG)
    max_joint = jnp.maximum(max_edge, scaled_stop)
    exp_edges = jax.ops.segment_sum(jnp.exp(scaled_edge - max_joint[edge_batch]), edge_batch, num_segments=num_graphs)
    exp_stop = jnp.exp(scaled_stop - max_joint)
    log_denom = max_joint + jnp.log(exp_edges + exp_stop + EPS)
    log_edge_prob = scaled_edge - log_denom[edge_batch]
    log_stop_prob = scaled_stop - log_denom
    edge_prob = jnp.exp(log_edge_prob)
    stop_prob = jnp.exp(log_stop_prob)
    # epsilon-uniform exploration mix
    valid_counts = jax.ops.segment_sum(valid.astype(jnp.float32), edge_batch, num_segments=num_graphs)
    total_actions = valid_counts + 1.0
    inv_total = 1.0 / jnp.clip(total_actions, 1.0, None)
    uniform_edge = jnp.where(valid, inv_total[edge_batch], 0.0)
    uniform_stop = inv_total
    final_edge = (1.0 - RAP) * edge_prob + RAP * uniform_edge
    final_stop = (1.0 - RAP) * stop_prob + RAP * uniform_stop
    log_final_edge = jnp.log(jnp.clip(final_edge, PROB_EPS, None))
    log_final_edge = jnp.where(valid, log_final_edge, LARGE_NEG)
    log_final_stop = jnp.log(jnp.clip(final_stop, PROB_EPS, None))
    # Gumbel-perturbed sampling over edges; stop uses plain log-prob score
    uc = jnp.clip(u, 1e-9, 1.0 - 1e-9)
    gumbel = -jnp.log(-jnp.log(uc))
    score_edges = log_final_edge + gumbel
    score_stop = log_final_stop
    best_edge = jax.ops.segment_max(score_edges, edge_batch, num_segments=num_graphs)
    best_edge = jnp.where(has_edge, best_edge, LARGE_NEG)
    is_best = score_edges >= best_edge[edge_batch]
    idx_cand = jnp.where(is_best, jnp.arange(n_edges), n_edges)
    best_idx = jax.ops.segment_min(idx_cand, edge_batch, num_segments=num_graphs)
    best_idx = jnp.clip(best_idx, 0, n_edges - 1)
    stop_chosen = score_stop >= best_edge
    chosen_edge_logp = log_final_edge[best_idx]
    log_pf = jnp.where(stop_chosen, log_final_stop, chosen_edge_logp)
    return log_pf


def reference(edge_logits, stop_logits, edge_scores, u, edge_batch):
    return _forward(edge_logits, stop_logits, edge_scores, u, edge_batch)

if __name__ == "__main__":
    import jax
    _d = setup_inputs()
    print(jax.jit(kernel)(*tuple(_d.values())))

</pallas_src>

<mosaic_0001>
#map = affine_map<(d0, d1) -> (0)>
#map1 = affine_map<(d0, d1) -> (0, 0)>
module attributes {stable_mosaic.version = 14 : i64} {
  func.func @_s1(%arg0: i32, %arg1: i32, %arg2: memref<1048576xi32, #tpu.memory_space<hbm>>, %arg3: memref<1048576xf32, #tpu.memory_space<hbm>>, %arg4: memref<2x4096xf32, #tpu.memory_space<hbm>>, %arg5: memref<2x4096xf32, #tpu.memory_space<hbm>>, %arg6: memref<32768xi32, #tpu.memory_space<vmem>>, %arg7: memref<32768xf32, #tpu.memory_space<vmem>>, %arg8: memref<4096xf32, #tpu.memory_space<vmem>>, %arg9: memref<4096xf32, #tpu.memory_space<vmem>>, %arg10: memref<16x256xf32, #tpu.memory_space<vmem>>, %arg11: memref<16x256xf32, #tpu.memory_space<vmem>>, %arg12: memref<256xf32, #tpu.memory_space<vmem>>, %arg13: memref<256xf32, #tpu.memory_space<vmem>>, %arg14: memref<16x16x256xf32, #tpu.memory_space<vmem_shared>>, %arg15: memref<16x16x256xf32, #tpu.memory_space<vmem_shared>>, %arg16: memref<!tpu.dma_semaphore, #tpu.memory_space<semaphore_mem>>, %arg17: memref<!tpu.dma_semaphore, #tpu.memory_space<semaphore_mem>>) attributes {dimension_semantics = [#tpu.dimension_semantics<core_parallel>, #tpu.dimension_semantics<subcore_parallel>], iteration_bounds = array<i64: 2, 16>, scalar_prefetch = 0 : i64, scratch_operands = 12 : i64, tpu.core_type = #tpu.core_type<sc_vector_subcore>, window_params = [{transform_indices = #map}, {transform_indices = #map}, {transform_indices = #map1}, {transform_indices = #map1}]} {
    %mul3A = arith.constant 2 : i32
    %mul3A_0 = arith.muli %arg1, %mul3A : i32
    %add3A = arith.addi %mul3A_0, %arg0 : i32
    %mul3A_1 = arith.constant 32768 : i32
    %mul3A_2 = arith.muli %add3A, %mul3A_1 : i32
    %dma_start3A = tpu.memref_slice %arg2[%mul3A_2] : memref<1048576xi32, #tpu.memory_space<hbm>> -> memref<32768xi32, #tpu.memory_space<hbm>>
    %dma_start3A_3 = tpu.memref_slice %arg2[%mul3A_2] : memref<1048576xi32, #tpu.memory_space<hbm>> -> memref<32768xi32, #tpu.memory_space<hbm>>
    tpu.enqueue_dma source(%dma_start3A_3 : memref<32768xi32, #tpu.memory_space<hbm>>) target(%arg6 : memref<32768xi32, #tpu.memory_space<vmem>>) target_semaphore(%arg16 : memref<!tpu.dma_semaphore, #tpu.memory_space<semaphore_mem>>)
    %dma_start3A_4 = tpu.memref_slice %arg3[%mul3A_2] : memref<1048576xf32, #tpu.memory_space<hbm>> -> memref<32768xf32, #tpu.memory_space<hbm>>
    %dma_start3A_5 = tpu.memref_slice %arg3[%mul3A_2] : memref<1048576xf32, #tpu.memory_space<hbm>> -> memref<32768xf32, #tpu.memory_space<hbm>>
    tpu.enqueue_dma source(%dma_start3A_5 : memref<32768xf32, #tpu.memory_space<hbm>>) target(%arg7 : memref<32768xf32, #tpu.memory_space<vmem>>) target_semaphore(%arg17 : memref<!tpu.dma_semaphore, #tpu.memory_space<semaphore_mem>>)
    %broadcast_in_dim3A = arith.constant 0.000000e+00 : f32
    %broadcast_in_dim3A_6 = vector.broadcast %broadcast_in_dim3A : f32 to vector<16xf32>
    %scan3A = arith.constant 0 : i32
    %scan3A_7 = arith.constant 0 : i32
    %scan3A_8 = arith.constant 256 : i32
    %scan3A_9 = arith.addi %scan3A_7, %scan3A_8 : i32
    %scan3A_10 = arith.constant 1 : i32
    %scan3A_11 = scf.for %scan3A_76 = %scan3A_7 to %scan3A_9 step %scan3A_10 iter_args(%scan3A_77 = %scan3A) -> (i32)  : i32 {
      %mul3A_78 = arith.constant 16 : i32
      %mul3A_79 = arith.muli %scan3A_76, %mul3A_78 : i32
      %swap3A = arith.index_cast %mul3A_79 : i32 to index
      %swap3A_80 = tpu.vector_load %arg8[%swap3A] {strides = array<i32>} : memref<4096xf32, #tpu.memory_space<vmem>>, vector<16xf32>,
      tpu.vector_store %arg8[%swap3A], %broadcast_in_dim3A_6 {strides = array<i32>} : memref<4096xf32, #tpu.memory_space<vmem>>, vector<16xf32>,
      %scan3A_81 = arith.constant 0 : i32
      scf.yield %scan3A_81 : i32
    }
    %scan3A_12 = arith.constant 256 : i32
    %broadcast_in_dim3A_13 = arith.constant 0.000000e+00 : f32
    %broadcast_in_dim3A_14 = vector.broadcast %broadcast_in_dim3A_13 : f32 to vector<16xf32>
    %scan3A_15 = arith.constant 0 : i32
    %scan3A_16 = arith.constant 0 : i32
    %scan3A_17 = arith.constant 256 : i32
    %scan3A_18 = arith.addi %scan3A_16, %scan3A_17 : i32
    %scan3A_19 = arith.constant 1 : i32
    %scan3A_20 = scf.for %scan3A_76 = %scan3A_16 to %scan3A_18 step %scan3A_19 iter_args(%scan3A_77 = %scan3A_15) -> (i32)  : i32 {
      %mul3A_78 = arith.constant 16 : i32
      %mul3A_79 = arith.muli %scan3A_76, %mul3A_78 : i32
      %swap3A = arith.index_cast %mul3A_79 : i32 to index
      %swap3A_80 = tpu.vector_load %arg9[%swap3A] {strides = array<i32>} : memref<4096xf32, #tpu.memory_space<vmem>>, vector<16xf32>,
      tpu.vector_store %arg9[%swap3A], %broadcast_in_dim3A_14 {strides = array<i32>} : memref<4096xf32, #tpu.memory_space<vmem>>, vector<16xf32>,
      %scan3A_81 = arith.constant 0 : i32
      scf.yield %scan3A_81 : i32
    }
    %scan3A_21 = arith.constant 256 : i32
    %dma_wait3A = tpu.memref_slice %arg2[%mul3A_2] : memref<1048576xi32, #tpu.memory_space<hbm>> -> memref<32768xi32, #tpu.memory_space<hbm>>
    %dma_wait3A_22 = tpu.memref_slice %arg2[%mul3A_2] : memref<1048576xi32, #tpu.memory_space<hbm>> -> memref<32768xi32, #tpu.memory_space<hbm>>
    tpu.wait_dma2 semaphore(%arg16 : memref<!tpu.dma_semaphore, #tpu.memory_space<semaphore_mem>>) src(%dma_wait3A_22 : memref<32768xi32, #tpu.memory_space<hbm>>) dst(%arg6 : memref<32768xi32, #tpu.memory_space<vmem>>)
    %dma_wait3A_23 = tpu.memref_slice %arg3[%mul3A_2] : memref<1048576xf32, #tpu.memory_space<hbm>> -> memref<32768xf32, #tpu.memory_space<hbm>>
    %dma_wait3A_24 = tpu.memref_slice %arg3[%mul3A_2] : memref<1048576xf32, #tpu.memory_space<hbm>> -> memref<32768xf32, #tpu.memory_space<hbm>>
    tpu.wait_dma2 semaphore(%arg17 : memref<!tpu.dma_semaphore, #tpu.memory_space<semaphore_mem>>) src(%dma_wait3A_24 : memref<32768xf32, #tpu.memory_space<hbm>>) dst(%arg7 : memref<32768xf32, #tpu.memory_space<vmem>>)
    %iota3A = tpu.iota {dimensions = array<i32: 0>} : vector<16xi32>
    %add3A_25 = arith.constant 1 : i32
    %add3A_26 = vector.broadcast %add3A_25 : i32 to vector<16xi32>
    %add3A_27 = arith.addi %iota3A, %add3A_26 : vector<16xi32>
    %min3A = arith.constant 15 : i32
    %min3A_28 = vector.broadcast %min3A : i32 to vector<16xi32>
    %min3A_29 = arith.minsi %add3A_27, %min3A_28 : vector<16xi32>
    %broadcast_in_dim3A_30 = arith.constant 1.000000e+00 : f32
    %broadcast_in_dim3A_31 = vector.broadcast %broadcast_in_dim3A_30 : f32 to vector<16xf32>
    %parallel_loop3A = arith.constant 0 : i32
    %parallel_loop3A_32 = arith.constant 2048 : i32
    %parallel_loop3A_33 = arith.constant 1 : i32
    scf.for %parallel_loop3A_76 = %parallel_loop3A to %parallel_loop3A_32 step %parallel_loop3A_33  : i32 {
      %parallel_loop3A_77 = arith.constant 16 : i32
      %parallel_loop3A_78 = arith.muli %parallel_loop3A_76, %parallel_loop3A_77 : i32
      %parallel_loop3A_79 = arith.index_cast %parallel_loop3A_78 : i32 to index
      %parallel_loop3A_80 = tpu.vector_load %arg6[%parallel_loop3A_79] {strides = array<i32>} : memref<32768xi32, #tpu.memory_space<vmem>>, vector<16xi32>,
      %parallel_loop3A_81 = arith.index_cast %parallel_loop3A_78 : i32 to index
      %parallel_loop3A_82 = tpu.vector_load %arg7[%parallel_loop3A_81] {strides = array<i32>} : memref<32768xf32, #tpu.memory_space<vmem>>, vector<16xf32>,
      %parallel_loop3A_83 = arith.constant 1 : i32
      %parallel_loop3A_84 = vector.broadcast %parallel_loop3A_83 : i32 to vector<16xi32>
      %parallel_loop3A_85 = arith.subi %iota3A, %parallel_loop3A_84 : vector<16xi32>
      %parallel_loop3A_86 = arith.constant 0 : i32
      %parallel_loop3A_87 = vector.broadcast %parallel_loop3A_86 : i32 to vector<16xi32>
      %parallel_loop3A_88 = arith.maxsi %parallel_loop3A_85, %parallel_loop3A_87 : vector<16xi32>
      %parallel_loop3A_89 = arith.constant 0 : i32
      %parallel_loop3A_90 = vector.broadcast %parallel_loop3A_89 : i32 to vector<16xi32>
      %parallel_loop3A_91 = arith.cmpi slt, %parallel_loop3A_88, %parallel_loop3A_90 : vector<16xi32>
      %parallel_loop3A_92 = arith.constant 16 : i32
      %parallel_loop3A_93 = vector.broadcast %parallel_loop3A_92 : i32 to vector<16xi32>
      %parallel_loop3A_94 = arith.addi %parallel_loop3A_88, %parallel_loop3A_93 : vector<16xi32>
      %parallel_loop3A_95 = arith.select %parallel_loop3A_91, %parallel_loop3A_94, %parallel_loop3A_88 : vector<16xi1>, vector<16xi32>
      %parallel_loop3A_96 = vector.shape_cast %parallel_loop3A_95 : vector<16xi32> to vector<16x1xi32>
      %parallel_loop3A_97 = vector.shape_cast %parallel_loop3A_96 : vector<16x1xi32> to vector<16xi32>
      %parallel_loop3A_98 = tpu.dynamic_gather %parallel_loop3A_80[%parallel_loop3A_97] in [0] : vector<16xi32>, vector<16xi32> -> vector<16xi32>
      %parallel_loop3A_99 = arith.constant 0 : i32
      %parallel_loop3A_100 = vector.broadcast %parallel_loop3A_99 : i32 to vector<16xi32>
      %parallel_loop3A_101 = arith.cmpi slt, %parallel_loop3A_88, %parallel_loop3A_100 : vector<16xi32>
      %parallel_loop3A_102 = arith.constant 16 : i32
      %parallel_loop3A_103 = vector.broadcast %parallel_loop3A_102 : i32 to vector<16xi32>
      %parallel_loop3A_104 = arith.addi %parallel_loop3A_88, %parallel_loop3A_103 : vector<16xi32>
      %parallel_loop3A_105 = arith.select %parallel_loop3A_101, %parallel_loop3A_104, %parallel_loop3A_88 : vector<16xi1>, vector<16xi32>
      %parallel_loop3A_106 = vector.shape_cast %parallel_loop3A_105 : vector<16xi32> to vector<16x1xi32>
      %parallel_loop3A_107 = vector.shape_cast %parallel_loop3A_106 : vector<16x1xi32> to vector<16xi32>
      %parallel_loop3A_108 = tpu.dynamic_gather %parallel_loop3A_82[%parallel_loop3A_107] in [0] : vector<16xf32>, vector<16xi32> -> vector<16xf32>
      %parallel_loop3A_109 = arith.constant 0 : i32
      %parallel_loop3A_110 = vector.broadcast %parallel_loop3A_109 : i32 to vector<16xi32>
      %parallel_loop3A_111 = arith.cmpi slt, %parallel_loop3A_88, %parallel_loop3A_110 : vector<16xi32>
      %parallel_loop3A_112 = arith.constant 16 : i32
      %parallel_loop3A_113 = vector.broadcast %parallel_loop3A_112 : i32 to vector<16xi32>
      %parallel_loop3A_114 = arith.addi %parallel_loop3A_88, %parallel_loop3A_113 : vector<16xi32>
      %parallel_loop3A_115 = arith.select %parallel_loop3A_111, %parallel_loop3A_114, %parallel_loop3A_88 : vector<16xi1>, vector<16xi32>
      %parallel_loop3A_116 = vector.shape_cast %parallel_loop3A_115 : vector<16xi32> to vector<16x1xi32>
      %parallel_loop3A_117 = vector.shape_cast %parallel_loop3A_116 : vector<16x1xi32> to vector<16xi32>
      %parallel_loop3A_118 = tpu.dynamic_gather %broadcast_in_dim3A_31[%parallel_loop3A_117] in [0] : vector<16xf32>, vector<16xi32> -> vector<16xf32>
      %parallel_loop3A_119 = arith.cmpi eq, %parallel_loop3A_98, %parallel_loop3A_80 : vector<16xi32>
      %parallel_loop3A_120 = arith.constant 1 : i32
      %parallel_loop3A_121 = vector.broadcast %parallel_loop3A_120 : i32 to vector<16xi32>
      %parallel_loop3A_122 = arith.cmpi sge, %iota3A, %parallel_loop3A_121 : vector<16xi32>
      %parallel_loop3A_123 = arith.andi %parallel_loop3A_119, %parallel_loop3A_122 : vector<16xi1>
      %parallel_loop3A_124 = arith.addf %parallel_loop3A_82, %parallel_loop3A_108 : vector<16xf32>
      %parallel_loop3A_125 = arith.select %parallel_loop3A_123, %parallel_loop3A_124, %parallel_loop3A_82 : vector<16xi1>, vector<16xf32>
      %parallel_loop3A_126 = arith.addf %broadcast_in_dim3A_31, %parallel_loop3A_118 : vector<16xf32>
      %parallel_loop3A_127 = arith.select %parallel_loop3A_123, %parallel_loop3A_126, %broadcast_in_dim3A_31 : vector<16xi1>, vector<16xf32>
      %parallel_loop3A_128 = arith.constant 2 : i32
      %parallel_loop3A_129 = vector.broadcast %parallel_loop3A_128 : i32 to vector<16xi32>
      %parallel_loop3A_130 = arith.subi %iota3A, %parallel_loop3A_129 : vector<16xi32>
      %parallel_loop3A_131 = arith.constant 0 : i32
      %parallel_loop3A_132 = vector.broadcast %parallel_loop3A_131 : i32 to vector<16xi32>
      %parallel_loop3A_133 = arith.maxsi %parallel_loop3A_130, %parallel_loop3A_132 : vector<16xi32>
      %parallel_loop3A_134 = arith.constant 0 : i32
      %parallel_loop3A_135 = vector.broadcast %parallel_loop3A_134 : i32 to vector<16xi32>
      %parallel_loop3A_136 = arith.cmpi slt, %parallel_loop3A_133, %parallel_loop3A_135 : vector<16xi32>
      %parallel_loop3A_137 = arith.constant 16 : i32
      %parallel_loop3A_138 = vector.broadcast %parallel_loop3A_137 : i32 to vector<16xi32>
      %parallel_loop3A_139 = arith.addi %parallel_loop3A_133, %parallel_loop3A_138 : vector<16xi32>
      %parallel_loop3A_140 = arith.select %parallel_loop3A_136, %parallel_loop3A_139, %parallel_loop3A_133 : vector<16xi1>, vector<16xi32>
      %parallel_loop3A_141 = vector.shape_cast %parallel_loop3A_140 : vector<16xi32> to vector<16x1xi32>
      %parallel_loop3A_142 = vector.shape_cast %parallel_loop3A_141 : vector<16x1xi32> to vector<16xi32>
      %parallel_loop3A_143 = tpu.dynamic_gather %parallel_loop3A_80[%parallel_loop3A_142] in [0] : vector<16xi32>, vector<16xi32> -> vector<16xi32>
      %parallel_loop3A_144 = arith.constant 0 : i32
      %parallel_loop3A_145 = vector.broadcast %parallel_loop3A_144 : i32 to vector<16xi32>
      %parallel_loop3A_146 = arith.cmpi slt, %parallel_loop3A_133, %parallel_loop3A_145 : vector<16xi32>
      %parallel_loop3A_147 = arith.constant 16 : i32
      %parallel_loop3A_148 = vector.broadcast %parallel_loop3A_147 : i32 to vector<16xi32>
      %parallel_loop3A_149 = arith.addi %parallel_loop3A_133, %parallel_loop3A_148 : vector<16xi32>
      %parallel_loop3A_150 = arith.select %parallel_loop3A_146, %parallel_loop3A_149, %parallel_loop3A_133 : vector<16xi1>, vector<16xi32>
      %parallel_loop3A_151 = vector.shape_cast %parallel_loop3A_150 : vector<16xi32> to vector<16x1xi32>
      %parallel_loop3A_152 = vector.shape_cast %parallel_loop3A_151 : vector<16x1xi32> to vector<16xi32>
      %parallel_loop3A_153 = tpu.dynamic_gather %parallel_loop3A_125[%parallel_loop3A_152] in [0] : vector<16xf32>, vector<16xi32> -> vector<16xf32>
      %parallel_loop3A_154 = arith.constant 0 : i32
      %parallel_loop3A_155 = vector.broadcast %parallel_loop3A_154 : i32 to vector<16xi32>
      %parallel_loop3A_156 = arith.cmpi slt, %parallel_loop3A_133, %parallel_loop3A_155 : vector<16xi32>
      %parallel_loop3A_157 = arith.constant 16 : i32
      %parallel_loop3A_158 = vector.broadcast %parallel_loop3A_157 : i32 to vector<16xi32>
      %parallel_loop3A_159 = arith.addi %parallel_loop3A_133, %parallel_loop3A_158 : vector<16xi32>
      %parallel_loop3A_160 = arith.select %parallel_loop3A_156, %parallel_loop3A_159, %parallel_loop3A_133 : vector<16xi1>, vector<16xi32>
      %parallel_loop3A_161 = vector.shape_cast %parallel_loop3A_160 : vector<16xi32> to vector<16x1xi32>
      %parallel_loop3A_162 = vector.shape_cast %parallel_loop3A_161 : vector<16x1xi32> to vector<16xi32>
      %parallel_loop3A_163 = tpu.dynamic_gather %parallel_loop3A_127[%parallel_loop3A_162] in [0] : vector<16xf32>, vector<16xi32> -> vector<16xf32>
      %parallel_loop3A_164 = arith.cmpi eq, %parallel_loop3A_143, %parallel_loop3A_80 : vector<16xi32>
      %parallel_loop3A_165 = arith.constant 2 : i32
      %parallel_loop3A_166 = vector.broadcast %parallel_loop3A_165 : i32 to vector<16xi32>
      %parallel_loop3A_167 = arith.cmpi sge, %iota3A, %parallel_loop3A_166 : vector<16xi32>
      %parallel_loop3A_168 = arith.andi %parallel_loop3A_164, %parallel_loop3A_167 : vector<16xi1>
      %parallel_loop3A_169 = arith.addf %parallel_loop3A_125, %parallel_loop3A_153 : vector<16xf32>
      %parallel_loop3A_170 = arith.select %parallel_loop3A_168, %parallel_loop3A_169, %parallel_loop3A_125 : vector<16xi1>, vector<16xf32>
      %parallel_loop3A_171 = arith.addf %parallel_loop3A_127, %parallel_loop3A_163 : vector<16xf32>
      %parallel_loop3A_172 = arith.select %parallel_loop3A_168, %parallel_loop3A_171, %parallel_loop3A_127 : vector<16xi1>, vector<16xf32>
      %parallel_loop3A_173 = arith.constant 4 : i32
      %parallel_loop3A_174 = vector.broadcast %parallel_loop3A_173 : i32 to vector<16xi32>
      %parallel_loop3A_175 = arith.subi %iota3A, %parallel_loop3A_174 : vector<16xi32>
      %parallel_loop3A_176 = arith.constant 0 : i32
      %parallel_loop3A_177 = vector.broadcast %parallel_loop3A_176 : i32 to vector<16xi32>
      %parallel_loop3A_178 = arith.maxsi %parallel_loop3A_175, %parallel_loop3A_177 : vector<16xi32>
      %parallel_loop3A_179 = arith.constant 0 : i32
      %parallel_loop3A_180 = vector.broadcast %parallel_loop3A_179 : i32 to vector<16xi32>
      %parallel_loop3A_181 = arith.cmpi slt, %parallel_loop3A_178, %parallel_loop3A_180 : vector<16xi32>
      %parallel_loop3A_182 = arith.constant 16 : i32
      %parallel_loop3A_183 = vector.broadcast %parallel_loop3A_182 : i32 to vector<16xi32>
      %parallel_loop3A_184 = arith.addi %parallel_loop3A_178, %parallel_loop3A_183 : vector<16xi32>
      %parallel_loop3A_185 = arith.select %parallel_loop3A_181, %parallel_loop3A_184, %parallel_loop3A_178 : vector<16xi1>, vector<16xi32>
      %parallel_loop3A_186 = vector.shape_cast %parallel_loop3A_185 : vector<16xi32> to vector<16x1xi32>
      %parallel_loop3A_187 = vector.shape_cast %parallel_loop3A_186 : vector<16x1xi32> to vector<16xi32>
      %parallel_loop3A_188 = tpu.dynamic_gather %parallel_loop3A_80[%parallel_loop3A_187] in [0] : vector<16xi32>, vector<16xi32> -> vector<16xi32>
      %parallel_loop3A_189 = arith.constant 0 : i32
      %parallel_loop3A_190 = vector.broadcast %parallel_loop3A_189 : i32 to vector<16xi32>
      %parallel_loop3A_191 = arith.cmpi slt, %parallel_loop3A_178, %parallel_loop3A_190 : vector<16xi32>
      %parallel_loop3A_192 = arith.constant 16 : i32
      %parallel_loop3A_193 = vector.broadcast %parallel_loop3A_192 : i32 to vector<16xi32>
      %parallel_loop3A_194 = arith.addi %parallel_loop3A_178, %parallel_loop3A_193 : vector<16xi32>
      %parallel_loop3A_195 = arith.select %parallel_loop3A_191, %parallel_loop3A_194, %parallel_loop3A_178 : vector<16xi1>, vector<16xi32>
      %parallel_loop3A_196 = vector.shape_cast %parallel_loop3A_195 : vector<16xi32> to vector<16x1xi32>
      %parallel_loop3A_197 = vector.shape_cast %parallel_loop3A_196 : vector<16x1xi32> to vector<16xi32>
      %parallel_loop3A_198 = tpu.dynamic_gather %parallel_loop3A_170[%parallel_loop3A_197] in [0] : vector<16xf32>, vector<16xi32> -> vector<16xf32>
      %parallel_loop3A_199 = arith.constant 0 : i32
      %parallel_loop3A_200 = vector.broadcast %parallel_loop3A_199 : i32 to vector<16xi32>
      %parallel_loop3A_201 = arith.cmpi slt, %parallel_loop3A_178, %parallel_loop3A_200 : vector<16xi32>
      %parallel_loop3A_202 = arith.constant 16 : i32
      %parallel_loop3A_203 = vector.broadcast %parallel_loop3A_202 : i32 to vector<16xi32>
      %parallel_loop3A_204 = arith.addi %parallel_loop3A_178, %parallel_loop3A_203 : vector<16xi32>
      %parallel_loop3A_205 = arith.select %parallel_loop3A_201, %parallel_loop3A_204, %parallel_loop3A_178 : vector<16xi1>, vector<16xi32>
      %parallel_loop3A_206 = vector.shape_cast %parallel_loop3A_205 : vector<16xi32> to vector<16x1xi32>
      %parallel_loop3A_207 = vector.shape_cast %parallel_loop3A_206 : vector<16x1xi32> to vector<16xi32>
      %parallel_loop3A_208 = tpu.dynamic_gather %parallel_loop3A_172[%parallel_loop3A_207] in [0] : vector<16xf32>, vector<16xi32> -> vector<16xf32>
      %parallel_loop3A_209 = arith.cmpi eq, %parallel_loop3A_188, %parallel_loop3A_80 : vector<16xi32>
      %parallel_loop3A_210 = arith.constant 4 : i32
      %parallel_loop3A_211 = vector.broadcast %parallel_loop3A_210 : i32 to vector<16xi32>
      %parallel_loop3A_212 = arith.cmpi sge, %iota3A, %parallel_loop3A_211 : vector<16xi32>
      %parallel_loop3A_213 = arith.andi %parallel_loop3A_209, %parallel_loop3A_212 : vector<16xi1>
      %parallel_loop3A_214 = arith.addf %parallel_loop3A_170, %parallel_loop3A_198 : vector<16xf32>
      %parallel_loop3A_215 = arith.select %parallel_loop3A_213, %parallel_loop3A_214, %parallel_loop3A_170 : vector<16xi1>, vector<16xf32>
      %parallel_loop3A_216 = arith.addf %parallel_loop3A_172, %parallel_loop3A_208 : vector<16xf32>
      %parallel_loop3A_217 = arith.select %parallel_loop3A_213, %parallel_loop3A_216, %parallel_loop3A_172 : vector<16xi1>, vector<16xf32>
      %parallel_loop3A_218 = arith.constant 8 : i32
      %parallel_loop3A_219 = vector.broadcast %parallel_loop3A_218 : i32 to vector<16xi32>
      %parallel_loop3A_220 = arith.subi %iota3A, %parallel_loop3A_219 : vector<16xi32>
      %parallel_loop3A_221 = arith.constant 0 : i32
      %parallel_loop3A_222 = vector.broadcast %parallel_loop3A_221 : i32 to vector<16xi32>
      %parallel_loop3A_223 = arith.maxsi %parallel_loop3A_220, %parallel_loop3A_222 : vector<16xi32>
      %parallel_loop3A_224 = arith.constant 0 : i32
      %parallel_loop3A_225 = vector.broadcast %parallel_loop3A_224 : i32 to vector<16xi32>
      %parallel_loop3A_226 = arith.cmpi slt, %parallel_loop3A_223, %parallel_loop3A_225 : vector<16xi32>
      %parallel_loop3A_227 = arith.constant 16 : i32
      %parallel_loop3A_228 = vector.broadcast %parallel_loop3A_227 : i32 to vector<16xi32>
      %parallel_loop3A_229 = arith.addi %parallel_loop3A_223, %parallel_loop3A_228 : vector<16xi32>
      %parallel_loop3A_230 = arith.select %parallel_loop3A_226, %parallel_loop3A_229, %parallel_loop3A_223 : vector<16xi1>, vector<16xi32>
      %parallel_loop3A_231 = vector.shape_cast %parallel_loop3A_230 : vector<16xi32> to vector<16x1xi32>
      %parallel_loop3A_232 = vector.shape_cast %parallel_loop3A_231 : vector<16x1xi32> to vector<16xi32>
      %parallel_loop3A_233 = tpu.dynamic_gather %parallel_loop3A_80[%parallel_loop3A_232] in [0] : vector<16xi32>, vector<16xi32> -> vector<16xi32>
      %parallel_loop3A_234 = arith.constant 0 : i32
      %parallel_loop3A_235 = vector.broadcast %parallel_loop3A_234 : i32 to vector<16xi32>
      %parallel_loop3A_236 = arith.cmpi slt, %parallel_loop3A_223, %parallel_loop3A_235 : vector<16xi32>
      %parallel_loop3A_237 = arith.constant 16 : i32
      %parallel_loop3A_238 = vector.broadcast %parallel_loop3A_237 : i32 to vector<16xi32>
      %parallel_loop3A_239 = arith.addi %parallel_loop3A_223, %parallel_loop3A_238 : vector<16xi32>
      %parallel_loop3A_240 = arith.select %parallel_loop3A_236, %parallel_loop3A_239, %parallel_loop3A_223 : vector<16xi1>, vector<16xi32>
      %parallel_loop3A_241 = vector.shape_cast %parallel_loop3A_240 : vector<16xi32> to vector<16x1xi32>
      %parallel_loop3A_242 = vector.shape_cast %parallel_loop3A_241 : vector<16x1xi32> to vector<16xi32>
      %parallel_loop3A_243 = tpu.dynamic_gather %parallel_loop3A_215[%parallel_loop3A_242] in [0] : vector<16xf32>, vector<16xi32> -> vector<16xf32>
      %parallel_loop3A_244 = arith.constant 0 : i32
      %parallel_loop3A_245 = vector.broadcast %parallel_loop3A_244 : i32 to vector<16xi32>
      %parallel_loop3A_246 = arith.cmpi slt, %parallel_loop3A_223, %parallel_loop3A_245 : vector<16xi32>
      %parallel_loop3A_247 = arith.constant 16 : i32
      %parallel_loop3A_248 = vector.broadcast %parallel_loop3A_247 : i32 to vector<16xi32>
      %parallel_loop3A_249 = arith.addi %parallel_loop3A_223, %parallel_loop3A_248 : vector<16xi32>
      %parallel_loop3A_250 = arith.select %parallel_loop3A_246, %parallel_loop3A_249, %parallel_loop3A_223 : vector<16xi1>, vector<16xi32>
      %parallel_loop3A_251 = vector.shape_cast %parallel_loop3A_250 : vector<16xi32> to vector<16x1xi32>
      %parallel_loop3A_252 = vector.shape_cast %parallel_loop3A_251 : vector<16x1xi32> to vector<16xi32>
      %parallel_loop3A_253 = tpu.dynamic_gather %parallel_loop3A_217[%parallel_loop3A_252] in [0] : vector<16xf32>, vector<16xi32> -> vector<16xf32>
      %parallel_loop3A_254 = arith.cmpi eq, %parallel_loop3A_233, %parallel_loop3A_80 : vector<16xi32>
      %parallel_loop3A_255 = arith.constant 8 : i32
      %parallel_loop3A_256 = vector.broadcast %parallel_loop3A_255 : i32 to vector<16xi32>
      %parallel_loop3A_257 = arith.cmpi sge, %iota3A, %parallel_loop3A_256 : vector<16xi32>
      %parallel_loop3A_258 = arith.andi %parallel_loop3A_254, %parallel_loop3A_257 : vector<16xi1>
      %parallel_loop3A_259 = arith.addf %parallel_loop3A_215, %parallel_loop3A_243 : vector<16xf32>
      %parallel_loop3A_260 = arith.select %parallel_loop3A_258, %parallel_loop3A_259, %parallel_loop3A_215 : vector<16xi1>, vector<16xf32>
      %parallel_loop3A_261 = arith.addf %parallel_loop3A_217, %parallel_loop3A_253 : vector<16xf32>
      %parallel_loop3A_262 = arith.select %parallel_loop3A_258, %parallel_loop3A_261, %parallel_loop3A_217 : vector<16xi1>, vector<16xf32>
      %parallel_loop3A_263 = arith.constant 0 : i32
      %parallel_loop3A_264 = vector.broadcast %parallel_loop3A_263 : i32 to vector<16xi32>
      %parallel_loop3A_265 = arith.cmpi slt, %min3A_29, %parallel_loop3A_264 : vector<16xi32>
      %parallel_loop3A_266 = arith.constant 16 : i32
      %parallel_loop3A_267 = vector.broadcast %parallel_loop3A_266 : i32 to vector<16xi32>
      %parallel_loop3A_268 = arith.addi %min3A_29, %parallel_loop3A_267 : vector<16xi32>
      %parallel_loop3A_269 = arith.select %parallel_loop3A_265, %parallel_loop3A_268, %min3A_29 : vector<16xi1>, vector<16xi32>
      %parallel_loop3A_270 = vector.shape_cast %parallel_loop3A_269 : vector<16xi32> to vector<16x1xi32>
      %parallel_loop3A_271 = vector.shape_cast %parallel_loop3A_270 : vector<16x1xi32> to vector<16xi32>
      %parallel_loop3A_272 = tpu.dynamic_gather %parallel_loop3A_80[%parallel_loop3A_271] in [0] : vector<16xi32>, vector<16xi32> -> vector<16xi32>
      %parallel_loop3A_273 = arith.cmpi ne, %parallel_loop3A_80, %parallel_loop3A_272 : vector<16xi32>
      %parallel_loop3A_274 = arith.constant 15 : i32
      %parallel_loop3A_275 = vector.broadcast %parallel_loop3A_274 : i32 to vector<16xi32>
      %parallel_loop3A_276 = arith.cmpi eq, %iota3A, %parallel_loop3A_275 : vector<16xi32>
      %parallel_loop3A_277 = arith.ori %parallel_loop3A_273, %parallel_loop3A_276 : vector<16xi1>
      tpu.vector_store_idx %arg8[%parallel_loop3A_80], %parallel_loop3A_260 masked %parallel_loop3A_277 {add = true} : memref<4096xf32, #tpu.memory_space<vmem>>[vector<16xi32>], vector<16xf32>, vector<16xi1>
      tpu.vector_store_idx %arg9[%parallel_loop3A_80], %parallel_loop3A_262 masked %parallel_loop3A_277 {add = true} : memref<4096xf32, #tpu.memory_space<vmem>>[vector<16xi32>], vector<16xf32>, vector<16xi1>
    } {sc.loop_unroll_factor = 4 : i64, sc.parallel_access}
    %run_scoped3A = arith.constant 0 : i32
    "tpu.region"() ({
      %run_scoped3A_76 = tpu.sem_alloc : memref<!tpu.dma_semaphore, #tpu.memory_space<semaphore_mem>>
      %dma_start3A_77 = arith.constant 0 : i32
      %dma_start3A_78 = tpu.memref_slice %arg8[%dma_start3A_77] : memref<4096xf32, #tpu.memory_space<vmem>> -> memref<256xf32, #tpu.memory_space<vmem>>
      %dma_start3A_79 = arith.constant 0 : i32
      %dma_start3A_80 = tpu.memref_slice %arg14[%run_scoped3A, %arg1, %dma_start3A_79] : memref<16x16x256xf32, #tpu.memory_space<vmem_shared>> -> memref<1x1x256xf32, #tpu.memory_space<vmem_shared>>
      %dma_start3A_81 = tpu.memref_squeeze %dma_start3A_80 : memref<1x1x256xf32, #tpu.memory_space<vmem_shared>> -> memref<256xf32, #tpu.memory_space<vmem_shared>>
      %dma_start3A_82 = arith.constant 0 : i32
      %dma_start3A_83 = tpu.memref_slice %arg14[%run_scoped3A, %arg1, %dma_start3A_82] : memref<16x16x256xf32, #tpu.memory_space<vmem_shared>> -> memref<1x1x256xf32, #tpu.memory_space<vmem_shared>>
      %dma_start3A_84 = tpu.memref_squeeze %dma_start3A_83 : memref<1x1x256xf32, #tpu.memory_space<vmem_shared>> -> memref<256xf32, #tpu.memory_space<vmem_shared>>
      %dma_start3A_85 = arith.constant 0 : i32
      %dma_start3A_86 = tpu.memref_slice %arg8[%dma_start3A_85] : memref<4096xf32, #tpu.memory_space<vmem>> -> memref<256xf32, #tpu.memory_space<vmem>>
      tpu.enqueue_dma source(%dma_start3A_86 : memref<256xf32, #tpu.memory_space<vmem>>) target(%dma_start3A_84 : memref<256xf32, #tpu.memory_space<vmem_shared>>) target_semaphore(%run_scoped3A_76 : memref<!tpu.dma_semaphore, #tpu.memory_space<semaphore_mem>>)
      %dma_wait3A_87 = arith.constant 0 : i32
      %dma_wait3A_88 = tpu.memref_slice %arg8[%dma_wait3A_87] : memref<4096xf32, #tpu.memory_space<vmem>> -> memref<256xf32, #tpu.memory_space<vmem>>
      %dma_wait3A_89 = arith.constant 0 : i32
      %dma_wait3A_90 = tpu.memref_slice %arg14[%run_scoped3A, %arg1, %dma_wait3A_89] : memref<16x16x256xf32, #tpu.memory_space<vmem_shared>> -> memref<1x1x256xf32, #tpu.memory_space<vmem_shared>>
      %dma_wait3A_91 = tpu.memref_squeeze %dma_wait3A_90 : memref<1x1x256xf32, #tpu.memory_space<vmem_shared>> -> memref<256xf32, #tpu.memory_space<vmem_shared>>
      %dma_wait3A_92 = arith.constant 0 : i32
      %dma_wait3A_93 = tpu.memref_slice %arg14[%run_scoped3A, %arg1, %dma_wait3A_92] : memref<16x16x256xf32, #tpu.memory_space<vmem_shared>> -> memref<1x1x256xf32, #tpu.memory_space<vmem_shared>>
      %dma_wait3A_94 = tpu.memref_squeeze %dma_wait3A_93 : memref<1x1x256xf32, #tpu.memory_space<vmem_shared>> -> memref<256xf32, #tpu.memory_space<vmem_shared>>
      %dma_wait3A_95 = arith.constant 0 : i32
      %dma_wait3A_96 = tpu.memref_slice %arg8[%dma_wait3A_95] : memref<4096xf32, #tpu.memory_space<vmem>> -> memref<256xf32, #tpu.memory_space<vmem>>
      tpu.wait_dma2 semaphore(%run_scoped3A_76 : memref<!tpu.dma_semaphore, #tpu.memory_space<semaphore_mem>>) src(%dma_wait3A_96 : memref<256xf32, #tpu.memory_space<vmem>>) dst(%dma_wait3A_94 : memref<256xf32, #tpu.memory_space<vmem_shared>>)
      tpu.yield
    }) : () -> ()
    %run_scoped3A_34 = arith.constant 0 : i32
    "tpu.region"() ({
      %run_scoped3A_76 = tpu.sem_alloc : memref<!tpu.dma_semaphore, #tpu.memory_space<semaphore_mem>>
      %dma_start3A_77 = arith.constant 0 : i32
      %dma_start3A_78 = tpu.memref_slice %arg9[%dma_start3A_77] : memref<4096xf32, #tpu.memory_space<vmem>> -> memref<256xf32, #tpu.memory_space<vmem>>
      %dma_start3A_79 = arith.constant 0 : i32
      %dma_start3A_80 = tpu.memref_slice %arg15[%run_scoped3A_34, %arg1, %dma_start3A_79] : memref<16x16x256xf32, #tpu.memory_space<vmem_shared>> -> memref<1x1x256xf32, #tpu.memory_space<vmem_shared>>
      %dma_start3A_81 = tpu.memref_squeeze %dma_start3A_80 : memref<1x1x256xf32, #tpu.memory_space<vmem_shared>> -> memref<256xf32, #tpu.memory_space<vmem_shared>>
      %dma_start3A_82 = arith.constant 0 : i32
      %dma_start3A_83 = tpu.memref_slice %arg15[%run_scoped3A_34, %arg1, %dma_start3A_82] : memref<16x16x256xf32, #tpu.memory_space<vmem_shared>> -> memref<1x1x256xf32, #tpu.memory_space<vmem_shared>>
      %dma_start3A_84 = tpu.memref_squeeze %dma_start3A_83 : memref<1x1x256xf32, #tpu.memory_space<vmem_shared>> -> memref<256xf32, #tpu.memory_space<vmem_shared>>
      %dma_start3A_85 = arith.constant 0 : i32
      %dma_start3A_86 = tpu.memref_slice %arg9[%dma_start3A_85] : memref<4096xf32, #tpu.memory_space<vmem>> -> memref<256xf32, #tpu.memory_space<vmem>>
      tpu.enqueue_dma source(%dma_start3A_86 : memref<256xf32, #tpu.memory_space<vmem>>) target(%dma_start3A_84 : memref<256xf32, #tpu.memory_space<vmem_shared>>) target_semaphore(%run_scoped3A_76 : memref<!tpu.dma_semaphore, #tpu.memory_space<semaphore_mem>>)
      %dma_wait3A_87 = arith.constant 0 : i32
      %dma_wait3A_88 = tpu.memref_slice %arg9[%dma_wait3A_87] : memref<4096xf32, #tpu.memory_space<vmem>> -> memref<256xf32, #tpu.memory_space<vmem>>
      %dma_wait3A_89 = arith.constant 0 : i32
      %dma_wait3A_90 = tpu.memref_slice %arg15[%run_scoped3A_34, %arg1, %dma_wait3A_89] : memref<16x16x256xf32, #tpu.memory_space<vmem_shared>> -> memref<1x1x256xf32, #tpu.memory_space<vmem_shared>>
      %dma_wait3A_91 = tpu.memref_squeeze %dma_wait3A_90 : memref<1x1x256xf32, #tpu.memory_space<vmem_shared>> -> memref<256xf32, #tpu.memory_space<vmem_shared>>
      %dma_wait3A_92 = arith.constant 0 : i32
      %dma_wait3A_93 = tpu.memref_slice %arg15[%run_scoped3A_34, %arg1, %dma_wait3A_92] : memref<16x16x256xf32, #tpu.memory_space<vmem_shared>> -> memref<1x1x256xf32, #tpu.memory_space<vmem_shared>>
      %dma_wait3A_94 = tpu.memref_squeeze %dma_wait3A_93 : memref<1x1x256xf32, #tpu.memory_space<vmem_shared>> -> memref<256xf32, #tpu.memory_space<vmem_shared>>
      %dma_wait3A_95 = arith.constant 0 : i32
      %dma_wait3A_96 = tpu.memref_slice %arg9[%dma_wait3A_95] : memref<4096xf32, #tpu.memory_space<vmem>> -> memref<256xf32, #tpu.memory_space<vmem>>
      tpu.wait_dma2 semaphore(%run_scoped3A_76 : memref<!tpu.dma_semaphore, #tpu.memory_space<semaphore_mem>>) src(%dma_wait3A_96 : memref<256xf32, #tpu.memory_space<vmem>>) dst(%dma_wait3A_94 : memref<256xf32, #tpu.memory_space<vmem_shared>>)
      tpu.yield
    }) : () -> ()
    %run_scoped3A_35 = arith.constant 1 : i32
    "tpu.region"() ({
      %run_scoped3A_76 = tpu.sem_alloc : memref<!tpu.dma_semaphore, #tpu.memory_space<semaphore_mem>>
      %dma_start3A_77 = arith.constant 256 : i32
      %dma_start3A_78 = tpu.memref_slice %arg8[%dma_start3A_77] : memref<4096xf32, #tpu.memory_space<vmem>> -> memref<256xf32, #tpu.memory_space<vmem>>
      %dma_start3A_79 = arith.constant 0 : i32
      %dma_start3A_80 = tpu.memref_slice %arg14[%run_scoped3A_35, %arg1, %dma_start3A_79] : memref<16x16x256xf32, #tpu.memory_space<vmem_shared>> -> memref<1x1x256xf32, #tpu.memory_space<vmem_shared>>
      %dma_start3A_81 = tpu.memref_squeeze %dma_start3A_80 : memref<1x1x256xf32, #tpu.memory_space<vmem_shared>> -> memref<256xf32, #tpu.memory_space<vmem_shared>>
      %dma_start3A_82 = arith.constant 0 : i32
      %dma_start3A_83 = tpu.memref_slice %arg14[%run_scoped3A_35, %arg1, %dma_start3A_82] : memref<16x16x256xf32, #tpu.memory_space<vmem_shared>> -> memref<1x1x256xf32, #tpu.memory_space<vmem_shared>>
      %dma_start3A_84 = tpu.memref_squeeze %dma_start3A_83 : memref<1x1x256xf32, #tpu.memory_space<vmem_shared>> -> memref<256xf32, #tpu.memory_space<vmem_shared>>
      %dma_start3A_85 = arith.constant 256 : i32
      %dma_start3A_86 = tpu.memref_slice %arg8[%dma_start3A_85] : memref<4096xf32, #tpu.memory_space<vmem>> -> memref<256xf32, #tpu.memory_space<vmem>>
      tpu.enqueue_dma source(%dma_start3A_86 : memref<256xf32, #tpu.memory_space<vmem>>) target(%dma_start3A_84 : memref<256xf32, #tpu.memory_space<vmem_shared>>) target_semaphore(%run_scoped3A_76 : memref<!tpu.dma_semaphore, #tpu.memory_space<semaphore_mem>>)
      %dma_wait3A_87 = arith.constant 256 : i32
      %dma_wait3A_88 = tpu.memref_slice %arg8[%dma_wait3A_87] : memref<4096xf32, #tpu.memory_space<vmem>> -> memref<256xf32, #tpu.memory_space<vmem>>
      %dma_wait3A_89 = arith.constant 0 : i32
      %dma_wait3A_90 = tpu.memref_slice %arg14[%run_scoped3A_35, %arg1, %dma_wait3A_89] : memref<16x16x256xf32, #tpu.memory_space<vmem_shared>> -> memref<1x1x256xf32, #tpu.memory_space<vmem_shared>>
      %dma_wait3A_91 = tpu.memref_squeeze %dma_wait3A_90 : memref<1x1x256xf32, #tpu.memory_space<vmem_shared>> -> memref<256xf32, #tpu.memory_space<vmem_shared>>
      %dma_wait3A_92 = arith.constant 0 : i32
      %dma_wait3A_93 = tpu.memref_slice %arg14[%run_scoped3A_35, %arg1, %dma_wait3A_92] : memref<16x16x256xf32, #tpu.memory_space<vmem_shared>> -> memref<1x1x256xf32, #tpu.memory_space<vmem_shared>>
      %dma_wait3A_94 = tpu.memref_squeeze %dma_wait3A_93 : memref<1x1x256xf32, #tpu.memory_space<vmem_shared>> -> memref<256xf32, #tpu.memory_space<vmem_shared>>
      %dma_wait3A_95 = arith.constant 256 : i32
      %dma_wait3A_96 = tpu.memref_slice %arg8[%dma_wait3A_95] : memref<4096xf32, #tpu.memory_space<vmem>> -> memref<256xf32, #tpu.memory_space<vmem>>
      tpu.wait_dma2 semaphore(%run_scoped3A_76 : memref<!tpu.dma_semaphore, #tpu.memory_space<semaphore_mem>>) src(%dma_wait3A_96 : memref<256xf32, #tpu.memory_space<vmem>>) dst(%dma_wait3A_94 : memref<256xf32, #tpu.memory_space<vmem_shared>>)
      tpu.yield
    }) : () -> ()
    %run_scoped3A_36 = arith.constant 1 : i32
    "tpu.region"() ({
      %run_scoped3A_76 = tpu.sem_alloc : memref<!tpu.dma_semaphore, #tpu.memory_space<semaphore_mem>>
      %dma_start3A_77 = arith.constant 256 : i32
      %dma_start3A_78 = tpu.memref_slice %arg9[%dma_start3A_77] : memref<4096xf32, #tpu.memory_space<vmem>> -> memref<256xf32, #tpu.memory_space<vmem>>
      %dma_start3A_79 = arith.constant 0 : i32
      %dma_start3A_80 = tpu.memref_slice %arg15[%run_scoped3A_36, %arg1, %dma_start3A_79] : memref<16x16x256xf32, #tpu.memory_space<vmem_shared>> -> memref<1x1x256xf32, #tpu.memory_space<vmem_shared>>
      %dma_start3A_81 = tpu.memref_squeeze %dma_start3A_80 : memref<1x1x256xf32, #tpu.memory_space<vmem_shared>> -> memref<256xf32, #tpu.memory_space<vmem_shared>>
      %dma_start3A_82 = arith.constant 0 : i32
      %dma_start3A_83 = tpu.memref_slice %arg15[%run_scoped3A_36, %arg1, %dma_start3A_82] : memref<16x16x256xf32, #tpu.memory_space<vmem_shared>> -> memref<1x1x256xf32, #tpu.memory_space<vmem_shared>>
      %dma_start3A_84 = tpu.memref_squeeze %dma_start3A_83 : memref<1x1x256xf32, #tpu.memory_space<vmem_shared>> -> memref<256xf32, #tpu.memory_space<vmem_shared>>
      %dma_start3A_85 = arith.constant 256 : i32
      %dma_start3A_86 = tpu.memref_slice %arg9[%dma_start3A_85] : memref<4096xf32, #tpu.memory_space<vmem>> -> memref<256xf32, #tpu.memory_space<vmem>>
      tpu.enqueue_dma source(%dma_start3A_86 : memref<256xf32, #tpu.memory_space<vmem>>) target(%dma_start3A_84 : memref<256xf32, #tpu.memory_space<vmem_shared>>) target_semaphore(%run_scoped3A_76 : memref<!tpu.dma_semaphore, #tpu.memory_space<semaphore_mem>>)
      %dma_wait3A_87 = arith.constant 256 : i32
      %dma_wait3A_88 = tpu.memref_slice %arg9[%dma_wait3A_87] : memref<4096xf32, #tpu.memory_space<vmem>> -> memref<256xf32, #tpu.memory_space<vmem>>
      %dma_wait3A_89 = arith.constant 0 : i32
      %dma_wait3A_90 = tpu.memref_slice %arg15[%run_scoped3A_36, %arg1, %dma_wait3A_89] : memref<16x16x256xf32, #tpu.memory_space<vmem_shared>> -> memref<1x1x256xf32, #tpu.memory_space<vmem_shared>>
      %dma_wait3A_91 = tpu.memref_squeeze %dma_wait3A_90 : memref<1x1x256xf32, #tpu.memory_space<vmem_shared>> -> memref<256xf32, #tpu.memory_space<vmem_shared>>
      %dma_wait3A_92 = arith.constant 0 : i32
      %dma_wait3A_93 = tpu.memref_slice %arg15[%run_scoped3A_36, %arg1, %dma_wait3A_92] : memref<16x16x256xf32, #tpu.memory_space<vmem_shared>> -> memref<1x1x256xf32, #tpu.memory_space<vmem_shared>>
      %dma_wait3A_94 = tpu.memref_squeeze %dma_wait3A_93 : memref<1x1x256xf32, #tpu.memory_space<vmem_shared>> -> memref<256xf32, #tpu.memory_space<vmem_shared>>
      %dma_wait3A_95 = arith.constant 256 : i32
      %dma_wait3A_96 = tpu.memref_slice %arg9[%dma_wait3A_95] : memref<4096xf32, #tpu.memory_space<vmem>> -> memref<256xf32, #tpu.memory_space<vmem>>
      tpu.wait_dma2 semaphore(%run_scoped3A_76 : memref<!tpu.dma_semaphore, #tpu.memory_space<semaphore_mem>>) src(%dma_wait3A_96 : memref<256xf32, #tpu.memory_space<vmem>>) dst(%dma_wait3A_94 : memref<256xf32, #tpu.memory_space<vmem_shared>>)
      tpu.yield
    }) : () -> ()
    %run_scoped3A_37 = arith.constant 2 : i32
    "tpu.region"() ({
      %run_scoped3A_76 = tpu.sem_alloc : memref<!tpu.dma_semaphore, #tpu.memory_space<semaphore_mem>>
      %dma_start3A_77 = arith.constant 512 : i32
      %dma_start3A_78 = tpu.memref_slice %arg8[%dma_start3A_77] : memref<4096xf32, #tpu.memory_space<vmem>> -> memref<256xf32, #tpu.memory_space<vmem>>
      %dma_start3A_79 = arith.constant 0 : i32
      %dma_start3A_80 = tpu.memref_slice %arg14[%run_scoped3A_37, %arg1, %dma_start3A_79] : memref<16x16x256xf32, #tpu.memory_space<vmem_shared>> -> memref<1x1x256xf32, #tpu.memory_space<vmem_shared>>
      %dma_start3A_81 = tpu.memref_squeeze %dma_start3A_80 : memref<1x1x256xf32, #tpu.memory_space<vmem_shared>> -> memref<256xf32, #tpu.memory_space<vmem_shared>>
      %dma_start3A_82 = arith.constant 0 : i32
      %dma_start3A_83 = tpu.memref_slice %arg14[%run_scoped3A_37, %arg1, %dma_start3A_82] : memref<16x16x256xf32, #tpu.memory_space<vmem_shared>> -> memref<1x1x256xf32, #tpu.memory_space<vmem_shared>>
      %dma_start3A_84 = tpu.memref_squeeze %dma_start3A_83 : memref<1x1x256xf32, #tpu.memory_space<vmem_shared>> -> memref<256xf32, #tpu.memory_space<vmem_shared>>
      %dma_start3A_85 = arith.constant 512 : i32
      %dma_start3A_86 = tpu.memref_slice %arg8[%dma_start3A_85] : memref<4096xf32, #tpu.memory_space<vmem>> -> memref<256xf32, #tpu.memory_space<vmem>>
      tpu.enqueue_dma source(%dma_start3A_86 : memref<256xf32, #tpu.memory_space<vmem>>) target(%dma_start3A_84 : memref<256xf32, #tpu.memory_space<vmem_shared>>) target_semaphore(%run_scoped3A_76 : memref<!tpu.dma_semaphore, #tpu.memory_space<semaphore_mem>>)
      %dma_wait3A_87 = arith.constant 512 : i32
      %dma_wait3A_88 = tpu.memref_slice %arg8[%dma_wait3A_87] : memref<4096xf32, #tpu.memory_space<vmem>> -> memref<256xf32, #tpu.memory_space<vmem>>
      %dma_wait3A_89 = arith.constant 0 : i32
      %dma_wait3A_90 = tpu.memref_slice %arg14[%run_scoped3A_37, %arg1, %dma_wait3A_89] : memref<16x16x256xf32, #tpu.memory_space<vmem_shared>> -> memref<1x1x256xf32, #tpu.memory_space<vmem_shared>>
      %dma_wait3A_91 = tpu.memref_squeeze %dma_wait3A_90 : memref<1x1x256xf32, #tpu.memory_space<vmem_shared>> -> memref<256xf32, #tpu.memory_space<vmem_shared>>
      %dma_wait3A_92 = arith.constant 0 : i32
      %dma_wait3A_93 = tpu.memref_slice %arg14[%run_scoped3A_37, %arg1, %dma_wait3A_92] : memref<16x16x256xf32, #tpu.memory_space<vmem_shared>> -> memref<1x1x256xf32, #tpu.memory_space<vmem_shared>>
      %dma_wait3A_94 = tpu.memref_squeeze %dma_wait3A_93 : memref<1x1x256xf32, #tpu.memory_space<vmem_shared>> -> memref<256xf32, #tpu.memory_space<vmem_shared>>
      %dma_wait3A_95 = arith.constant 512 : i32
      %dma_wait3A_96 = tpu.memref_slice %arg8[%dma_wait3A_95] : memref<4096xf32, #tpu.memory_space<vmem>> -> memref<256xf32, #tpu.memory_space<vmem>>
      tpu.wait_dma2 semaphore(%run_scoped3A_76 : memref<!tpu.dma_semaphore, #tpu.memory_space<semaphore_mem>>) src(%dma_wait3A_96 : memref<256xf32, #tpu.memory_space<vmem>>) dst(%dma_wait3A_94 : memref<256xf32, #tpu.memory_space<vmem_shared>>)
      tpu.yield
    }) : () -> ()
    %run_scoped3A_38 = arith.constant 2 : i32
    "tpu.region"() ({
      %run_scoped3A_76 = tpu.sem_alloc : memref<!tpu.dma_semaphore, #tpu.memory_space<semaphore_mem>>
      %dma_start3A_77 = arith.constant 512 : i32
      %dma_start3A_78 = tpu.memref_slice %arg9[%dma_start3A_77] : memref<4096xf32, #tpu.memory_space<vmem>> -> memref<256xf32, #tpu.memory_space<vmem>>
      %dma_start3A_79 = arith.constant 0 : i32
      %dma_start3A_80 = tpu.memref_slice %arg15[%run_scoped3A_38, %arg1, %dma_start3A_79] : memref<16x16x256xf32, #tpu.memory_space<vmem_shared>> -> memref<1x1x256xf32, #tpu.memory_space<vmem_shared>>
      %dma_start3A_81 = tpu.memref_squeeze %dma_start3A_80 : memref<1x1x256xf32, #tpu.memory_space<vmem_shared>> -> memref<256xf32, #tpu.memory_space<vmem_shared>>
      %dma_start3A_82 = arith.constant 0 : i32
      %dma_start3A_83 = tpu.memref_slice %arg15[%run_scoped3A_38, %arg1, %dma_start3A_82] : memref<16x16x256xf32, #tpu.memory_space<vmem_shared>> -> memref<1x1x256xf32, #tpu.memory_space<vmem_shared>>
      %dma_start3A_84 = tpu.memref_squeeze %dma_start3A_83 : memref<1x1x256xf32, #tpu.memory_space<vmem_shared>> -> memref<256xf32, #tpu.memory_space<vmem_shared>>
      %dma_start3A_85 = arith.constant 512 : i32
      %dma_start3A_86 = tpu.memref_slice %arg9[%dma_start3A_85] : memref<4096xf32, #tpu.memory_space<vmem>> -> memref<256xf32, #tpu.memory_space<vmem>>
      tpu.enqueue_dma source(%dma_start3A_86 : memref<256xf32, #tpu.memory_space<vmem>>) target(%dma_start3A_84 : memref<256xf32, #tpu.memory_space<vmem_shared>>) target_semaphore(%run_scoped3A_76 : memref<!tpu.dma_semaphore, #tpu.memory_space<semaphore_mem>>)
      %dma_wait3A_87 = arith.constant 512 : i32
      %dma_wait3A_88 = tpu.memref_slice %arg9[%dma_wait3A_87] : memref<4096xf32, #tpu.memory_space<vmem>> -> memref<256xf32, #tpu.memory_space<vmem>>
      %dma_wait3A_89 = arith.constant 0 : i32
      %dma_wait3A_90 = tpu.memref_slice %arg15[%run_scoped3A_38, %arg1, %dma_wait3A_89] : memref<16x16x256xf32, #tpu.memory_space<vmem_shared>> -> memref<1x1x256xf32, #tpu.memory_space<vmem_shared>>
      %dma_wait3A_91 = tpu.memref_squeeze %dma_wait3A_90 : memref<1x1x256xf32, #tpu.memory_space<vmem_shared>> -> memref<256xf32, #tpu.memory_space<vmem_shared>>
      %dma_wait3A_92 = arith.constant 0 : i32
      %dma_wait3A_93 = tpu.memref_slice %arg15[%run_scoped3A_38, %arg1, %dma_wait3A_92] : memref<16x16x256xf32, #tpu.memory_space<vmem_shared>> -> memref<1x1x256xf32, #tpu.memory_space<vmem_shared>>
      %dma_wait3A_94 = tpu.memref_squeeze %dma_wait3A_93 : memref<1x1x256xf32, #tpu.memory_space<vmem_shared>> -> memref<256xf32, #tpu.memory_space<vmem_shared>>
      %dma_wait3A_95 = arith.constant 512 : i32
      %dma_wait3A_96 = tpu.memref_slice %arg9[%dma_wait3A_95] : memref<4096xf32, #tpu.memory_space<vmem>> -> memref<256xf32, #tpu.memory_space<vmem>>
      tpu.wait_dma2 semaphore(%run_scoped3A_76 : memref<!tpu.dma_semaphore, #tpu.memory_space<semaphore_mem>>) src(%dma_wait3A_96 : memref<256xf32, #tpu.memory_space<vmem>>) dst(%dma_wait3A_94 : memref<256xf32, #tpu.memory_space<vmem_shared>>)
      tpu.yield
    }) : () -> ()
    %run_scoped3A_39 = arith.constant 3 : i32
    "tpu.region"() ({
      %run_scoped3A_76 = tpu.sem_alloc : memref<!tpu.dma_semaphore, #tpu.memory_space<semaphore_mem>>
      %dma_start3A_77 = arith.constant 768 : i32
      %dma_start3A_78 = tpu.memref_slice %arg8[%dma_start3A_77] : memref<4096xf32, #tpu.memory_space<vmem>> -> memref<256xf32, #tpu.memory_space<vmem>>
      %dma_start3A_79 = arith.constant 0 : i32
      %dma_start3A_80 = tpu.memref_slice %arg14[%run_scoped3A_39, %arg1, %dma_start3A_79] : memref<16x16x256xf32, #tpu.memory_space<vmem_shared>> -> memref<1x1x256xf32, #tpu.memory_space<vmem_shared>>
      %dma_start3A_81 = tpu.memref_squeeze %dma_start3A_80 : memref<1x1x256xf32, #tpu.memory_space<vmem_shared>> -> memref<256xf32, #tpu.memory_space<vmem_shared>>
      %dma_start3A_82 = arith.constant 0 : i32
      %dma_start3A_83 = tpu.memref_slice %arg14[%run_scoped3A_39, %arg1, %dma_start3A_82] : memref<16x16x256xf32, #tpu.memory_space<vmem_shared>> -> memref<1x1x256xf32, #tpu.memory_space<vmem_shared>>
      %dma_start3A_84 = tpu.memref_squeeze %dma_start3A_83 : memref<1x1x256xf32, #tpu.memory_space<vmem_shared>> -> memref<256xf32, #tpu.memory_space<vmem_shared>>
      %dma_start3A_85 = arith.constant 768 : i32
      %dma_start3A_86 = tpu.memref_slice %arg8[%dma_start3A_85] : memref<4096xf32, #tpu.memory_space<vmem>> -> memref<256xf32, #tpu.memory_space<vmem>>
      tpu.enqueue_dma source(%dma_start3A_86 : memref<256xf32, #tpu.memory_space<vmem>>) target(%dma_start3A_84 : memref<256xf32, #tpu.memory_space<vmem_shared>>) target_semaphore(%run_scoped3A_76 : memref<!tpu.dma_semaphore, #tpu.memory_space<semaphore_mem>>)
      %dma_wait3A_87 = arith.constant 768 : i32
      %dma_wait3A_88 = tpu.memref_slice %arg8[%dma_wait3A_87] : memref<4096xf32, #tpu.memory_space<vmem>> -> memref<256xf32, #tpu.memory_space<vmem>>
      %dma_wait3A_89 = arith.constant 0 : i32
      %dma_wait3A_90 = tpu.memref_slice %arg14[%run_scoped3A_39, %arg1, %dma_wait3A_89] : memref<16x16x256xf32, #tpu.memory_space<vmem_shared>> -> memref<1x1x256xf32, #tpu.memory_space<vmem_shared>>
      %dma_wait3A_91 = tpu.memref_squeeze %dma_wait3A_90 : memref<1x1x256xf32, #tpu.memory_space<vmem_shared>> -> memref<256xf32, #tpu.memory_space<vmem_shared>>
      %dma_wait3A_92 = arith.constant 0 : i32
      %dma_wait3A_93 = tpu.memref_slice %arg14[%run_scoped3A_39, %arg1, %dma_wait3A_92] : memref<16x16x256xf32, #tpu.memory_space<vmem_shared>> -> memref<1x1x256xf32, #tpu.memory_space<vmem_shared>>
      %dma_wait3A_94 = tpu.memref_squeeze %dma_wait3A_93 : memref<1x1x256xf32, #tpu.memory_space<vmem_shared>> -> memref<256xf32, #tpu.memory_space<vmem_shared>>
      %dma_wait3A_95 = arith.constant 768 : i32
      %dma_wait3A_96 = tpu.memref_slice %arg8[%dma_wait3A_95] : memref<4096xf32, #tpu.memory_space<vmem>> -> memref<256xf32, #tpu.memory_space<vmem>>
      tpu.wait_dma2 semaphore(%run_scoped3A_76 : memref<!tpu.dma_semaphore, #tpu.memory_space<semaphore_mem>>) src(%dma_wait3A_96 : memref<256xf32, #tpu.memory_space<vmem>>) dst(%dma_wait3A_94 : memref<256xf32, #tpu.memory_space<vmem_shared>>)
      tpu.yield
    }) : () -> ()
    %run_scoped3A_40 = arith.constant 3 : i32
    "tpu.region"() ({
      %run_scoped3A_76 = tpu.sem_alloc : memref<!tpu.dma_semaphore, #tpu.memory_space<semaphore_mem>>
      %dma_start3A_77 = arith.constant 768 : i32
      %dma_start3A_78 = tpu.memref_slice %arg9[%dma_start3A_77] : memref<4096xf32, #tpu.memory_space<vmem>> -> memref<256xf32, #tpu.memory_space<vmem>>
      %dma_start3A_79 = arith.constant 0 : i32
      %dma_start3A_80 = tpu.memref_slice %arg15[%run_scoped3A_40, %arg1, %dma_start3A_79] : memref<16x16x256xf32, #tpu.memory_space<vmem_shared>> -> memref<1x1x256xf32, #tpu.memory_space<vmem_shared>>
      %dma_start3A_81 = tpu.memref_squeeze %dma_start3A_80 : memref<1x1x256xf32, #tpu.memory_space<vmem_shared>> -> memref<256xf32, #tpu.memory_space<vmem_shared>>
      %dma_start3A_82 = arith.constant 0 : i32
      %dma_start3A_83 = tpu.memref_slice %arg15[%run_scoped3A_40, %arg1, %dma_start3A_82] : memref<16x16x256xf32, #tpu.memory_space<vmem_shared>> -> memref<1x1x256xf32, #tpu.memory_space<vmem_shared>>
      %dma_start3A_84 = tpu.memref_squeeze %dma_start3A_83 : memref<1x1x256xf32, #tpu.memory_space<vmem_shared>> -> memref<256xf32, #tpu.memory_space<vmem_shared>>
      %dma_start3A_85 = arith.constant 768 : i32
      %dma_start3A_86 = tpu.memref_slice %arg9[%dma_start3A_85] : memref<4096xf32, #tpu.memory_space<vmem>> -> memref<256xf32, #tpu.memory_space<vmem>>
      tpu.enqueue_dma source(%dma_start3A_86 : memref<256xf32, #tpu.memory_space<vmem>>) target(%dma_start3A_84 : memref<256xf32, #tpu.memory_space<vmem_shared>>) target_semaphore(%run_scoped3A_76 : memref<!tpu.dma_semaphore, #tpu.memory_space<semaphore_mem>>)
      %dma_wait3A_87 = arith.constant 768 : i32
      %dma_wait3A_88 = tpu.memref_slice %arg9[%dma_wait3A_87] : memref<4096xf32, #tpu.memory_space<vmem>> -> memref<256xf32, #tpu.memory_space<vmem>>
      %dma_wait3A_89 = arith.constant 0 : i32
      %dma_wait3A_90 = tpu.memref_slice %arg15[%run_scoped3A_40, %arg1, %dma_wait3A_89] : memref<16x16x256xf32, #tpu.memory_space<vmem_shared>> -> memref<1x1x256xf32, #tpu.memory_space<vmem_shared>>
      %dma_wait3A_91 = tpu.memref_squeeze %dma_wait3A_90 : memref<1x1x256xf32, #tpu.memory_space<vmem_shared>> -> memref<256xf32, #tpu.memory_space<vmem_shared>>
      %dma_wait3A_92 = arith.constant 0 : i32
      %dma_wait3A_93 = tpu.memref_slice %arg15[%run_scoped3A_40, %arg1, %dma_wait3A_92] : memref<16x16x256xf32, #tpu.memory_space<vmem_shared>> -> memref<1x1x256xf32, #tpu.memory_space<vmem_shared>>
      %dma_wait3A_94 = tpu.memref_squeeze %dma_wait3A_93 : memref<1x1x256xf32, #tpu.memory_space<vmem_shared>> -> memref<256xf32, #tpu.memory_space<vmem_shared>>
      %dma_wait3A_95 = arith.constant 768 : i32
      %dma_wait3A_96 = tpu.memref_slice %arg9[%dma_wait3A_95] : memref<4096xf32, #tpu.memory_space<vmem>> -> memref<256xf32, #tpu.memory_space<vmem>>
      tpu.wait_dma2 semaphore(%run_scoped3A_76 : memref<!tpu.dma_semaphore, #tpu.memory_space<semaphore_mem>>) src(%dma_wait3A_96 : memref<256xf32, #tpu.memory_space<vmem>>) dst(%dma_wait3A_94 : memref<256xf32, #tpu.memory_space<vmem_shared>>)
      tpu.yield
    }) : () -> ()
    %run_scoped3A_41 = arith.constant 4 : i32
    "tpu.region"() ({
      %run_scoped3A_76 = tpu.sem_alloc : memref<!tpu.dma_semaphore, #tpu.memory_space<semaphore_mem>>
      %dma_start3A_77 = arith.constant 1024 : i32
      %dma_start3A_78 = tpu.memref_slice %arg8[%dma_start3A_77] : memref<4096xf32, #tpu.memory_space<vmem>> -> memref<256xf32, #tpu.memory_space<vmem>>
      %dma_start3A_79 = arith.constant 0 : i32
      %dma_start3A_80 = tpu.memref_slice %arg14[%run_scoped3A_41, %arg1, %dma_start3A_79] : memref<16x16x256xf32, #tpu.memory_space<vmem_shared>> -> memref<1x1x256xf32, #tpu.memory_space<vmem_shared>>
      %dma_start3A_81 = tpu.memref_squeeze %dma_start3A_80 : memref<1x1x256xf32, #tpu.memory_space<vmem_shared>> -> memref<256xf32, #tpu.memory_space<vmem_shared>>
      %dma_start3A_82 = arith.constant 0 : i32
      %dma_start3A_83 = tpu.memref_slice %arg14[%run_scoped3A_41, %arg1, %dma_start3A_82] : memref<16x16x256xf32, #tpu.memory_space<vmem_shared>> -> memref<1x1x256xf32, #tpu.memory_space<vmem_shared>>
      %dma_start3A_84 = tpu.memref_squeeze %dma_start3A_83 : memref<1x1x256xf32, #tpu.memory_space<vmem_shared>> -> memref<256xf32, #tpu.memory_space<vmem_shared>>
      %dma_start3A_85 = arith.constant 1024 : i32
      %dma_start3A_86 = tpu.memref_slice %arg8[%dma_start3A_85] : memref<4096xf32, #tpu.memory_space<vmem>> -> memref<256xf32, #tpu.memory_space<vmem>>
      tpu.enqueue_dma source(%dma_start3A_86 : memref<256xf32, #tpu.memory_space<vmem>>) target(%dma_start3A_84 : memref<256xf32, #tpu.memory_space<vmem_shared>>) target_semaphore(%run_scoped3A_76 : memref<!tpu.dma_semaphore, #tpu.memory_space<semaphore_mem>>)
      %dma_wait3A_87 = arith.constant 1024 : i32
      %dma_wait3A_88 = tpu.memref_slice %arg8[%dma_wait3A_87] : memref<4096xf32, #tpu.memory_space<vmem>> -> memref<256xf32, #tpu.memory_space<vmem>>
      %dma_wait3A_89 = arith.constant 0 : i32
      %dma_wait3A_90 = tpu.memref_slice %arg14[%run_scoped3A_41, %arg1, %dma_wait3A_89] : memref<16x16x256xf32, #tpu.memory_space<vmem_shared>> -> memref<1x1x256xf32, #tpu.memory_space<vmem_shared>>
      %dma_wait3A_91 = tpu.memref_squeeze %dma_wait3A_90 : memref<1x1x256xf32, #tpu.memory_space<vmem_shared>> -> memref<256xf32, #tpu.memory_space<vmem_shared>>
      %dma_wait3A_92 = arith.constant 0 : i32
      %dma_wait3A_93 = tpu.memref_slice %arg14[%run_scoped3A_41, %arg1, %dma_wait3A_92] : memref<16x16x256xf32, #tpu.memory_space<vmem_shared>> -> memref<1x1x256xf32, #tpu.memory_space<vmem_shared>>
      %dma_wait3A_94 = tpu.memref_squeeze %dma_wait3A_93 : memref<1x1x256xf32, #tpu.memory_space<vmem_shared>> -> memref<256xf32, #tpu.memory_space<vmem_shared>>
      %dma_wait3A_95 = arith.constant 1024 : i32
      %dma_wait3A_96 = tpu.memref_slice %arg8[%dma_wait3A_95] : memref<4096xf32, #tpu.memory_space<vmem>> -> memref<256xf32, #tpu.memory_space<vmem>>
      tpu.wait_dma2 semaphore(%run_scoped3A_76 : memref<!tpu.dma_semaphore, #tpu.memory_space<semaphore_mem>>) src(%dma_wait3A_96 : memref<256xf32, #tpu.memory_space<vmem>>) dst(%dma_wait3A_94 : memref<256xf32, #tpu.memory_space<vmem_shared>>)
      tpu.yield
    }) : () -> ()
    %run_scoped3A_42 = arith.constant 4 : i32
    "tpu.region"() ({
      %run_scoped3A_76 = tpu.sem_alloc : memref<!tpu.dma_semaphore, #tpu.memory_space<semaphore_mem>>
      %dma_start3A_77 = arith.constant 1024 : i32
      %dma_start3A_78 = tpu.memref_slice %arg9[%dma_start3A_77] : memref<4096xf32, #tpu.memory_space<vmem>> -> memref<256xf32, #tpu.memory_space<vmem>>
      %dma_start3A_79 = arith.constant 0 : i32
      %dma_start3A_80 = tpu.memref_slice %arg15[%run_scoped3A_42, %arg1, %dma_start3A_79] : memref<16x16x256xf32, #tpu.memory_space<vmem_shared>> -> memref<1x1x256xf32, #tpu.memory_space<vmem_shared>>
      %dma_start3A_81 = tpu.memref_squeeze %dma_start3A_80 : memref<1x1x256xf32, #tpu.memory_space<vmem_shared>> -> memref<256xf32, #tpu.memory_space<vmem_shared>>
      %dma_start3A_82 = arith.constant 0 : i32
      %dma_start3A_83 = tpu.memref_slice %arg15[%run_scoped3A_42, %arg1, %dma_start3A_82] : memref<16x16x256xf32, #tpu.memory_space<vmem_shared>> -> memref<1x1x256xf32, #tpu.memory_space<vmem_shared>>
      %dma_start3A_84 = tpu.memref_squeeze %dma_start3A_83 : memref<1x1x256xf32, #tpu.memory_space<vmem_shared>> -> memref<256xf32, #tpu.memory_space<vmem_shared>>
      %dma_start3A_85 = arith.constant 1024 : i32
      %dma_start3A_86 = tpu.memref_slice %arg9[%dma_start3A_85] : memref<4096xf32, #tpu.memory_space<vmem>> -> memref<256xf32, #tpu.memory_space<vmem>>
      tpu.enqueue_dma source(%dma_start3A_86 : memref<256xf32, #tpu.memory_space<vmem>>) target(%dma_start3A_84 : memref<256xf32, #tpu.memory_space<vmem_shared>>) target_semaphore(%run_scoped3A_76 : memref<!tpu.dma_semaphore, #tpu.memory_space<semaphore_mem>>)
      %dma_wait3A_87 = arith.constant 1024 : i32
      %dma_wait3A_88 = tpu.memref_slice %arg9[%dma_wait3A_87] : memref<4096xf32, #tpu.memory_space<vmem>> -> memref<256xf32, #tpu.memory_space<vmem>>
      %dma_wait3A_89 = arith.constant 0 : i32
      %dma_wait3A_90 = tpu.memref_slice %arg15[%run_scoped3A_42, %arg1, %dma_wait3A_89] : memref<16x16x256xf32, #tpu.memory_space<vmem_shared>> -> memref<1x1x256xf32, #tpu.memory_space<vmem_shared>>
      %dma_wait3A_91 = tpu.memref_squeeze %dma_wait3A_90 : memref<1x1x256xf32, #tpu.memory_space<vmem_shared>> -> memref<256xf32, #tpu.memory_space<vmem_shared>>
      %dma_wait3A_92 = arith.constant 0 : i32
      %dma_wait3A_93 = tpu.memref_slice %arg15[%run_scoped3A_42, %arg1, %dma_wait3A_92] : memref<16x16x256xf32, #tpu.memory_space<vmem_shared>> -> memref<1x1x256xf32, #tpu.memory_space<vmem_shared>>
      %dma_wait3A_94 = tpu.memref_squeeze %dma_wait3A_93 : memref<1x1x256xf32, #tpu.memory_space<vmem_shared>> -> memref<256xf32, #tpu.memory_space<vmem_shared>>
      %dma_wait3A_95 = arith.constant 1024 : i32
      %dma_wait3A_96 = tpu.memref_slice %arg9[%dma_wait3A_95] : memref<4096xf32, #tpu.memory_space<vmem>> -> memref<256xf32, #tpu.memory_space<vmem>>
      tpu.wait_dma2 semaphore(%run_scoped3A_76 : memref<!tpu.dma_semaphore, #tpu.memory_space<semaphore_mem>>) src(%dma_wait3A_96 : memref<256xf32, #tpu.memory_space<vmem>>) dst(%dma_wait3A_94 : memref<256xf32, #tpu.memory_space<vmem_shared>>)
      tpu.yield
    }) : () -> ()
    %run_scoped3A_43 = arith.constant 5 : i32
    "tpu.region"() ({
      %run_scoped3A_76 = tpu.sem_alloc : memref<!tpu.dma_semaphore, #tpu.memory_space<semaphore_mem>>
      %dma_start3A_77 = arith.constant 1280 : i32
      %dma_start3A_78 = tpu.memref_slice %arg8[%dma_start3A_77] : memref<4096xf32, #tpu.memory_space<vmem>> -> memref<256xf32, #tpu.memory_space<vmem>>
      %dma_start3A_79 = arith.constant 0 : i32
      %dma_start3A_80 = tpu.memref_slice %arg14[%run_scoped3A_43, %arg1, %dma_start3A_79] : memref<16x16x256xf32, #tpu.memory_space<vmem_shared>> -> memref<1x1x256xf32, #tpu.memory_space<vmem_shared>>
      %dma_start3A_81 = tpu.memref_squeeze %dma_start3A_80 : memref<1x1x256xf32, #tpu.memory_space<vmem_shared>> -> memref<256xf32, #tpu.memory_space<vmem_shared>>
      %dma_start3A_82 = arith.constant 0 : i32
      %dma_start3A_83 = tpu.memref_slice %arg14[%run_scoped3A_43, %arg1, %dma_start3A_82] : memref<16x16x256xf32, #tpu.memory_space<vmem_shared>> -> memref<1x1x256xf32, #tpu.memory_space<vmem_shared>>
      %dma_start3A_84 = tpu.memref_squeeze %dma_start3A_83 : memref<1x1x256xf32, #tpu.memory_space<vmem_shared>> -> memref<256xf32, #tpu.memory_space<vmem_shared>>
      %dma_start3A_85 = arith.constant 1280 : i32
      %dma_start3A_86 = tpu.memref_slice %arg8[%dma_start3A_85] : memref<4096xf32, #tpu.memory_space<vmem>> -> memref<256xf32, #tpu.memory_space<vmem>>
      tpu.enqueue_dma source(%dma_start3A_86 : memref<256xf32, #tpu.memory_space<vmem>>) target(%dma_start3A_84 : memref<256xf32, #tpu.memory_space<vmem_shared>>) target_semaphore(%run_scoped3A_76 : memref<!tpu.dma_semaphore, #tpu.memory_space<semaphore_mem>>)
      %dma_wait3A_87 = arith.constant 1280 : i32
      %dma_wait3A_88 = tpu.memref_slice %arg8[%dma_wait3A_87] : memref<4096xf32, #tpu.memory_space<vmem>> -> memref<256xf32, #tpu.memory_space<vmem>>
      %dma_wait3A_89 = arith.constant 0 : i32
      %dma_wait3A_90 = tpu.memref_slice %arg14[%run_scoped3A_43, %arg1, %dma_wait3A_89] : memref<16x16x256xf32, #tpu.memory_space<vmem_shared>> -> memref<1x1x256xf32, #tpu.memory_space<vmem_shared>>
      %dma_wait3A_91 = tpu.memref_squeeze %dma_wait3A_90 : memref<1x1x256xf32, #tpu.memory_space<vmem_shared>> -> memref<256xf32, #tpu.memory_space<vmem_shared>>
      %dma_wait3A_92 = arith.constant 0 : i32
      %dma_wait3A_93 = tpu.memref_slice %arg14[%run_scoped3A_43, %arg1, %dma_wait3A_92] : memref<16x16x256xf32, #tpu.memory_space<vmem_shared>> -> memref<1x1x256xf32, #tpu.memory_space<vmem_shared>>
      %dma_wait3A_94 = tpu.memref_squeeze %dma_wait3A_93 : memref<1x1x256xf32, #tpu.memory_space<vmem_shared>> -> memref<256xf32, #tpu.memory_space<vmem_shared>>
      %dma_wait3A_95 = arith.constant 1280 : i32
      %dma_wait3A_96 = tpu.memref_slice %arg8[%dma_wait3A_95] : memref<4096xf32, #tpu.memory_space<vmem>> -> memref<256xf32, #tpu.memory_space<vmem>>
      tpu.wait_dma2 semaphore(%run_scoped3A_76 : memref<!tpu.dma_semaphore, #tpu.memory_space<semaphore_mem>>) src(%dma_wait3A_96 : memref<256xf32, #tpu.memory_space<vmem>>) dst(%dma_wait3A_94 : memref<256xf32, #tpu.memory_space<vmem_shared>>)
      tpu.yield
    }) : () -> ()
    %run_scoped3A_44 = arith.constant 5 : i32
    "tpu.region"() ({
      %run_scoped3A_76 = tpu.sem_alloc : memref<!tpu.dma_semaphore, #tpu.memory_space<semaphore_mem>>
      %dma_start3A_77 = arith.constant 1280 : i32
      %dma_start3A_78 = tpu.memref_slice %arg9[%dma_start3A_77] : memref<4096xf32, #tpu.memory_space<vmem>> -> memref<256xf32, #tpu.memory_space<vmem>>
      %dma_start3A_79 = arith.constant 0 : i32
      %dma_start3A_80 = tpu.memref_slice %arg15[%run_scoped3A_44, %arg1, %dma_start3A_79] : memref<16x16x256xf32, #tpu.memory_space<vmem_shared>> -> memref<1x1x256xf32, #tpu.memory_space<vmem_shared>>
      %dma_start3A_81 = tpu.memref_squeeze %dma_start3A_80 : memref<1x1x256xf32, #tpu.memory_space<vmem_shared>> -> memref<256xf32, #tpu.memory_space<vmem_shared>>
      %dma_start3A_82 = arith.constant 0 : i32
      %dma_start3A_83 = tpu.memref_slice %arg15[%run_scoped3A_44, %arg1, %dma_start3A_82] : memref<16x16x256xf32, #tpu.memory_space<vmem_shared>> -> memref<1x1x256xf32, #tpu.memory_space<vmem_shared>>
      %dma_start3A_84 = tpu.memref_squeeze %dma_start3A_83 : memref<1x1x256xf32, #tpu.memory_space<vmem_shared>> -> memref<256xf32, #tpu.memory_space<vmem_shared>>
      %dma_start3A_85 = arith.constant 1280 : i32
      %dma_start3A_86 = tpu.memref_slice %arg9[%dma_start3A_85] : memref<4096xf32, #tpu.memory_space<vmem>> -> memref<256xf32, #tpu.memory_space<vmem>>
      tpu.enqueue_dma source(%dma_start3A_86 : memref<256xf32, #tpu.memory_space<vmem>>) target(%dma_start3A_84 : memref<256xf32, #tpu.memory_space<vmem_shared>>) target_semaphore(%run_scoped3A_76 : memref<!tpu.dma_semaphore, #tpu.memory_space<semaphore_mem>>)
      %dma_wait3A_87 = arith.constant 1280 : i32
      %dma_wait3A_88 = tpu.memref_slice %arg9[%dma_wait3A_87] : memref<4096xf32, #tpu.memory_space<vmem>> -> memref<256xf32, #tpu.memory_space<vmem>>
      %dma_wait3A_89 = arith.constant 0 : i32
      %dma_wait3A_90 = tpu.memref_slice %arg15[%run_scoped3A_44, %arg1, %dma_wait3A_89] : memref<16x16x256xf32, #tpu.memory_space<vmem_shared>> -> memref<1x1x256xf32, #tpu.memory_space<vmem_shared>>
      %dma_wait3A_91 = tpu.memref_squeeze %dma_wait3A_90 : memref<1x1x256xf32, #tpu.memory_space<vmem_shared>> -> memref<256xf32, #tpu.memory_space<vmem_shared>>
      %dma_wait3A_92 = arith.constant 0 : i32
      %dma_wait3A_93 = tpu.memref_slice %arg15[%run_scoped3A_44, %arg1, %dma_wait3A_92] : memref<16x16x256xf32, #tpu.memory_space<vmem_shared>> -> memref<1x1x256xf32, #tpu.memory_space<vmem_shared>>
      %dma_wait3A_94 = tpu.memref_squeeze %dma_wait3A_93 : memref<1x1x256xf32, #tpu.memory_space<vmem_shared>> -> memref<256xf32, #tpu.memory_space<vmem_shared>>
      %dma_wait3A_95 = arith.constant 1280 : i32
      %dma_wait3A_96 = tpu.memref_slice %arg9[%dma_wait3A_95] : memref<4096xf32, #tpu.memory_space<vmem>> -> memref<256xf32, #tpu.memory_space<vmem>>
      tpu.wait_dma2 semaphore(%run_scoped3A_76 : memref<!tpu.dma_semaphore, #tpu.memory_space<semaphore_mem>>) src(%dma_wait3A_96 : memref<256xf32, #tpu.memory_space<vmem>>) dst(%dma_wait3A_94 : memref<256xf32, #tpu.memory_space<vmem_shared>>)
      tpu.yield
    }) : () -> ()
    %run_scoped3A_45 = arith.constant 6 : i32
    "tpu.region"() ({
      %run_scoped3A_76 = tpu.sem_alloc : memref<!tpu.dma_semaphore, #tpu.memory_space<semaphore_mem>>
      %dma_start3A_77 = arith.constant 1536 : i32
      %dma_start3A_78 = tpu.memref_slice %arg8[%dma_start3A_77] : memref<4096xf32, #tpu.memory_space<vmem>> -> memref<256xf32, #tpu.memory_space<vmem>>
      %dma_start3A_79 = arith.constant 0 : i32
      %dma_start3A_80 = tpu.memref_slice %arg14[%run_scoped3A_45, %arg1, %dma_start3A_79] : memref<16x16x256xf32, #tpu.memory_space<vmem_shared>> -> memref<1x1x256xf32, #tpu.memory_space<vmem_shared>>
      %dma_start3A_81 = tpu.memref_squeeze %dma_start3A_80 : memref<1x1x256xf32, #tpu.memory_space<vmem_shared>> -> memref<256xf32, #tpu.memory_space<vmem_shared>>
      %dma_start3A_82 = arith.constant 0 : i32
      %dma_start3A_83 = tpu.memref_slice %arg14[%run_scoped3A_45, %arg1, %dma_start3A_82] : memref<16x16x256xf32, #tpu.memory_space<vmem_shared>> -> memref<1x1x256xf32, #tpu.memory_space<vmem_shared>>
      %dma_start3A_84 = tpu.memref_squeeze %dma_start3A_83 : memref<1x1x256xf32, #tpu.memory_space<vmem_shared>> -> memref<256xf32, #tpu.memory_space<vmem_shared>>
      %dma_start3A_85 = arith.constant 1536 : i32
      %dma_start3A_86 = tpu.memref_slice %arg8[%dma_start3A_85] : memref<4096xf32, #tpu.memory_space<vmem>> -> memref<256xf32, #tpu.memory_space<vmem>>
      tpu.enqueue_dma source(%dma_start3A_86 : memref<256xf32, #tpu.memory_space<vmem>>) target(%dma_start3A_84 : memref<256xf32, #tpu.memory_space<vmem_shared>>) target_semaphore(%run_scoped3A_76 : memref<!tpu.dma_semaphore, #tpu.memory_space<semaphore_mem>>)
      %dma_wait3A_87 = arith.constant 1536 : i32
      %dma_wait3A_88 = tpu.memref_slice %arg8[%dma_wait3A_87] : memref<4096xf32, #tpu.memory_space<vmem>> -> memref<256xf32, #tpu.memory_space<vmem>>
      %dma_wait3A_89 = arith.constant 0 : i32
      %dma_wait3A_90 = tpu.memref_slice %arg14[%run_scoped3A_45, %arg1, %dma_wait3A_89] : memref<16x16x256xf32, #tpu.memory_space<vmem_shared>> -> memref<1x1x256xf32, #tpu.memory_space<vmem_shared>>
      %dma_wait3A_91 = tpu.memref_squeeze %dma_wait3A_90 : memref<1x1x256xf32, #tpu.memory_space<vmem_shared>> -> memref<256xf32, #tpu.memory_space<vmem_shared>>
      %dma_wait3A_92 = arith.constant 0 : i32
      %dma_wait3A_93 = tpu.memref_slice %arg14[%run_scoped3A_45, %arg1, %dma_wait3A_92] : memref<16x16x256xf32, #tpu.memory_space<vmem_shared>> -> memref<1x1x256xf32, #tpu.memory_space<vmem_shared>>
      %dma_wait3A_94 = tpu.memref_squeeze %dma_wait3A_93 : memref<1x1x256xf32, #tpu.memory_space<vmem_shared>> -> memref<256xf32, #tpu.memory_space<vmem_shared>>
      %dma_wait3A_95 = arith.constant 1536 : i32
      %dma_wait3A_96 = tpu.memref_slice %arg8[%dma_wait3A_95] : memref<4096xf32, #tpu.memory_space<vmem>> -> memref<256xf32, #tpu.memory_space<vmem>>
      tpu.wait_dma2 semaphore(%run_scoped3A_76 : memref<!tpu.dma_semaphore, #tpu.memory_space<semaphore_mem>>) src(%dma_wait3A_96 : memref<256xf32, #tpu.memory_space<vmem>>) dst(%dma_wait3A_94 : memref<256xf32, #tpu.memory_space<vmem_shared>>)
      tpu.yield
    }) : () -> ()
    %run_scoped3A_46 = arith.constant 6 : i32
    "tpu.region"() ({
      %run_scoped3A_76 = tpu.sem_alloc : memref<!tpu.dma_semaphore, #tpu.memory_space<semaphore_mem>>
      %dma_start3A_77 = arith.constant 1536 : i32
      %dma_start3A_78 = tpu.memref_slice %arg9[%dma_start3A_77] : memref<4096xf32, #tpu.memory_space<vmem>> -> memref<256xf32, #tpu.memory_space<vmem>>
      %dma_start3A_79 = arith.constant 0 : i32
      %dma_start3A_80 = tpu.memref_slice %arg15[%run_scoped3A_46, %arg1, %dma_start3A_79] : memref<16x16x256xf32, #tpu.memory_space<vmem_shared>> -> memref<1x1x256xf32, #tpu.memory_space<vmem_shared>>
      %dma_start3A_81 = tpu.memref_squeeze %dma_start3A_80 : memref<1x1x256xf32, #tpu.memory_space<vmem_shared>> -> memref<256xf32, #tpu.memory_space<vmem_shared>>
      %dma_start3A_82 = arith.constant 0 : i32
      %dma_start3A_83 = tpu.memref_slice %arg15[%run_scoped3A_46, %arg1, %dma_start3A_82] : memref<16x16x256xf32, #tpu.memory_space<vmem_shared>> -> memref<1x1x256xf32, #tpu.memory_space<vmem_shared>>
      %dma_start3A_84 = tpu.memref_squeeze %dma_start3A_83 : memref<1x1x256xf32, #tpu.memory_space<vmem_shared>> -> memref<256xf32, #tpu.memory_space<vmem_shared>>
      %dma_start3A_85 = arith.constant 1536 : i32
      %dma_start3A_86 = tpu.memref_slice %arg9[%dma_start3A_85] : memref<4096xf32, #tpu.memory_space<vmem>> -> memref<256xf32, #tpu.memory_space<vmem>>
      tpu.enqueue_dma source(%dma_start3A_86 : memref<256xf32, #tpu.memory_space<vmem>>) target(%dma_start3A_84 : memref<256xf32, #tpu.memory_space<vmem_shared>>) target_semaphore(%run_scoped3A_76 : memref<!tpu.dma_semaphore, #tpu.memory_space<semaphore_mem>>)
      %dma_wait3A_87 = arith.constant 1536 : i32
      %dma_wait3A_88 = tpu.memref_slice %arg9[%dma_wait3A_87] : memref<4096xf32, #tpu.memory_space<vmem>> -> memref<256xf32, #tpu.memory_space<vmem>>
      %dma_wait3A_89 = arith.constant 0 : i32
      %dma_wait3A_90 = tpu.memref_slice %arg15[%run_scoped3A_46, %arg1, %dma_wait3A_89] : memref<16x16x256xf32, #tpu.memory_space<vmem_shared>> -> memref<1x1x256xf32, #tpu.memory_space<vmem_shared>>
      %dma_wait3A_91 = tpu.memref_squeeze %dma_wait3A_90 : memref<1x1x256xf32, #tpu.memory_space<vmem_shared>> -> memref<256xf32, #tpu.memory_space<vmem_shared>>
      %dma_wait3A_92 = arith.constant 0 : i32
      %dma_wait3A_93 = tpu.memref_slice %arg15[%run_scoped3A_46, %arg1, %dma_wait3A_92] : memref<16x16x256xf32, #tpu.memory_space<vmem_shared>> -> memref<1x1x256xf32, #tpu.memory_space<vmem_shared>>
      %dma_wait3A_94 = tpu.memref_squeeze %dma_wait3A_93 : memref<1x1x256xf32, #tpu.memory_space<vmem_shared>> -> memref<256xf32, #tpu.memory_space<vmem_shared>>
      %dma_wait3A_95 = arith.constant 1536 : i32
      %dma_wait3A_96 = tpu.memref_slice %arg9[%dma_wait3A_95] : memref<4096xf32, #tpu.memory_space<vmem>> -> memref<256xf32, #tpu.memory_space<vmem>>
      tpu.wait_dma2 semaphore(%run_scoped3A_76 : memref<!tpu.dma_semaphore, #tpu.memory_space<semaphore_mem>>) src(%dma_wait3A_96 : memref<256xf32, #tpu.memory_space<vmem>>) dst(%dma_wait3A_94 : memref<256xf32, #tpu.memory_space<vmem_shared>>)
      tpu.yield
    }) : () -> ()
    %run_scoped3A_47 = arith.constant 7 : i32
    "tpu.region"() ({
      %run_scoped3A_76 = tpu.sem_alloc : memref<!tpu.dma_semaphore, #tpu.memory_space<semaphore_mem>>
      %dma_start3A_77 = arith.constant 1792 : i32
      %dma_start3A_78 = tpu.memref_slice %arg8[%dma_start3A_77] : memref<4096xf32, #tpu.memory_space<vmem>> -> memref<256xf32, #tpu.memory_space<vmem>>
      %dma_start3A_79 = arith.constant 0 : i32
      %dma_start3A_80 = tpu.memref_slice %arg14[%run_scoped3A_47, %arg1, %dma_start3A_79] : memref<16x16x256xf32, #tpu.memory_space<vmem_shared>> -> memref<1x1x256xf32, #tpu.memory_space<vmem_shared>>
      %dma_start3A_81 = tpu.memref_squeeze %dma_start3A_80 : memref<1x1x256xf32, #tpu.memory_space<vmem_shared>> -> memref<256xf32, #tpu.memory_space<vmem_shared>>
      %dma_start3A_82 = arith.constant 0 : i32
      %dma_start3A_83 = tpu.memref_slice %arg14[%run_scoped3A_47, %arg1, %dma_start3A_82] : memref<16x16x256xf32, #tpu.memory_space<vmem_shared>> -> memref<1x1x256xf32, #tpu.memory_space<vmem_shared>>
      %dma_start3A_84 = tpu.memref_squeeze %dma_start3A_83 : memref<1x1x256xf32, #tpu.memory_space<vmem_shared>> -> memref<256xf32, #tpu.memory_space<vmem_shared>>
      %dma_start3A_85 = arith.constant 1792 : i32
      %dma_start3A_86 = tpu.memref_slice %arg8[%dma_start3A_85] : memref<4096xf32, #tpu.memory_space<vmem>> -> memref<256xf32, #tpu.memory_space<vmem>>
      tpu.enqueue_dma source(%dma_start3A_86 : memref<256xf32, #tpu.memory_space<vmem>>) target(%dma_start3A_84 : memref<256xf32, #tpu.memory_space<vmem_shared>>) target_semaphore(%run_scoped3A_76 : memref<!tpu.dma_semaphore, #tpu.memory_space<semaphore_mem>>)
      %dma_wait3A_87 = arith.constant 1792 : i32
      %dma_wait3A_88 = tpu.memref_slice %arg8[%dma_wait3A_87] : memref<4096xf32, #tpu.memory_space<vmem>> -> memref<256xf32, #tpu.memory_space<vmem>>
      %dma_wait3A_89 = arith.constant 0 : i32
      %dma_wait3A_90 = tpu.memref_slice %arg14[%run_scoped3A_47, %arg1, %dma_wait3A_89] : memref<16x16x256xf32, #tpu.memory_space<vmem_shared>> -> memref<1x1x256xf32, #tpu.memory_space<vmem_shared>>
      %dma_wait3A_91 = tpu.memref_squeeze %dma_wait3A_90 : memref<1x1x256xf32, #tpu.memory_space<vmem_shared>> -> memref<256xf32, #tpu.memory_space<vmem_shared>>
      %dma_wait3A_92 = arith.constant 0 : i32
      %dma_wait3A_93 = tpu.memref_slice %arg14[%run_scoped3A_47, %arg1, %dma_wait3A_92] : memref<16x16x256xf32, #tpu.memory_space<vmem_shared>> -> memref<1x1x256xf32, #tpu.memory_space<vmem_shared>>
      %dma_wait3A_94 = tpu.memref_squeeze %dma_wait3A_93 : memref<1x1x256xf32, #tpu.memory_space<vmem_shared>> -> memref<256xf32, #tpu.memory_space<vmem_shared>>
      %dma_wait3A_95 = arith.constant 1792 : i32
      %dma_wait3A_96 = tpu.memref_slice %arg8[%dma_wait3A_95] : memref<4096xf32, #tpu.memory_space<vmem>> -> memref<256xf32, #tpu.memory_space<vmem>>
      tpu.wait_dma2 semaphore(%run_scoped3A_76 : memref<!tpu.dma_semaphore, #tpu.memory_space<semaphore_mem>>) src(%dma_wait3A_96 : memref<256xf32, #tpu.memory_space<vmem>>) dst(%dma_wait3A_94 : memref<256xf32, #tpu.memory_space<vmem_shared>>)
      tpu.yield
    }) : () -> ()
    %run_scoped3A_48 = arith.constant 7 : i32
    "tpu.region"() ({
      %run_scoped3A_76 = tpu.sem_alloc : memref<!tpu.dma_semaphore, #tpu.memory_space<semaphore_mem>>
      %dma_start3A_77 = arith.constant 1792 : i32
      %dma_start3A_78 = tpu.memref_slice %arg9[%dma_start3A_77] : memref<4096xf32, #tpu.memory_space<vmem>> -> memref<256xf32, #tpu.memory_space<vmem>>
      %dma_start3A_79 = arith.constant 0 : i32
      %dma_start3A_80 = tpu.memref_slice %arg15[%run_scoped3A_48, %arg1, %dma_start3A_79] : memref<16x16x256xf32, #tpu.memory_space<vmem_shared>> -> memref<1x1x256xf32, #tpu.memory_space<vmem_shared>>
      %dma_start3A_81 = tpu.memref_squeeze %dma_start3A_80 : memref<1x1x256xf32, #tpu.memory_space<vmem_shared>> -> memref<256xf32, #tpu.memory_space<vmem_shared>>
      %dma_start3A_82 = arith.constant 0 : i32
      %dma_start3A_83 = tpu.memref_slice %arg15[%run_scoped3A_48, %arg1, %dma_start3A_82] : memref<16x16x256xf32, #tpu.memory_space<vmem_shared>> -> memref<1x1x256xf32, #tpu.memory_space<vmem_shared>>
      %dma_start3A_84 = tpu.memref_squeeze %dma_start3A_83 : memref<1x1x256xf32, #tpu.memory_space<vmem_shared>> -> memref<256xf32, #tpu.memory_space<vmem_shared>>
      %dma_start3A_85 = arith.constant 1792 : i32
      %dma_start3A_86 = tpu.memref_slice %arg9[%dma_start3A_85] : memref<4096xf32, #tpu.memory_space<vmem>> -> memref<256xf32, #tpu.memory_space<vmem>>
      tpu.enqueue_dma source(%dma_start3A_86 : memref<256xf32, #tpu.memory_space<vmem>>) target(%dma_start3A_84 : memref<256xf32, #tpu.memory_space<vmem_shared>>) target_semaphore(%run_scoped3A_76 : memref<!tpu.dma_semaphore, #tpu.memory_space<semaphore_mem>>)
      %dma_wait3A_87 = arith.constant 1792 : i32
      %dma_wait3A_88 = tpu.memref_slice %arg9[%dma_wait3A_87] : memref<4096xf32, #tpu.memory_space<vmem>> -> memref<256xf32, #tpu.memory_space<vmem>>
      %dma_wait3A_89 = arith.constant 0 : i32
      %dma_wait3A_90 = tpu.memref_slice %arg15[%run_scoped3A_48, %arg1, %dma_wait3A_89] : memref<16x16x256xf32, #tpu.memory_space<vmem_shared>> -> memref<1x1x256xf32, #tpu.memory_space<vmem_shared>>
      %dma_wait3A_91 = tpu.memref_squeeze %dma_wait3A_90 : memref<1x1x256xf32, #tpu.memory_space<vmem_shared>> -> memref<256xf32, #tpu.memory_space<vmem_shared>>
      %dma_wait3A_92 = arith.constant 0 : i32
      %dma_wait3A_93 = tpu.memref_slice %arg15[%run_scoped3A_48, %arg1, %dma_wait3A_92] : memref<16x16x256xf32, #tpu.memory_space<vmem_shared>> -> memref<1x1x256xf32, #tpu.memory_space<vmem_shared>>
      %dma_wait3A_94 = tpu.memref_squeeze %dma_wait3A_93 : memref<1x1x256xf32, #tpu.memory_space<vmem_shared>> -> memref<256xf32, #tpu.memory_space<vmem_shared>>
      %dma_wait3A_95 = arith.constant 1792 : i32
      %dma_wait3A_96 = tpu.memref_slice %arg9[%dma_wait3A_95] : memref<4096xf32, #tpu.memory_space<vmem>> -> memref<256xf32, #tpu.memory_space<vmem>>
      tpu.wait_dma2 semaphore(%run_scoped3A_76 : memref<!tpu.dma_semaphore, #tpu.memory_space<semaphore_mem>>) src(%dma_wait3A_96 : memref<256xf32, #tpu.memory_space<vmem>>) dst(%dma_wait3A_94 : memref<256xf32, #tpu.memory_space<vmem_shared>>)
      tpu.yield
    }) : () -> ()
    %run_scoped3A_49 = arith.constant 8 : i32
    "tpu.region"() ({
      %run_scoped3A_76 = tpu.sem_alloc : memref<!tpu.dma_semaphore, #tpu.memory_space<semaphore_mem>>
      %dma_start3A_77 = arith.constant 2048 : i32
      %dma_start3A_78 = tpu.memref_slice %arg8[%dma_start3A_77] : memref<4096xf32, #tpu.memory_space<vmem>> -> memref<256xf32, #tpu.memory_space<vmem>>
      %dma_start3A_79 = arith.constant 0 : i32
      %dma_start3A_80 = tpu.memref_slice %arg14[%run_scoped3A_49, %arg1, %dma_start3A_79] : memref<16x16x256xf32, #tpu.memory_space<vmem_shared>> -> memref<1x1x256xf32, #tpu.memory_space<vmem_shared>>
      %dma_start3A_81 = tpu.memref_squeeze %dma_start3A_80 : memref<1x1x256xf32, #tpu.memory_space<vmem_shared>> -> memref<256xf32, #tpu.memory_space<vmem_shared>>
      %dma_start3A_82 = arith.constant 0 : i32
      %dma_start3A_83 = tpu.memref_slice %arg14[%run_scoped3A_49, %arg1, %dma_start3A_82] : memref<16x16x256xf32, #tpu.memory_space<vmem_shared>> -> memref<1x1x256xf32, #tpu.memory_space<vmem_shared>>
      %dma_start3A_84 = tpu.memref_squeeze %dma_start3A_83 : memref<1x1x256xf32, #tpu.memory_space<vmem_shared>> -> memref<256xf32, #tpu.memory_space<vmem_shared>>
      %dma_start3A_85 = arith.constant 2048 : i32
      %dma_start3A_86 = tpu.memref_slice %arg8[%dma_start3A_85] : memref<4096xf32, #tpu.memory_space<vmem>> -> memref<256xf32, #tpu.memory_space<vmem>>
      tpu.enqueue_dma source(%dma_start3A_86 : memref<256xf32, #tpu.memory_space<vmem>>) target(%dma_start3A_84 : memref<256xf32, #tpu.memory_space<vmem_shared>>) target_semaphore(%run_scoped3A_76 : memref<!tpu.dma_semaphore, #tpu.memory_space<semaphore_mem>>)
      %dma_wait3A_87 = arith.constant 2048 : i32
      %dma_wait3A_88 = tpu.memref_slice %arg8[%dma_wait3A_87] : memref<4096xf32, #tpu.memory_space<vmem>> -> memref<256xf32, #tpu.memory_space<vmem>>
      %dma_wait3A_89 = arith.constant 0 : i32
      %dma_wait3A_90 = tpu.memref_slice %arg14[%run_scoped3A_49, %arg1, %dma_wait3A_89] : memref<16x16x256xf32, #tpu.memory_space<vmem_shared>> -> memref<1x1x256xf32, #tpu.memory_space<vmem_shared>>
      %dma_wait3A_91 = tpu.memref_squeeze %dma_wait3A_90 : memref<1x1x256xf32, #tpu.memory_space<vmem_shared>> -> memref<256xf32, #tpu.memory_space<vmem_shared>>
      %dma_wait3A_92 = arith.constant 0 : i32
      %dma_wait3A_93 = tpu.memref_slice %arg14[%run_scoped3A_49, %arg1, %dma_wait3A_92] : memref<16x16x256xf32, #tpu.memory_space<vmem_shared>> -> memref<1x1x256xf32, #tpu.memory_space<vmem_shared>>
      %dma_wait3A_94 = tpu.memref_squeeze %dma_wait3A_93 : memref<1x1x256xf32, #tpu.memory_space<vmem_shared>> -> memref<256xf32, #tpu.memory_space<vmem_shared>>
      %dma_wait3A_95 = arith.constant 2048 : i32
      %dma_wait3A_96 = tpu.memref_slice %arg8[%dma_wait3A_95] : memref<4096xf32, #tpu.memory_space<vmem>> -> memref<256xf32, #tpu.memory_space<vmem>>
      tpu.wait_dma2 semaphore(%run_scoped3A_76 : memref<!tpu.dma_semaphore, #tpu.memory_space<semaphore_mem>>) src(%dma_wait3A_96 : memref<256xf32, #tpu.memory_space<vmem>>) dst(%dma_wait3A_94 : memref<256xf32, #tpu.memory_space<vmem_shared>>)
      tpu.yield
    }) : () -> ()
    %run_scoped3A_50 = arith.constant 8 : i32
    "tpu.region"() ({
      %run_scoped3A_76 = tpu.sem_alloc : memref<!tpu.dma_semaphore, #tpu.memory_space<semaphore_mem>>
      %dma_start3A_77 = arith.constant 2048 : i32
      %dma_start3A_78 = tpu.memref_slice %arg9[%dma_start3A_77] : memref<4096xf32, #tpu.memory_space<vmem>> -> memref<256xf32, #tpu.memory_space<vmem>>
      %dma_start3A_79 = arith.constant 0 : i32
      %dma_start3A_80 = tpu.memref_slice %arg15[%run_scoped3A_50, %arg1, %dma_start3A_79] : memref<16x16x256xf32, #tpu.memory_space<vmem_shared>> -> memref<1x1x256xf32, #tpu.memory_space<vmem_shared>>
      %dma_start3A_81 = tpu.memref_squeeze %dma_start3A_80 : memref<1x1x256xf32, #tpu.memory_space<vmem_shared>> -> memref<256xf32, #tpu.memory_space<vmem_shared>>
      %dma_start3A_82 = arith.constant 0 : i32
      %dma_start3A_83 = tpu.memref_slice %arg15[%run_scoped3A_50, %arg1, %dma_start3A_82] : memref<16x16x256xf32, #tpu.memory_space<vmem_shared>> -> memref<1x1x256xf32, #tpu.memory_space<vmem_shared>>
      %dma_start3A_84 = tpu.memref_squeeze %dma_start3A_83 : memref<1x1x256xf32, #tpu.memory_space<vmem_shared>> -> memref<256xf32, #tpu.memory_space<vmem_shared>>
      %dma_start3A_85 = arith.constant 2048 : i32
      %dma_start3A_86 = tpu.memref_slice %arg9[%dma_start3A_85] : memref<4096xf32, #tpu.memory_space<vmem>> -> memref<256xf32, #tpu.memory_space<vmem>>
      tpu.enqueue_dma source(%dma_start3A_86 : memref<256xf32, #tpu.memory_space<vmem>>) target(%dma_start3A_84 : memref<256xf32, #tpu.memory_space<vmem_shared>>) target_semaphore(%run_scoped3A_76 : memref<!tpu.dma_semaphore, #tpu.memory_space<semaphore_mem>>)
      %dma_wait3A_87 = arith.constant 2048 : i32
      %dma_wait3A_88 = tpu.memref_slice %arg9[%dma_wait3A_87] : memref<4096xf32, #tpu.memory_space<vmem>> -> memref<256xf32, #tpu.memory_space<vmem>>
      %dma_wait3A_89 = arith.constant 0 : i32
      %dma_wait3A_90 = tpu.memref_slice %arg15[%run_scoped3A_50, %arg1, %dma_wait3A_89] : memref<16x16x256xf32, #tpu.memory_space<vmem_shared>> -> memref<1x1x256xf32, #tpu.memory_space<vmem_shared>>
      %dma_wait3A_91 = tpu.memref_squeeze %dma_wait3A_90 : memref<1x1x256xf32, #tpu.memory_space<vmem_shared>> -> memref<256xf32, #tpu.memory_space<vmem_shared>>
      %dma_wait3A_92 = arith.constant 0 : i32
      %dma_wait3A_93 = tpu.memref_slice %arg15[%run_scoped3A_50, %arg1, %dma_wait3A_92] : memref<16x16x256xf32, #tpu.memory_space<vmem_shared>> -> memref<1x1x256xf32, #tpu.memory_space<vmem_shared>>
      %dma_wait3A_94 = tpu.memref_squeeze %dma_wait3A_93 : memref<1x1x256xf32, #tpu.memory_space<vmem_shared>> -> memref<256xf32, #tpu.memory_space<vmem_shared>>
      %dma_wait3A_95 = arith.constant 2048 : i32
      %dma_wait3A_96 = tpu.memref_slice %arg9[%dma_wait3A_95] : memref<4096xf32, #tpu.memory_space<vmem>> -> memref<256xf32, #tpu.memory_space<vmem>>
      tpu.wait_dma2 semaphore(%run_scoped3A_76 : memref<!tpu.dma_semaphore, #tpu.memory_space<semaphore_mem>>) src(%dma_wait3A_96 : memref<256xf32, #tpu.memory_space<vmem>>) dst(%dma_wait3A_94 : memref<256xf32, #tpu.memory_space<vmem_shared>>)
      tpu.yield
    }) : () -> ()
    %run_scoped3A_51 = arith.constant 9 : i32
    "tpu.region"() ({
      %run_scoped3A_76 = tpu.sem_alloc : memref<!tpu.dma_semaphore, #tpu.memory_space<semaphore_mem>>
      %dma_start3A_77 = arith.constant 2304 : i32
      %dma_start3A_78 = tpu.memref_slice %arg8[%dma_start3A_77] : memref<4096xf32, #tpu.memory_space<vmem>> -> memref<256xf32, #tpu.memory_space<vmem>>
      %dma_start3A_79 = arith.constant 0 : i32
      %dma_start3A_80 = tpu.memref_slice %arg14[%run_scoped3A_51, %arg1, %dma_start3A_79] : memref<16x16x256xf32, #tpu.memory_space<vmem_shared>> -> memref<1x1x256xf32, #tpu.memory_space<vmem_shared>>
      %dma_start3A_81 = tpu.memref_squeeze %dma_start3A_80 : memref<1x1x256xf32, #tpu.memory_space<vmem_shared>> -> memref<256xf32, #tpu.memory_space<vmem_shared>>
      %dma_start3A_82 = arith.constant 0 : i32
      %dma_start3A_83 = tpu.memref_slice %arg14[%run_scoped3A_51, %arg1, %dma_start3A_82] : memref<16x16x256xf32, #tpu.memory_space<vmem_shared>> -> memref<1x1x256xf32, #tpu.memory_space<vmem_shared>>
      %dma_start3A_84 = tpu.memref_squeeze %dma_start3A_83 : memref<1x1x256xf32, #tpu.memory_space<vmem_shared>> -> memref<256xf32, #tpu.memory_space<vmem_shared>>
      %dma_start3A_85 = arith.constant 2304 : i32
      %dma_start3A_86 = tpu.memref_slice %arg8[%dma_start3A_85] : memref<4096xf32, #tpu.memory_space<vmem>> -> memref<256xf32, #tpu.memory_space<vmem>>
      tpu.enqueue_dma source(%dma_start3A_86 : memref<256xf32, #tpu.memory_space<vmem>>) target(%dma_start3A_84 : memref<256xf32, #tpu.memory_space<vmem_shared>>) target_semaphore(%run_scoped3A_76 : memref<!tpu.dma_semaphore, #tpu.memory_space<semaphore_mem>>)
      %dma_wait3A_87 = arith.constant 2304 : i32
      %dma_wait3A_88 = tpu.memref_slice %arg8[%dma_wait3A_87] : memref<4096xf32, #tpu.memory_space<vmem>> -> memref<256xf32, #tpu.memory_space<vmem>>
      %dma_wait3A_89 = arith.constant 0 : i32
      %dma_wait3A_90 = tpu.memref_slice %arg14[%run_scoped3A_51, %arg1, %dma_wait3A_89] : memref<16x16x256xf32, #tpu.memory_space<vmem_shared>> -> memref<1x1x256xf32, #tpu.memory_space<vmem_shared>>
      %dma_wait3A_91 = tpu.memref_squeeze %dma_wait3A_90 : memref<1x1x256xf32, #tpu.memory_space<vmem_shared>> -> memref<256xf32, #tpu.memory_space<vmem_shared>>
      %dma_wait3A_92 = arith.constant 0 : i32
      %dma_wait3A_93 = tpu.memref_slice %arg14[%run_scoped3A_51, %arg1, %dma_wait3A_92] : memref<16x16x256xf32, #tpu.memory_space<vmem_shared>> -> memref<1x1x256xf32, #tpu.memory_space<vmem_shared>>
      %dma_wait3A_94 = tpu.memref_squeeze %dma_wait3A_93 : memref<1x1x256xf32, #tpu.memory_space<vmem_shared>> -> memref<256xf32, #tpu.memory_space<vmem_shared>>
      %dma_wait3A_95 = arith.constant 2304 : i32
      %dma_wait3A_96 = tpu.memref_slice %arg8[%dma_wait3A_95] : memref<4096xf32, #tpu.memory_space<vmem>> -> memref<256xf32, #tpu.memory_space<vmem>>
      tpu.wait_dma2 semaphore(%run_scoped3A_76 : memref<!tpu.dma_semaphore, #tpu.memory_space<semaphore_mem>>) src(%dma_wait3A_96 : memref<256xf32, #tpu.memory_space<vmem>>) dst(%dma_wait3A_94 : memref<256xf32, #tpu.memory_space<vmem_shared>>)
      tpu.yield
    }) : () -> ()
    %run_scoped3A_52 = arith.constant 9 : i32
    "tpu.region"() ({
      %run_scoped3A_76 = tpu.sem_alloc : memref<!tpu.dma_semaphore, #tpu.memory_space<semaphore_mem>>
      %dma_start3A_77 = arith.constant 2304 : i32
      %dma_start3A_78 = tpu.memref_slice %arg9[%dma_start3A_77] : memref<4096xf32, #tpu.memory_space<vmem>> -> memref<256xf32, #tpu.memory_space<vmem>>
      %dma_start3A_79 = arith.constant 0 : i32
      %dma_start3A_80 = tpu.memref_slice %arg15[%run_scoped3A_52, %arg1, %dma_start3A_79] : memref<16x16x256xf32, #tpu.memory_space<vmem_shared>> -> memref<1x1x256xf32, #tpu.memory_space<vmem_shared>>
      %dma_start3A_81 = tpu.memref_squeeze %dma_start3A_80 : memref<1x1x256xf32, #tpu.memory_space<vmem_shared>> -> memref<256xf32, #tpu.memory_space<vmem_shared>>
      %dma_start3A_82 = arith.constant 0 : i32
      %dma_start3A_83 = tpu.memref_slice %arg15[%run_scoped3A_52, %arg1, %dma_start3A_82] : memref<16x16x256xf32, #tpu.memory_space<vmem_shared>> -> memref<1x1x256xf32, #tpu.memory_space<vmem_shared>>
      %dma_start3A_84 = tpu.memref_squeeze %dma_start3A_83 : memref<1x1x256xf32, #tpu.memory_space<vmem_shared>> -> memref<256xf32, #tpu.memory_space<vmem_shared>>
      %dma_start3A_85 = arith.constant 2304 : i32
      %dma_start3A_86 = tpu.memref_slice %arg9[%dma_start3A_85] : memref<4096xf32, #tpu.memory_space<vmem>> -> memref<256xf32, #tpu.memory_space<vmem>>
      tpu.enqueue_dma source(%dma_start3A_86 : memref<256xf32, #tpu.memory_space<vmem>>) target(%dma_start3A_84 : memref<256xf32, #tpu.memory_space<vmem_shared>>) target_semaphore(%run_scoped3A_76 : memref<!tpu.dma_semaphore, #tpu.memory_space<semaphore_mem>>)
      %dma_wait3A_87 = arith.constant 2304 : i32
      %dma_wait3A_88 = tpu.memref_slice %arg9[%dma_wait3A_87] : memref<4096xf32, #tpu.memory_space<vmem>> -> memref<256xf32, #tpu.memory_space<vmem>>
      %dma_wait3A_89 = arith.constant 0 : i32
      %dma_wait3A_90 = tpu.memref_slice %arg15[%run_scoped3A_52, %arg1, %dma_wait3A_89] : memref<16x16x256xf32, #tpu.memory_space<vmem_shared>> -> memref<1x1x256xf32, #tpu.memory_space<vmem_shared>>
      %dma_wait3A_91 = tpu.memref_squeeze %dma_wait3A_90 : memref<1x1x256xf32, #tpu.memory_space<vmem_shared>> -> memref<256xf32, #tpu.memory_space<vmem_shared>>
      %dma_wait3A_92 = arith.constant 0 : i32
      %dma_wait3A_93 = tpu.memref_slice %arg15[%run_scoped3A_52, %arg1, %dma_wait3A_92] : memref<16x16x256xf32, #tpu.memory_space<vmem_shared>> -> memref<1x1x256xf32, #tpu.memory_space<vmem_shared>>
      %dma_wait3A_94 = tpu.memref_squeeze %dma_wait3A_93 : memref<1x1x256xf32, #tpu.memory_space<vmem_shared>> -> memref<256xf32, #tpu.memory_space<vmem_shared>>
      %dma_wait3A_95 = arith.constant 2304 : i32
      %dma_wait3A_96 = tpu.memref_slice %arg9[%dma_wait3A_95] : memref<4096xf32, #tpu.memory_space<vmem>> -> memref<256xf32, #tpu.memory_space<vmem>>
      tpu.wait_dma2 semaphore(%run_scoped3A_76 : memref<!tpu.dma_semaphore, #tpu.memory_space<semaphore_mem>>) src(%dma_wait3A_96 : memref<256xf32, #tpu.memory_space<vmem>>) dst(%dma_wait3A_94 : memref<256xf32, #tpu.memory_space<vmem_shared>>)
      tpu.yield
    }) : () -> ()
    %run_scoped3A_53 = arith.constant 10 : i32
    "tpu.region"() ({
      %run_scoped3A_76 = tpu.sem_alloc : memref<!tpu.dma_semaphore, #tpu.memory_space<semaphore_mem>>
      %dma_start3A_77 = arith.constant 2560 : i32
      %dma_start3A_78 = tpu.memref_slice %arg8[%dma_start3A_77] : memref<4096xf32, #tpu.memory_space<vmem>> -> memref<256xf32, #tpu.memory_space<vmem>>
      %dma_start3A_79 = arith.constant 0 : i32
      %dma_start3A_80 = tpu.memref_slice %arg14[%run_scoped3A_53, %arg1, %dma_start3A_79] : memref<16x16x256xf32, #tpu.memory_space<vmem_shared>> -> memref<1x1x256xf32, #tpu.memory_space<vmem_shared>>
      %dma_start3A_81 = tpu.memref_squeeze %dma_start3A_80 : memref<1x1x256xf32, #tpu.memory_space<vmem_shared>> -> memref<256xf32, #tpu.memory_space<vmem_shared>>
      %dma_start3A_82 = arith.constant 0 : i32
      %dma_start3A_83 = tpu.memref_slice %arg14[%run_scoped3A_53, %arg1, %dma_start3A_82] : memref<16x16x256xf32, #tpu.memory_space<vmem_shared>> -> memref<1x1x256xf32, #tpu.memory_space<vmem_shared>>
      %dma_start3A_84 = tpu.memref_squeeze %dma_start3A_83 : memref<1x1x256xf32, #tpu.memory_space<vmem_shared>> -> memref<256xf32, #tpu.memory_space<vmem_shared>>
      %dma_start3A_85 = arith.constant 2560 : i32
      %dma_start3A_86 = tpu.memref_slice %arg8[%dma_start3A_85] : memref<4096xf32, #tpu.memory_space<vmem>> -> memref<256xf32, #tpu.memory_space<vmem>>
      tpu.enqueue_dma source(%dma_start3A_86 : memref<256xf32, #tpu.memory_space<vmem>>) target(%dma_start3A_84 : memref<256xf32, #tpu.memory_space<vmem_shared>>) target_semaphore(%run_scoped3A_76 : memref<!tpu.dma_semaphore, #tpu.memory_space<semaphore_mem>>)
      %dma_wait3A_87 = arith.constant 2560 : i32
      %dma_wait3A_88 = tpu.memref_slice %arg8[%dma_wait3A_87] : memref<4096xf32, #tpu.memory_space<vmem>> -> memref<256xf32, #tpu.memory_space<vmem>>
      %dma_wait3A_89 = arith.constant 0 : i32
      %dma_wait3A_90 = tpu.memref_slice %arg14[%run_scoped3A_53, %arg1, %dma_wait3A_89] : memref<16x16x256xf32, #tpu.memory_space<vmem_shared>> -> memref<1x1x256xf32, #tpu.memory_space<vmem_shared>>
      %dma_wait3A_91 = tpu.memref_squeeze %dma_wait3A_90 : memref<1x1x256xf32, #tpu.memory_space<vmem_shared>> -> memref<256xf32, #tpu.memory_space<vmem_shared>>
      %dma_wait3A_92 = arith.constant 0 : i32
      %dma_wait3A_93 = tpu.memref_slice %arg14[%run_scoped3A_53, %arg1, %dma_wait3A_92] : memref<16x16x256xf32, #tpu.memory_space<vmem_shared>> -> memref<1x1x256xf32, #tpu.memory_space<vmem_shared>>
      %dma_wait3A_94 = tpu.memref_squeeze %dma_wait3A_93 : memref<1x1x256xf32, #tpu.memory_space<vmem_shared>> -> memref<256xf32, #tpu.memory_space<vmem_shared>>
      %dma_wait3A_95 = arith.constant 2560 : i32
      %dma_wait3A_96 = tpu.memref_slice %arg8[%dma_wait3A_95] : memref<4096xf32, #tpu.memory_space<vmem>> -> memref<256xf32, #tpu.memory_space<vmem>>
      tpu.wait_dma2 semaphore(%run_scoped3A_76 : memref<!tpu.dma_semaphore, #tpu.memory_space<semaphore_mem>>) src(%dma_wait3A_96 : memref<256xf32, #tpu.memory_space<vmem>>) dst(%dma_wait3A_94 : memref<256xf32, #tpu.memory_space<vmem_shared>>)
      tpu.yield
    }) : () -> ()
    %run_scoped3A_54 = arith.constant 10 : i32
    "tpu.region"() ({
      %run_scoped3A_76 = tpu.sem_alloc : memref<!tpu.dma_semaphore, #tpu.memory_space<semaphore_mem>>
      %dma_start3A_77 = arith.constant 2560 : i32
      %dma_start3A_78 = tpu.memref_slice %arg9[%dma_start3A_77] : memref<4096xf32, #tpu.memory_space<vmem>> -> memref<256xf32, #tpu.memory_space<vmem>>
      %dma_start3A_79 = arith.constant 0 : i32
      %dma_start3A_80 = tpu.memref_slice %arg15[%run_scoped3A_54, %arg1, %dma_start3A_79] : memref<16x16x256xf32, #tpu.memory_space<vmem_shared>> -> memref<1x1x256xf32, #tpu.memory_space<vmem_shared>>
      %dma_start3A_81 = tpu.memref_squeeze %dma_start3A_80 : memref<1x1x256xf32, #tpu.memory_space<vmem_shared>> -> memref<256xf32, #tpu.memory_space<vmem_shared>>
      %dma_start3A_82 = arith.constant 0 : i32
      %dma_start3A_83 = tpu.memref_slice %arg15[%run_scoped3A_54, %arg1, %dma_start3A_82] : memref<16x16x256xf32, #tpu.memory_space<vmem_shared>> -> memref<1x1x256xf32, #tpu.memory_space<vmem_shared>>
      %dma_start3A_84 = tpu.memref_squeeze %dma_start3A_83 : memref<1x1x256xf32, #tpu.memory_space<vmem_shared>> -> memref<256xf32, #tpu.memory_space<vmem_shared>>
      %dma_start3A_85 = arith.constant 2560 : i32
      %dma_start3A_86 = tpu.memref_slice %arg9[%dma_start3A_85] : memref<4096xf32, #tpu.memory_space<vmem>> -> memref<256xf32, #tpu.memory_space<vmem>>
      tpu.enqueue_dma source(%dma_start3A_86 : memref<256xf32, #tpu.memory_space<vmem>>) target(%dma_start3A_84 : memref<256xf32, #tpu.memory_space<vmem_shared>>) target_semaphore(%run_scoped3A_76 : memref<!tpu.dma_semaphore, #tpu.memory_space<semaphore_mem>>)
      %dma_wait3A_87 = arith.constant 2560 : i32
      %dma_wait3A_88 = tpu.memref_slice %arg9[%dma_wait3A_87] : memref<4096xf32, #tpu.memory_space<vmem>> -> memref<256xf32, #tpu.memory_space<vmem>>
      %dma_wait3A_89 = arith.constant 0 : i32
      %dma_wait3A_90 = tpu.memref_slice %arg15[%run_scoped3A_54, %arg1, %dma_wait3A_89] : memref<16x16x256xf32, #tpu.memory_space<vmem_shared>> -> memref<1x1x256xf32, #tpu.memory_space<vmem_shared>>
      %dma_wait3A_91 = tpu.memref_squeeze %dma_wait3A_90 : memref<1x1x256xf32, #tpu.memory_space<vmem_shared>> -> memref<256xf32, #tpu.memory_space<vmem_shared>>
      %dma_wait3A_92 = arith.constant 0 : i32
      %dma_wait3A_93 = tpu.memref_slice %arg15[%run_scoped3A_54, %arg1, %dma_wait3A_92] : memref<16x16x256xf32, #tpu.memory_space<vmem_shared>> -> memref<1x1x256xf32, #tpu.memory_space<vmem_shared>>
      %dma_wait3A_94 = tpu.memref_squeeze %dma_wait3A_93 : memref<1x1x256xf32, #tpu.memory_space<vmem_shared>> -> memref<256xf32, #tpu.memory_space<vmem_shared>>
      %dma_wait3A_95 = arith.constant 2560 : i32
      %dma_wait3A_96 = tpu.memref_slice %arg9[%dma_wait3A_95] : memref<4096xf32, #tpu.memory_space<vmem>> -> memref<256xf32, #tpu.memory_space<vmem>>
      tpu.wait_dma2 semaphore(%run_scoped3A_76 : memref<!tpu.dma_semaphore, #tpu.memory_space<semaphore_mem>>) src(%dma_wait3A_96 : memref<256xf32, #tpu.memory_space<vmem>>) dst(%dma_wait3A_94 : memref<256xf32, #tpu.memory_space<vmem_shared>>)
      tpu.yield
    }) : () -> ()
    %run_scoped3A_55 = arith.constant 11 : i32
    "tpu.region"() ({
      %run_scoped3A_76 = tpu.sem_alloc : memref<!tpu.dma_semaphore, #tpu.memory_space<semaphore_mem>>
      %dma_start3A_77 = arith.constant 2816 : i32
      %dma_start3A_78 = tpu.memref_slice %arg8[%dma_start3A_77] : memref<4096xf32, #tpu.memory_space<vmem>> -> memref<256xf32, #tpu.memory_space<vmem>>
      %dma_start3A_79 = arith.constant 0 : i32
      %dma_start3A_80 = tpu.memref_slice %arg14[%run_scoped3A_55, %arg1, %dma_start3A_79] : memref<16x16x256xf32, #tpu.memory_space<vmem_shared>> -> memref<1x1x256xf32, #tpu.memory_space<vmem_shared>>
      %dma_start3A_81 = tpu.memref_squeeze %dma_start3A_80 : memref<1x1x256xf32, #tpu.memory_space<vmem_shared>> -> memref<256xf32, #tpu.memory_space<vmem_shared>>
      %dma_start3A_82 = arith.constant 0 : i32
      %dma_start3A_83 = tpu.memref_slice %arg14[%run_scoped3A_55, %arg1, %dma_start3A_82] : memref<16x16x256xf32, #tpu.memory_space<vmem_shared>> -> memref<1x1x256xf32, #tpu.memory_space<vmem_shared>>
      %dma_start3A_84 = tpu.memref_squeeze %dma_start3A_83 : memref<1x1x256xf32, #tpu.memory_space<vmem_shared>> -> memref<256xf32, #tpu.memory_space<vmem_shared>>
      %dma_start3A_85 = arith.constant 2816 : i32
      %dma_start3A_86 = tpu.memref_slice %arg8[%dma_start3A_85] : memref<4096xf32, #tpu.memory_space<vmem>> -> memref<256xf32, #tpu.memory_space<vmem>>
      tpu.enqueue_dma source(%dma_start3A_86 : memref<256xf32, #tpu.memory_space<vmem>>) target(%dma_start3A_84 : memref<256xf32, #tpu.memory_space<vmem_shared>>) target_semaphore(%run_scoped3A_76 : memref<!tpu.dma_semaphore, #tpu.memory_space<semaphore_mem>>)
      %dma_wait3A_87 = arith.constant 2816 : i32
      %dma_wait3A_88 = tpu.memref_slice %arg8[%dma_wait3A_87] : memref<4096xf32, #tpu.memory_space<vmem>> -> memref<256xf32, #tpu.memory_space<vmem>>
      %dma_wait3A_89 = arith.constant 0 : i32
      %dma_wait3A_90 = tpu.memref_slice %arg14[%run_scoped3A_55, %arg1, %dma_wait3A_89] : memref<16x16x256xf32, #tpu.memory_space<vmem_shared>> -> memref<1x1x256xf32, #tpu.memory_space<vmem_shared>>
      %dma_wait3A_91 = tpu.memref_squeeze %dma_wait3A_90 : memref<1x1x256xf32, #tpu.memory_space<vmem_shared>> -> memref<256xf32, #tpu.memory_space<vmem_shared>>
      %dma_wait3A_92 = arith.constant 0 : i32
      %dma_wait3A_93 = tpu.memref_slice %arg14[%run_scoped3A_55, %arg1, %dma_wait3A_92] : memref<16x16x256xf32, #tpu.memory_space<vmem_shared>> -> memref<1x1x256xf32, #tpu.memory_space<vmem_shared>>
      %dma_wait3A_94 = tpu.memref_squeeze %dma_wait3A_93 : memref<1x1x256xf32, #tpu.memory_space<vmem_shared>> -> memref<256xf32, #tpu.memory_space<vmem_shared>>
      %dma_wait3A_95 = arith.constant 2816 : i32
      %dma_wait3A_96 = tpu.memref_slice %arg8[%dma_wait3A_95] : memref<4096xf32, #tpu.memory_space<vmem>> -> memref<256xf32, #tpu.memory_space<vmem>>
      tpu.wait_dma2 semaphore(%run_scoped3A_76 : memref<!tpu.dma_semaphore, #tpu.memory_space<semaphore_mem>>) src(%dma_wait3A_96 : memref<256xf32, #tpu.memory_space<vmem>>) dst(%dma_wait3A_94 : memref<256xf32, #tpu.memory_space<vmem_shared>>)
      tpu.yield
    }) : () -> ()
    %run_scoped3A_56 = arith.constant 11 : i32
    "tpu.region"() ({
      %run_scoped3A_76 = tpu.sem_alloc : memref<!tpu.dma_semaphore, #tpu.memory_space<semaphore_mem>>
      %dma_start3A_77 = arith.constant 2816 : i32
      %dma_start3A_78 = tpu.memref_slice %arg9[%dma_start3A_77] : memref<4096xf32, #tpu.memory_space<vmem>> -> memref<256xf32, #tpu.memory_space<vmem>>
      %dma_start3A_79 = arith.constant 0 : i32
      %dma_start3A_80 = tpu.memref_slice %arg15[%run_scoped3A_56, %arg1, %dma_start3A_79] : memref<16x16x256xf32, #tpu.memory_space<vmem_shared>> -> memref<1x1x256xf32, #tpu.memory_space<vmem_shared>>
      %dma_start3A_81 = tpu.memref_squeeze %dma_start3A_80 : memref<1x1x256xf32, #tpu.memory_space<vmem_shared>> -> memref<256xf32, #tpu.memory_space<vmem_shared>>
      %dma_start3A_82 = arith.constant 0 : i32
      %dma_start3A_83 = tpu.memref_slice %arg15[%run_scoped3A_56, %arg1, %dma_start3A_82] : memref<16x16x256xf32, #tpu.memory_space<vmem_shared>> -> memref<1x1x256xf32, #tpu.memory_space<vmem_shared>>
      %dma_start3A_84 = tpu.memref_squeeze %dma_start3A_83 : memref<1x1x256xf32, #tpu.memory_space<vmem_shared>> -> memref<256xf32, #tpu.memory_space<vmem_shared>>
      %dma_start3A_85 = arith.constant 2816 : i32
      %dma_start3A_86 = tpu.memref_slice %arg9[%dma_start3A_85] : memref<4096xf32, #tpu.memory_space<vmem>> -> memref<256xf32, #tpu.memory_space<vmem>>
      tpu.enqueue_dma source(%dma_start3A_86 : memref<256xf32, #tpu.memory_space<vmem>>) target(%dma_start3A_84 : memref<256xf32, #tpu.memory_space<vmem_shared>>) target_semaphore(%run_scoped3A_76 : memref<!tpu.dma_semaphore, #tpu.memory_space<semaphore_mem>>)
      %dma_wait3A_87 = arith.constant 2816 : i32
      %dma_wait3A_88 = tpu.memref_slice %arg9[%dma_wait3A_87] : memref<4096xf32, #tpu.memory_space<vmem>> -> memref<256xf32, #tpu.memory_space<vmem>>
      %dma_wait3A_89 = arith.constant 0 : i32
      %dma_wait3A_90 = tpu.memref_slice %arg15[%run_scoped3A_56, %arg1, %dma_wait3A_89] : memref<16x16x256xf32, #tpu.memory_space<vmem_shared>> -> memref<1x1x256xf32, #tpu.memory_space<vmem_shared>>
      %dma_wait3A_91 = tpu.memref_squeeze %dma_wait3A_90 : memref<1x1x256xf32, #tpu.memory_space<vmem_shared>> -> memref<256xf32, #tpu.memory_space<vmem_shared>>
      %dma_wait3A_92 = arith.constant 0 : i32
      %dma_wait3A_93 = tpu.memref_slice %arg15[%run_scoped3A_56, %arg1, %dma_wait3A_92] : memref<16x16x256xf32, #tpu.memory_space<vmem_shared>> -> memref<1x1x256xf32, #tpu.memory_space<vmem_shared>>
      %dma_wait3A_94 = tpu.memref_squeeze %dma_wait3A_93 : memref<1x1x256xf32, #tpu.memory_space<vmem_shared>> -> memref<256xf32, #tpu.memory_space<vmem_shared>>
      %dma_wait3A_95 = arith.constant 2816 : i32
      %dma_wait3A_96 = tpu.memref_slice %arg9[%dma_wait3A_95] : memref<4096xf32, #tpu.memory_space<vmem>> -> memref<256xf32, #tpu.memory_space<vmem>>
      tpu.wait_dma2 semaphore(%run_scoped3A_76 : memref<!tpu.dma_semaphore, #tpu.memory_space<semaphore_mem>>) src(%dma_wait3A_96 : memref<256xf32, #tpu.memory_space<vmem>>) dst(%dma_wait3A_94 : memref<256xf32, #tpu.memory_space<vmem_shared>>)
      tpu.yield
    }) : () -> ()
    %run_scoped3A_57 = arith.constant 12 : i32
    "tpu.region"() ({
      %run_scoped3A_76 = tpu.sem_alloc : memref<!tpu.dma_semaphore, #tpu.memory_space<semaphore_mem>>
      %dma_start3A_77 = arith.constant 3072 : i32
      %dma_start3A_78 = tpu.memref_slice %arg8[%dma_start3A_77] : memref<4096xf32, #tpu.memory_space<vmem>> -> memref<256xf32, #tpu.memory_space<vmem>>
      %dma_start3A_79 = arith.constant 0 : i32
      %dma_start3A_80 = tpu.memref_slice %arg14[%run_scoped3A_57, %arg1, %dma_start3A_79] : memref<16x16x256xf32, #tpu.memory_space<vmem_shared>> -> memref<1x1x256xf32, #tpu.memory_space<vmem_shared>>
      %dma_start3A_81 = tpu.memref_squeeze %dma_start3A_80 : memref<1x1x256xf32, #tpu.memory_space<vmem_shared>> -> memref<256xf32, #tpu.memory_space<vmem_shared>>
      %dma_start3A_82 = arith.constant 0 : i32
      %dma_start3A_83 = tpu.memref_slice %arg14[%run_scoped3A_57, %arg1, %dma_start3A_82] : memref<16x16x256xf32, #tpu.memory_space<vmem_shared>> -> memref<1x1x256xf32, #tpu.memory_space<vmem_shared>>
      %dma_start3A_84 = tpu.memref_squeeze %dma_start3A_83 : memref<1x1x256xf32, #tpu.memory_space<vmem_shared>> -> memref<256xf32, #tpu.memory_space<vmem_shared>>
      %dma_start3A_85 = arith.constant 3072 : i32
      %dma_start3A_86 = tpu.memref_slice %arg8[%dma_start3A_85] : memref<4096xf32, #tpu.memory_space<vmem>> -> memref<256xf32, #tpu.memory_space<vmem>>
      tpu.enqueue_dma source(%dma_start3A_86 : memref<256xf32, #tpu.memory_space<vmem>>) target(%dma_start3A_84 : memref<256xf32, #tpu.memory_space<vmem_shared>>) target_semaphore(%run_scoped3A_76 : memref<!tpu.dma_semaphore, #tpu.memory_space<semaphore_mem>>)
      %dma_wait3A_87 = arith.constant 3072 : i32
      %dma_wait3A_88 = tpu.memref_slice %arg8[%dma_wait3A_87] : memref<4096xf32, #tpu.memory_space<vmem>> -> memref<256xf32, #tpu.memory_space<vmem>>
      %dma_wait3A_89 = arith.constant 0 : i32
      %dma_wait3A_90 = tpu.memref_slice %arg14[%run_scoped3A_57, %arg1, %dma_wait3A_89] : memref<16x16x256xf32, #tpu.memory_space<vmem_shared>> -> memref<1x1x256xf32, #tpu.memory_space<vmem_shared>>
      %dma_wait3A_91 = tpu.memref_squeeze %dma_wait3A_90 : memref<1x1x256xf32, #tpu.memory_space<vmem_shared>> -> memref<256xf32, #tpu.memory_space<vmem_shared>>
      %dma_wait3A_92 = arith.constant 0 : i32
      %dma_wait3A_93 = tpu.memref_slice %arg14[%run_scoped3A_57, %arg1, %dma_wait3A_92] : memref<16x16x256xf32, #tpu.memory_space<vmem_shared>> -> memref<1x1x256xf32, #tpu.memory_space<vmem_shared>>
      %dma_wait3A_94 = tpu.memref_squeeze %dma_wait3A_93 : memref<1x1x256xf32, #tpu.memory_space<vmem_shared>> -> memref<256xf32, #tpu.memory_space<vmem_shared>>
      %dma_wait3A_95 = arith.constant 3072 : i32
      %dma_wait3A_96 = tpu.memref_slice %arg8[%dma_wait3A_95] : memref<4096xf32, #tpu.memory_space<vmem>> -> memref<256xf32, #tpu.memory_space<vmem>>
      tpu.wait_dma2 semaphore(%run_scoped3A_76 : memref<!tpu.dma_semaphore, #tpu.memory_space<semaphore_mem>>) src(%dma_wait3A_96 : memref<256xf32, #tpu.memory_space<vmem>>) dst(%dma_wait3A_94 : memref<256xf32, #tpu.memory_space<vmem_shared>>)
      tpu.yield
    }) : () -> ()
    %run_scoped3A_58 = arith.constant 12 : i32
    "tpu.region"() ({
      %run_scoped3A_76 = tpu.sem_alloc : memref<!tpu.dma_semaphore, #tpu.memory_space<semaphore_mem>>
      %dma_start3A_77 = arith.constant 3072 : i32
      %dma_start3A_78 = tpu.memref_slice %arg9[%dma_start3A_77] : memref<4096xf32, #tpu.memory_space<vmem>> -> memref<256xf32, #tpu.memory_space<vmem>>
      %dma_start3A_79 = arith.constant 0 : i32
      %dma_start3A_80 = tpu.memref_slice %arg15[%run_scoped3A_58, %arg1, %dma_start3A_79] : memref<16x16x256xf32, #tpu.memory_space<vmem_shared>> -> memref<1x1x256xf32, #tpu.memory_space<vmem_shared>>
      %dma_start3A_81 = tpu.memref_squeeze %dma_start3A_80 : memref<1x1x256xf32, #tpu.memory_space<vmem_shared>> -> memref<256xf32, #tpu.memory_space<vmem_shared>>
      %dma_start3A_82 = arith.constant 0 : i32
      %dma_start3A_83 = tpu.memref_slice %arg15[%run_scoped3A_58, %arg1, %dma_start3A_82] : memref<16x16x256xf32, #tpu.memory_space<vmem_shared>> -> memref<1x1x256xf32, #tpu.memory_space<vmem_shared>>
      %dma_start3A_84 = tpu.memref_squeeze %dma_start3A_83 : memref<1x1x256xf32, #tpu.memory_space<vmem_shared>> -> memref<256xf32, #tpu.memory_space<vmem_shared>>
      %dma_start3A_85 = arith.constant 3072 : i32
      %dma_start3A_86 = tpu.memref_slice %arg9[%dma_start3A_85] : memref<4096xf32, #tpu.memory_space<vmem>> -> memref<256xf32, #tpu.memory_space<vmem>>
      tpu.enqueue_dma source(%dma_start3A_86 : memref<256xf32, #tpu.memory_space<vmem>>) target(%dma_start3A_84 : memref<256xf32, #tpu.memory_space<vmem_shared>>) target_semaphore(%run_scoped3A_76 : memref<!tpu.dma_semaphore, #tpu.memory_space<semaphore_mem>>)
      %dma_wait3A_87 = arith.constant 3072 : i32
      %dma_wait3A_88 = tpu.memref_slice %arg9[%dma_wait3A_87] : memref<4096xf32, #tpu.memory_space<vmem>> -> memref<256xf32, #tpu.memory_space<vmem>>
      %dma_wait3A_89 = arith.constant 0 : i32
      %dma_wait3A_90 = tpu.memref_slice %arg15[%run_scoped3A_58, %arg1, %dma_wait3A_89] : memref<16x16x256xf32, #tpu.memory_space<vmem_shared>> -> memref<1x1x256xf32, #tpu.memory_space<vmem_shared>>
      %dma_wait3A_91 = tpu.memref_squeeze %dma_wait3A_90 : memref<1x1x256xf32, #tpu.memory_space<vmem_shared>> -> memref<256xf32, #tpu.memory_space<vmem_shared>>
      %dma_wait3A_92 = arith.constant 0 : i32
      %dma_wait3A_93 = tpu.memref_slice %arg15[%run_scoped3A_58, %arg1, %dma_wait3A_92] : memref<16x16x256xf32, #tpu.memory_space<vmem_shared>> -> memref<1x1x256xf32, #tpu.memory_space<vmem_shared>>
      %dma_wait3A_94 = tpu.memref_squeeze %dma_wait3A_93 : memref<1x1x256xf32, #tpu.memory_space<vmem_shared>> -> memref<256xf32, #tpu.memory_space<vmem_shared>>
      %dma_wait3A_95 = arith.constant 3072 : i32
      %dma_wait3A_96 = tpu.memref_slice %arg9[%dma_wait3A_95] : memref<4096xf32, #tpu.memory_space<vmem>> -> memref<256xf32, #tpu.memory_space<vmem>>
      tpu.wait_dma2 semaphore(%run_scoped3A_76 : memref<!tpu.dma_semaphore, #tpu.memory_space<semaphore_mem>>) src(%dma_wait3A_96 : memref<256xf32, #tpu.memory_space<vmem>>) dst(%dma_wait3A_94 : memref<256xf32, #tpu.memory_space<vmem_shared>>)
      tpu.yield
    }) : () -> ()
    %run_scoped3A_59 = arith.constant 13 : i32
    "tpu.region"() ({
      %run_scoped3A_76 = tpu.sem_alloc : memref<!tpu.dma_semaphore, #tpu.memory_space<semaphore_mem>>
      %dma_start3A_77 = arith.constant 3328 : i32
      %dma_start3A_78 = tpu.memref_slice %arg8[%dma_start3A_77] : memref<4096xf32, #tpu.memory_space<vmem>> -> memref<256xf32, #tpu.memory_space<vmem>>
      %dma_start3A_79 = arith.constant 0 : i32
      %dma_start3A_80 = tpu.memref_slice %arg14[%run_scoped3A_59, %arg1, %dma_start3A_79] : memref<16x16x256xf32, #tpu.memory_space<vmem_shared>> -> memref<1x1x256xf32, #tpu.memory_space<vmem_shared>>
      %dma_start3A_81 = tpu.memref_squeeze %dma_start3A_80 : memref<1x1x256xf32, #tpu.memory_space<vmem_shared>> -> memref<256xf32, #tpu.memory_space<vmem_shared>>
      %dma_start3A_82 = arith.constant 0 : i32
      %dma_start3A_83 = tpu.memref_slice %arg14[%run_scoped3A_59, %arg1, %dma_start3A_82] : memref<16x16x256xf32, #tpu.memory_space<vmem_shared>> -> memref<1x1x256xf32, #tpu.memory_space<vmem_shared>>
      %dma_start3A_84 = tpu.memref_squeeze %dma_start3A_83 : memref<1x1x256xf32, #tpu.memory_space<vmem_shared>> -> memref<256xf32, #tpu.memory_space<vmem_shared>>
      %dma_start3A_85 = arith.constant 3328 : i32
      %dma_start3A_86 = tpu.memref_slice %arg8[%dma_start3A_85] : memref<4096xf32, #tpu.memory_space<vmem>> -> memref<256xf32, #tpu.memory_space<vmem>>
      tpu.enqueue_dma source(%dma_start3A_86 : memref<256xf32, #tpu.memory_space<vmem>>) target(%dma_start3A_84 : memref<256xf32, #tpu.memory_space<vmem_shared>>) target_semaphore(%run_scoped3A_76 : memref<!tpu.dma_semaphore, #tpu.memory_space<semaphore_mem>>)
      %dma_wait3A_87 = arith.constant 3328 : i32
      %dma_wait3A_88 = tpu.memref_slice %arg8[%dma_wait3A_87] : memref<4096xf32, #tpu.memory_space<vmem>> -> memref<256xf32, #tpu.memory_space<vmem>>
      %dma_wait3A_89 = arith.constant 0 : i32
      %dma_wait3A_90 = tpu.memref_slice %arg14[%run_scoped3A_59, %arg1, %dma_wait3A_89] : memref<16x16x256xf32, #tpu.memory_space<vmem_shared>> -> memref<1x1x256xf32, #tpu.memory_space<vmem_shared>>
      %dma_wait3A_91 = tpu.memref_squeeze %dma_wait3A_90 : memref<1x1x256xf32, #tpu.memory_space<vmem_shared>> -> memref<256xf32, #tpu.memory_space<vmem_shared>>
      %dma_wait3A_92 = arith.constant 0 : i32
      %dma_wait3A_93 = tpu.memref_slice %arg14[%run_scoped3A_59, %arg1, %dma_wait3A_92] : memref<16x16x256xf32, #tpu.memory_space<vmem_shared>> -> memref<1x1x256xf32, #tpu.memory_space<vmem_shared>>
      %dma_wait3A_94 = tpu.memref_squeeze %dma_wait3A_93 : memref<1x1x256xf32, #tpu.memory_space<vmem_shared>> -> memref<256xf32, #tpu.memory_space<vmem_shared>>
      %dma_wait3A_95 = arith.constant 3328 : i32
      %dma_wait3A_96 = tpu.memref_slice %arg8[%dma_wait3A_95] : memref<4096xf32, #tpu.memory_space<vmem>> -> memref<256xf32, #tpu.memory_space<vmem>>
      tpu.wait_dma2 semaphore(%run_scoped3A_76 : memref<!tpu.dma_semaphore, #tpu.memory_space<semaphore_mem>>) src(%dma_wait3A_96 : memref<256xf32, #tpu.memory_space<vmem>>) dst(%dma_wait3A_94 : memref<256xf32, #tpu.memory_space<vmem_shared>>)
      tpu.yield
    }) : () -> ()
    %run_scoped3A_60 = arith.constant 13 : i32
    "tpu.region"() ({
      %run_scoped3A_76 = tpu.sem_alloc : memref<!tpu.dma_semaphore, #tpu.memory_space<semaphore_mem>>
      %dma_start3A_77 = arith.constant 3328 : i32
      %dma_start3A_78 = tpu.memref_slice %arg9[%dma_start3A_77] : memref<4096xf32, #tpu.memory_space<vmem>> -> memref<256xf32, #tpu.memory_space<vmem>>
      %dma_start3A_79 = arith.constant 0 : i32
      %dma_start3A_80 = tpu.memref_slice %arg15[%run_scoped3A_60, %arg1, %dma_start3A_79] : memref<16x16x256xf32, #tpu.memory_space<vmem_shared>> -> memref<1x1x256xf32, #tpu.memory_space<vmem_shared>>
      %dma_start3A_81 = tpu.memref_squeeze %dma_start3A_80 : memref<1x1x256xf32, #tpu.memory_space<vmem_shared>> -> memref<256xf32, #tpu.memory_space<vmem_shared>>
      %dma_start3A_82 = arith.constant 0 : i32
      %dma_start3A_83 = tpu.memref_slice %arg15[%run_scoped3A_60, %arg1, %dma_start3A_82] : memref<16x16x256xf32, #tpu.memory_space<vmem_shared>> -> memref<1x1x256xf32, #tpu.memory_space<vmem_shared>>
      %dma_start3A_84 = tpu.memref_squeeze %dma_start3A_83 : memref<1x1x256xf32, #tpu.memory_space<vmem_shared>> -> memref<256xf32, #tpu.memory_space<vmem_shared>>
      %dma_start3A_85 = arith.constant 3328 : i32
      %dma_start3A_86 = tpu.memref_slice %arg9[%dma_start3A_85] : memref<4096xf32, #tpu.memory_space<vmem>> -> memref<256xf32, #tpu.memory_space<vmem>>
      tpu.enqueue_dma source(%dma_start3A_86 : memref<256xf32, #tpu.memory_space<vmem>>) target(%dma_start3A_84 : memref<256xf32, #tpu.memory_space<vmem_shared>>) target_semaphore(%run_scoped3A_76 : memref<!tpu.dma_semaphore, #tpu.memory_space<semaphore_mem>>)
      %dma_wait3A_87 = arith.constant 3328 : i32
      %dma_wait3A_88 = tpu.memref_slice %arg9[%dma_wait3A_87] : memref<4096xf32, #tpu.memory_space<vmem>> -> memref<256xf32, #tpu.memory_space<vmem>>
      %dma_wait3A_89 = arith.constant 0 : i32
      %dma_wait3A_90 = tpu.memref_slice %arg15[%run_scoped3A_60, %arg1, %dma_wait3A_89] : memref<16x16x256xf32, #tpu.memory_space<vmem_shared>> -> memref<1x1x256xf32, #tpu.memory_space<vmem_shared>>
      %dma_wait3A_91 = tpu.memref_squeeze %dma_wait3A_90 : memref<1x1x256xf32, #tpu.memory_space<vmem_shared>> -> memref<256xf32, #tpu.memory_space<vmem_shared>>
      %dma_wait3A_92 = arith.constant 0 : i32
      %dma_wait3A_93 = tpu.memref_slice %arg15[%run_scoped3A_60, %arg1, %dma_wait3A_92] : memref<16x16x256xf32, #tpu.memory_space<vmem_shared>> -> memref<1x1x256xf32, #tpu.memory_space<vmem_shared>>
      %dma_wait3A_94 = tpu.memref_squeeze %dma_wait3A_93 : memref<1x1x256xf32, #tpu.memory_space<vmem_shared>> -> memref<256xf32, #tpu.memory_space<vmem_shared>>
      %dma_wait3A_95 = arith.constant 3328 : i32
      %dma_wait3A_96 = tpu.memref_slice %arg9[%dma_wait3A_95] : memref<4096xf32, #tpu.memory_space<vmem>> -> memref<256xf32, #tpu.memory_space<vmem>>
      tpu.wait_dma2 semaphore(%run_scoped3A_76 : memref<!tpu.dma_semaphore, #tpu.memory_space<semaphore_mem>>) src(%dma_wait3A_96 : memref<256xf32, #tpu.memory_space<vmem>>) dst(%dma_wait3A_94 : memref<256xf32, #tpu.memory_space<vmem_shared>>)
      tpu.yield
    }) : () -> ()
    %run_scoped3A_61 = arith.constant 14 : i32
    "tpu.region"() ({
      %run_scoped3A_76 = tpu.sem_alloc : memref<!tpu.dma_semaphore, #tpu.memory_space<semaphore_mem>>
      %dma_start3A_77 = arith.constant 3584 : i32
      %dma_start3A_78 = tpu.memref_slice %arg8[%dma_start3A_77] : memref<4096xf32, #tpu.memory_space<vmem>> -> memref<256xf32, #tpu.memory_space<vmem>>
      %dma_start3A_79 = arith.constant 0 : i32
      %dma_start3A_80 = tpu.memref_slice %arg14[%run_scoped3A_61, %arg1, %dma_start3A_79] : memref<16x16x256xf32, #tpu.memory_space<vmem_shared>> -> memref<1x1x256xf32, #tpu.memory_space<vmem_shared>>
      %dma_start3A_81 = tpu.memref_squeeze %dma_start3A_80 : memref<1x1x256xf32, #tpu.memory_space<vmem_shared>> -> memref<256xf32, #tpu.memory_space<vmem_shared>>
      %dma_start3A_82 = arith.constant 0 : i32
      %dma_start3A_83 = tpu.memref_slice %arg14[%run_scoped3A_61, %arg1, %dma_start3A_82] : memref<16x16x256xf32, #tpu.memory_space<vmem_shared>> -> memref<1x1x256xf32, #tpu.memory_space<vmem_shared>>
      %dma_start3A_84 = tpu.memref_squeeze %dma_start3A_83 : memref<1x1x256xf32, #tpu.memory_space<vmem_shared>> -> memref<256xf32, #tpu.memory_space<vmem_shared>>
      %dma_start3A_85 = arith.constant 3584 : i32
      %dma_start3A_86 = tpu.memref_slice %arg8[%dma_start3A_85] : memref<4096xf32, #tpu.memory_space<vmem>> -> memref<256xf32, #tpu.memory_space<vmem>>
      tpu.enqueue_dma source(%dma_start3A_86 : memref<256xf32, #tpu.memory_space<vmem>>) target(%dma_start3A_84 : memref<256xf32, #tpu.memory_space<vmem_shared>>) target_semaphore(%run_scoped3A_76 : memref<!tpu.dma_semaphore, #tpu.memory_space<semaphore_mem>>)
      %dma_wait3A_87 = arith.constant 3584 : i32
      %dma_wait3A_88 = tpu.memref_slice %arg8[%dma_wait3A_87] : memref<4096xf32, #tpu.memory_space<vmem>> -> memref<256xf32, #tpu.memory_space<vmem>>
      %dma_wait3A_89 = arith.constant 0 : i32
      %dma_wait3A_90 = tpu.memref_slice %arg14[%run_scoped3A_61, %arg1, %dma_wait3A_89] : memref<16x16x256xf32, #tpu.memory_space<vmem_shared>> -> memref<1x1x256xf32, #tpu.memory_space<vmem_shared>>
      %dma_wait3A_91 = tpu.memref_squeeze %dma_wait3A_90 : memref<1x1x256xf32, #tpu.memory_space<vmem_shared>> -> memref<256xf32, #tpu.memory_space<vmem_shared>>
      %dma_wait3A_92 = arith.constant 0 : i32
      %dma_wait3A_93 = tpu.memref_slice %arg14[%run_scoped3A_61, %arg1, %dma_wait3A_92] : memref<16x16x256xf32, #tpu.memory_space<vmem_shared>> -> memref<1x1x256xf32, #tpu.memory_space<vmem_shared>>
      %dma_wait3A_94 = tpu.memref_squeeze %dma_wait3A_93 : memref<1x1x256xf32, #tpu.memory_space<vmem_shared>> -> memref<256xf32, #tpu.memory_space<vmem_shared>>
      %dma_wait3A_95 = arith.constant 3584 : i32
      %dma_wait3A_96 = tpu.memref_slice %arg8[%dma_wait3A_95] : memref<4096xf32, #tpu.memory_space<vmem>> -> memref<256xf32, #tpu.memory_space<vmem>>
      tpu.wait_dma2 semaphore(%run_scoped3A_76 : memref<!tpu.dma_semaphore, #tpu.memory_space<semaphore_mem>>) src(%dma_wait3A_96 : memref<256xf32, #tpu.memory_space<vmem>>) dst(%dma_wait3A_94 : memref<256xf32, #tpu.memory_space<vmem_shared>>)
      tpu.yield
    }) : () -> ()
    %run_scoped3A_62 = arith.constant 14 : i32
    "tpu.region"() ({
      %run_scoped3A_76 = tpu.sem_alloc : memref<!tpu.dma_semaphore, #tpu.memory_space<semaphore_mem>>
      %dma_start3A_77 = arith.constant 3584 : i32
      %dma_start3A_78 = tpu.memref_slice %arg9[%dma_start3A_77] : memref<4096xf32, #tpu.memory_space<vmem>> -> memref<256xf32, #tpu.memory_space<vmem>>
      %dma_start3A_79 = arith.constant 0 : i32
      %dma_start3A_80 = tpu.memref_slice %arg15[%run_scoped3A_62, %arg1, %dma_start3A_79] : memref<16x16x256xf32, #tpu.memory_space<vmem_shared>> -> memref<1x1x256xf32, #tpu.memory_space<vmem_shared>>
      %dma_start3A_81 = tpu.memref_squeeze %dma_start3A_80 : memref<1x1x256xf32, #tpu.memory_space<vmem_shared>> -> memref<256xf32, #tpu.memory_space<vmem_shared>>
      %dma_start3A_82 = arith.constant 0 : i32
      %dma_start3A_83 = tpu.memref_slice %arg15[%run_scoped3A_62, %arg1, %dma_start3A_82] : memref<16x16x256xf32, #tpu.memory_space<vmem_shared>> -> memref<1x1x256xf32, #tpu.memory_space<vmem_shared>>
      %dma_start3A_84 = tpu.memref_squeeze %dma_start3A_83 : memref<1x1x256xf32, #tpu.memory_space<vmem_shared>> -> memref<256xf32, #tpu.memory_space<vmem_shared>>
      %dma_start3A_85 = arith.constant 3584 : i32
      %dma_start3A_86 = tpu.memref_slice %arg9[%dma_start3A_85] : memref<4096xf32, #tpu.memory_space<vmem>> -> memref<256xf32, #tpu.memory_space<vmem>>
      tpu.enqueue_dma source(%dma_start3A_86 : memref<256xf32, #tpu.memory_space<vmem>>) target(%dma_start3A_84 : memref<256xf32, #tpu.memory_space<vmem_shared>>) target_semaphore(%run_scoped3A_76 : memref<!tpu.dma_semaphore, #tpu.memory_space<semaphore_mem>>)
      %dma_wait3A_87 = arith.constant 3584 : i32
      %dma_wait3A_88 = tpu.memref_slice %arg9[%dma_wait3A_87] : memref<4096xf32, #tpu.memory_space<vmem>> -> memref<256xf32, #tpu.memory_space<vmem>>
      %dma_wait3A_89 = arith.constant 0 : i32
      %dma_wait3A_90 = tpu.memref_slice %arg15[%run_scoped3A_62, %arg1, %dma_wait3A_89] : memref<16x16x256xf32, #tpu.memory_space<vmem_shared>> -> memref<1x1x256xf32, #tpu.memory_space<vmem_shared>>
      %dma_wait3A_91 = tpu.memref_squeeze %dma_wait3A_90 : memref<1x1x256xf32, #tpu.memory_space<vmem_shared>> -> memref<256xf32, #tpu.memory_space<vmem_shared>>
      %dma_wait3A_92 = arith.constant 0 : i32
      %dma_wait3A_93 = tpu.memref_slice %arg15[%run_scoped3A_62, %arg1, %dma_wait3A_92] : memref<16x16x256xf32, #tpu.memory_space<vmem_shared>> -> memref<1x1x256xf32, #tpu.memory_space<vmem_shared>>
      %dma_wait3A_94 = tpu.memref_squeeze %dma_wait3A_93 : memref<1x1x256xf32, #tpu.memory_space<vmem_shared>> -> memref<256xf32, #tpu.memory_space<vmem_shared>>
      %dma_wait3A_95 = arith.constant 3584 : i32
      %dma_wait3A_96 = tpu.memref_slice %arg9[%dma_wait3A_95] : memref<4096xf32, #tpu.memory_space<vmem>> -> memref<256xf32, #tpu.memory_space<vmem>>
      tpu.wait_dma2 semaphore(%run_scoped3A_76 : memref<!tpu.dma_semaphore, #tpu.memory_space<semaphore_mem>>) src(%dma_wait3A_96 : memref<256xf32, #tpu.memory_space<vmem>>) dst(%dma_wait3A_94 : memref<256xf32, #tpu.memory_space<vmem_shared>>)
      tpu.yield
    }) : () -> ()
    %run_scoped3A_63 = arith.constant 15 : i32
    "tpu.region"() ({
      %run_scoped3A_76 = tpu.sem_alloc : memref<!tpu.dma_semaphore, #tpu.memory_space<semaphore_mem>>
      %dma_start3A_77 = arith.constant 3840 : i32
      %dma_start3A_78 = tpu.memref_slice %arg8[%dma_start3A_77] : memref<4096xf32, #tpu.memory_space<vmem>> -> memref<256xf32, #tpu.memory_space<vmem>>
      %dma_start3A_79 = arith.constant 0 : i32
      %dma_start3A_80 = tpu.memref_slice %arg14[%run_scoped3A_63, %arg1, %dma_start3A_79] : memref<16x16x256xf32, #tpu.memory_space<vmem_shared>> -> memref<1x1x256xf32, #tpu.memory_space<vmem_shared>>
      %dma_start3A_81 = tpu.memref_squeeze %dma_start3A_80 : memref<1x1x256xf32, #tpu.memory_space<vmem_shared>> -> memref<256xf32, #tpu.memory_space<vmem_shared>>
      %dma_start3A_82 = arith.constant 0 : i32
      %dma_start3A_83 = tpu.memref_slice %arg14[%run_scoped3A_63, %arg1, %dma_start3A_82] : memref<16x16x256xf32, #tpu.memory_space<vmem_shared>> -> memref<1x1x256xf32, #tpu.memory_space<vmem_shared>>
      %dma_start3A_84 = tpu.memref_squeeze %dma_start3A_83 : memref<1x1x256xf32, #tpu.memory_space<vmem_shared>> -> memref<256xf32, #tpu.memory_space<vmem_shared>>
      %dma_start3A_85 = arith.constant 3840 : i32
      %dma_start3A_86 = tpu.memref_slice %arg8[%dma_start3A_85] : memref<4096xf32, #tpu.memory_space<vmem>> -> memref<256xf32, #tpu.memory_space<vmem>>
      tpu.enqueue_dma source(%dma_start3A_86 : memref<256xf32, #tpu.memory_space<vmem>>) target(%dma_start3A_84 : memref<256xf32, #tpu.memory_space<vmem_shared>>) target_semaphore(%run_scoped3A_76 : memref<!tpu.dma_semaphore, #tpu.memory_space<semaphore_mem>>)
      %dma_wait3A_87 = arith.constant 3840 : i32
      %dma_wait3A_88 = tpu.memref_slice %arg8[%dma_wait3A_87] : memref<4096xf32, #tpu.memory_space<vmem>> -> memref<256xf32, #tpu.memory_space<vmem>>
      %dma_wait3A_89 = arith.constant 0 : i32
      %dma_wait3A_90 = tpu.memref_slice %arg14[%run_scoped3A_63, %arg1, %dma_wait3A_89] : memref<16x16x256xf32, #tpu.memory_space<vmem_shared>> -> memref<1x1x256xf32, #tpu.memory_space<vmem_shared>>
      %dma_wait3A_91 = tpu.memref_squeeze %dma_wait3A_90 : memref<1x1x256xf32, #tpu.memory_space<vmem_shared>> -> memref<256xf32, #tpu.memory_space<vmem_shared>>
      %dma_wait3A_92 = arith.constant 0 : i32
      %dma_wait3A_93 = tpu.memref_slice %arg14[%run_scoped3A_63, %arg1, %dma_wait3A_92] : memref<16x16x256xf32, #tpu.memory_space<vmem_shared>> -> memref<1x1x256xf32, #tpu.memory_space<vmem_shared>>
      %dma_wait3A_94 = tpu.memref_squeeze %dma_wait3A_93 : memref<1x1x256xf32, #tpu.memory_space<vmem_shared>> -> memref<256xf32, #tpu.memory_space<vmem_shared>>
      %dma_wait3A_95 = arith.constant 3840 : i32
      %dma_wait3A_96 = tpu.memref_slice %arg8[%dma_wait3A_95] : memref<4096xf32, #tpu.memory_space<vmem>> -> memref<256xf32, #tpu.memory_space<vmem>>
      tpu.wait_dma2 semaphore(%run_scoped3A_76 : memref<!tpu.dma_semaphore, #tpu.memory_space<semaphore_mem>>) src(%dma_wait3A_96 : memref<256xf32, #tpu.memory_space<vmem>>) dst(%dma_wait3A_94 : memref<256xf32, #tpu.memory_space<vmem_shared>>)
      tpu.yield
    }) : () -> ()
    %run_scoped3A_64 = arith.constant 15 : i32
    "tpu.region"() ({
      %run_scoped3A_76 = tpu.sem_alloc : memref<!tpu.dma_semaphore, #tpu.memory_space<semaphore_mem>>
      %dma_start3A_77 = arith.constant 3840 : i32
      %dma_start3A_78 = tpu.memref_slice %arg9[%dma_start3A_77] : memref<4096xf32, #tpu.memory_space<vmem>> -> memref<256xf32, #tpu.memory_space<vmem>>
      %dma_start3A_79 = arith.constant 0 : i32
      %dma_start3A_80 = tpu.memref_slice %arg15[%run_scoped3A_64, %arg1, %dma_start3A_79] : memref<16x16x256xf32, #tpu.memory_space<vmem_shared>> -> memref<1x1x256xf32, #tpu.memory_space<vmem_shared>>
      %dma_start3A_81 = tpu.memref_squeeze %dma_start3A_80 : memref<1x1x256xf32, #tpu.memory_space<vmem_shared>> -> memref<256xf32, #tpu.memory_space<vmem_shared>>
      %dma_start3A_82 = arith.constant 0 : i32
      %dma_start3A_83 = tpu.memref_slice %arg15[%run_scoped3A_64, %arg1, %dma_start3A_82] : memref<16x16x256xf32, #tpu.memory_space<vmem_shared>> -> memref<1x1x256xf32, #tpu.memory_space<vmem_shared>>
      %dma_start3A_84 = tpu.memref_squeeze %dma_start3A_83 : memref<1x1x256xf32, #tpu.memory_space<vmem_shared>> -> memref<256xf32, #tpu.memory_space<vmem_shared>>
      %dma_start3A_85 = arith.constant 3840 : i32
      %dma_start3A_86 = tpu.memref_slice %arg9[%dma_start3A_85] : memref<4096xf32, #tpu.memory_space<vmem>> -> memref<256xf32, #tpu.memory_space<vmem>>
      tpu.enqueue_dma source(%dma_start3A_86 : memref<256xf32, #tpu.memory_space<vmem>>) target(%dma_start3A_84 : memref<256xf32, #tpu.memory_space<vmem_shared>>) target_semaphore(%run_scoped3A_76 : memref<!tpu.dma_semaphore, #tpu.memory_space<semaphore_mem>>)
      %dma_wait3A_87 = arith.constant 3840 : i32
      %dma_wait3A_88 = tpu.memref_slice %arg9[%dma_wait3A_87] : memref<4096xf32, #tpu.memory_space<vmem>> -> memref<256xf32, #tpu.memory_space<vmem>>
      %dma_wait3A_89 = arith.constant 0 : i32
      %dma_wait3A_90 = tpu.memref_slice %arg15[%run_scoped3A_64, %arg1, %dma_wait3A_89] : memref<16x16x256xf32, #tpu.memory_space<vmem_shared>> -> memref<1x1x256xf32, #tpu.memory_space<vmem_shared>>
      %dma_wait3A_91 = tpu.memref_squeeze %dma_wait3A_90 : memref<1x1x256xf32, #tpu.memory_space<vmem_shared>> -> memref<256xf32, #tpu.memory_space<vmem_shared>>
      %dma_wait3A_92 = arith.constant 0 : i32
      %dma_wait3A_93 = tpu.memref_slice %arg15[%run_scoped3A_64, %arg1, %dma_wait3A_92] : memref<16x16x256xf32, #tpu.memory_space<vmem_shared>> -> memref<1x1x256xf32, #tpu.memory_space<vmem_shared>>
      %dma_wait3A_94 = tpu.memref_squeeze %dma_wait3A_93 : memref<1x1x256xf32, #tpu.memory_space<vmem_shared>> -> memref<256xf32, #tpu.memory_space<vmem_shared>>
      %dma_wait3A_95 = arith.constant 3840 : i32
      %dma_wait3A_96 = tpu.memref_slice %arg9[%dma_wait3A_95] : memref<4096xf32, #tpu.memory_space<vmem>> -> memref<256xf32, #tpu.memory_space<vmem>>
      tpu.wait_dma2 semaphore(%run_scoped3A_76 : memref<!tpu.dma_semaphore, #tpu.memory_space<semaphore_mem>>) src(%dma_wait3A_96 : memref<256xf32, #tpu.memory_space<vmem>>) dst(%dma_wait3A_94 : memref<256xf32, #tpu.memory_space<vmem_shared>>)
      tpu.yield
    }) : () -> ()
    %barrier3A = arith.constant 0 : index
    tpu.barrier barrier_id(%barrier3A)
    "tpu.region"() ({
      %run_scoped3A_76 = tpu.sem_alloc : memref<!tpu.dma_semaphore, #tpu.memory_space<semaphore_mem>>
      %dma_start3A_77 = arith.constant 0 : i32
      %dma_start3A_78 = arith.constant 0 : i32
      %dma_start3A_79 = tpu.memref_slice %arg14[%arg1, %dma_start3A_77, %dma_start3A_78] : memref<16x16x256xf32, #tpu.memory_space<vmem_shared>> -> memref<1x16x256xf32, #tpu.memory_space<vmem_shared>>
      %dma_start3A_80 = tpu.memref_squeeze %dma_start3A_79 : memref<1x16x256xf32, #tpu.memory_space<vmem_shared>> -> memref<16x256xf32, #tpu.memory_space<vmem_shared>>
      %dma_start3A_81 = arith.constant 0 : i32
      %dma_start3A_82 = arith.constant 0 : i32
      %dma_start3A_83 = tpu.memref_slice %arg14[%arg1, %dma_start3A_81, %dma_start3A_82] : memref<16x16x256xf32, #tpu.memory_space<vmem_shared>> -> memref<1x16x256xf32, #tpu.memory_space<vmem_shared>>
      %dma_start3A_84 = tpu.memref_squeeze %dma_start3A_83 : memref<1x16x256xf32, #tpu.memory_space<vmem_shared>> -> memref<16x256xf32, #tpu.memory_space<vmem_shared>>
      tpu.enqueue_dma source(%dma_start3A_84 : memref<16x256xf32, #tpu.memory_space<vmem_shared>>) target(%arg10 : memref<16x256xf32, #tpu.memory_space<vmem>>) target_semaphore(%run_scoped3A_76 : memref<!tpu.dma_semaphore, #tpu.memory_space<semaphore_mem>>)
      %dma_wait3A_85 = arith.constant 0 : i32
      %dma_wait3A_86 = arith.constant 0 : i32
      %dma_wait3A_87 = tpu.memref_slice %arg14[%arg1, %dma_wait3A_85, %dma_wait3A_86] : memref<16x16x256xf32, #tpu.memory_space<vmem_shared>> -> memref<1x16x256xf32, #tpu.memory_space<vmem_shared>>
      %dma_wait3A_88 = tpu.memref_squeeze %dma_wait3A_87 : memref<1x16x256xf32, #tpu.memory_space<vmem_shared>> -> memref<16x256xf32, #tpu.memory_space<vmem_shared>>
      %dma_wait3A_89 = arith.constant 0 : i32
      %dma_wait3A_90 = arith.constant 0 : i32
      %dma_wait3A_91 = tpu.memref_slice %arg14[%arg1, %dma_wait3A_89, %dma_wait3A_90] : memref<16x16x256xf32, #tpu.memory_space<vmem_shared>> -> memref<1x16x256xf32, #tpu.memory_space<vmem_shared>>
      %dma_wait3A_92 = tpu.memref_squeeze %dma_wait3A_91 : memref<1x16x256xf32, #tpu.memory_space<vmem_shared>> -> memref<16x256xf32, #tpu.memory_space<vmem_shared>>
      tpu.wait_dma2 semaphore(%run_scoped3A_76 : memref<!tpu.dma_semaphore, #tpu.memory_space<semaphore_mem>>) src(%dma_wait3A_92 : memref<16x256xf32, #tpu.memory_space<vmem_shared>>) dst(%arg10 : memref<16x256xf32, #tpu.memory_space<vmem>>)
      tpu.yield
    }) : () -> ()
    "tpu.region"() ({
      %run_scoped3A_76 = tpu.sem_alloc : memref<!tpu.dma_semaphore, #tpu.memory_space<semaphore_mem>>
      %dma_start3A_77 = arith.constant 0 : i32
      %dma_start3A_78 = arith.constant 0 : i32
      %dma_start3A_79 = tpu.memref_slice %arg15[%arg1, %dma_start3A_77, %dma_start3A_78] : memref<16x16x256xf32, #tpu.memory_space<vmem_shared>> -> memref<1x16x256xf32, #tpu.memory_space<vmem_shared>>
      %dma_start3A_80 = tpu.memref_squeeze %dma_start3A_79 : memref<1x16x256xf32, #tpu.memory_space<vmem_shared>> -> memref<16x256xf32, #tpu.memory_space<vmem_shared>>
      %dma_start3A_81 = arith.constant 0 : i32
      %dma_start3A_82 = arith.constant 0 : i32
      %dma_start3A_83 = tpu.memref_slice %arg15[%arg1, %dma_start3A_81, %dma_start3A_82] : memref<16x16x256xf32, #tpu.memory_space<vmem_shared>> -> memref<1x16x256xf32, #tpu.memory_space<vmem_shared>>
      %dma_start3A_84 = tpu.memref_squeeze %dma_start3A_83 : memref<1x16x256xf32, #tpu.memory_space<vmem_shared>> -> memref<16x256xf32, #tpu.memory_space<vmem_shared>>
      tpu.enqueue_dma source(%dma_start3A_84 : memref<16x256xf32, #tpu.memory_space<vmem_shared>>) target(%arg11 : memref<16x256xf32, #tpu.memory_space<vmem>>) target_semaphore(%run_scoped3A_76 : memref<!tpu.dma_semaphore, #tpu.memory_space<semaphore_mem>>)
      %dma_wait3A_85 = arith.constant 0 : i32
      %dma_wait3A_86 = arith.constant 0 : i32
      %dma_wait3A_87 = tpu.memref_slice %arg15[%arg1, %dma_wait3A_85, %dma_wait3A_86] : memref<16x16x256xf32, #tpu.memory_space<vmem_shared>> -> memref<1x16x256xf32, #tpu.memory_space<vmem_shared>>
      %dma_wait3A_88 = tpu.memref_squeeze %dma_wait3A_87 : memref<1x16x256xf32, #tpu.memory_space<vmem_shared>> -> memref<16x256xf32, #tpu.memory_space<vmem_shared>>
      %dma_wait3A_89 = arith.constant 0 : i32
      %dma_wait3A_90 = arith.constant 0 : i32
      %dma_wait3A_91 = tpu.memref_slice %arg15[%arg1, %dma_wait3A_89, %dma_wait3A_90] : memref<16x16x256xf32, #tpu.memory_space<vmem_shared>> -> memref<1x16x256xf32, #tpu.memory_space<vmem_shared>>
      %dma_wait3A_92 = tpu.memref_squeeze %dma_wait3A_91 : memref<1x16x256xf32, #tpu.memory_space<vmem_shared>> -> memref<16x256xf32, #tpu.memory_space<vmem_shared>>
      tpu.wait_dma2 semaphore(%run_scoped3A_76 : memref<!tpu.dma_semaphore, #tpu.memory_space<semaphore_mem>>) src(%dma_wait3A_92 : memref<16x256xf32, #tpu.memory_space<vmem_shared>>) dst(%arg11 : memref<16x256xf32, #tpu.memory_space<vmem>>)
      tpu.yield
    }) : () -> ()
    %scan3A_65 = arith.constant 0 : i32
    %scan3A_66 = arith.constant 0 : i32
    %scan3A_67 = arith.constant 16 : i32
    %scan3A_68 = arith.addi %scan3A_66, %scan3A_67 : i32
    %scan3A_69 = arith.constant 1 : i32
    %scan3A_70 = scf.for %scan3A_76 = %scan3A_66 to %scan3A_68 step %scan3A_69 iter_args(%scan3A_77 = %scan3A_65) -> (i32)  : i32 {
      %mul3A_78 = arith.constant 16 : i32
      %mul3A_79 = arith.muli %scan3A_76, %mul3A_78 : i32
      %get3A = arith.constant 0 : i32
      %get3A_80 = arith.index_cast %get3A : i32 to index
      %get3A_81 = arith.index_cast %mul3A_79 : i32 to index
      %get3A_82 = tpu.vector_load %arg10[%get3A_80, %get3A_81] {strides = array<i32>} : memref<16x256xf32, #tpu.memory_space<vmem>>, vector<16xf32>,
      %get3A_83 = arith.constant 0 : i32
      %get3A_84 = arith.index_cast %get3A_83 : i32 to index
      %get3A_85 = arith.index_cast %mul3A_79 : i32 to index
      %get3A_86 = tpu.vector_load %arg11[%get3A_84, %get3A_85] {strides = array<i32>} : memref<16x256xf32, #tpu.memory_space<vmem>>, vector<16xf32>,
      %get3A_87 = arith.constant 1 : i32
      %get3A_88 = arith.index_cast %get3A_87 : i32 to index
      %get3A_89 = arith.index_cast %mul3A_79 : i32 to index
      %get3A_90 = tpu.vector_load %arg10[%get3A_88, %get3A_89] {strides = array<i32>} : memref<16x256xf32, #tpu.memory_space<vmem>>, vector<16xf32>,
      %add3A_91 = arith.addf %get3A_82, %get3A_90 : vector<16xf32>
      %get3A_92 = arith.constant 1 : i32
      %get3A_93 = arith.index_cast %get3A_92 : i32 to index
      %get3A_94 = arith.index_cast %mul3A_79 : i32 to index
      %get3A_95 = tpu.vector_load %arg11[%get3A_93, %get3A_94] {strides = array<i32>} : memref<16x256xf32, #tpu.memory_space<vmem>>, vector<16xf32>,
      %add3A_96 = arith.addf %get3A_86, %get3A_95 : vector<16xf32>
      %get3A_97 = arith.constant 2 : i32
      %get3A_98 = arith.index_cast %get3A_97 : i32 to index
      %get3A_99 = arith.index_cast %mul3A_79 : i32 to index
      %get3A_100 = tpu.vector_load %arg10[%get3A_98, %get3A_99] {strides = array<i32>} : memref<16x256xf32, #tpu.memory_space<vmem>>, vector<16xf32>,
      %add3A_101 = arith.addf %add3A_91, %get3A_100 : vector<16xf32>
      %get3A_102 = arith.constant 2 : i32
      %get3A_103 = arith.index_cast %get3A_102 : i32 to index
      %get3A_104 = arith.index_cast %mul3A_79 : i32 to index
      %get3A_105 = tpu.vector_load %arg11[%get3A_103, %get3A_104] {strides = array<i32>} : memref<16x256xf32, #tpu.memory_space<vmem>>, vector<16xf32>,
      %add3A_106 = arith.addf %add3A_96, %get3A_105 : vector<16xf32>
      %get3A_107 = arith.constant 3 : i32
      %get3A_108 = arith.index_cast %get3A_107 : i32 to index
      %get3A_109 = arith.index_cast %mul3A_79 : i32 to index
      %get3A_110 = tpu.vector_load %arg10[%get3A_108, %get3A_109] {strides = array<i32>} : memref<16x256xf32, #tpu.memory_space<vmem>>, vector<16xf32>,
      %add3A_111 = arith.addf %add3A_101, %get3A_110 : vector<16xf32>
      %get3A_112 = arith.constant 3 : i32
      %get3A_113 = arith.index_cast %get3A_112 : i32 to index
      %get3A_114 = arith.index_cast %mul3A_79 : i32 to index
      %get3A_115 = tpu.vector_load %arg11[%get3A_113, %get3A_114] {strides = array<i32>} : memref<16x256xf32, #tpu.memory_space<vmem>>, vector<16xf32>,
      %add3A_116 = arith.addf %add3A_106, %get3A_115 : vector<16xf32>
      %get3A_117 = arith.constant 4 : i32
      %get3A_118 = arith.index_cast %get3A_117 : i32 to index
      %get3A_119 = arith.index_cast %mul3A_79 : i32 to index
      %get3A_120 = tpu.vector_load %arg10[%get3A_118, %get3A_119] {strides = array<i32>} : memref<16x256xf32, #tpu.memory_space<vmem>>, vector<16xf32>,
      %add3A_121 = arith.addf %add3A_111, %get3A_120 : vector<16xf32>
      %get3A_122 = arith.constant 4 : i32
      %get3A_123 = arith.index_cast %get3A_122 : i32 to index
      %get3A_124 = arith.index_cast %mul3A_79 : i32 to index
      %get3A_125 = tpu.vector_load %arg11[%get3A_123, %get3A_124] {strides = array<i32>} : memref<16x256xf32, #tpu.memory_space<vmem>>, vector<16xf32>,
      %add3A_126 = arith.addf %add3A_116, %get3A_125 : vector<16xf32>
      %get3A_127 = arith.constant 5 : i32
      %get3A_128 = arith.index_cast %get3A_127 : i32 to index
      %get3A_129 = arith.index_cast %mul3A_79 : i32 to index
      %get3A_130 = tpu.vector_load %arg10[%get3A_128, %get3A_129] {strides = array<i32>} : memref<16x256xf32, #tpu.memory_space<vmem>>, vector<16xf32>,
      %add3A_131 = arith.addf %add3A_121, %get3A_130 : vector<16xf32>
      %get3A_132 = arith.constant 5 : i32
      %get3A_133 = arith.index_cast %get3A_132 : i32 to index
      %get3A_134 = arith.index_cast %mul3A_79 : i32 to index
      %get3A_135 = tpu.vector_load %arg11[%get3A_133, %get3A_134] {strides = array<i32>} : memref<16x256xf32, #tpu.memory_space<vmem>>, vector<16xf32>,
      %add3A_136 = arith.addf %add3A_126, %get3A_135 : vector<16xf32>
      %get3A_137 = arith.constant 6 : i32
      %get3A_138 = arith.index_cast %get3A_137 : i32 to index
      %get3A_139 = arith.index_cast %mul3A_79 : i32 to index
      %get3A_140 = tpu.vector_load %arg10[%get3A_138, %get3A_139] {strides = array<i32>} : memref<16x256xf32, #tpu.memory_space<vmem>>, vector<16xf32>,
      %add3A_141 = arith.addf %add3A_131, %get3A_140 : vector<16xf32>
      %get3A_142 = arith.constant 6 : i32
      %get3A_143 = arith.index_cast %get3A_142 : i32 to index
      %get3A_144 = arith.index_cast %mul3A_79 : i32 to index
      %get3A_145 = tpu.vector_load %arg11[%get3A_143, %get3A_144] {strides = array<i32>} : memref<16x256xf32, #tpu.memory_space<vmem>>, vector<16xf32>,
      %add3A_146 = arith.addf %add3A_136, %get3A_145 : vector<16xf32>
      %get3A_147 = arith.constant 7 : i32
      %get3A_148 = arith.index_cast %get3A_147 : i32 to index
      %get3A_149 = arith.index_cast %mul3A_79 : i32 to index
      %get3A_150 = tpu.vector_load %arg10[%get3A_148, %get3A_149] {strides = array<i32>} : memref<16x256xf32, #tpu.memory_space<vmem>>, vector<16xf32>,
      %add3A_151 = arith.addf %add3A_141, %get3A_150 : vector<16xf32>
      %get3A_152 = arith.constant 7 : i32
      %get3A_153 = arith.index_cast %get3A_152 : i32 to index
      %get3A_154 = arith.index_cast %mul3A_79 : i32 to index
      %get3A_155 = tpu.vector_load %arg11[%get3A_153, %get3A_154] {strides = array<i32>} : memref<16x256xf32, #tpu.memory_space<vmem>>, vector<16xf32>,
      %add3A_156 = arith.addf %add3A_146, %get3A_155 : vector<16xf32>
      %get3A_157 = arith.constant 8 : i32
      %get3A_158 = arith.index_cast %get3A_157 : i32 to index
      %get3A_159 = arith.index_cast %mul3A_79 : i32 to index
      %get3A_160 = tpu.vector_load %arg10[%get3A_158, %get3A_159] {strides = array<i32>} : memref<16x256xf32, #tpu.memory_space<vmem>>, vector<16xf32>,
      %add3A_161 = arith.addf %add3A_151, %get3A_160 : vector<16xf32>
      %get3A_162 = arith.constant 8 : i32
      %get3A_163 = arith.index_cast %get3A_162 : i32 to index
      %get3A_164 = arith.index_cast %mul3A_79 : i32 to index
      %get3A_165 = tpu.vector_load %arg11[%get3A_163, %get3A_164] {strides = array<i32>} : memref<16x256xf32, #tpu.memory_space<vmem>>, vector<16xf32>,
      %add3A_166 = arith.addf %add3A_156, %get3A_165 : vector<16xf32>
      %get3A_167 = arith.constant 9 : i32
      %get3A_168 = arith.index_cast %get3A_167 : i32 to index
      %get3A_169 = arith.index_cast %mul3A_79 : i32 to index
      %get3A_170 = tpu.vector_load %arg10[%get3A_168, %get3A_169] {strides = array<i32>} : memref<16x256xf32, #tpu.memory_space<vmem>>, vector<16xf32>,
      %add3A_171 = arith.addf %add3A_161, %get3A_170 : vector<16xf32>
      %get3A_172 = arith.constant 9 : i32
      %get3A_173 = arith.index_cast %get3A_172 : i32 to index
      %get3A_174 = arith.index_cast %mul3A_79 : i32 to index
      %get3A_175 = tpu.vector_load %arg11[%get3A_173, %get3A_174] {strides = array<i32>} : memref<16x256xf32, #tpu.memory_space<vmem>>, vector<16xf32>,
      %add3A_176 = arith.addf %add3A_166, %get3A_175 : vector<16xf32>
      %get3A_177 = arith.constant 10 : i32
      %get3A_178 = arith.index_cast %get3A_177 : i32 to index
      %get3A_179 = arith.index_cast %mul3A_79 : i32 to index
      %get3A_180 = tpu.vector_load %arg10[%get3A_178, %get3A_179] {strides = array<i32>} : memref<16x256xf32, #tpu.memory_space<vmem>>, vector<16xf32>,
      %add3A_181 = arith.addf %add3A_171, %get3A_180 : vector<16xf32>
      %get3A_182 = arith.constant 10 : i32
      %get3A_183 = arith.index_cast %get3A_182 : i32 to index
      %get3A_184 = arith.index_cast %mul3A_79 : i32 to index
      %get3A_185 = tpu.vector_load %arg11[%get3A_183, %get3A_184] {strides = array<i32>} : memref<16x256xf32, #tpu.memory_space<vmem>>, vector<16xf32>,
      %add3A_186 = arith.addf %add3A_176, %get3A_185 : vector<16xf32>
      %get3A_187 = arith.constant 11 : i32
      %get3A_188 = arith.index_cast %get3A_187 : i32 to index
      %get3A_189 = arith.index_cast %mul3A_79 : i32 to index
      %get3A_190 = tpu.vector_load %arg10[%get3A_188, %get3A_189] {strides = array<i32>} : memref<16x256xf32, #tpu.memory_space<vmem>>, vector<16xf32>,
      %add3A_191 = arith.addf %add3A_181, %get3A_190 : vector<16xf32>
      %get3A_192 = arith.constant 11 : i32
      %get3A_193 = arith.index_cast %get3A_192 : i32 to index
      %get3A_194 = arith.index_cast %mul3A_79 : i32 to index
      %get3A_195 = tpu.vector_load %arg11[%get3A_193, %get3A_194] {strides = array<i32>} : memref<16x256xf32, #tpu.memory_space<vmem>>, vector<16xf32>,
      %add3A_196 = arith.addf %add3A_186, %get3A_195 : vector<16xf32>
      %get3A_197 = arith.constant 12 : i32
      %get3A_198 = arith.index_cast %get3A_197 : i32 to index
      %get3A_199 = arith.index_cast %mul3A_79 : i32 to index
      %get3A_200 = tpu.vector_load %arg10[%get3A_198, %get3A_199] {strides = array<i32>} : memref<16x256xf32, #tpu.memory_space<vmem>>, vector<16xf32>,
      %add3A_201 = arith.addf %add3A_191, %get3A_200 : vector<16xf32>
      %get3A_202 = arith.constant 12 : i32
      %get3A_203 = arith.index_cast %get3A_202 : i32 to index
      %get3A_204 = arith.index_cast %mul3A_79 : i32 to index
      %get3A_205 = tpu.vector_load %arg11[%get3A_203, %get3A_204] {strides = array<i32>} : memref<16x256xf32, #tpu.memory_space<vmem>>, vector<16xf32>,
      %add3A_206 = arith.addf %add3A_196, %get3A_205 : vector<16xf32>
      %get3A_207 = arith.constant 13 : i32
      %get3A_208 = arith.index_cast %get3A_207 : i32 to index
      %get3A_209 = arith.index_cast %mul3A_79 : i32 to index
      %get3A_210 = tpu.vector_load %arg10[%get3A_208, %get3A_209] {strides = array<i32>} : memref<16x256xf32, #tpu.memory_space<vmem>>, vector<16xf32>,
      %add3A_211 = arith.addf %add3A_201, %get3A_210 : vector<16xf32>
      %get3A_212 = arith.constant 13 : i32
      %get3A_213 = arith.index_cast %get3A_212 : i32 to index
      %get3A_214 = arith.index_cast %mul3A_79 : i32 to index
      %get3A_215 = tpu.vector_load %arg11[%get3A_213, %get3A_214] {strides = array<i32>} : memref<16x256xf32, #tpu.memory_space<vmem>>, vector<16xf32>,
      %add3A_216 = arith.addf %add3A_206, %get3A_215 : vector<16xf32>
      %get3A_217 = arith.constant 14 : i32
      %get3A_218 = arith.index_cast %get3A_217 : i32 to index
      %get3A_219 = arith.index_cast %mul3A_79 : i32 to index
      %get3A_220 = tpu.vector_load %arg10[%get3A_218, %get3A_219] {strides = array<i32>} : memref<16x256xf32, #tpu.memory_space<vmem>>, vector<16xf32>,
      %add3A_221 = arith.addf %add3A_211, %get3A_220 : vector<16xf32>
      %get3A_222 = arith.constant 14 : i32
      %get3A_223 = arith.index_cast %get3A_222 : i32 to index
      %get3A_224 = arith.index_cast %mul3A_79 : i32 to index
      %get3A_225 = tpu.vector_load %arg11[%get3A_223, %get3A_224] {strides = array<i32>} : memref<16x256xf32, #tpu.memory_space<vmem>>, vector<16xf32>,
      %add3A_226 = arith.addf %add3A_216, %get3A_225 : vector<16xf32>
      %get3A_227 = arith.constant 15 : i32
      %get3A_228 = arith.index_cast %get3A_227 : i32 to index
      %get3A_229 = arith.index_cast %mul3A_79 : i32 to index
      %get3A_230 = tpu.vector_load %arg10[%get3A_228, %get3A_229] {strides = array<i32>} : memref<16x256xf32, #tpu.memory_space<vmem>>, vector<16xf32>,
      %add3A_231 = arith.addf %add3A_221, %get3A_230 : vector<16xf32>
      %get3A_232 = arith.constant 15 : i32
      %get3A_233 = arith.index_cast %get3A_232 : i32 to index
      %get3A_234 = arith.index_cast %mul3A_79 : i32 to index
      %get3A_235 = tpu.vector_load %arg11[%get3A_233, %get3A_234] {strides = array<i32>} : memref<16x256xf32, #tpu.memory_space<vmem>>, vector<16xf32>,
      %add3A_236 = arith.addf %add3A_226, %get3A_235 : vector<16xf32>
      %swap3A = arith.index_cast %mul3A_79 : i32 to index
      %swap3A_237 = tpu.vector_load %arg12[%swap3A] {strides = array<i32>} : memref<256xf32, #tpu.memory_space<vmem>>, vector<16xf32>,
      tpu.vector_store %arg12[%swap3A], %add3A_231 {strides = array<i32>} : memref<256xf32, #tpu.memory_space<vmem>>, vector<16xf32>,
      %swap3A_238 = arith.index_cast %mul3A_79 : i32 to index
      %swap3A_239 = tpu.vector_load %arg13[%swap3A_238] {strides = array<i32>} : memref<256xf32, #tpu.memory_space<vmem>>, vector<16xf32>,
      tpu.vector_store %arg13[%swap3A_238], %add3A_236 {strides = array<i32>} : memref<256xf32, #tpu.memory_space<vmem>>, vector<16xf32>,
      %scan3A_240 = arith.constant 0 : i32
      scf.yield %scan3A_240 : i32
    }
    %scan3A_71 = arith.constant 16 : i32
    %mul3A_72 = arith.constant 256 : i32
    %mul3A_73 = arith.muli %arg1, %mul3A_72 : i32
    "tpu.region"() ({
      %run_scoped3A_76 = tpu.sem_alloc : memref<!tpu.dma_semaphore, #tpu.memory_space<semaphore_mem>>
      %dma_start3A_77 = tpu.memref_slice %arg4[%arg0, %mul3A_73] : memref<2x4096xf32, #tpu.memory_space<hbm>> -> memref<1x256xf32, #tpu.memory_space<hbm>>
      %dma_start3A_78 = tpu.memref_squeeze %dma_start3A_77 : memref<1x256xf32, #tpu.memory_space<hbm>> -> memref<256xf32, #tpu.memory_space<hbm>>
      %dma_start3A_79 = tpu.memref_slice %arg4[%arg0, %mul3A_73] : memref<2x4096xf32, #tpu.memory_space<hbm>> -> memref<1x256xf32, #tpu.memory_space<hbm>>
      %dma_start3A_80 = tpu.memref_squeeze %dma_start3A_79 : memref<1x256xf32, #tpu.memory_space<hbm>> -> memref<256xf32, #tpu.memory_space<hbm>>
      tpu.enqueue_dma source(%arg12 : memref<256xf32, #tpu.memory_space<vmem>>) target(%dma_start3A_80 : memref<256xf32, #tpu.memory_space<hbm>>) target_semaphore(%run_scoped3A_76 : memref<!tpu.dma_semaphore, #tpu.memory_space<semaphore_mem>>)
      %dma_wait3A_81 = tpu.memref_slice %arg4[%arg0, %mul3A_73] : memref<2x4096xf32, #tpu.memory_space<hbm>> -> memref<1x256xf32, #tpu.memory_space<hbm>>
      %dma_wait3A_82 = tpu.memref_squeeze %dma_wait3A_81 : memref<1x256xf32, #tpu.memory_space<hbm>> -> memref<256xf32, #tpu.memory_space<hbm>>
      %dma_wait3A_83 = tpu.memref_slice %arg4[%arg0, %mul3A_73] : memref<2x4096xf32, #tpu.memory_space<hbm>> -> memref<1x256xf32, #tpu.memory_space<hbm>>
      %dma_wait3A_84 = tpu.memref_squeeze %dma_wait3A_83 : memref<1x256xf32, #tpu.memory_space<hbm>> -> memref<256xf32, #tpu.memory_space<hbm>>
      tpu.wait_dma2 semaphore(%run_scoped3A_76 : memref<!tpu.dma_semaphore, #tpu.memory_space<semaphore_mem>>) src(%arg12 : memref<256xf32, #tpu.memory_space<vmem>>) dst(%dma_wait3A_84 : memref<256xf32, #tpu.memory_space<hbm>>)
      tpu.yield
    }) : () -> ()
    %mul3A_74 = arith.constant 256 : i32
    %mul3A_75 = arith.muli %arg1, %mul3A_74 : i32
    "tpu.region"() ({
      %run_scoped3A_76 = tpu.sem_alloc : memref<!tpu.dma_semaphore, #tpu.memory_space<semaphore_mem>>
      %dma_start3A_77 = tpu.memref_slice %arg5[%arg0, %mul3A_75] : memref<2x4096xf32, #tpu.memory_space<hbm>> -> memref<1x256xf32, #tpu.memory_space<hbm>>
      %dma_start3A_78 = tpu.memref_squeeze %dma_start3A_77 : memref<1x256xf32, #tpu.memory_space<hbm>> -> memref<256xf32, #tpu.memory_space<hbm>>
      %dma_start3A_79 = tpu.memref_slice %arg5[%arg0, %mul3A_75] : memref<2x4096xf32, #tpu.memory_space<hbm>> -> memref<1x256xf32, #tpu.memory_space<hbm>>
      %dma_start3A_80 = tpu.memref_squeeze %dma_start3A_79 : memref<1x256xf32, #tpu.memory_space<hbm>> -> memref<256xf32, #tpu.memory_space<hbm>>
      tpu.enqueue_dma source(%arg13 : memref<256xf32, #tpu.memory_space<vmem>>) target(%dma_start3A_80 : memref<256xf32, #tpu.memory_space<hbm>>) target_semaphore(%run_scoped3A_76 : memref<!tpu.dma_semaphore, #tpu.memory_space<semaphore_mem>>)
      %dma_wait3A_81 = tpu.memref_slice %arg5[%arg0, %mul3A_75] : memref<2x4096xf32, #tpu.memory_space<hbm>> -> memref<1x256xf32, #tpu.memory_space<hbm>>
      %dma_wait3A_82 = tpu.memref_squeeze %dma_wait3A_81 : memref<1x256xf32, #tpu.memory_space<hbm>> -> memref<256xf32, #tpu.memory_space<hbm>>
      %dma_wait3A_83 = tpu.memref_slice %arg5[%arg0, %mul3A_75] : memref<2x4096xf32, #tpu.memory_space<hbm>> -> memref<1x256xf32, #tpu.memory_space<hbm>>
      %dma_wait3A_84 = tpu.memref_squeeze %dma_wait3A_83 : memref<1x256xf32, #tpu.memory_space<hbm>> -> memref<256xf32, #tpu.memory_space<hbm>>
      tpu.wait_dma2 semaphore(%run_scoped3A_76 : memref<!tpu.dma_semaphore, #tpu.memory_space<semaphore_mem>>) src(%arg13 : memref<256xf32, #tpu.memory_space<vmem>>) dst(%dma_wait3A_84 : memref<256xf32, #tpu.memory_space<hbm>>)
      tpu.yield
    }) : () -> ()
    return
  }
}

#map = affine_map<(d0, d1) -> (0)>
#map1 = affine_map<(d0, d1) -> (0, 0)>
module attributes {stable_mosaic.version = 14 : i64} {
  func.func @_s2(%arg0: i32, %arg1: i32, %arg2: memref<1048576xi32, #tpu.memory_space<hbm>>, %arg3: memref<1048576xf32, #tpu.memory_space<hbm>>, %arg4: memref<1048576xf32, #tpu.memory_space<hbm>>, %arg5: memref<2x4096xf32, #tpu.memory_space<hbm>>, %arg6: memref<2x4096xf32, #tpu.memory_space<hbm>>, %arg7: memref<4096xf32, #tpu.memory_space<hbm>>, %arg8: memref<32x4096xf32, #tpu.memory_space<hbm>>, %arg9: memref<32x4096xf32, #tpu.memory_space<hbm>>, %arg10: memref<4096xf32, #tpu.memory_space<vmem>>, %arg11: memref<4096xf32, #tpu.memory_space<vmem>>, %arg12: memref<4096xf32, #tpu.memory_space<vmem>>, %arg13: memref<4096xf32, #tpu.memory_space<vmem>>, %arg14: memref<32800xi32, #tpu.memory_space<vmem>>, %arg15: memref<32768xf32, #tpu.memory_space<vmem>>, %arg16: memref<32768xf32, #tpu.memory_space<vmem>>, %arg17: memref<4096xi32, #tpu.memory_space<vmem>>, %arg18: memref<4096xf32, #tpu.memory_space<vmem>>, %arg19: memref<4096xf32, #tpu.memory_space<vmem>>, %arg20: memref<!tpu.dma_semaphore, #tpu.memory_space<semaphore_mem>>, %arg21: memref<!tpu.dma_semaphore, #tpu.memory_space<semaphore_mem>>, %arg22: memref<!tpu.dma_semaphore, #tpu.memory_space<semaphore_mem>>) attributes {dimension_semantics = [#tpu.dimension_semantics<core_parallel>, #tpu.dimension_semantics<subcore_parallel>], iteration_bounds = array<i64: 2, 16>, scalar_prefetch = 0 : i64, scratch_operands = 13 : i64, tpu.core_type = #tpu.core_type<sc_vector_subcore>, window_params = [{transform_indices = #map}, {transform_indices = #map}, {transform_indices = #map}, {transform_indices = #map1}, {transform_indices = #map1}, {transform_indices = #map}, {transform_indices = #map1}, {transform_indices = #map1}]} {
    %mul3A = arith.constant 2 : i32
    %mul3A_0 = arith.muli %arg1, %mul3A : i32
    %add3A = arith.addi %mul3A_0, %arg0 : i32
    %mul3A_1 = arith.constant 32768 : i32
    %mul3A_2 = arith.muli %add3A, %mul3A_1 : i32
    %add3A_3 = arith.constant 0 : i32
    %add3A_4 = arith.addi %mul3A_2, %add3A_3 : i32
    %dma_start3A = arith.constant 16 : i32
    %dma_start3A_5 = tpu.memref_slice %arg14[%dma_start3A] : memref<32800xi32, #tpu.memory_space<vmem>> -> memref<16384xi32, #tpu.memory_space<vmem>>
    %dma_start3A_6 = tpu.memref_slice %arg2[%add3A_4] : memref<1048576xi32, #tpu.memory_space<hbm>> -> memref<16384xi32, #tpu.memory_space<hbm>>
    %dma_start3A_7 = arith.constant 16 : i32
    %dma_start3A_8 = tpu.memref_slice %arg14[%dma_start3A_7] : memref<32800xi32, #tpu.memory_space<vmem>> -> memref<16384xi32, #tpu.memory_space<vmem>>
    %dma_start3A_9 = tpu.memref_slice %arg2[%add3A_4] : memref<1048576xi32, #tpu.memory_space<hbm>> -> memref<16384xi32, #tpu.memory_space<hbm>>
    tpu.enqueue_dma source(%dma_start3A_9 : memref<16384xi32, #tpu.memory_space<hbm>>) target(%dma_start3A_8 : memref<16384xi32, #tpu.memory_space<vmem>>) target_semaphore(%arg20 : memref<!tpu.dma_semaphore, #tpu.memory_space<semaphore_mem>>)
    %dma_start3A_10 = arith.constant 0 : i32
    %dma_start3A_11 = tpu.memref_slice %arg15[%dma_start3A_10] : memref<32768xf32, #tpu.memory_space<vmem>> -> memref<16384xf32, #tpu.memory_space<vmem>>
    %dma_start3A_12 = tpu.memref_slice %arg3[%add3A_4] : memref<1048576xf32, #tpu.memory_space<hbm>> -> memref<16384xf32, #tpu.memory_space<hbm>>
    %dma_start3A_13 = arith.constant 0 : i32
    %dma_start3A_14 = tpu.memref_slice %arg15[%dma_start3A_13] : memref<32768xf32, #tpu.memory_space<vmem>> -> memref<16384xf32, #tpu.memory_space<vmem>>
    %dma_start3A_15 = tpu.memref_slice %arg3[%add3A_4] : memref<1048576xf32, #tpu.memory_space<hbm>> -> memref<16384xf32, #tpu.memory_space<hbm>>
    tpu.enqueue_dma source(%dma_start3A_15 : memref<16384xf32, #tpu.memory_space<hbm>>) target(%dma_start3A_14 : memref<16384xf32, #tpu.memory_space<vmem>>) target_semaphore(%arg20 : memref<!tpu.dma_semaphore, #tpu.memory_space<semaphore_mem>>)
    %dma_start3A_16 = arith.constant 0 : i32
    %dma_start3A_17 = tpu.memref_slice %arg16[%dma_start3A_16] : memref<32768xf32, #tpu.memory_space<vmem>> -> memref<16384xf32, #tpu.memory_space<vmem>>
    %dma_start3A_18 = tpu.memref_slice %arg4[%add3A_4] : memref<1048576xf32, #tpu.memory_space<hbm>> -> memref<16384xf32, #tpu.memory_space<hbm>>
    %dma_start3A_19 = arith.constant 0 : i32
    %dma_start3A_20 = tpu.memref_slice %arg16[%dma_start3A_19] : memref<32768xf32, #tpu.memory_space<vmem>> -> memref<16384xf32, #tpu.memory_space<vmem>>
    %dma_start3A_21 = tpu.memref_slice %arg4[%add3A_4] : memref<1048576xf32, #tpu.memory_space<hbm>> -> memref<16384xf32, #tpu.memory_space<hbm>>
    tpu.enqueue_dma source(%dma_start3A_21 : memref<16384xf32, #tpu.memory_space<hbm>>) target(%dma_start3A_20 : memref<16384xf32, #tpu.memory_space<vmem>>) target_semaphore(%arg20 : memref<!tpu.dma_semaphore, #tpu.memory_space<semaphore_mem>>)
    %mul3A_22 = arith.constant 32768 : i32
    %mul3A_23 = arith.muli %add3A, %mul3A_22 : i32
    %add3A_24 = arith.constant 16384 : i32
    %add3A_25 = arith.addi %mul3A_23, %add3A_24 : i32
    %dma_start3A_26 = arith.constant 16400 : i32
    %dma_start3A_27 = tpu.memref_slice %arg14[%dma_start3A_26] : memref<32800xi32, #tpu.memory_space<vmem>> -> memref<16384xi32, #tpu.memory_space<vmem>>
    %dma_start3A_28 = tpu.memref_slice %arg2[%add3A_25] : memref<1048576xi32, #tpu.memory_space<hbm>> -> memref<16384xi32, #tpu.memory_space<hbm>>
    %dma_start3A_29 = arith.constant 16400 : i32
    %dma_start3A_30 = tpu.memref_slice %arg14[%dma_start3A_29] : memref<32800xi32, #tpu.memory_space<vmem>> -> memref<16384xi32, #tpu.memory_space<vmem>>
    %dma_start3A_31 = tpu.memref_slice %arg2[%add3A_25] : memref<1048576xi32, #tpu.memory_space<hbm>> -> memref<16384xi32, #tpu.memory_space<hbm>>
    tpu.enqueue_dma source(%dma_start3A_31 : memref<16384xi32, #tpu.memory_space<hbm>>) target(%dma_start3A_30 : memref<16384xi32, #tpu.memory_space<vmem>>) target_semaphore(%arg21 : memref<!tpu.dma_semaphore, #tpu.memory_space<semaphore_mem>>)
    %dma_start3A_32 = arith.constant 16384 : i32
    %dma_start3A_33 = tpu.memref_slice %arg15[%dma_start3A_32] : memref<32768xf32, #tpu.memory_space<vmem>> -> memref<16384xf32, #tpu.memory_space<vmem>>
    %dma_start3A_34 = tpu.memref_slice %arg3[%add3A_25] : memref<1048576xf32, #tpu.memory_space<hbm>> -> memref<16384xf32, #tpu.memory_space<hbm>>
    %dma_start3A_35 = arith.constant 16384 : i32
    %dma_start3A_36 = tpu.memref_slice %arg15[%dma_start3A_35] : memref<32768xf32, #tpu.memory_space<vmem>> -> memref<16384xf32, #tpu.memory_space<vmem>>
    %dma_start3A_37 = tpu.memref_slice %arg3[%add3A_25] : memref<1048576xf32, #tpu.memory_space<hbm>> -> memref<16384xf32, #tpu.memory_space<hbm>>
    tpu.enqueue_dma source(%dma_start3A_37 : memref<16384xf32, #tpu.memory_space<hbm>>) target(%dma_start3A_36 : memref<16384xf32, #tpu.memory_space<vmem>>) target_semaphore(%arg21 : memref<!tpu.dma_semaphore, #tpu.memory_space<semaphore_mem>>)
    %dma_start3A_38 = arith.constant 16384 : i32
    %dma_start3A_39 = tpu.memref_slice %arg16[%dma_start3A_38] : memref<32768xf32, #tpu.memory_space<vmem>> -> memref<16384xf32, #tpu.memory_space<vmem>>
    %dma_start3A_40 = tpu.memref_slice %arg4[%add3A_25] : memref<1048576xf32, #tpu.memory_space<hbm>> -> memref<16384xf32, #tpu.memory_space<hbm>>
    %dma_start3A_41 = arith.constant 16384 : i32
    %dma_start3A_42 = tpu.memref_slice %arg16[%dma_start3A_41] : memref<32768xf32, #tpu.memory_space<vmem>> -> memref<16384xf32, #tpu.memory_space<vmem>>
    %dma_start3A_43 = tpu.memref_slice %arg4[%add3A_25] : memref<1048576xf32, #tpu.memory_space<hbm>> -> memref<16384xf32, #tpu.memory_space<hbm>>
    tpu.enqueue_dma source(%dma_start3A_43 : memref<16384xf32, #tpu.memory_space<hbm>>) target(%dma_start3A_42 : memref<16384xf32, #tpu.memory_space<vmem>>) target_semaphore(%arg21 : memref<!tpu.dma_semaphore, #tpu.memory_space<semaphore_mem>>)
    %broadcast_in_dim3A = arith.constant -1 : i32
    %broadcast_in_dim3A_44 = vector.broadcast %broadcast_in_dim3A : i32 to vector<16xi32>
    %swap3A = arith.constant 0 : index
    %swap3A_45 = tpu.vector_load %arg14[%swap3A] {strides = array<i32>} : memref<32800xi32, #tpu.memory_space<vmem>>, vector<16xi32>,
    tpu.vector_store %arg14[%swap3A], %broadcast_in_dim3A_44 {strides = array<i32>} : memref<32800xi32, #tpu.memory_space<vmem>>, vector<16xi32>,
    %broadcast_in_dim3A_46 = arith.constant -1 : i32
    %broadcast_in_dim3A_47 = vector.broadcast %broadcast_in_dim3A_46 : i32 to vector<16xi32>
    %swap3A_48 = arith.constant 32784 : index
    %swap3A_49 = tpu.vector_load %arg14[%swap3A_48] {strides = array<i32>} : memref<32800xi32, #tpu.memory_space<vmem>>, vector<16xi32>,
    tpu.vector_store %arg14[%swap3A_48], %broadcast_in_dim3A_47 {strides = array<i32>} : memref<32800xi32, #tpu.memory_space<vmem>>, vector<16xi32>,
    %run_scoped3A = arith.constant 0 : i32
    "tpu.region"() ({
      %run_scoped3A_163 = tpu.sem_alloc : memref<!tpu.dma_semaphore, #tpu.memory_space<semaphore_mem>>
      %dma_start3A_164 = arith.constant 0 : i32
      %dma_start3A_165 = tpu.memref_slice %arg5[%run_scoped3A, %dma_start3A_164] : memref<2x4096xf32, #tpu.memory_space<hbm>> -> memref<1x4096xf32, #tpu.memory_space<hbm>>
      %dma_start3A_166 = tpu.memref_squeeze %dma_start3A_165 : memref<1x4096xf32, #tpu.memory_space<hbm>> -> memref<4096xf32, #tpu.memory_space<hbm>>
      %dma_start3A_167 = arith.constant 0 : i32
      %dma_start3A_168 = tpu.memref_slice %arg5[%run_scoped3A, %dma_start3A_167] : memref<2x4096xf32, #tpu.memory_space<hbm>> -> memref<1x4096xf32, #tpu.memory_space<hbm>>
      %dma_start3A_169 = tpu.memref_squeeze %dma_start3A_168 : memref<1x4096xf32, #tpu.memory_space<hbm>> -> memref<4096xf32, #tpu.memory_space<hbm>>
      tpu.enqueue_dma source(%dma_start3A_169 : memref<4096xf32, #tpu.memory_space<hbm>>) target(%arg12 : memref<4096xf32, #tpu.memory_space<vmem>>) target_semaphore(%run_scoped3A_163 : memref<!tpu.dma_semaphore, #tpu.memory_space<semaphore_mem>>)
      %dma_wait3A_170 = arith.constant 0 : i32
      %dma_wait3A_171 = tpu.memref_slice %arg5[%run_scoped3A, %dma_wait3A_170] : memref<2x4096xf32, #tpu.memory_space<hbm>> -> memref<1x4096xf32, #tpu.memory_space<hbm>>
      %dma_wait3A_172 = tpu.memref_squeeze %dma_wait3A_171 : memref<1x4096xf32, #tpu.memory_space<hbm>> -> memref<4096xf32, #tpu.memory_space<hbm>>
      %dma_wait3A_173 = arith.constant 0 : i32
      %dma_wait3A_174 = tpu.memref_slice %arg5[%run_scoped3A, %dma_wait3A_173] : memref<2x4096xf32, #tpu.memory_space<hbm>> -> memref<1x4096xf32, #tpu.memory_space<hbm>>
      %dma_wait3A_175 = tpu.memref_squeeze %dma_wait3A_174 : memref<1x4096xf32, #tpu.memory_space<hbm>> -> memref<4096xf32, #tpu.memory_space<hbm>>
      tpu.wait_dma2 semaphore(%run_scoped3A_163 : memref<!tpu.dma_semaphore, #tpu.memory_space<semaphore_mem>>) src(%dma_wait3A_175 : memref<4096xf32, #tpu.memory_space<hbm>>) dst(%arg12 : memref<4096xf32, #tpu.memory_space<vmem>>)
      tpu.yield
    }) : () -> ()
    %run_scoped3A_50 = arith.constant 1 : i32
    "tpu.region"() ({
      %run_scoped3A_163 = tpu.sem_alloc : memref<!tpu.dma_semaphore, #tpu.memory_space<semaphore_mem>>
      %dma_start3A_164 = arith.constant 0 : i32
      %dma_start3A_165 = tpu.memref_slice %arg5[%run_scoped3A_50, %dma_start3A_164] : memref<2x4096xf32, #tpu.memory_space<hbm>> -> memref<1x4096xf32, #tpu.memory_space<hbm>>
      %dma_start3A_166 = tpu.memref_squeeze %dma_start3A_165 : memref<1x4096xf32, #tpu.memory_space<hbm>> -> memref<4096xf32, #tpu.memory_space<hbm>>
      %dma_start3A_167 = arith.constant 0 : i32
      %dma_start3A_168 = tpu.memref_slice %arg5[%run_scoped3A_50, %dma_start3A_167] : memref<2x4096xf32, #tpu.memory_space<hbm>> -> memref<1x4096xf32, #tpu.memory_space<hbm>>
      %dma_start3A_169 = tpu.memref_squeeze %dma_start3A_168 : memref<1x4096xf32, #tpu.memory_space<hbm>> -> memref<4096xf32, #tpu.memory_space<hbm>>
      tpu.enqueue_dma source(%dma_start3A_169 : memref<4096xf32, #tpu.memory_space<hbm>>) target(%arg13 : memref<4096xf32, #tpu.memory_space<vmem>>) target_semaphore(%run_scoped3A_163 : memref<!tpu.dma_semaphore, #tpu.memory_space<semaphore_mem>>)
      %dma_wait3A_170 = arith.constant 0 : i32
      %dma_wait3A_171 = tpu.memref_slice %arg5[%run_scoped3A_50, %dma_wait3A_170] : memref<2x4096xf32, #tpu.memory_space<hbm>> -> memref<1x4096xf32, #tpu.memory_space<hbm>>
      %dma_wait3A_172 = tpu.memref_squeeze %dma_wait3A_171 : memref<1x4096xf32, #tpu.memory_space<hbm>> -> memref<4096xf32, #tpu.memory_space<hbm>>
      %dma_wait3A_173 = arith.constant 0 : i32
      %dma_wait3A_174 = tpu.memref_slice %arg5[%run_scoped3A_50, %dma_wait3A_173] : memref<2x4096xf32, #tpu.memory_space<hbm>> -> memref<1x4096xf32, #tpu.memory_space<hbm>>
      %dma_wait3A_175 = tpu.memref_squeeze %dma_wait3A_174 : memref<1x4096xf32, #tpu.memory_space<hbm>> -> memref<4096xf32, #tpu.memory_space<hbm>>
      tpu.wait_dma2 semaphore(%run_scoped3A_163 : memref<!tpu.dma_semaphore, #tpu.memory_space<semaphore_mem>>) src(%dma_wait3A_175 : memref<4096xf32, #tpu.memory_space<hbm>>) dst(%arg13 : memref<4096xf32, #tpu.memory_space<vmem>>)
      tpu.yield
    }) : () -> ()
    %scan3A = arith.constant 0 : i32
    %scan3A_51 = arith.constant 0 : i32
    %scan3A_52 = arith.constant 256 : i32
    %scan3A_53 = arith.addi %scan3A_51, %scan3A_52 : i32
    %scan3A_54 = arith.constant 1 : i32
    %scan3A_55 = scf.for %scan3A_163 = %scan3A_51 to %scan3A_53 step %scan3A_54 iter_args(%scan3A_164 = %scan3A) -> (i32)  : i32 {
      %mul3A_165 = arith.constant 16 : i32
      %mul3A_166 = arith.muli %scan3A_163, %mul3A_165 : i32
      %get3A = arith.index_cast %mul3A_166 : i32 to index
      %get3A_167 = tpu.vector_load %arg12[%get3A] {strides = array<i32>} : memref<4096xf32, #tpu.memory_space<vmem>>, vector<16xf32>,
      %get3A_168 = arith.index_cast %mul3A_166 : i32 to index
      %get3A_169 = tpu.vector_load %arg13[%get3A_168] {strides = array<i32>} : memref<4096xf32, #tpu.memory_space<vmem>>, vector<16xf32>,
      %add3A_170 = arith.addf %get3A_167, %get3A_169 : vector<16xf32>
      %swap3A_171 = arith.index_cast %mul3A_166 : i32 to index
      %swap3A_172 = tpu.vector_load %arg10[%swap3A_171] {strides = array<i32>} : memref<4096xf32, #tpu.memory_space<vmem>>, vector<16xf32>,
      tpu.vector_store %arg10[%swap3A_171], %add3A_170 {strides = array<i32>} : memref<4096xf32, #tpu.memory_space<vmem>>, vector<16xf32>,
      %scan3A_173 = arith.constant 0 : i32
      scf.yield %scan3A_173 : i32
    }
    %scan3A_56 = arith.constant 256 : i32
    %run_scoped3A_57 = arith.constant 0 : i32
    "tpu.region"() ({
      %run_scoped3A_163 = tpu.sem_alloc : memref<!tpu.dma_semaphore, #tpu.memory_space<semaphore_mem>>
      %dma_start3A_164 = arith.constant 0 : i32
      %dma_start3A_165 = tpu.memref_slice %arg6[%run_scoped3A_57, %dma_start3A_164] : memref<2x4096xf32, #tpu.memory_space<hbm>> -> memref<1x4096xf32, #tpu.memory_space<hbm>>
      %dma_start3A_166 = tpu.memref_squeeze %dma_start3A_165 : memref<1x4096xf32, #tpu.memory_space<hbm>> -> memref<4096xf32, #tpu.memory_space<hbm>>
      %dma_start3A_167 = arith.constant 0 : i32
      %dma_start3A_168 = tpu.memref_slice %arg6[%run_scoped3A_57, %dma_start3A_167] : memref<2x4096xf32, #tpu.memory_space<hbm>> -> memref<1x4096xf32, #tpu.memory_space<hbm>>
      %dma_start3A_169 = tpu.memref_squeeze %dma_start3A_168 : memref<1x4096xf32, #tpu.memory_space<hbm>> -> memref<4096xf32, #tpu.memory_space<hbm>>
      tpu.enqueue_dma source(%dma_start3A_169 : memref<4096xf32, #tpu.memory_space<hbm>>) target(%arg12 : memref<4096xf32, #tpu.memory_space<vmem>>) target_semaphore(%run_scoped3A_163 : memref<!tpu.dma_semaphore, #tpu.memory_space<semaphore_mem>>)
      %dma_wait3A_170 = arith.constant 0 : i32
      %dma_wait3A_171 = tpu.memref_slice %arg6[%run_scoped3A_57, %dma_wait3A_170] : memref<2x4096xf32, #tpu.memory_space<hbm>> -> memref<1x4096xf32, #tpu.memory_space<hbm>>
      %dma_wait3A_172 = tpu.memref_squeeze %dma_wait3A_171 : memref<1x4096xf32, #tpu.memory_space<hbm>> -> memref<4096xf32, #tpu.memory_space<hbm>>
      %dma_wait3A_173 = arith.constant 0 : i32
      %dma_wait3A_174 = tpu.memref_slice %arg6[%run_scoped3A_57, %dma_wait3A_173] : memref<2x4096xf32, #tpu.memory_space<hbm>> -> memref<1x4096xf32, #tpu.memory_space<hbm>>
      %dma_wait3A_175 = tpu.memref_squeeze %dma_wait3A_174 : memref<1x4096xf32, #tpu.memory_space<hbm>> -> memref<4096xf32, #tpu.memory_space<hbm>>
      tpu.wait_dma2 semaphore(%run_scoped3A_163 : memref<!tpu.dma_semaphore, #tpu.memory_space<semaphore_mem>>) src(%dma_wait3A_175 : memref<4096xf32, #tpu.memory_space<hbm>>) dst(%arg12 : memref<4096xf32, #tpu.memory_space<vmem>>)
      tpu.yield
    }) : () -> ()
    %run_scoped3A_58 = arith.constant 1 : i32
    "tpu.region"() ({
      %run_scoped3A_163 = tpu.sem_alloc : memref<!tpu.dma_semaphore, #tpu.memory_space<semaphore_mem>>
      %dma_start3A_164 = arith.constant 0 : i32
      %dma_start3A_165 = tpu.memref_slice %arg6[%run_scoped3A_58, %dma_start3A_164] : memref<2x4096xf32, #tpu.memory_space<hbm>> -> memref<1x4096xf32, #tpu.memory_space<hbm>>
      %dma_start3A_166 = tpu.memref_squeeze %dma_start3A_165 : memref<1x4096xf32, #tpu.memory_space<hbm>> -> memref<4096xf32, #tpu.memory_space<hbm>>
      %dma_start3A_167 = arith.constant 0 : i32
      %dma_start3A_168 = tpu.memref_slice %arg6[%run_scoped3A_58, %dma_start3A_167] : memref<2x4096xf32, #tpu.memory_space<hbm>> -> memref<1x4096xf32, #tpu.memory_space<hbm>>
      %dma_start3A_169 = tpu.memref_squeeze %dma_start3A_168 : memref<1x4096xf32, #tpu.memory_space<hbm>> -> memref<4096xf32, #tpu.memory_space<hbm>>
      tpu.enqueue_dma source(%dma_start3A_169 : memref<4096xf32, #tpu.memory_space<hbm>>) target(%arg13 : memref<4096xf32, #tpu.memory_space<vmem>>) target_semaphore(%run_scoped3A_163 : memref<!tpu.dma_semaphore, #tpu.memory_space<semaphore_mem>>)
      %dma_wait3A_170 = arith.constant 0 : i32
      %dma_wait3A_171 = tpu.memref_slice %arg6[%run_scoped3A_58, %dma_wait3A_170] : memref<2x4096xf32, #tpu.memory_space<hbm>> -> memref<1x4096xf32, #tpu.memory_space<hbm>>
      %dma_wait3A_172 = tpu.memref_squeeze %dma_wait3A_171 : memref<1x4096xf32, #tpu.memory_space<hbm>> -> memref<4096xf32, #tpu.memory_space<hbm>>
      %dma_wait3A_173 = arith.constant 0 : i32
      %dma_wait3A_174 = tpu.memref_slice %arg6[%run_scoped3A_58, %dma_wait3A_173] : memref<2x4096xf32, #tpu.memory_space<hbm>> -> memref<1x4096xf32, #tpu.memory_space<hbm>>
      %dma_wait3A_175 = tpu.memref_squeeze %dma_wait3A_174 : memref<1x4096xf32, #tpu.memory_space<hbm>> -> memref<4096xf32, #tpu.memory_space<hbm>>
      tpu.wait_dma2 semaphore(%run_scoped3A_163 : memref<!tpu.dma_semaphore, #tpu.memory_space<semaphore_mem>>) src(%dma_wait3A_175 : memref<4096xf32, #tpu.memory_space<hbm>>) dst(%arg13 : memref<4096xf32, #tpu.memory_space<vmem>>)
      tpu.yield
    }) : () -> ()
    %scan3A_59 = arith.constant 0 : i32
    %scan3A_60 = arith.constant 0 : i32
    %scan3A_61 = arith.constant 256 : i32
    %scan3A_62 = arith.addi %scan3A_60, %scan3A_61 : i32
    %scan3A_63 = arith.constant 1 : i32
    %scan3A_64 = scf.for %scan3A_163 = %scan3A_60 to %scan3A_62 step %scan3A_63 iter_args(%scan3A_164 = %scan3A_59) -> (i32)  : i32 {
      %mul3A_165 = arith.constant 16 : i32
      %mul3A_166 = arith.muli %scan3A_163, %mul3A_165 : i32
      %get3A = arith.index_cast %mul3A_166 : i32 to index
      %get3A_167 = tpu.vector_load %arg12[%get3A] {strides = array<i32>} : memref<4096xf32, #tpu.memory_space<vmem>>, vector<16xf32>,
      %get3A_168 = arith.index_cast %mul3A_166 : i32 to index
      %get3A_169 = tpu.vector_load %arg13[%get3A_168] {strides = array<i32>} : memref<4096xf32, #tpu.memory_space<vmem>>, vector<16xf32>,
      %add3A_170 = arith.addf %get3A_167, %get3A_169 : vector<16xf32>
      %add3A_171 = arith.constant 1.000000e+00 : f32
      %add3A_172 = vector.broadcast %add3A_171 : f32 to vector<16xf32>
      %add3A_173 = arith.addf %add3A_170, %add3A_172 : vector<16xf32>
      %div3A = arith.constant 1.000000e+00 : f32
      %div3A_174 = vector.broadcast %div3A : f32 to vector<16xf32>
      %div3A_175 = arith.divf %div3A_174, %add3A_173 : vector<16xf32>
      %swap3A_176 = arith.index_cast %mul3A_166 : i32 to index
      %swap3A_177 = tpu.vector_load %arg11[%swap3A_176] {strides = array<i32>} : memref<4096xf32, #tpu.memory_space<vmem>>, vector<16xf32>,
      tpu.vector_store %arg11[%swap3A_176], %div3A_175 {strides = array<i32>} : memref<4096xf32, #tpu.memory_space<vmem>>, vector<16xf32>,
      %scan3A_178 = arith.constant 0 : i32
      scf.yield %scan3A_178 : i32
    }
    %scan3A_65 = arith.constant 256 : i32
    "tpu.region"() ({
      %run_scoped3A_163 = tpu.sem_alloc : memref<!tpu.dma_semaphore, #tpu.memory_space<semaphore_mem>>
      tpu.enqueue_dma source(%arg7 : memref<4096xf32, #tpu.memory_space<hbm>>) target(%arg12 : memref<4096xf32, #tpu.memory_space<vmem>>) target_semaphore(%run_scoped3A_163 : memref<!tpu.dma_semaphore, #tpu.memory_space<semaphore_mem>>)
      tpu.wait_dma2 semaphore(%run_scoped3A_163 : memref<!tpu.dma_semaphore, #tpu.memory_space<semaphore_mem>>) src(%arg7 : memref<4096xf32, #tpu.memory_space<hbm>>) dst(%arg12 : memref<4096xf32, #tpu.memory_space<vmem>>)
      tpu.yield
    }) : () -> ()
    %scan3A_66 = arith.constant 0 : i32
    %scan3A_67 = arith.constant 0 : i32
    %scan3A_68 = arith.constant 256 : i32
    %scan3A_69 = arith.addi %scan3A_67, %scan3A_68 : i32
    %scan3A_70 = arith.constant 1 : i32
    %scan3A_71 = scf.for %scan3A_163 = %scan3A_67 to %scan3A_69 step %scan3A_70 iter_args(%scan3A_164 = %scan3A_66) -> (i32)  : i32 {
      %mul3A_165 = arith.constant 16 : i32
      %mul3A_166 = arith.muli %scan3A_163, %mul3A_165 : i32
      %get3A = arith.index_cast %mul3A_166 : i32 to index
      %get3A_167 = tpu.vector_load %arg10[%get3A] {strides = array<i32>} : memref<4096xf32, #tpu.memory_space<vmem>>, vector<16xf32>,
      %get3A_168 = arith.index_cast %mul3A_166 : i32 to index
      %get3A_169 = tpu.vector_load %arg12[%get3A_168] {strides = array<i32>} : memref<4096xf32, #tpu.memory_space<vmem>>, vector<16xf32>,
      %exp3A = math.exp %get3A_169 : vector<16xf32>
      %add3A_170 = arith.addf %get3A_167, %exp3A : vector<16xf32>
      %div3A = arith.constant 1.000000e+00 : f32
      %div3A_171 = vector.broadcast %div3A : f32 to vector<16xf32>
      %div3A_172 = arith.divf %div3A_171, %add3A_170 : vector<16xf32>
      %swap3A_173 = arith.index_cast %mul3A_166 : i32 to index
      %swap3A_174 = tpu.vector_load %arg10[%swap3A_173] {strides = array<i32>} : memref<4096xf32, #tpu.memory_space<vmem>>, vector<16xf32>,
      tpu.vector_store %arg10[%swap3A_173], %div3A_172 {strides = array<i32>} : memref<4096xf32, #tpu.memory_space<vmem>>, vector<16xf32>,
      %broadcast_in_dim3A_175 = arith.constant 0.000000e+00 : f32
      %broadcast_in_dim3A_176 = vector.broadcast %broadcast_in_dim3A_175 : f32 to vector<16xf32>
      %swap3A_177 = arith.index_cast %mul3A_166 : i32 to index
      %swap3A_178 = tpu.vector_load %arg12[%swap3A_177] {strides = array<i32>} : memref<4096xf32, #tpu.memory_space<vmem>>, vector<16xf32>,
      tpu.vector_store %arg12[%swap3A_177], %broadcast_in_dim3A_176 {strides = array<i32>} : memref<4096xf32, #tpu.memory_space<vmem>>, vector<16xf32>,
      %swap3A_179 = arith.index_cast %mul3A_166 : i32 to index
      %swap3A_180 = tpu.vector_load %arg13[%swap3A_179] {strides = array<i32>} : memref<4096xf32, #tpu.memory_space<vmem>>, vector<16xf32>,
      tpu.vector_store %arg13[%swap3A_179], %broadcast_in_dim3A_176 {strides = array<i32>} : memref<4096xf32, #tpu.memory_space<vmem>>, vector<16xf32>,
      %scan3A_181 = arith.constant 0 : i32
      scf.yield %scan3A_181 : i32
    }
    %scan3A_72 = arith.constant 256 : i32
    %iota3A = tpu.iota {dimensions = array<i32: 0>} : vector<16xi32>
    %add3A_73 = arith.constant 1 : i32
    %add3A_74 = vector.broadcast %add3A_73 : i32 to vector<16xi32>
    %add3A_75 = arith.addi %iota3A, %add3A_74 : vector<16xi32>
    %min3A = arith.constant 15 : i32
    %min3A_76 = vector.broadcast %min3A : i32 to vector<16xi32>
    %min3A_77 = arith.minsi %add3A_75, %min3A_76 : vector<16xi32>
    %broadcast_in_dim3A_78 = arith.constant 0 : i32
    %broadcast_in_dim3A_79 = vector.broadcast %broadcast_in_dim3A_78 : i32 to vector<16xi32>
    %add3A_80 = arith.constant 15 : i32
    %add3A_81 = vector.broadcast %add3A_80 : i32 to vector<16xi32>
    %add3A_82 = arith.addi %broadcast_in_dim3A_79, %add3A_81 : vector<16xi32>
    %dma_wait3A = arith.constant 0 : i32
    %dma_wait3A_83 = tpu.memref_slice %arg15[%dma_wait3A] : memref<32768xf32, #tpu.memory_space<vmem>> -> memref<16384xf32, #tpu.memory_space<vmem>>
    %dma_wait3A_84 = arith.constant 0 : i32
    %dma_wait3A_85 = tpu.memref_slice %arg2[%dma_wait3A_84] : memref<1048576xi32, #tpu.memory_space<hbm>> -> memref<16384xi32, #tpu.memory_space<hbm>>
    %dma_wait3A_86 = arith.constant 0 : i32
    %dma_wait3A_87 = tpu.memref_slice %arg15[%dma_wait3A_86] : memref<32768xf32, #tpu.memory_space<vmem>> -> memref<16384xf32, #tpu.memory_space<vmem>>
    %dma_wait3A_88 = arith.constant 0 : i32
    %dma_wait3A_89 = tpu.memref_slice %arg2[%dma_wait3A_88] : memref<1048576xi32, #tpu.memory_space<hbm>> -> memref<16384xi32, #tpu.memory_space<hbm>>
    tpu.wait_dma2 semaphore(%arg20 : memref<!tpu.dma_semaphore, #tpu.memory_space<semaphore_mem>>) src(%dma_wait3A_89 : memref<16384xi32, #tpu.memory_space<hbm>>) dst(%dma_wait3A_87 : memref<16384xf32, #tpu.memory_space<vmem>>)
    %dma_wait3A_90 = arith.constant 0 : i32
    %dma_wait3A_91 = tpu.memref_slice %arg15[%dma_wait3A_90] : memref<32768xf32, #tpu.memory_space<vmem>> -> memref<16384xf32, #tpu.memory_space<vmem>>
    %dma_wait3A_92 = arith.constant 0 : i32
    %dma_wait3A_93 = tpu.memref_slice %arg2[%dma_wait3A_92] : memref<1048576xi32, #tpu.memory_space<hbm>> -> memref<16384xi32, #tpu.memory_space<hbm>>
    %dma_wait3A_94 = arith.constant 0 : i32
    %dma_wait3A_95 = tpu.memref_slice %arg15[%dma_wait3A_94] : memref<32768xf32, #tpu.memory_space<vmem>> -> memref<16384xf32, #tpu.memory_space<vmem>>
    %dma_wait3A_96 = arith.constant 0 : i32
    %dma_wait3A_97 = tpu.memref_slice %arg2[%dma_wait3A_96] : memref<1048576xi32, #tpu.memory_space<hbm>> -> memref<16384xi32, #tpu.memory_space<hbm>>
    tpu.wait_dma2 semaphore(%arg20 : memref<!tpu.dma_semaphore, #tpu.memory_space<semaphore_mem>>) src(%dma_wait3A_97 : memref<16384xi32, #tpu.memory_space<hbm>>) dst(%dma_wait3A_95 : memref<16384xf32, #tpu.memory_space<vmem>>)
    %dma_wait3A_98 = arith.constant 0 : i32
    %dma_wait3A_99 = tpu.memref_slice %arg15[%dma_wait3A_98] : memref<32768xf32, #tpu.memory_space<vmem>> -> memref<16384xf32, #tpu.memory_space<vmem>>
    %dma_wait3A_100 = arith.constant 0 : i32
    %dma_wait3A_101 = tpu.memref_slice %arg2[%dma_wait3A_100] : memref<1048576xi32, #tpu.memory_space<hbm>> -> memref<16384xi32, #tpu.memory_space<hbm>>
    %dma_wait3A_102 = arith.constant 0 : i32
    %dma_wait3A_103 = tpu.memref_slice %arg15[%dma_wait3A_102] : memref<32768xf32, #tpu.memory_space<vmem>> -> memref<16384xf32, #tpu.memory_space<vmem>>
    %dma_wait3A_104 = arith.constant 0 : i32
    %dma_wait3A_105 = tpu.memref_slice %arg2[%dma_wait3A_104] : memref<1048576xi32, #tpu.memory_space<hbm>> -> memref<16384xi32, #tpu.memory_space<hbm>>
    tpu.wait_dma2 semaphore(%arg20 : memref<!tpu.dma_semaphore, #tpu.memory_space<semaphore_mem>>) src(%dma_wait3A_105 : memref<16384xi32, #tpu.memory_space<hbm>>) dst(%dma_wait3A_103 : memref<16384xf32, #tpu.memory_space<vmem>>)
    %dma_wait3A_106 = arith.constant 16384 : i32
    %dma_wait3A_107 = tpu.memref_slice %arg15[%dma_wait3A_106] : memref<32768xf32, #tpu.memory_space<vmem>> -> memref<16384xf32, #tpu.memory_space<vmem>>
    %dma_wait3A_108 = arith.constant 0 : i32
    %dma_wait3A_109 = tpu.memref_slice %arg2[%dma_wait3A_108] : memref<1048576xi32, #tpu.memory_space<hbm>> -> memref<16384xi32, #tpu.memory_space<hbm>>
    %dma_wait3A_110 = arith.constant 16384 : i32
    %dma_wait3A_111 = tpu.memref_slice %arg15[%dma_wait3A_110] : memref<32768xf32, #tpu.memory_space<vmem>> -> memref<16384xf32, #tpu.memory_space<vmem>>
    %dma_wait3A_112 = arith.constant 0 : i32
    %dma_wait3A_113 = tpu.memref_slice %arg2[%dma_wait3A_112] : memref<1048576xi32, #tpu.memory_space<hbm>> -> memref<16384xi32, #tpu.memory_space<hbm>>
    tpu.wait_dma2 semaphore(%arg21 : memref<!tpu.dma_semaphore, #tpu.memory_space<semaphore_mem>>) src(%dma_wait3A_113 : memref<16384xi32, #tpu.memory_space<hbm>>) dst(%dma_wait3A_111 : memref<16384xf32, #tpu.memory_space<vmem>>)
    %dma_wait3A_114 = arith.constant 16384 : i32
    %dma_wait3A_115 = tpu.memref_slice %arg15[%dma_wait3A_114] : memref<32768xf32, #tpu.memory_space<vmem>> -> memref<16384xf32, #tpu.memory_space<vmem>>
    %dma_wait3A_116 = arith.constant 0 : i32
    %dma_wait3A_117 = tpu.memref_slice %arg2[%dma_wait3A_116] : memref<1048576xi32, #tpu.memory_space<hbm>> -> memref<16384xi32, #tpu.memory_space<hbm>>
    %dma_wait3A_118 = arith.constant 16384 : i32
    %dma_wait3A_119 = tpu.memref_slice %arg15[%dma_wait3A_118] : memref<32768xf32, #tpu.memory_space<vmem>> -> memref<16384xf32, #tpu.memory_space<vmem>>
    %dma_wait3A_120 = arith.constant 0 : i32
    %dma_wait3A_121 = tpu.memref_slice %arg2[%dma_wait3A_120] : memref<1048576xi32, #tpu.memory_space<hbm>> -> memref<16384xi32, #tpu.memory_space<hbm>>
    tpu.wait_dma2 semaphore(%arg21 : memref<!tpu.dma_semaphore, #tpu.memory_space<semaphore_mem>>) src(%dma_wait3A_121 : memref<16384xi32, #tpu.memory_space<hbm>>) dst(%dma_wait3A_119 : memref<16384xf32, #tpu.memory_space<vmem>>)
    %dma_wait3A_122 = arith.constant 16384 : i32
    %dma_wait3A_123 = tpu.memref_slice %arg15[%dma_wait3A_122] : memref<32768xf32, #tpu.memory_space<vmem>> -> memref<16384xf32, #tpu.memory_space<vmem>>
    %dma_wait3A_124 = arith.constant 0 : i32
    %dma_wait3A_125 = tpu.memref_slice %arg2[%dma_wait3A_124] : memref<1048576xi32, #tpu.memory_space<hbm>> -> memref<16384xi32, #tpu.memory_space<hbm>>
    %dma_wait3A_126 = arith.constant 16384 : i32
    %dma_wait3A_127 = tpu.memref_slice %arg15[%dma_wait3A_126] : memref<32768xf32, #tpu.memory_space<vmem>> -> memref<16384xf32, #tpu.memory_space<vmem>>
    %dma_wait3A_128 = arith.constant 0 : i32
    %dma_wait3A_129 = tpu.memref_slice %arg2[%dma_wait3A_128] : memref<1048576xi32, #tpu.memory_space<hbm>> -> memref<16384xi32, #tpu.memory_space<hbm>>
    tpu.wait_dma2 semaphore(%arg21 : memref<!tpu.dma_semaphore, #tpu.memory_space<semaphore_mem>>) src(%dma_wait3A_129 : memref<16384xi32, #tpu.memory_space<hbm>>) dst(%dma_wait3A_127 : memref<16384xf32, #tpu.memory_space<vmem>>)
    %parallel_loop3A = arith.constant 0 : i32
    %parallel_loop3A_130 = arith.constant 2048 : i32
    %parallel_loop3A_131 = arith.constant 1 : i32
    scf.for %parallel_loop3A_163 = %parallel_loop3A to %parallel_loop3A_130 step %parallel_loop3A_131  : i32 {
      %parallel_loop3A_164 = arith.constant 16 : i32
      %parallel_loop3A_165 = arith.muli %parallel_loop3A_163, %parallel_loop3A_164 : i32
      %parallel_loop3A_166 = arith.constant 16 : i32
      %parallel_loop3A_167 = arith.addi %parallel_loop3A_166, %parallel_loop3A_165 : i32
      %parallel_loop3A_168 = arith.index_cast %parallel_loop3A_167 : i32 to index
      %parallel_loop3A_169 = tpu.vector_load %arg14[%parallel_loop3A_168] {strides = array<i32>} : memref<32800xi32, #tpu.memory_space<vmem>>, vector<16xi32>,
      %parallel_loop3A_170 = arith.constant 16 : i32
      %parallel_loop3A_171 = arith.muli %parallel_loop3A_163, %parallel_loop3A_170 : i32
      %parallel_loop3A_172 = arith.index_cast %parallel_loop3A_171 : i32 to index
      %parallel_loop3A_173 = tpu.vector_load %arg15[%parallel_loop3A_172] {strides = array<i32>} : memref<32768xf32, #tpu.memory_space<vmem>>, vector<16xf32>,
      %parallel_loop3A_174 = arith.constant 16 : i32
      %parallel_loop3A_175 = arith.muli %parallel_loop3A_163, %parallel_loop3A_174 : i32
      %parallel_loop3A_176 = arith.index_cast %parallel_loop3A_175 : i32 to index
      %parallel_loop3A_177 = tpu.vector_load %arg16[%parallel_loop3A_176] {strides = array<i32>} : memref<32768xf32, #tpu.memory_space<vmem>>, vector<16xf32>,
      %parallel_loop3A_178 = tpu.vector_load_idx %arg10[%parallel_loop3A_169] : memref<4096xf32, #tpu.memory_space<vmem>>[vector<16xi32>], vector<16xf32>,
      %parallel_loop3A_179 = tpu.vector_load_idx %arg11[%parallel_loop3A_169] : memref<4096xf32, #tpu.memory_space<vmem>>[vector<16xi32>], vector<16xf32>,
      %parallel_loop3A_180 = arith.constant 0.899999976 : f32
      %parallel_loop3A_181 = vector.broadcast %parallel_loop3A_180 : f32 to vector<16xf32>
      %parallel_loop3A_182 = arith.mulf %parallel_loop3A_181, %parallel_loop3A_173 : vector<16xf32>
      %parallel_loop3A_183 = arith.mulf %parallel_loop3A_182, %parallel_loop3A_178 : vector<16xf32>
      %parallel_loop3A_184 = arith.constant 1.000000e-01 : f32
      %parallel_loop3A_185 = vector.broadcast %parallel_loop3A_184 : f32 to vector<16xf32>
      %parallel_loop3A_186 = arith.mulf %parallel_loop3A_185, %parallel_loop3A_179 : vector<16xf32>
      %parallel_loop3A_187 = arith.addf %parallel_loop3A_183, %parallel_loop3A_186 : vector<16xf32>
      %parallel_loop3A_188 = arith.mulf %parallel_loop3A_187, %parallel_loop3A_177 : vector<16xf32>
      %parallel_loop3A_189 = vector.bitcast %parallel_loop3A_188 : vector<16xf32> to vector<16xi32>
      %parallel_loop3A_190 = arith.constant -16 : i32
      %parallel_loop3A_191 = vector.broadcast %parallel_loop3A_190 : i32 to vector<16xi32>
      %parallel_loop3A_192 = arith.andi %parallel_loop3A_189, %parallel_loop3A_191 : vector<16xi32>
      %parallel_loop3A_193 = arith.constant 15 : i32
      %parallel_loop3A_194 = vector.broadcast %parallel_loop3A_193 : i32 to vector<16xi32>
      %parallel_loop3A_195 = arith.subi %parallel_loop3A_194, %iota3A : vector<16xi32>
      %parallel_loop3A_196 = arith.ori %parallel_loop3A_192, %parallel_loop3A_195 : vector<16xi32>
      %parallel_loop3A_197 = vector.bitcast %parallel_loop3A_196 : vector<16xi32> to vector<16xf32>
      %parallel_loop3A_198 = arith.constant 1 : i32
      %parallel_loop3A_199 = arith.subi %parallel_loop3A_167, %parallel_loop3A_198 : i32
      %parallel_loop3A_200 = arith.index_cast %parallel_loop3A_199 : i32 to index
      %parallel_loop3A_201 = tpu.vector_load %arg14[%parallel_loop3A_200] {strides = array<i32>} : memref<32800xi32, #tpu.memory_space<vmem>>, vector<16xi32>,
      %parallel_loop3A_202 = arith.constant 1 : i32
      %parallel_loop3A_203 = vector.broadcast %parallel_loop3A_202 : i32 to vector<16xi32>
      %parallel_loop3A_204 = arith.subi %iota3A, %parallel_loop3A_203 : vector<16xi32>
      %parallel_loop3A_205 = arith.constant 0 : i32
      %parallel_loop3A_206 = vector.broadcast %parallel_loop3A_205 : i32 to vector<16xi32>
      %parallel_loop3A_207 = arith.maxsi %parallel_loop3A_204, %parallel_loop3A_206 : vector<16xi32>
      %parallel_loop3A_208 = arith.constant 0 : i32
      %parallel_loop3A_209 = vector.broadcast %parallel_loop3A_208 : i32 to vector<16xi32>
      %parallel_loop3A_210 = arith.cmpi slt, %parallel_loop3A_207, %parallel_loop3A_209 : vector<16xi32>
      %parallel_loop3A_211 = arith.constant 16 : i32
      %parallel_loop3A_212 = vector.broadcast %parallel_loop3A_211 : i32 to vector<16xi32>
      %parallel_loop3A_213 = arith.addi %parallel_loop3A_207, %parallel_loop3A_212 : vector<16xi32>
      %parallel_loop3A_214 = arith.select %parallel_loop3A_210, %parallel_loop3A_213, %parallel_loop3A_207 : vector<16xi1>, vector<16xi32>
      %parallel_loop3A_215 = vector.shape_cast %parallel_loop3A_214 : vector<16xi32> to vector<16x1xi32>
      %parallel_loop3A_216 = vector.shape_cast %parallel_loop3A_215 : vector<16x1xi32> to vector<16xi32>
      %parallel_loop3A_217 = tpu.dynamic_gather %parallel_loop3A_197[%parallel_loop3A_216] in [0] : vector<16xf32>, vector<16xi32> -> vector<16xf32>
      %parallel_loop3A_218 = arith.cmpi eq, %parallel_loop3A_201, %parallel_loop3A_169 : vector<16xi32>
      %parallel_loop3A_219 = arith.maximumf %parallel_loop3A_217, %parallel_loop3A_197 : vector<16xf32>
      %parallel_loop3A_220 = arith.select %parallel_loop3A_218, %parallel_loop3A_219, %parallel_loop3A_197 : vector<16xi1>, vector<16xf32>
      %parallel_loop3A_221 = arith.constant 2 : i32
      %parallel_loop3A_222 = vector.broadcast %parallel_loop3A_221 : i32 to vector<16xi32>
      %parallel_loop3A_223 = arith.subi %iota3A, %parallel_loop3A_222 : vector<16xi32>
      %parallel_loop3A_224 = arith.constant 0 : i32
      %parallel_loop3A_225 = vector.broadcast %parallel_loop3A_224 : i32 to vector<16xi32>
      %parallel_loop3A_226 = arith.maxsi %parallel_loop3A_223, %parallel_loop3A_225 : vector<16xi32>
      %parallel_loop3A_227 = arith.constant 0 : i32
      %parallel_loop3A_228 = vector.broadcast %parallel_loop3A_227 : i32 to vector<16xi32>
      %parallel_loop3A_229 = arith.cmpi slt, %parallel_loop3A_226, %parallel_loop3A_228 : vector<16xi32>
      %parallel_loop3A_230 = arith.constant 16 : i32
      %parallel_loop3A_231 = vector.broadcast %parallel_loop3A_230 : i32 to vector<16xi32>
      %parallel_loop3A_232 = arith.addi %parallel_loop3A_226, %parallel_loop3A_231 : vector<16xi32>
      %parallel_loop3A_233 = arith.select %parallel_loop3A_229, %parallel_loop3A_232, %parallel_loop3A_226 : vector<16xi1>, vector<16xi32>
      %parallel_loop3A_234 = vector.shape_cast %parallel_loop3A_233 : vector<16xi32> to vector<16x1xi32>
      %parallel_loop3A_235 = vector.shape_cast %parallel_loop3A_234 : vector<16x1xi32> to vector<16xi32>
      %parallel_loop3A_236 = tpu.dynamic_gather %parallel_loop3A_220[%parallel_loop3A_235] in [0] : vector<16xf32>, vector<16xi32> -> vector<16xf32>
      %parallel_loop3A_237 = arith.constant 2 : i32
      %parallel_loop3A_238 = arith.subi %parallel_loop3A_167, %parallel_loop3A_237 : i32
      %parallel_loop3A_239 = arith.index_cast %parallel_loop3A_238 : i32 to index
      %parallel_loop3A_240 = tpu.vector_load %arg14[%parallel_loop3A_239] {strides = array<i32>} : memref<32800xi32, #tpu.memory_space<vmem>>, vector<16xi32>,
      %parallel_loop3A_241 = arith.cmpi eq, %parallel_loop3A_240, %parallel_loop3A_169 : vector<16xi32>
      %parallel_loop3A_242 = arith.maximumf %parallel_loop3A_236, %parallel_loop3A_220 : vector<16xf32>
      %parallel_loop3A_243 = arith.select %parallel_loop3A_241, %parallel_loop3A_242, %parallel_loop3A_220 : vector<16xi1>, vector<16xf32>
      %parallel_loop3A_244 = arith.constant 4 : i32
      %parallel_loop3A_245 = vector.broadcast %parallel_loop3A_244 : i32 to vector<16xi32>
      %parallel_loop3A_246 = arith.subi %iota3A, %parallel_loop3A_245 : vector<16xi32>
      %parallel_loop3A_247 = arith.constant 0 : i32
      %parallel_loop3A_248 = vector.broadcast %parallel_loop3A_247 : i32 to vector<16xi32>
      %parallel_loop3A_249 = arith.maxsi %parallel_loop3A_246, %parallel_loop3A_248 : vector<16xi32>
      %parallel_loop3A_250 = arith.constant 0 : i32
      %parallel_loop3A_251 = vector.broadcast %parallel_loop3A_250 : i32 to vector<16xi32>
      %parallel_loop3A_252 = arith.cmpi slt, %parallel_loop3A_249, %parallel_loop3A_251 : vector<16xi32>
      %parallel_loop3A_253 = arith.constant 16 : i32
      %parallel_loop3A_254 = vector.broadcast %parallel_loop3A_253 : i32 to vector<16xi32>
      %parallel_loop3A_255 = arith.addi %parallel_loop3A_249, %parallel_loop3A_254 : vector<16xi32>
      %parallel_loop3A_256 = arith.select %parallel_loop3A_252, %parallel_loop3A_255, %parallel_loop3A_249 : vector<16xi1>, vector<16xi32>
      %parallel_loop3A_257 = vector.shape_cast %parallel_loop3A_256 : vector<16xi32> to vector<16x1xi32>
      %parallel_loop3A_258 = vector.shape_cast %parallel_loop3A_257 : vector<16x1xi32> to vector<16xi32>
      %parallel_loop3A_259 = tpu.dynamic_gather %parallel_loop3A_243[%parallel_loop3A_258] in [0] : vector<16xf32>, vector<16xi32> -> vector<16xf32>
      %parallel_loop3A_260 = arith.constant 4 : i32
      %parallel_loop3A_261 = arith.subi %parallel_loop3A_167, %parallel_loop3A_260 : i32
      %parallel_loop3A_262 = arith.index_cast %parallel_loop3A_261 : i32 to index
      %parallel_loop3A_263 = tpu.vector_load %arg14[%parallel_loop3A_262] {strides = array<i32>} : memref<32800xi32, #tpu.memory_space<vmem>>, vector<16xi32>,
      %parallel_loop3A_264 = arith.cmpi eq, %parallel_loop3A_263, %parallel_loop3A_169 : vector<16xi32>
      %parallel_loop3A_265 = arith.maximumf %parallel_loop3A_259, %parallel_loop3A_243 : vector<16xf32>
      %parallel_loop3A_266 = arith.select %parallel_loop3A_264, %parallel_loop3A_265, %parallel_loop3A_243 : vector<16xi1>, vector<16xf32>
      %parallel_loop3A_267 = arith.constant 8 : i32
      %parallel_loop3A_268 = vector.broadcast %parallel_loop3A_267 : i32 to vector<16xi32>
      %parallel_loop3A_269 = arith.subi %iota3A, %parallel_loop3A_268 : vector<16xi32>
      %parallel_loop3A_270 = arith.constant 0 : i32
      %parallel_loop3A_271 = vector.broadcast %parallel_loop3A_270 : i32 to vector<16xi32>
      %parallel_loop3A_272 = arith.maxsi %parallel_loop3A_269, %parallel_loop3A_271 : vector<16xi32>
      %parallel_loop3A_273 = arith.constant 0 : i32
      %parallel_loop3A_274 = vector.broadcast %parallel_loop3A_273 : i32 to vector<16xi32>
      %parallel_loop3A_275 = arith.cmpi slt, %parallel_loop3A_272, %parallel_loop3A_274 : vector<16xi32>
      %parallel_loop3A_276 = arith.constant 16 : i32
      %parallel_loop3A_277 = vector.broadcast %parallel_loop3A_276 : i32 to vector<16xi32>
      %parallel_loop3A_278 = arith.addi %parallel_loop3A_272, %parallel_loop3A_277 : vector<16xi32>
      %parallel_loop3A_279 = arith.select %parallel_loop3A_275, %parallel_loop3A_278, %parallel_loop3A_272 : vector<16xi1>, vector<16xi32>
      %parallel_loop3A_280 = vector.shape_cast %parallel_loop3A_279 : vector<16xi32> to vector<16x1xi32>
      %parallel_loop3A_281 = vector.shape_cast %parallel_loop3A_280 : vector<16x1xi32> to vector<16xi32>
      %parallel_loop3A_282 = tpu.dynamic_gather %parallel_loop3A_266[%parallel_loop3A_281] in [0] : vector<16xf32>, vector<16xi32> -> vector<16xf32>
      %parallel_loop3A_283 = arith.constant 8 : i32
      %parallel_loop3A_284 = arith.subi %parallel_loop3A_167, %parallel_loop3A_283 : i32
      %parallel_loop3A_285 = arith.index_cast %parallel_loop3A_284 : i32 to index
      %parallel_loop3A_286 = tpu.vector_load %arg14[%parallel_loop3A_285] {strides = array<i32>} : memref<32800xi32, #tpu.memory_space<vmem>>, vector<16xi32>,
      %parallel_loop3A_287 = arith.cmpi eq, %parallel_loop3A_286, %parallel_loop3A_169 : vector<16xi32>
      %parallel_loop3A_288 = arith.maximumf %parallel_loop3A_282, %parallel_loop3A_266 : vector<16xf32>
      %parallel_loop3A_289 = arith.select %parallel_loop3A_287, %parallel_loop3A_288, %parallel_loop3A_266 : vector<16xi1>, vector<16xf32>
      %parallel_loop3A_290 = vector.bitcast %parallel_loop3A_289 : vector<16xf32> to vector<16xi32>
      %parallel_loop3A_291 = arith.constant 15 : i32
      %parallel_loop3A_292 = vector.broadcast %parallel_loop3A_291 : i32 to vector<16xi32>
      %parallel_loop3A_293 = arith.andi %parallel_loop3A_290, %parallel_loop3A_292 : vector<16xi32>
      %parallel_loop3A_294 = arith.constant 15 : i32
      %parallel_loop3A_295 = vector.broadcast %parallel_loop3A_294 : i32 to vector<16xi32>
      %parallel_loop3A_296 = arith.subi %parallel_loop3A_295, %parallel_loop3A_293 : vector<16xi32>
      %parallel_loop3A_297 = arith.constant 0 : i32
      %parallel_loop3A_298 = vector.broadcast %parallel_loop3A_297 : i32 to vector<16xi32>
      %parallel_loop3A_299 = arith.cmpi slt, %parallel_loop3A_296, %parallel_loop3A_298 : vector<16xi32>
      %parallel_loop3A_300 = arith.constant 16 : i32
      %parallel_loop3A_301 = vector.broadcast %parallel_loop3A_300 : i32 to vector<16xi32>
      %parallel_loop3A_302 = arith.addi %parallel_loop3A_296, %parallel_loop3A_301 : vector<16xi32>
      %parallel_loop3A_303 = arith.select %parallel_loop3A_299, %parallel_loop3A_302, %parallel_loop3A_296 : vector<16xi1>, vector<16xi32>
      %parallel_loop3A_304 = vector.shape_cast %parallel_loop3A_303 : vector<16xi32> to vector<16x1xi32>
      %parallel_loop3A_305 = vector.shape_cast %parallel_loop3A_304 : vector<16x1xi32> to vector<16xi32>
      %parallel_loop3A_306 = tpu.dynamic_gather %parallel_loop3A_187[%parallel_loop3A_305] in [0] : vector<16xf32>, vector<16xi32> -> vector<16xf32>
      %parallel_loop3A_307 = arith.constant 1 : i32
      %parallel_loop3A_308 = arith.addi %parallel_loop3A_167, %parallel_loop3A_307 : i32
      %parallel_loop3A_309 = arith.index_cast %parallel_loop3A_308 : i32 to index
      %parallel_loop3A_310 = tpu.vector_load %arg14[%parallel_loop3A_309] {strides = array<i32>} : memref<32800xi32, #tpu.memory_space<vmem>>, vector<16xi32>,
      %parallel_loop3A_311 = arith.cmpi ne, %parallel_loop3A_169, %parallel_loop3A_310 : vector<16xi32>
      %parallel_loop3A_312 = vector.extract_strided_slice %parallel_loop3A_169 {offsets = [0], sizes = [1], strides = [1]} : vector<16xi32> to vector<1xi32>
      %parallel_loop3A_313 = vector.extract %parallel_loop3A_312[0] : i32 from vector<1xi32>
      %parallel_loop3A_314 = vector.broadcast %parallel_loop3A_313 : i32 to vector<16xi32>
      %parallel_loop3A_315 = arith.addi %broadcast_in_dim3A_79, %parallel_loop3A_314 : vector<16xi32>
      %parallel_loop3A_316 = arith.cmpi eq, %parallel_loop3A_169, %parallel_loop3A_315 : vector<16xi32>
      %parallel_loop3A_317 = vector.extract_strided_slice %parallel_loop3A_201 {offsets = [0], sizes = [1], strides = [1]} : vector<16xi32> to vector<1xi32>
      %parallel_loop3A_318 = vector.extract %parallel_loop3A_317[0] : i32 from vector<1xi32>
      %parallel_loop3A_319 = arith.cmpi eq, %parallel_loop3A_318, %parallel_loop3A_313 : i32
      %parallel_loop3A_320 = vector.broadcast %parallel_loop3A_319 : i1 to vector<16xi1>
      %parallel_loop3A_321 = arith.andi %parallel_loop3A_316, %parallel_loop3A_320 : vector<16xi1>
      %parallel_loop3A_322 = arith.constant dense<true> : vector<16xi1>
      %parallel_loop3A_323 = arith.xori %parallel_loop3A_321, %parallel_loop3A_322 : vector<16xi1>
      %parallel_loop3A_324 = arith.andi %parallel_loop3A_311, %parallel_loop3A_323 : vector<16xi1>
      tpu.vector_store_idx %arg12[%parallel_loop3A_169], %parallel_loop3A_289 masked %parallel_loop3A_324 : memref<4096xf32, #tpu.memory_space<vmem>>[vector<16xi32>], vector<16xf32>, vector<16xi1>
      tpu.vector_store_idx %arg13[%parallel_loop3A_169], %parallel_loop3A_306 masked %parallel_loop3A_324 : memref<4096xf32, #tpu.memory_space<vmem>>[vector<16xi32>], vector<16xf32>, vector<16xi1>
      %parallel_loop3A_325 = arith.cmpi ne, %parallel_loop3A_169, %parallel_loop3A_315 : vector<16xi32>
      %parallel_loop3A_326 = tpu.all_reduce %parallel_loop3A_325 {dim = 0 : i64, kind = #tpu.reduction_kind<find_first_set>} : vector<16xi1> -> vector<16xi32>
      %parallel_loop3A_327 = arith.constant 1 : i32
      %parallel_loop3A_328 = vector.broadcast %parallel_loop3A_327 : i32 to vector<16xi32>
      %parallel_loop3A_329 = arith.subi %parallel_loop3A_326, %parallel_loop3A_328 : vector<16xi32>
      %parallel_loop3A_330 = arith.constant 0 : i32
      %parallel_loop3A_331 = vector.broadcast %parallel_loop3A_330 : i32 to vector<16xi32>
      %parallel_loop3A_332 = arith.cmpi eq, %iota3A, %parallel_loop3A_331 : vector<16xi32>
      %parallel_loop3A_333 = arith.constant 15 : i32
      %parallel_loop3A_334 = vector.broadcast %parallel_loop3A_333 : i32 to vector<16xi32>
      %parallel_loop3A_335 = arith.select %parallel_loop3A_332, %parallel_loop3A_329, %parallel_loop3A_334 : vector<16xi1>, vector<16xi32>
      %parallel_loop3A_336 = arith.constant 0 : i32
      %parallel_loop3A_337 = vector.broadcast %parallel_loop3A_336 : i32 to vector<16xi32>
      %parallel_loop3A_338 = arith.cmpi slt, %parallel_loop3A_335, %parallel_loop3A_337 : vector<16xi32>
      %parallel_loop3A_339 = arith.constant 16 : i32
      %parallel_loop3A_340 = vector.broadcast %parallel_loop3A_339 : i32 to vector<16xi32>
      %parallel_loop3A_341 = arith.addi %parallel_loop3A_335, %parallel_loop3A_340 : vector<16xi32>
      %parallel_loop3A_342 = arith.select %parallel_loop3A_338, %parallel_loop3A_341, %parallel_loop3A_335 : vector<16xi1>, vector<16xi32>
      %parallel_loop3A_343 = vector.shape_cast %parallel_loop3A_342 : vector<16xi32> to vector<16x1xi32>
      %parallel_loop3A_344 = vector.shape_cast %parallel_loop3A_343 : vector<16x1xi32> to vector<16xi32>
      %parallel_loop3A_345 = tpu.dynamic_gather %parallel_loop3A_289[%parallel_loop3A_344] in [0] : vector<16xf32>, vector<16xi32> -> vector<16xf32>
      %parallel_loop3A_346 = arith.constant 0 : i32
      %parallel_loop3A_347 = vector.broadcast %parallel_loop3A_346 : i32 to vector<16xi32>
      %parallel_loop3A_348 = arith.cmpi slt, %parallel_loop3A_335, %parallel_loop3A_347 : vector<16xi32>
      %parallel_loop3A_349 = arith.constant 16 : i32
      %parallel_loop3A_350 = vector.broadcast %parallel_loop3A_349 : i32 to vector<16xi32>
      %parallel_loop3A_351 = arith.addi %parallel_loop3A_335, %parallel_loop3A_350 : vector<16xi32>
      %parallel_loop3A_352 = arith.select %parallel_loop3A_348, %parallel_loop3A_351, %parallel_loop3A_335 : vector<16xi1>, vector<16xi32>
      %parallel_loop3A_353 = vector.shape_cast %parallel_loop3A_352 : vector<16xi32> to vector<16x1xi32>
      %parallel_loop3A_354 = vector.shape_cast %parallel_loop3A_353 : vector<16x1xi32> to vector<16xi32>
      %parallel_loop3A_355 = tpu.dynamic_gather %parallel_loop3A_306[%parallel_loop3A_354] in [0] : vector<16xf32>, vector<16xi32> -> vector<16xf32>
      %parallel_loop3A_356 = arith.constant 0 : i32
      %parallel_loop3A_357 = vector.broadcast %parallel_loop3A_356 : i32 to vector<16xi32>
      %parallel_loop3A_358 = arith.cmpi slt, %parallel_loop3A_335, %parallel_loop3A_357 : vector<16xi32>
      %parallel_loop3A_359 = arith.constant 16 : i32
      %parallel_loop3A_360 = vector.broadcast %parallel_loop3A_359 : i32 to vector<16xi32>
      %parallel_loop3A_361 = arith.addi %parallel_loop3A_335, %parallel_loop3A_360 : vector<16xi32>
      %parallel_loop3A_362 = arith.select %parallel_loop3A_358, %parallel_loop3A_361, %parallel_loop3A_335 : vector<16xi1>, vector<16xi32>
      %parallel_loop3A_363 = vector.shape_cast %parallel_loop3A_362 : vector<16xi32> to vector<16x1xi32>
      %parallel_loop3A_364 = vector.shape_cast %parallel_loop3A_363 : vector<16x1xi32> to vector<16xi32>
      %parallel_loop3A_365 = tpu.dynamic_gather %parallel_loop3A_169[%parallel_loop3A_364] in [0] : vector<16xi32>, vector<16xi32> -> vector<16xi32>
      %parallel_loop3A_366 = arith.constant 2 : i32
      %parallel_loop3A_367 = arith.muli %parallel_loop3A_366, %parallel_loop3A_163 : i32
      %parallel_loop3A_368 = vector.broadcast %parallel_loop3A_367 : i32 to vector<16xi32>
      %parallel_loop3A_369 = arith.addi %parallel_loop3A_368, %iota3A : vector<16xi32>
      %parallel_loop3A_370 = arith.constant 4095 : i32
      %parallel_loop3A_371 = vector.broadcast %parallel_loop3A_370 : i32 to vector<16xi32>
      %parallel_loop3A_372 = arith.minsi %parallel_loop3A_369, %parallel_loop3A_371 : vector<16xi32>
      %parallel_loop3A_373 = arith.constant 2 : i32
      %parallel_loop3A_374 = vector.broadcast %parallel_loop3A_373 : i32 to vector<16xi32>
      %parallel_loop3A_375 = arith.cmpi slt, %iota3A, %parallel_loop3A_374 : vector<16xi32>
      tpu.vector_store_idx %arg17[%parallel_loop3A_372], %parallel_loop3A_365 masked %parallel_loop3A_375 : memref<4096xi32, #tpu.memory_space<vmem>>[vector<16xi32>], vector<16xi32>, vector<16xi1>
      tpu.vector_store_idx %arg18[%parallel_loop3A_372], %parallel_loop3A_345 masked %parallel_loop3A_375 : memref<4096xf32, #tpu.memory_space<vmem>>[vector<16xi32>], vector<16xf32>, vector<16xi1>
      tpu.vector_store_idx %arg19[%parallel_loop3A_372], %parallel_loop3A_355 masked %parallel_loop3A_375 : memref<4096xf32, #tpu.memory_space<vmem>>[vector<16xi32>], vector<16xf32>, vector<16xi1>
    } {sc.loop_unroll_factor = 4 : i64, sc.parallel_access}
    %scan3A_132 = arith.constant 0 : i32
    %scan3A_133 = arith.constant 0 : i32
    %scan3A_134 = arith.constant 256 : i32
    %scan3A_135 = arith.addi %scan3A_133, %scan3A_134 : i32
    %scan3A_136 = arith.constant 1 : i32
    %scan3A_137 = scf.for %scan3A_163 = %scan3A_133 to %scan3A_135 step %scan3A_136 iter_args(%scan3A_164 = %scan3A_132) -> (i32)  : i32 {
      %mul3A_165 = arith.constant 16 : i32
      %mul3A_166 = arith.muli %scan3A_163, %mul3A_165 : i32
      %get3A = arith.index_cast %mul3A_166 : i32 to index
      %get3A_167 = tpu.vector_load %arg17[%get3A] {strides = array<i32>} : memref<4096xi32, #tpu.memory_space<vmem>>, vector<16xi32>,
      %get3A_168 = arith.index_cast %mul3A_166 : i32 to index
      %get3A_169 = tpu.vector_load %arg18[%get3A_168] {strides = array<i32>} : memref<4096xf32, #tpu.memory_space<vmem>>, vector<16xf32>,
      %get3A_170 = arith.index_cast %mul3A_166 : i32 to index
      %get3A_171 = tpu.vector_load %arg19[%get3A_170] {strides = array<i32>} : memref<4096xf32, #tpu.memory_space<vmem>>, vector<16xf32>,
      %sub3A = arith.constant 1 : i32
      %sub3A_172 = vector.broadcast %sub3A : i32 to vector<16xi32>
      %sub3A_173 = arith.subi %iota3A, %sub3A_172 : vector<16xi32>
      %max3A = arith.constant 0 : i32
      %max3A_174 = vector.broadcast %max3A : i32 to vector<16xi32>
      %max3A_175 = arith.maxsi %sub3A_173, %max3A_174 : vector<16xi32>
      %lt3A = arith.constant 0 : i32
      %lt3A_176 = vector.broadcast %lt3A : i32 to vector<16xi32>
      %lt3A_177 = arith.cmpi slt, %max3A_175, %lt3A_176 : vector<16xi32>
      %add3A_178 = arith.constant 16 : i32
      %add3A_179 = vector.broadcast %add3A_178 : i32 to vector<16xi32>
      %add3A_180 = arith.addi %max3A_175, %add3A_179 : vector<16xi32>
      %select_n3A = arith.select %lt3A_177, %add3A_180, %max3A_175 : vector<16xi1>, vector<16xi32>
      %broadcast_in_dim3A_181 = vector.shape_cast %select_n3A : vector<16xi32> to vector<16x1xi32>
      %gather3A = vector.shape_cast %broadcast_in_dim3A_181 : vector<16x1xi32> to vector<16xi32>
      %gather3A_182 = tpu.dynamic_gather %get3A_169[%gather3A] in [0] : vector<16xf32>, vector<16xi32> -> vector<16xf32>
      %lt3A_183 = arith.constant 0 : i32
      %lt3A_184 = vector.broadcast %lt3A_183 : i32 to vector<16xi32>
      %lt3A_185 = arith.cmpi slt, %max3A_175, %lt3A_184 : vector<16xi32>
      %add3A_186 = arith.constant 16 : i32
      %add3A_187 = vector.broadcast %add3A_186 : i32 to vector<16xi32>
      %add3A_188 = arith.addi %max3A_175, %add3A_187 : vector<16xi32>
      %select_n3A_189 = arith.select %lt3A_185, %add3A_188, %max3A_175 : vector<16xi1>, vector<16xi32>
      %broadcast_in_dim3A_190 = vector.shape_cast %select_n3A_189 : vector<16xi32> to vector<16x1xi32>
      %gather3A_191 = vector.shape_cast %broadcast_in_dim3A_190 : vector<16x1xi32> to vector<16xi32>
      %gather3A_192 = tpu.dynamic_gather %get3A_171[%gather3A_191] in [0] : vector<16xf32>, vector<16xi32> -> vector<16xf32>
      %lt3A_193 = arith.constant 0 : i32
      %lt3A_194 = vector.broadcast %lt3A_193 : i32 to vector<16xi32>
      %lt3A_195 = arith.cmpi slt, %max3A_175, %lt3A_194 : vector<16xi32>
      %add3A_196 = arith.constant 16 : i32
      %add3A_197 = vector.broadcast %add3A_196 : i32 to vector<16xi32>
      %add3A_198 = arith.addi %max3A_175, %add3A_197 : vector<16xi32>
      %select_n3A_199 = arith.select %lt3A_195, %add3A_198, %max3A_175 : vector<16xi1>, vector<16xi32>
      %broadcast_in_dim3A_200 = vector.shape_cast %select_n3A_199 : vector<16xi32> to vector<16x1xi32>
      %gather3A_201 = vector.shape_cast %broadcast_in_dim3A_200 : vector<16x1xi32> to vector<16xi32>
      %gather3A_202 = tpu.dynamic_gather %get3A_167[%gather3A_201] in [0] : vector<16xi32>, vector<16xi32> -> vector<16xi32>
      %eq3A = arith.cmpi eq, %gather3A_202, %get3A_167 : vector<16xi32>
      %ge3A = arith.cmpf oge, %gather3A_182, %get3A_169 : vector<16xf32>
      %and3A = arith.andi %eq3A, %ge3A : vector<16xi1>
      %select_n3A_203 = arith.select %and3A, %gather3A_192, %get3A_171 : vector<16xi1>, vector<16xf32>
      %max3A_204 = arith.maximumf %gather3A_182, %get3A_169 : vector<16xf32>
      %select_n3A_205 = arith.select %eq3A, %max3A_204, %get3A_169 : vector<16xi1>, vector<16xf32>
      %sub3A_206 = arith.constant 2 : i32
      %sub3A_207 = vector.broadcast %sub3A_206 : i32 to vector<16xi32>
      %sub3A_208 = arith.subi %iota3A, %sub3A_207 : vector<16xi32>
      %max3A_209 = arith.constant 0 : i32
      %max3A_210 = vector.broadcast %max3A_209 : i32 to vector<16xi32>
      %max3A_211 = arith.maxsi %sub3A_208, %max3A_210 : vector<16xi32>
      %lt3A_212 = arith.constant 0 : i32
      %lt3A_213 = vector.broadcast %lt3A_212 : i32 to vector<16xi32>
      %lt3A_214 = arith.cmpi slt, %max3A_211, %lt3A_213 : vector<16xi32>
      %add3A_215 = arith.constant 16 : i32
      %add3A_216 = vector.broadcast %add3A_215 : i32 to vector<16xi32>
      %add3A_217 = arith.addi %max3A_211, %add3A_216 : vector<16xi32>
      %select_n3A_218 = arith.select %lt3A_214, %add3A_217, %max3A_211 : vector<16xi1>, vector<16xi32>
      %broadcast_in_dim3A_219 = vector.shape_cast %select_n3A_218 : vector<16xi32> to vector<16x1xi32>
      %gather3A_220 = vector.shape_cast %broadcast_in_dim3A_219 : vector<16x1xi32> to vector<16xi32>
      %gather3A_221 = tpu.dynamic_gather %select_n3A_205[%gather3A_220] in [0] : vector<16xf32>, vector<16xi32> -> vector<16xf32>
      %lt3A_222 = arith.constant 0 : i32
      %lt3A_223 = vector.broadcast %lt3A_222 : i32 to vector<16xi32>
      %lt3A_224 = arith.cmpi slt, %max3A_211, %lt3A_223 : vector<16xi32>
      %add3A_225 = arith.constant 16 : i32
      %add3A_226 = vector.broadcast %add3A_225 : i32 to vector<16xi32>
      %add3A_227 = arith.addi %max3A_211, %add3A_226 : vector<16xi32>
      %select_n3A_228 = arith.select %lt3A_224, %add3A_227, %max3A_211 : vector<16xi1>, vector<16xi32>
      %broadcast_in_dim3A_229 = vector.shape_cast %select_n3A_228 : vector<16xi32> to vector<16x1xi32>
      %gather3A_230 = vector.shape_cast %broadcast_in_dim3A_229 : vector<16x1xi32> to vector<16xi32>
      %gather3A_231 = tpu.dynamic_gather %select_n3A_203[%gather3A_230] in [0] : vector<16xf32>, vector<16xi32> -> vector<16xf32>
      %lt3A_232 = arith.constant 0 : i32
      %lt3A_233 = vector.broadcast %lt3A_232 : i32 to vector<16xi32>
      %lt3A_234 = arith.cmpi slt, %max3A_211, %lt3A_233 : vector<16xi32>
      %add3A_235 = arith.constant 16 : i32
      %add3A_236 = vector.broadcast %add3A_235 : i32 to vector<16xi32>
      %add3A_237 = arith.addi %max3A_211, %add3A_236 : vector<16xi32>
      %select_n3A_238 = arith.select %lt3A_234, %add3A_237, %max3A_211 : vector<16xi1>, vector<16xi32>
      %broadcast_in_dim3A_239 = vector.shape_cast %select_n3A_238 : vector<16xi32> to vector<16x1xi32>
      %gather3A_240 = vector.shape_cast %broadcast_in_dim3A_239 : vector<16x1xi32> to vector<16xi32>
      %gather3A_241 = tpu.dynamic_gather %get3A_167[%gather3A_240] in [0] : vector<16xi32>, vector<16xi32> -> vector<16xi32>
      %eq3A_242 = arith.cmpi eq, %gather3A_241, %get3A_167 : vector<16xi32>
      %ge3A_243 = arith.cmpf oge, %gather3A_221, %select_n3A_205 : vector<16xf32>
      %and3A_244 = arith.andi %eq3A_242, %ge3A_243 : vector<16xi1>
      %select_n3A_245 = arith.select %and3A_244, %gather3A_231, %select_n3A_203 : vector<16xi1>, vector<16xf32>
      %max3A_246 = arith.maximumf %gather3A_221, %select_n3A_205 : vector<16xf32>
      %select_n3A_247 = arith.select %eq3A_242, %max3A_246, %select_n3A_205 : vector<16xi1>, vector<16xf32>
      %sub3A_248 = arith.constant 4 : i32
      %sub3A_249 = vector.broadcast %sub3A_248 : i32 to vector<16xi32>
      %sub3A_250 = arith.subi %iota3A, %sub3A_249 : vector<16xi32>
      %max3A_251 = arith.constant 0 : i32
      %max3A_252 = vector.broadcast %max3A_251 : i32 to vector<16xi32>
      %max3A_253 = arith.maxsi %sub3A_250, %max3A_252 : vector<16xi32>
      %lt3A_254 = arith.constant 0 : i32
      %lt3A_255 = vector.broadcast %lt3A_254 : i32 to vector<16xi32>
      %lt3A_256 = arith.cmpi slt, %max3A_253, %lt3A_255 : vector<16xi32>
      %add3A_257 = arith.constant 16 : i32
      %add3A_258 = vector.broadcast %add3A_257 : i32 to vector<16xi32>
      %add3A_259 = arith.addi %max3A_253, %add3A_258 : vector<16xi32>
      %select_n3A_260 = arith.select %lt3A_256, %add3A_259, %max3A_253 : vector<16xi1>, vector<16xi32>
      %broadcast_in_dim3A_261 = vector.shape_cast %select_n3A_260 : vector<16xi32> to vector<16x1xi32>
      %gather3A_262 = vector.shape_cast %broadcast_in_dim3A_261 : vector<16x1xi32> to vector<16xi32>
      %gather3A_263 = tpu.dynamic_gather %select_n3A_247[%gather3A_262] in [0] : vector<16xf32>, vector<16xi32> -> vector<16xf32>
      %lt3A_264 = arith.constant 0 : i32
      %lt3A_265 = vector.broadcast %lt3A_264 : i32 to vector<16xi32>
      %lt3A_266 = arith.cmpi slt, %max3A_253, %lt3A_265 : vector<16xi32>
      %add3A_267 = arith.constant 16 : i32
      %add3A_268 = vector.broadcast %add3A_267 : i32 to vector<16xi32>
      %add3A_269 = arith.addi %max3A_253, %add3A_268 : vector<16xi32>
      %select_n3A_270 = arith.select %lt3A_266, %add3A_269, %max3A_253 : vector<16xi1>, vector<16xi32>
      %broadcast_in_dim3A_271 = vector.shape_cast %select_n3A_270 : vector<16xi32> to vector<16x1xi32>
      %gather3A_272 = vector.shape_cast %broadcast_in_dim3A_271 : vector<16x1xi32> to vector<16xi32>
      %gather3A_273 = tpu.dynamic_gather %select_n3A_245[%gather3A_272] in [0] : vector<16xf32>, vector<16xi32> -> vector<16xf32>
      %lt3A_274 = arith.constant 0 : i32
      %lt3A_275 = vector.broadcast %lt3A_274 : i32 to vector<16xi32>
      %lt3A_276 = arith.cmpi slt, %max3A_253, %lt3A_275 : vector<16xi32>
      %add3A_277 = arith.constant 16 : i32
      %add3A_278 = vector.broadcast %add3A_277 : i32 to vector<16xi32>
      %add3A_279 = arith.addi %max3A_253, %add3A_278 : vector<16xi32>
      %select_n3A_280 = arith.select %lt3A_276, %add3A_279, %max3A_253 : vector<16xi1>, vector<16xi32>
      %broadcast_in_dim3A_281 = vector.shape_cast %select_n3A_280 : vector<16xi32> to vector<16x1xi32>
      %gather3A_282 = vector.shape_cast %broadcast_in_dim3A_281 : vector<16x1xi32> to vector<16xi32>
      %gather3A_283 = tpu.dynamic_gather %get3A_167[%gather3A_282] in [0] : vector<16xi32>, vector<16xi32> -> vector<16xi32>
      %eq3A_284 = arith.cmpi eq, %gather3A_283, %get3A_167 : vector<16xi32>
      %ge3A_285 = arith.cmpf oge, %gather3A_263, %select_n3A_247 : vector<16xf32>
      %and3A_286 = arith.andi %eq3A_284, %ge3A_285 : vector<16xi1>
      %select_n3A_287 = arith.select %and3A_286, %gather3A_273, %select_n3A_245 : vector<16xi1>, vector<16xf32>
      %max3A_288 = arith.maximumf %gather3A_263, %select_n3A_247 : vector<16xf32>
      %select_n3A_289 = arith.select %eq3A_284, %max3A_288, %select_n3A_247 : vector<16xi1>, vector<16xf32>
      %sub3A_290 = arith.constant 8 : i32
      %sub3A_291 = vector.broadcast %sub3A_290 : i32 to vector<16xi32>
      %sub3A_292 = arith.subi %iota3A, %sub3A_291 : vector<16xi32>
      %max3A_293 = arith.constant 0 : i32
      %max3A_294 = vector.broadcast %max3A_293 : i32 to vector<16xi32>
      %max3A_295 = arith.maxsi %sub3A_292, %max3A_294 : vector<16xi32>
      %lt3A_296 = arith.constant 0 : i32
      %lt3A_297 = vector.broadcast %lt3A_296 : i32 to vector<16xi32>
      %lt3A_298 = arith.cmpi slt, %max3A_295, %lt3A_297 : vector<16xi32>
      %add3A_299 = arith.constant 16 : i32
      %add3A_300 = vector.broadcast %add3A_299 : i32 to vector<16xi32>
      %add3A_301 = arith.addi %max3A_295, %add3A_300 : vector<16xi32>
      %select_n3A_302 = arith.select %lt3A_298, %add3A_301, %max3A_295 : vector<16xi1>, vector<16xi32>
      %broadcast_in_dim3A_303 = vector.shape_cast %select_n3A_302 : vector<16xi32> to vector<16x1xi32>
      %gather3A_304 = vector.shape_cast %broadcast_in_dim3A_303 : vector<16x1xi32> to vector<16xi32>
      %gather3A_305 = tpu.dynamic_gather %select_n3A_289[%gather3A_304] in [0] : vector<16xf32>, vector<16xi32> -> vector<16xf32>
      %lt3A_306 = arith.constant 0 : i32
      %lt3A_307 = vector.broadcast %lt3A_306 : i32 to vector<16xi32>
      %lt3A_308 = arith.cmpi slt, %max3A_295, %lt3A_307 : vector<16xi32>
      %add3A_309 = arith.constant 16 : i32
      %add3A_310 = vector.broadcast %add3A_309 : i32 to vector<16xi32>
      %add3A_311 = arith.addi %max3A_295, %add3A_310 : vector<16xi32>
      %select_n3A_312 = arith.select %lt3A_308, %add3A_311, %max3A_295 : vector<16xi1>, vector<16xi32>
      %broadcast_in_dim3A_313 = vector.shape_cast %select_n3A_312 : vector<16xi32> to vector<16x1xi32>
      %gather3A_314 = vector.shape_cast %broadcast_in_dim3A_313 : vector<16x1xi32> to vector<16xi32>
      %gather3A_315 = tpu.dynamic_gather %select_n3A_287[%gather3A_314] in [0] : vector<16xf32>, vector<16xi32> -> vector<16xf32>
      %lt3A_316 = arith.constant 0 : i32
      %lt3A_317 = vector.broadcast %lt3A_316 : i32 to vector<16xi32>
      %lt3A_318 = arith.cmpi slt, %max3A_295, %lt3A_317 : vector<16xi32>
      %add3A_319 = arith.constant 16 : i32
      %add3A_320 = vector.broadcast %add3A_319 : i32 to vector<16xi32>
      %add3A_321 = arith.addi %max3A_295, %add3A_320 : vector<16xi32>
      %select_n3A_322 = arith.select %lt3A_318, %add3A_321, %max3A_295 : vector<16xi1>, vector<16xi32>
      %broadcast_in_dim3A_323 = vector.shape_cast %select_n3A_322 : vector<16xi32> to vector<16x1xi32>
      %gather3A_324 = vector.shape_cast %broadcast_in_dim3A_323 : vector<16x1xi32> to vector<16xi32>
      %gather3A_325 = tpu.dynamic_gather %get3A_167[%gather3A_324] in [0] : vector<16xi32>, vector<16xi32> -> vector<16xi32>
      %eq3A_326 = arith.cmpi eq, %gather3A_325, %get3A_167 : vector<16xi32>
      %ge3A_327 = arith.cmpf oge, %gather3A_305, %select_n3A_289 : vector<16xf32>
      %and3A_328 = arith.andi %eq3A_326, %ge3A_327 : vector<16xi1>
      %select_n3A_329 = arith.select %and3A_328, %gather3A_315, %select_n3A_287 : vector<16xi1>, vector<16xf32>
      %max3A_330 = arith.maximumf %gather3A_305, %select_n3A_289 : vector<16xf32>
      %select_n3A_331 = arith.select %eq3A_326, %max3A_330, %select_n3A_289 : vector<16xi1>, vector<16xf32>
      %lt3A_332 = arith.constant 0 : i32
      %lt3A_333 = vector.broadcast %lt3A_332 : i32 to vector<16xi32>
      %lt3A_334 = arith.cmpi slt, %min3A_77, %lt3A_333 : vector<16xi32>
      %add3A_335 = arith.constant 16 : i32
      %add3A_336 = vector.broadcast %add3A_335 : i32 to vector<16xi32>
      %add3A_337 = arith.addi %min3A_77, %add3A_336 : vector<16xi32>
      %select_n3A_338 = arith.select %lt3A_334, %add3A_337, %min3A_77 : vector<16xi1>, vector<16xi32>
      %broadcast_in_dim3A_339 = vector.shape_cast %select_n3A_338 : vector<16xi32> to vector<16x1xi32>
      %gather3A_340 = vector.shape_cast %broadcast_in_dim3A_339 : vector<16x1xi32> to vector<16xi32>
      %gather3A_341 = tpu.dynamic_gather %get3A_167[%gather3A_340] in [0] : vector<16xi32>, vector<16xi32> -> vector<16xi32>
      %ne3A = arith.cmpi ne, %get3A_167, %gather3A_341 : vector<16xi32>
      %eq3A_342 = arith.constant 15 : i32
      %eq3A_343 = vector.broadcast %eq3A_342 : i32 to vector<16xi32>
      %eq3A_344 = arith.cmpi eq, %iota3A, %eq3A_343 : vector<16xi32>
      %or3A = arith.ori %ne3A, %eq3A_344 : vector<16xi1>
      %gather3A_345 = tpu.vector_load_idx %arg12[%get3A_167] : memref<4096xf32, #tpu.memory_space<vmem>>[vector<16xi32>], vector<16xf32>,
      %gt3A = arith.cmpf ogt, %select_n3A_331, %gather3A_345 : vector<16xf32>
      %and3A_346 = arith.andi %or3A, %gt3A : vector<16xi1>
      tpu.vector_store_idx %arg12[%get3A_167], %select_n3A_331 masked %and3A_346 : memref<4096xf32, #tpu.memory_space<vmem>>[vector<16xi32>], vector<16xf32>, vector<16xi1>
      tpu.vector_store_idx %arg13[%get3A_167], %select_n3A_329 masked %and3A_346 : memref<4096xf32, #tpu.memory_space<vmem>>[vector<16xi32>], vector<16xf32>, vector<16xi1>
      %scan3A_347 = arith.constant 0 : i32
      scf.yield %scan3A_347 : i32
    }
    %scan3A_138 = arith.constant 256 : i32
    %dma_start3A_139 = arith.constant 0 : i32
    %dma_start3A_140 = tpu.memref_slice %arg8[%add3A, %dma_start3A_139] : memref<32x4096xf32, #tpu.memory_space<hbm>> -> memref<1x4096xf32, #tpu.memory_space<hbm>>
    %dma_start3A_141 = tpu.memref_squeeze %dma_start3A_140 : memref<1x4096xf32, #tpu.memory_space<hbm>> -> memref<4096xf32, #tpu.memory_space<hbm>>
    %dma_start3A_142 = arith.constant 0 : i32
    %dma_start3A_143 = tpu.memref_slice %arg8[%add3A, %dma_start3A_142] : memref<32x4096xf32, #tpu.memory_space<hbm>> -> memref<1x4096xf32, #tpu.memory_space<hbm>>
    %dma_start3A_144 = tpu.memref_squeeze %dma_start3A_143 : memref<1x4096xf32, #tpu.memory_space<hbm>> -> memref<4096xf32, #tpu.memory_space<hbm>>
    tpu.enqueue_dma source(%arg12 : memref<4096xf32, #tpu.memory_space<vmem>>) target(%dma_start3A_144 : memref<4096xf32, #tpu.memory_space<hbm>>) target_semaphore(%arg22 : memref<!tpu.dma_semaphore, #tpu.memory_space<semaphore_mem>>)
    %dma_start3A_145 = arith.constant 0 : i32
    %dma_start3A_146 = tpu.memref_slice %arg9[%add3A, %dma_start3A_145] : memref<32x4096xf32, #tpu.memory_space<hbm>> -> memref<1x4096xf32, #tpu.memory_space<hbm>>
    %dma_start3A_147 = tpu.memref_squeeze %dma_start3A_146 : memref<1x4096xf32, #tpu.memory_space<hbm>> -> memref<4096xf32, #tpu.memory_space<hbm>>
    %dma_start3A_148 = arith.constant 0 : i32
    %dma_start3A_149 = tpu.memref_slice %arg9[%add3A, %dma_start3A_148] : memref<32x4096xf32, #tpu.memory_space<hbm>> -> memref<1x4096xf32, #tpu.memory_space<hbm>>
    %dma_start3A_150 = tpu.memref_squeeze %dma_start3A_149 : memref<1x4096xf32, #tpu.memory_space<hbm>> -> memref<4096xf32, #tpu.memory_space<hbm>>
    tpu.enqueue_dma source(%arg13 : memref<4096xf32, #tpu.memory_space<vmem>>) target(%dma_start3A_150 : memref<4096xf32, #tpu.memory_space<hbm>>) target_semaphore(%arg22 : memref<!tpu.dma_semaphore, #tpu.memory_space<semaphore_mem>>)
    %dma_wait3A_151 = arith.constant 0 : i32
    %dma_wait3A_152 = tpu.memref_slice %arg8[%add3A, %dma_wait3A_151] : memref<32x4096xf32, #tpu.memory_space<hbm>> -> memref<1x4096xf32, #tpu.memory_space<hbm>>
    %dma_wait3A_153 = tpu.memref_squeeze %dma_wait3A_152 : memref<1x4096xf32, #tpu.memory_space<hbm>> -> memref<4096xf32, #tpu.memory_space<hbm>>
    %dma_wait3A_154 = arith.constant 0 : i32
    %dma_wait3A_155 = tpu.memref_slice %arg8[%add3A, %dma_wait3A_154] : memref<32x4096xf32, #tpu.memory_space<hbm>> -> memref<1x4096xf32, #tpu.memory_space<hbm>>
    %dma_wait3A_156 = tpu.memref_squeeze %dma_wait3A_155 : memref<1x4096xf32, #tpu.memory_space<hbm>> -> memref<4096xf32, #tpu.memory_space<hbm>>
    tpu.wait_dma2 semaphore(%arg22 : memref<!tpu.dma_semaphore, #tpu.memory_space<semaphore_mem>>) src(%arg12 : memref<4096xf32, #tpu.memory_space<vmem>>) dst(%dma_wait3A_156 : memref<4096xf32, #tpu.memory_space<hbm>>)
    %dma_wait3A_157 = arith.constant 0 : i32
    %dma_wait3A_158 = tpu.memref_slice %arg9[%add3A, %dma_wait3A_157] : memref<32x4096xf32, #tpu.memory_space<hbm>> -> memref<1x4096xf32, #tpu.memory_space<hbm>>
    %dma_wait3A_159 = tpu.memref_squeeze %dma_wait3A_158 : memref<1x4096xf32, #tpu.memory_space<hbm>> -> memref<4096xf32, #tpu.memory_space<hbm>>
    %dma_wait3A_160 = arith.constant 0 : i32
    %dma_wait3A_161 = tpu.memref_slice %arg9[%add3A, %dma_wait3A_160] : memref<32x4096xf32, #tpu.memory_space<hbm>> -> memref<1x4096xf32, #tpu.memory_space<hbm>>
    %dma_wait3A_162 = tpu.memref_squeeze %dma_wait3A_161 : memref<1x4096xf32, #tpu.memory_space<hbm>> -> memref<4096xf32, #tpu.memory_space<hbm>>
    tpu.wait_dma2 semaphore(%arg22 : memref<!tpu.dma_semaphore, #tpu.memory_space<semaphore_mem>>) src(%arg13 : memref<4096xf32, #tpu.memory_space<vmem>>) dst(%dma_wait3A_162 : memref<4096xf32, #tpu.memory_space<hbm>>)
    return
  }
}

module attributes {stable_mosaic.version = 14 : i64} {
  func.func @_e1a_body(%arg0: i32, %arg1: memref<512x128xf32, #tpu.memory_space<vmem>>, %arg2: memref<512x128xf32, #tpu.memory_space<vmem>>, %arg3: memref<512x128xf32, #tpu.memory_space<vmem>>) attributes {dimension_semantics = [#tpu.dimension_semantics<arbitrary>], iteration_bounds = array<i64: 16>, scalar_prefetch = 0 : i64, scratch_operands = 0 : i64, tpu.core_type = #tpu.core_type<tc>, window_params = [{transform_indices = @transform_0, window_bounds = array<i64: 512, 128>}, {transform_indices = @transform_1, window_bounds = array<i64: 512, 128>}, {transform_indices = @transform_2, window_bounds = array<i64: 512, 128>}]} {
    %get3A = arith.constant 0 : index
    %get3A_0 = arith.constant 0 : index
    %get3A_1 = vector.load %arg1[%get3A, %get3A_0] : memref<512x128xf32, #tpu.memory_space<vmem>>, vector<512x128xf32>
    %exp3A = math.exp %get3A_1 : vector<512x128xf32>
    %get3A_2 = arith.constant 0 : index
    %get3A_3 = arith.constant 0 : index
    %get3A_4 = vector.load %arg2[%get3A_2, %get3A_3] : memref<512x128xf32, #tpu.memory_space<vmem>>, vector<512x128xf32>
    %jit3A = arith.constant 9.99999974E-5 : f32
    %max3A = vector.broadcast %jit3A : f32 to vector<512x128xf32>
    %max3A_5 = arith.maximumf %max3A, %get3A_4 : vector<512x128xf32>
    %sqrt3A = math.sqrt %max3A_5 : vector<512x128xf32>
    %mul3A = arith.mulf %exp3A, %sqrt3A : vector<512x128xf32>
    %swap3A = arith.constant 0 : index
    %swap3A_6 = arith.constant 0 : index
    %swap3A_7 = vector.load %arg3[%swap3A, %swap3A_6] : memref<512x128xf32, #tpu.memory_space<vmem>>, vector<512x128xf32>
    tpu.vector_store %arg3[%swap3A, %swap3A_6], %mul3A {strides = array<i32>} : memref<512x128xf32, #tpu.memory_space<vmem>>, vector<512x128xf32>,
    return
  }
  func.func @transform_0(%arg0: i32) -> (i32, i32) {
    %c0_i32 = arith.constant 0 : i32
    %c0_i32_0 = arith.constant 0 : i32
    return %arg0, %c0_i32 : i32, i32
  }
  func.func @transform_1(%arg0: i32) -> (i32, i32) {
    %c0_i32 = arith.constant 0 : i32
    %c0_i32_0 = arith.constant 0 : i32
    return %arg0, %c0_i32 : i32, i32
  }
  func.func @transform_2(%arg0: i32) -> (i32, i32) {
    %c0_i32 = arith.constant 0 : i32
    %c0_i32_0 = arith.constant 0 : i32
    return %arg0, %c0_i32 : i32, i32
  }
}

module attributes {stable_mosaic.version = 14 : i64} {
  func.func @_e1b_body(%arg0: i32, %arg1: memref<512x128xf32, #tpu.memory_space<vmem>>, %arg2: memref<512x128xf32, #tpu.memory_space<vmem>>) attributes {dimension_semantics = [#tpu.dimension_semantics<arbitrary>], iteration_bounds = array<i64: 16>, scalar_prefetch = 0 : i64, scratch_operands = 0 : i64, tpu.core_type = #tpu.core_type<tc>, window_params = [{transform_indices = @transform_0, window_bounds = array<i64: 512, 128>}, {transform_indices = @transform_1, window_bounds = array<i64: 512, 128>}]} {
    %get3A = arith.constant 0 : index
    %get3A_0 = arith.constant 0 : index
    %get3A_1 = vector.load %arg1[%get3A, %get3A_0] : memref<512x128xf32, #tpu.memory_space<vmem>>, vector<512x128xf32>
    %jit3A = arith.constant 9.99999971E-10 : f32
    %jit3A_2 = arith.constant 1.000000e+00 : f32
    %max3A = vector.broadcast %jit3A : f32 to vector<512x128xf32>
    %max3A_3 = arith.maximumf %max3A, %get3A_1 : vector<512x128xf32>
    %min3A = vector.broadcast %jit3A_2 : f32 to vector<512x128xf32>
    %min3A_4 = arith.minimumf %min3A, %max3A_3 : vector<512x128xf32>
    %log3A = math.log %min3A_4 : vector<512x128xf32>
    %div3A = arith.constant -1.000000e+00 : f32
    %div3A_5 = vector.broadcast %div3A : f32 to vector<512x128xf32>
    %div3A_6 = arith.divf %div3A_5, %log3A : vector<512x128xf32>
    %swap3A = arith.constant 0 : index
    %swap3A_7 = arith.constant 0 : index
    %swap3A_8 = vector.load %arg2[%swap3A, %swap3A_7] : memref<512x128xf32, #tpu.memory_space<vmem>>, vector<512x128xf32>
    tpu.vector_store %arg2[%swap3A, %swap3A_7], %div3A_6 {strides = array<i32>} : memref<512x128xf32, #tpu.memory_space<vmem>>, vector<512x128xf32>,
    return
  }
  func.func @transform_0(%arg0: i32) -> (i32, i32) {
    %c0_i32 = arith.constant 0 : i32
    %c0_i32_0 = arith.constant 0 : i32
    return %arg0, %c0_i32 : i32, i32
  }
  func.func @transform_1(%arg0: i32) -> (i32, i32) {
    %c0_i32 = arith.constant 0 : i32
    %c0_i32_0 = arith.constant 0 : i32
    return %arg0, %c0_i32 : i32, i32
  }
}

module attributes {stable_mosaic.version = 14 : i64} {
  func.func @_e3_body(%arg0: memref<32x32x128xf32, #tpu.memory_space<vmem>>, %arg1: memref<32x32x128xf32, #tpu.memory_space<vmem>>, %arg2: memref<2x32x128xf32, #tpu.memory_space<vmem>>, %arg3: memref<2x32x128xf32, #tpu.memory_space<vmem>>, %arg4: memref<32x128xf32, #tpu.memory_space<vmem>>, %arg5: memref<32x128xf32, #tpu.memory_space<vmem>>) attributes {dimension_semantics = [], scalar_prefetch = 0 : i64, scratch_operands = 0 : i64, tpu.core_type = #tpu.core_type<tc>} {
    %get3A = arith.constant 0 : index
    %get3A_0 = arith.constant 0 : index
    %get3A_1 = arith.constant 0 : index
    %get3A_2 = vector.load %arg0[%get3A, %get3A_0, %get3A_1] : memref<32x32x128xf32, #tpu.memory_space<vmem>>, vector<1x32x128xf32>
    %get3A_3 = vector.shape_cast %get3A_2 : vector<1x32x128xf32> to vector<32x128xf32>
    %get3A_4 = arith.constant 0 : index
    %get3A_5 = arith.constant 0 : index
    %get3A_6 = arith.constant 0 : index
    %get3A_7 = vector.load %arg1[%get3A_4, %get3A_5, %get3A_6] : memref<32x32x128xf32, #tpu.memory_space<vmem>>, vector<1x32x128xf32>
    %get3A_8 = vector.shape_cast %get3A_7 : vector<1x32x128xf32> to vector<32x128xf32>
    %get3A_9 = arith.constant 1 : index
    %get3A_10 = arith.constant 0 : index
    %get3A_11 = arith.constant 0 : index
    %get3A_12 = vector.load %arg0[%get3A_9, %get3A_10, %get3A_11] : memref<32x32x128xf32, #tpu.memory_space<vmem>>, vector<1x32x128xf32>
    %get3A_13 = vector.shape_cast %get3A_12 : vector<1x32x128xf32> to vector<32x128xf32>
    %gt3A = arith.cmpf ogt, %get3A_13, %get3A_3 : vector<32x128xf32>
    %select_n3A = arith.select %gt3A, %get3A_13, %get3A_3 : vector<32x128xi1>, vector<32x128xf32>
    %get3A_14 = arith.constant 1 : index
    %get3A_15 = arith.constant 0 : index
    %get3A_16 = arith.constant 0 : index
    %get3A_17 = vector.load %arg1[%get3A_14, %get3A_15, %get3A_16] : memref<32x32x128xf32, #tpu.memory_space<vmem>>, vector<1x32x128xf32>
    %get3A_18 = vector.shape_cast %get3A_17 : vector<1x32x128xf32> to vector<32x128xf32>
    %select_n3A_19 = arith.select %gt3A, %get3A_18, %get3A_8 : vector<32x128xi1>, vector<32x128xf32>
    %get3A_20 = arith.constant 2 : index
    %get3A_21 = arith.constant 0 : index
    %get3A_22 = arith.constant 0 : index
    %get3A_23 = vector.load %arg0[%get3A_20, %get3A_21, %get3A_22] : memref<32x32x128xf32, #tpu.memory_space<vmem>>, vector<1x32x128xf32>
    %get3A_24 = vector.shape_cast %get3A_23 : vector<1x32x128xf32> to vector<32x128xf32>
    %gt3A_25 = arith.cmpf ogt, %get3A_24, %select_n3A : vector<32x128xf32>
    %select_n3A_26 = arith.select %gt3A_25, %get3A_24, %select_n3A : vector<32x128xi1>, vector<32x128xf32>
    %get3A_27 = arith.constant 2 : index
    %get3A_28 = arith.constant 0 : index
    %get3A_29 = arith.constant 0 : index
    %get3A_30 = vector.load %arg1[%get3A_27, %get3A_28, %get3A_29] : memref<32x32x128xf32, #tpu.memory_space<vmem>>, vector<1x32x128xf32>
    %get3A_31 = vector.shape_cast %get3A_30 : vector<1x32x128xf32> to vector<32x128xf32>
    %select_n3A_32 = arith.select %gt3A_25, %get3A_31, %select_n3A_19 : vector<32x128xi1>, vector<32x128xf32>
    %get3A_33 = arith.constant 3 : index
    %get3A_34 = arith.constant 0 : index
    %get3A_35 = arith.constant 0 : index
    %get3A_36 = vector.load %arg0[%get3A_33, %get3A_34, %get3A_35] : memref<32x32x128xf32, #tpu.memory_space<vmem>>, vector<1x32x128xf32>
    %get3A_37 = vector.shape_cast %get3A_36 : vector<1x32x128xf32> to vector<32x128xf32>
    %gt3A_38 = arith.cmpf ogt, %get3A_37, %select_n3A_26 : vector<32x128xf32>
    %select_n3A_39 = arith.select %gt3A_38, %get3A_37, %select_n3A_26 : vector<32x128xi1>, vector<32x128xf32>
    %get3A_40 = arith.constant 3 : index
    %get3A_41 = arith.constant 0 : index
    %get3A_42 = arith.constant 0 : index
    %get3A_43 = vector.load %arg1[%get3A_40, %get3A_41, %get3A_42] : memref<32x32x128xf32, #tpu.memory_space<vmem>>, vector<1x32x128xf32>
    %get3A_44 = vector.shape_cast %get3A_43 : vector<1x32x128xf32> to vector<32x128xf32>
    %select_n3A_45 = arith.select %gt3A_38, %get3A_44, %select_n3A_32 : vector<32x128xi1>, vector<32x128xf32>
    %get3A_46 = arith.constant 4 : index
    %get3A_47 = arith.constant 0 : index
    %get3A_48 = arith.constant 0 : index
    %get3A_49 = vector.load %arg0[%get3A_46, %get3A_47, %get3A_48] : memref<32x32x128xf32, #tpu.memory_space<vmem>>, vector<1x32x128xf32>
    %get3A_50 = vector.shape_cast %get3A_49 : vector<1x32x128xf32> to vector<32x128xf32>
    %gt3A_51 = arith.cmpf ogt, %get3A_50, %select_n3A_39 : vector<32x128xf32>
    %select_n3A_52 = arith.select %gt3A_51, %get3A_50, %select_n3A_39 : vector<32x128xi1>, vector<32x128xf32>
    %get3A_53 = arith.constant 4 : index
    %get3A_54 = arith.constant 0 : index
    %get3A_55 = arith.constant 0 : index
    %get3A_56 = vector.load %arg1[%get3A_53, %get3A_54, %get3A_55] : memref<32x32x128xf32, #tpu.memory_space<vmem>>, vector<1x32x128xf32>
    %get3A_57 = vector.shape_cast %get3A_56 : vector<1x32x128xf32> to vector<32x128xf32>
    %select_n3A_58 = arith.select %gt3A_51, %get3A_57, %select_n3A_45 : vector<32x128xi1>, vector<32x128xf32>
    %get3A_59 = arith.constant 5 : index
    %get3A_60 = arith.constant 0 : index
    %get3A_61 = arith.constant 0 : index
    %get3A_62 = vector.load %arg0[%get3A_59, %get3A_60, %get3A_61] : memref<32x32x128xf32, #tpu.memory_space<vmem>>, vector<1x32x128xf32>
    %get3A_63 = vector.shape_cast %get3A_62 : vector<1x32x128xf32> to vector<32x128xf32>
    %gt3A_64 = arith.cmpf ogt, %get3A_63, %select_n3A_52 : vector<32x128xf32>
    %select_n3A_65 = arith.select %gt3A_64, %get3A_63, %select_n3A_52 : vector<32x128xi1>, vector<32x128xf32>
    %get3A_66 = arith.constant 5 : index
    %get3A_67 = arith.constant 0 : index
    %get3A_68 = arith.constant 0 : index
    %get3A_69 = vector.load %arg1[%get3A_66, %get3A_67, %get3A_68] : memref<32x32x128xf32, #tpu.memory_space<vmem>>, vector<1x32x128xf32>
    %get3A_70 = vector.shape_cast %get3A_69 : vector<1x32x128xf32> to vector<32x128xf32>
    %select_n3A_71 = arith.select %gt3A_64, %get3A_70, %select_n3A_58 : vector<32x128xi1>, vector<32x128xf32>
    %get3A_72 = arith.constant 6 : index
    %get3A_73 = arith.constant 0 : index
    %get3A_74 = arith.constant 0 : index
    %get3A_75 = vector.load %arg0[%get3A_72, %get3A_73, %get3A_74] : memref<32x32x128xf32, #tpu.memory_space<vmem>>, vector<1x32x128xf32>
    %get3A_76 = vector.shape_cast %get3A_75 : vector<1x32x128xf32> to vector<32x128xf32>
    %gt3A_77 = arith.cmpf ogt, %get3A_76, %select_n3A_65 : vector<32x128xf32>
    %select_n3A_78 = arith.select %gt3A_77, %get3A_76, %select_n3A_65 : vector<32x128xi1>, vector<32x128xf32>
    %get3A_79 = arith.constant 6 : index
    %get3A_80 = arith.constant 0 : index
    %get3A_81 = arith.constant 0 : index
    %get3A_82 = vector.load %arg1[%get3A_79, %get3A_80, %get3A_81] : memref<32x32x128xf32, #tpu.memory_space<vmem>>, vector<1x32x128xf32>
    %get3A_83 = vector.shape_cast %get3A_82 : vector<1x32x128xf32> to vector<32x128xf32>
    %select_n3A_84 = arith.select %gt3A_77, %get3A_83, %select_n3A_71 : vector<32x128xi1>, vector<32x128xf32>
    %get3A_85 = arith.constant 7 : index
    %get3A_86 = arith.constant 0 : index
    %get3A_87 = arith.constant 0 : index
    %get3A_88 = vector.load %arg0[%get3A_85, %get3A_86, %get3A_87] : memref<32x32x128xf32, #tpu.memory_space<vmem>>, vector<1x32x128xf32>
    %get3A_89 = vector.shape_cast %get3A_88 : vector<1x32x128xf32> to vector<32x128xf32>
    %gt3A_90 = arith.cmpf ogt, %get3A_89, %select_n3A_78 : vector<32x128xf32>
    %select_n3A_91 = arith.select %gt3A_90, %get3A_89, %select_n3A_78 : vector<32x128xi1>, vector<32x128xf32>
    %get3A_92 = arith.constant 7 : index
    %get3A_93 = arith.constant 0 : index
    %get3A_94 = arith.constant 0 : index
    %get3A_95 = vector.load %arg1[%get3A_92, %get3A_93, %get3A_94] : memref<32x32x128xf32, #tpu.memory_space<vmem>>, vector<1x32x128xf32>
    %get3A_96 = vector.shape_cast %get3A_95 : vector<1x32x128xf32> to vector<32x128xf32>
    %select_n3A_97 = arith.select %gt3A_90, %get3A_96, %select_n3A_84 : vector<32x128xi1>, vector<32x128xf32>
    %get3A_98 = arith.constant 8 : index
    %get3A_99 = arith.constant 0 : index
    %get3A_100 = arith.constant 0 : index
    %get3A_101 = vector.load %arg0[%get3A_98, %get3A_99, %get3A_100] : memref<32x32x128xf32, #tpu.memory_space<vmem>>, vector<1x32x128xf32>
    %get3A_102 = vector.shape_cast %get3A_101 : vector<1x32x128xf32> to vector<32x128xf32>
    %gt3A_103 = arith.cmpf ogt, %get3A_102, %select_n3A_91 : vector<32x128xf32>
    %select_n3A_104 = arith.select %gt3A_103, %get3A_102, %select_n3A_91 : vector<32x128xi1>, vector<32x128xf32>
    %get3A_105 = arith.constant 8 : index
    %get3A_106 = arith.constant 0 : index
    %get3A_107 = arith.constant 0 : index
    %get3A_108 = vector.load %arg1[%get3A_105, %get3A_106, %get3A_107] : memref<32x32x128xf32, #tpu.memory_space<vmem>>, vector<1x32x128xf32>
    %get3A_109 = vector.shape_cast %get3A_108 : vector<1x32x128xf32> to vector<32x128xf32>
    %select_n3A_110 = arith.select %gt3A_103, %get3A_109, %select_n3A_97 : vector<32x128xi1>, vector<32x128xf32>
    %get3A_111 = arith.constant 9 : index
    %get3A_112 = arith.constant 0 : index
    %get3A_113 = arith.constant 0 : index
    %get3A_114 = vector.load %arg0[%get3A_111, %get3A_112, %get3A_113] : memref<32x32x128xf32, #tpu.memory_space<vmem>>, vector<1x32x128xf32>
    %get3A_115 = vector.shape_cast %get3A_114 : vector<1x32x128xf32> to vector<32x128xf32>
    %gt3A_116 = arith.cmpf ogt, %get3A_115, %select_n3A_104 : vector<32x128xf32>
    %select_n3A_117 = arith.select %gt3A_116, %get3A_115, %select_n3A_104 : vector<32x128xi1>, vector<32x128xf32>
    %get3A_118 = arith.constant 9 : index
    %get3A_119 = arith.constant 0 : index
    %get3A_120 = arith.constant 0 : index
    %get3A_121 = vector.load %arg1[%get3A_118, %get3A_119, %get3A_120] : memref<32x32x128xf32, #tpu.memory_space<vmem>>, vector<1x32x128xf32>
    %get3A_122 = vector.shape_cast %get3A_121 : vector<1x32x128xf32> to vector<32x128xf32>
    %select_n3A_123 = arith.select %gt3A_116, %get3A_122, %select_n3A_110 : vector<32x128xi1>, vector<32x128xf32>
    %get3A_124 = arith.constant 10 : index
    %get3A_125 = arith.constant 0 : index
    %get3A_126 = arith.constant 0 : index
    %get3A_127 = vector.load %arg0[%get3A_124, %get3A_125, %get3A_126] : memref<32x32x128xf32, #tpu.memory_space<vmem>>, vector<1x32x128xf32>
    %get3A_128 = vector.shape_cast %get3A_127 : vector<1x32x128xf32> to vector<32x128xf32>
    %gt3A_129 = arith.cmpf ogt, %get3A_128, %select_n3A_117 : vector<32x128xf32>
    %select_n3A_130 = arith.select %gt3A_129, %get3A_128, %select_n3A_117 : vector<32x128xi1>, vector<32x128xf32>
    %get3A_131 = arith.constant 10 : index
    %get3A_132 = arith.constant 0 : index
    %get3A_133 = arith.constant 0 : index
    %get3A_134 = vector.load %arg1[%get3A_131, %get3A_132, %get3A_133] : memref<32x32x128xf32, #tpu.memory_space<vmem>>, vector<1x32x128xf32>
    %get3A_135 = vector.shape_cast %get3A_134 : vector<1x32x128xf32> to vector<32x128xf32>
    %select_n3A_136 = arith.select %gt3A_129, %get3A_135, %select_n3A_123 : vector<32x128xi1>, vector<32x128xf32>
    %get3A_137 = arith.constant 11 : index
    %get3A_138 = arith.constant 0 : index
    %get3A_139 = arith.constant 0 : index
    %get3A_140 = vector.load %arg0[%get3A_137, %get3A_138, %get3A_139] : memref<32x32x128xf32, #tpu.memory_space<vmem>>, vector<1x32x128xf32>
    %get3A_141 = vector.shape_cast %get3A_140 : vector<1x32x128xf32> to vector<32x128xf32>
    %gt3A_142 = arith.cmpf ogt, %get3A_141, %select_n3A_130 : vector<32x128xf32>
    %select_n3A_143 = arith.select %gt3A_142, %get3A_141, %select_n3A_130 : vector<32x128xi1>, vector<32x128xf32>
    %get3A_144 = arith.constant 11 : index
    %get3A_145 = arith.constant 0 : index
    %get3A_146 = arith.constant 0 : index
    %get3A_147 = vector.load %arg1[%get3A_144, %get3A_145, %get3A_146] : memref<32x32x128xf32, #tpu.memory_space<vmem>>, vector<1x32x128xf32>
    %get3A_148 = vector.shape_cast %get3A_147 : vector<1x32x128xf32> to vector<32x128xf32>
    %select_n3A_149 = arith.select %gt3A_142, %get3A_148, %select_n3A_136 : vector<32x128xi1>, vector<32x128xf32>
    %get3A_150 = arith.constant 12 : index
    %get3A_151 = arith.constant 0 : index
    %get3A_152 = arith.constant 0 : index
    %get3A_153 = vector.load %arg0[%get3A_150, %get3A_151, %get3A_152] : memref<32x32x128xf32, #tpu.memory_space<vmem>>, vector<1x32x128xf32>
    %get3A_154 = vector.shape_cast %get3A_153 : vector<1x32x128xf32> to vector<32x128xf32>
    %gt3A_155 = arith.cmpf ogt, %get3A_154, %select_n3A_143 : vector<32x128xf32>
    %select_n3A_156 = arith.select %gt3A_155, %get3A_154, %select_n3A_143 : vector<32x128xi1>, vector<32x128xf32>
    %get3A_157 = arith.constant 12 : index
    %get3A_158 = arith.constant 0 : index
    %get3A_159 = arith.constant 0 : index
    %get3A_160 = vector.load %arg1[%get3A_157, %get3A_158, %get3A_159] : memref<32x32x128xf32, #tpu.memory_space<vmem>>, vector<1x32x128xf32>
    %get3A_161 = vector.shape_cast %get3A_160 : vector<1x32x128xf32> to vector<32x128xf32>
    %select_n3A_162 = arith.select %gt3A_155, %get3A_161, %select_n3A_149 : vector<32x128xi1>, vector<32x128xf32>
    %get3A_163 = arith.constant 13 : index
    %get3A_164 = arith.constant 0 : index
    %get3A_165 = arith.constant 0 : index
    %get3A_166 = vector.load %arg0[%get3A_163, %get3A_164, %get3A_165] : memref<32x32x128xf32, #tpu.memory_space<vmem>>, vector<1x32x128xf32>
    %get3A_167 = vector.shape_cast %get3A_166 : vector<1x32x128xf32> to vector<32x128xf32>
    %gt3A_168 = arith.cmpf ogt, %get3A_167, %select_n3A_156 : vector<32x128xf32>
    %select_n3A_169 = arith.select %gt3A_168, %get3A_167, %select_n3A_156 : vector<32x128xi1>, vector<32x128xf32>
    %get3A_170 = arith.constant 13 : index
    %get3A_171 = arith.constant 0 : index
    %get3A_172 = arith.constant 0 : index
    %get3A_173 = vector.load %arg1[%get3A_170, %get3A_171, %get3A_172] : memref<32x32x128xf32, #tpu.memory_space<vmem>>, vector<1x32x128xf32>
    %get3A_174 = vector.shape_cast %get3A_173 : vector<1x32x128xf32> to vector<32x128xf32>
    %select_n3A_175 = arith.select %gt3A_168, %get3A_174, %select_n3A_162 : vector<32x128xi1>, vector<32x128xf32>
    %get3A_176 = arith.constant 14 : index
    %get3A_177 = arith.constant 0 : index
    %get3A_178 = arith.constant 0 : index
    %get3A_179 = vector.load %arg0[%get3A_176, %get3A_177, %get3A_178] : memref<32x32x128xf32, #tpu.memory_space<vmem>>, vector<1x32x128xf32>
    %get3A_180 = vector.shape_cast %get3A_179 : vector<1x32x128xf32> to vector<32x128xf32>
    %gt3A_181 = arith.cmpf ogt, %get3A_180, %select_n3A_169 : vector<32x128xf32>
    %select_n3A_182 = arith.select %gt3A_181, %get3A_180, %select_n3A_169 : vector<32x128xi1>, vector<32x128xf32>
    %get3A_183 = arith.constant 14 : index
    %get3A_184 = arith.constant 0 : index
    %get3A_185 = arith.constant 0 : index
    %get3A_186 = vector.load %arg1[%get3A_183, %get3A_184, %get3A_185] : memref<32x32x128xf32, #tpu.memory_space<vmem>>, vector<1x32x128xf32>
    %get3A_187 = vector.shape_cast %get3A_186 : vector<1x32x128xf32> to vector<32x128xf32>
    %select_n3A_188 = arith.select %gt3A_181, %get3A_187, %select_n3A_175 : vector<32x128xi1>, vector<32x128xf32>
    %get3A_189 = arith.constant 15 : index
    %get3A_190 = arith.constant 0 : index
    %get3A_191 = arith.constant 0 : index
    %get3A_192 = vector.load %arg0[%get3A_189, %get3A_190, %get3A_191] : memref<32x32x128xf32, #tpu.memory_space<vmem>>, vector<1x32x128xf32>
    %get3A_193 = vector.shape_cast %get3A_192 : vector<1x32x128xf32> to vector<32x128xf32>
    %gt3A_194 = arith.cmpf ogt, %get3A_193, %select_n3A_182 : vector<32x128xf32>
    %select_n3A_195 = arith.select %gt3A_194, %get3A_193, %select_n3A_182 : vector<32x128xi1>, vector<32x128xf32>
    %get3A_196 = arith.constant 15 : index
    %get3A_197 = arith.constant 0 : index
    %get3A_198 = arith.constant 0 : index
    %get3A_199 = vector.load %arg1[%get3A_196, %get3A_197, %get3A_198] : memref<32x32x128xf32, #tpu.memory_space<vmem>>, vector<1x32x128xf32>
    %get3A_200 = vector.shape_cast %get3A_199 : vector<1x32x128xf32> to vector<32x128xf32>
    %select_n3A_201 = arith.select %gt3A_194, %get3A_200, %select_n3A_188 : vector<32x128xi1>, vector<32x128xf32>
    %get3A_202 = arith.constant 16 : index
    %get3A_203 = arith.constant 0 : index
    %get3A_204 = arith.constant 0 : index
    %get3A_205 = vector.load %arg0[%get3A_202, %get3A_203, %get3A_204] : memref<32x32x128xf32, #tpu.memory_space<vmem>>, vector<1x32x128xf32>
    %get3A_206 = vector.shape_cast %get3A_205 : vector<1x32x128xf32> to vector<32x128xf32>
    %gt3A_207 = arith.cmpf ogt, %get3A_206, %select_n3A_195 : vector<32x128xf32>
    %select_n3A_208 = arith.select %gt3A_207, %get3A_206, %select_n3A_195 : vector<32x128xi1>, vector<32x128xf32>
    %get3A_209 = arith.constant 16 : index
    %get3A_210 = arith.constant 0 : index
    %get3A_211 = arith.constant 0 : index
    %get3A_212 = vector.load %arg1[%get3A_209, %get3A_210, %get3A_211] : memref<32x32x128xf32, #tpu.memory_space<vmem>>, vector<1x32x128xf32>
    %get3A_213 = vector.shape_cast %get3A_212 : vector<1x32x128xf32> to vector<32x128xf32>
    %select_n3A_214 = arith.select %gt3A_207, %get3A_213, %select_n3A_201 : vector<32x128xi1>, vector<32x128xf32>
    %get3A_215 = arith.constant 17 : index
    %get3A_216 = arith.constant 0 : index
    %get3A_217 = arith.constant 0 : index
    %get3A_218 = vector.load %arg0[%get3A_215, %get3A_216, %get3A_217] : memref<32x32x128xf32, #tpu.memory_space<vmem>>, vector<1x32x128xf32>
    %get3A_219 = vector.shape_cast %get3A_218 : vector<1x32x128xf32> to vector<32x128xf32>
    %gt3A_220 = arith.cmpf ogt, %get3A_219, %select_n3A_208 : vector<32x128xf32>
    %select_n3A_221 = arith.select %gt3A_220, %get3A_219, %select_n3A_208 : vector<32x128xi1>, vector<32x128xf32>
    %get3A_222 = arith.constant 17 : index
    %get3A_223 = arith.constant 0 : index
    %get3A_224 = arith.constant 0 : index
    %get3A_225 = vector.load %arg1[%get3A_222, %get3A_223, %get3A_224] : memref<32x32x128xf32, #tpu.memory_space<vmem>>, vector<1x32x128xf32>
    %get3A_226 = vector.shape_cast %get3A_225 : vector<1x32x128xf32> to vector<32x128xf32>
    %select_n3A_227 = arith.select %gt3A_220, %get3A_226, %select_n3A_214 : vector<32x128xi1>, vector<32x128xf32>
    %get3A_228 = arith.constant 18 : index
    %get3A_229 = arith.constant 0 : index
    %get3A_230 = arith.constant 0 : index
    %get3A_231 = vector.load %arg0[%get3A_228, %get3A_229, %get3A_230] : memref<32x32x128xf32, #tpu.memory_space<vmem>>, vector<1x32x128xf32>
    %get3A_232 = vector.shape_cast %get3A_231 : vector<1x32x128xf32> to vector<32x128xf32>
    %gt3A_233 = arith.cmpf ogt, %get3A_232, %select_n3A_221 : vector<32x128xf32>
    %select_n3A_234 = arith.select %gt3A_233, %get3A_232, %select_n3A_221 : vector<32x128xi1>, vector<32x128xf32>
    %get3A_235 = arith.constant 18 : index
    %get3A_236 = arith.constant 0 : index
    %get3A_237 = arith.constant 0 : index
    %get3A_238 = vector.load %arg1[%get3A_235, %get3A_236, %get3A_237] : memref<32x32x128xf32, #tpu.memory_space<vmem>>, vector<1x32x128xf32>
    %get3A_239 = vector.shape_cast %get3A_238 : vector<1x32x128xf32> to vector<32x128xf32>
    %select_n3A_240 = arith.select %gt3A_233, %get3A_239, %select_n3A_227 : vector<32x128xi1>, vector<32x128xf32>
    %get3A_241 = arith.constant 19 : index
    %get3A_242 = arith.constant 0 : index
    %get3A_243 = arith.constant 0 : index
    %get3A_244 = vector.load %arg0[%get3A_241, %get3A_242, %get3A_243] : memref<32x32x128xf32, #tpu.memory_space<vmem>>, vector<1x32x128xf32>
    %get3A_245 = vector.shape_cast %get3A_244 : vector<1x32x128xf32> to vector<32x128xf32>
    %gt3A_246 = arith.cmpf ogt, %get3A_245, %select_n3A_234 : vector<32x128xf32>
    %select_n3A_247 = arith.select %gt3A_246, %get3A_245, %select_n3A_234 : vector<32x128xi1>, vector<32x128xf32>
    %get3A_248 = arith.constant 19 : index
    %get3A_249 = arith.constant 0 : index
    %get3A_250 = arith.constant 0 : index
    %get3A_251 = vector.load %arg1[%get3A_248, %get3A_249, %get3A_250] : memref<32x32x128xf32, #tpu.memory_space<vmem>>, vector<1x32x128xf32>
    %get3A_252 = vector.shape_cast %get3A_251 : vector<1x32x128xf32> to vector<32x128xf32>
    %select_n3A_253 = arith.select %gt3A_246, %get3A_252, %select_n3A_240 : vector<32x128xi1>, vector<32x128xf32>
    %get3A_254 = arith.constant 20 : index
    %get3A_255 = arith.constant 0 : index
    %get3A_256 = arith.constant 0 : index
    %get3A_257 = vector.load %arg0[%get3A_254, %get3A_255, %get3A_256] : memref<32x32x128xf32, #tpu.memory_space<vmem>>, vector<1x32x128xf32>
    %get3A_258 = vector.shape_cast %get3A_257 : vector<1x32x128xf32> to vector<32x128xf32>
    %gt3A_259 = arith.cmpf ogt, %get3A_258, %select_n3A_247 : vector<32x128xf32>
    %select_n3A_260 = arith.select %gt3A_259, %get3A_258, %select_n3A_247 : vector<32x128xi1>, vector<32x128xf32>
    %get3A_261 = arith.constant 20 : index
    %get3A_262 = arith.constant 0 : index
    %get3A_263 = arith.constant 0 : index
    %get3A_264 = vector.load %arg1[%get3A_261, %get3A_262, %get3A_263] : memref<32x32x128xf32, #tpu.memory_space<vmem>>, vector<1x32x128xf32>
    %get3A_265 = vector.shape_cast %get3A_264 : vector<1x32x128xf32> to vector<32x128xf32>
    %select_n3A_266 = arith.select %gt3A_259, %get3A_265, %select_n3A_253 : vector<32x128xi1>, vector<32x128xf32>
    %get3A_267 = arith.constant 21 : index
    %get3A_268 = arith.constant 0 : index
    %get3A_269 = arith.constant 0 : index
    %get3A_270 = vector.load %arg0[%get3A_267, %get3A_268, %get3A_269] : memref<32x32x128xf32, #tpu.memory_space<vmem>>, vector<1x32x128xf32>
    %get3A_271 = vector.shape_cast %get3A_270 : vector<1x32x128xf32> to vector<32x128xf32>
    %gt3A_272 = arith.cmpf ogt, %get3A_271, %select_n3A_260 : vector<32x128xf32>
    %select_n3A_273 = arith.select %gt3A_272, %get3A_271, %select_n3A_260 : vector<32x128xi1>, vector<32x128xf32>
    %get3A_274 = arith.constant 21 : index
    %get3A_275 = arith.constant 0 : index
    %get3A_276 = arith.constant 0 : index
    %get3A_277 = vector.load %arg1[%get3A_274, %get3A_275, %get3A_276] : memref<32x32x128xf32, #tpu.memory_space<vmem>>, vector<1x32x128xf32>
    %get3A_278 = vector.shape_cast %get3A_277 : vector<1x32x128xf32> to vector<32x128xf32>
    %select_n3A_279 = arith.select %gt3A_272, %get3A_278, %select_n3A_266 : vector<32x128xi1>, vector<32x128xf32>
    %get3A_280 = arith.constant 22 : index
    %get3A_281 = arith.constant 0 : index
    %get3A_282 = arith.constant 0 : index
    %get3A_283 = vector.load %arg0[%get3A_280, %get3A_281, %get3A_282] : memref<32x32x128xf32, #tpu.memory_space<vmem>>, vector<1x32x128xf32>
    %get3A_284 = vector.shape_cast %get3A_283 : vector<1x32x128xf32> to vector<32x128xf32>
    %gt3A_285 = arith.cmpf ogt, %get3A_284, %select_n3A_273 : vector<32x128xf32>
    %select_n3A_286 = arith.select %gt3A_285, %get3A_284, %select_n3A_273 : vector<32x128xi1>, vector<32x128xf32>
    %get3A_287 = arith.constant 22 : index
    %get3A_288 = arith.constant 0 : index
    %get3A_289 = arith.constant 0 : index
    %get3A_290 = vector.load %arg1[%get3A_287, %get3A_288, %get3A_289] : memref<32x32x128xf32, #tpu.memory_space<vmem>>, vector<1x32x128xf32>
    %get3A_291 = vector.shape_cast %get3A_290 : vector<1x32x128xf32> to vector<32x128xf32>
    %select_n3A_292 = arith.select %gt3A_285, %get3A_291, %select_n3A_279 : vector<32x128xi1>, vector<32x128xf32>
    %get3A_293 = arith.constant 23 : index
    %get3A_294 = arith.constant 0 : index
    %get3A_295 = arith.constant 0 : index
    %get3A_296 = vector.load %arg0[%get3A_293, %get3A_294, %get3A_295] : memref<32x32x128xf32, #tpu.memory_space<vmem>>, vector<1x32x128xf32>
    %get3A_297 = vector.shape_cast %get3A_296 : vector<1x32x128xf32> to vector<32x128xf32>
    %gt3A_298 = arith.cmpf ogt, %get3A_297, %select_n3A_286 : vector<32x128xf32>
    %select_n3A_299 = arith.select %gt3A_298, %get3A_297, %select_n3A_286 : vector<32x128xi1>, vector<32x128xf32>
    %get3A_300 = arith.constant 23 : index
    %get3A_301 = arith.constant 0 : index
    %get3A_302 = arith.constant 0 : index
    %get3A_303 = vector.load %arg1[%get3A_300, %get3A_301, %get3A_302] : memref<32x32x128xf32, #tpu.memory_space<vmem>>, vector<1x32x128xf32>
    %get3A_304 = vector.shape_cast %get3A_303 : vector<1x32x128xf32> to vector<32x128xf32>
    %select_n3A_305 = arith.select %gt3A_298, %get3A_304, %select_n3A_292 : vector<32x128xi1>, vector<32x128xf32>
    %get3A_306 = arith.constant 24 : index
    %get3A_307 = arith.constant 0 : index
    %get3A_308 = arith.constant 0 : index
    %get3A_309 = vector.load %arg0[%get3A_306, %get3A_307, %get3A_308] : memref<32x32x128xf32, #tpu.memory_space<vmem>>, vector<1x32x128xf32>
    %get3A_310 = vector.shape_cast %get3A_309 : vector<1x32x128xf32> to vector<32x128xf32>
    %gt3A_311 = arith.cmpf ogt, %get3A_310, %select_n3A_299 : vector<32x128xf32>
    %select_n3A_312 = arith.select %gt3A_311, %get3A_310, %select_n3A_299 : vector<32x128xi1>, vector<32x128xf32>
    %get3A_313 = arith.constant 24 : index
    %get3A_314 = arith.constant 0 : index
    %get3A_315 = arith.constant 0 : index
    %get3A_316 = vector.load %arg1[%get3A_313, %get3A_314, %get3A_315] : memref<32x32x128xf32, #tpu.memory_space<vmem>>, vector<1x32x128xf32>
    %get3A_317 = vector.shape_cast %get3A_316 : vector<1x32x128xf32> to vector<32x128xf32>
    %select_n3A_318 = arith.select %gt3A_311, %get3A_317, %select_n3A_305 : vector<32x128xi1>, vector<32x128xf32>
    %get3A_319 = arith.constant 25 : index
    %get3A_320 = arith.constant 0 : index
    %get3A_321 = arith.constant 0 : index
    %get3A_322 = vector.load %arg0[%get3A_319, %get3A_320, %get3A_321] : memref<32x32x128xf32, #tpu.memory_space<vmem>>, vector<1x32x128xf32>
    %get3A_323 = vector.shape_cast %get3A_322 : vector<1x32x128xf32> to vector<32x128xf32>
    %gt3A_324 = arith.cmpf ogt, %get3A_323, %select_n3A_312 : vector<32x128xf32>
    %select_n3A_325 = arith.select %gt3A_324, %get3A_323, %select_n3A_312 : vector<32x128xi1>, vector<32x128xf32>
    %get3A_326 = arith.constant 25 : index
    %get3A_327 = arith.constant 0 : index
    %get3A_328 = arith.constant 0 : index
    %get3A_329 = vector.load %arg1[%get3A_326, %get3A_327, %get3A_328] : memref<32x32x128xf32, #tpu.memory_space<vmem>>, vector<1x32x128xf32>
    %get3A_330 = vector.shape_cast %get3A_329 : vector<1x32x128xf32> to vector<32x128xf32>
    %select_n3A_331 = arith.select %gt3A_324, %get3A_330, %select_n3A_318 : vector<32x128xi1>, vector<32x128xf32>
    %get3A_332 = arith.constant 26 : index
    %get3A_333 = arith.constant 0 : index
    %get3A_334 = arith.constant 0 : index
    %get3A_335 = vector.load %arg0[%get3A_332, %get3A_333, %get3A_334] : memref<32x32x128xf32, #tpu.memory_space<vmem>>, vector<1x32x128xf32>
    %get3A_336 = vector.shape_cast %get3A_335 : vector<1x32x128xf32> to vector<32x128xf32>
    %gt3A_337 = arith.cmpf ogt, %get3A_336, %select_n3A_325 : vector<32x128xf32>
    %select_n3A_338 = arith.select %gt3A_337, %get3A_336, %select_n3A_325 : vector<32x128xi1>, vector<32x128xf32>
    %get3A_339 = arith.constant 26 : index
    %get3A_340 = arith.constant 0 : index
    %get3A_341 = arith.constant 0 : index
    %get3A_342 = vector.load %arg1[%get3A_339, %get3A_340, %get3A_341] : memref<32x32x128xf32, #tpu.memory_space<vmem>>, vector<1x32x128xf32>
    %get3A_343 = vector.shape_cast %get3A_342 : vector<1x32x128xf32> to vector<32x128xf32>
    %select_n3A_344 = arith.select %gt3A_337, %get3A_343, %select_n3A_331 : vector<32x128xi1>, vector<32x128xf32>
    %get3A_345 = arith.constant 27 : index
    %get3A_346 = arith.constant 0 : index
    %get3A_347 = arith.constant 0 : index
    %get3A_348 = vector.load %arg0[%get3A_345, %get3A_346, %get3A_347] : memref<32x32x128xf32, #tpu.memory_space<vmem>>, vector<1x32x128xf32>
    %get3A_349 = vector.shape_cast %get3A_348 : vector<1x32x128xf32> to vector<32x128xf32>
    %gt3A_350 = arith.cmpf ogt, %get3A_349, %select_n3A_338 : vector<32x128xf32>
    %select_n3A_351 = arith.select %gt3A_350, %get3A_349, %select_n3A_338 : vector<32x128xi1>, vector<32x128xf32>
    %get3A_352 = arith.constant 27 : index
    %get3A_353 = arith.constant 0 : index
    %get3A_354 = arith.constant 0 : index
    %get3A_355 = vector.load %arg1[%get3A_352, %get3A_353, %get3A_354] : memref<32x32x128xf32, #tpu.memory_space<vmem>>, vector<1x32x128xf32>
    %get3A_356 = vector.shape_cast %get3A_355 : vector<1x32x128xf32> to vector<32x128xf32>
    %select_n3A_357 = arith.select %gt3A_350, %get3A_356, %select_n3A_344 : vector<32x128xi1>, vector<32x128xf32>
    %get3A_358 = arith.constant 28 : index
    %get3A_359 = arith.constant 0 : index
    %get3A_360 = arith.constant 0 : index
    %get3A_361 = vector.load %arg0[%get3A_358, %get3A_359, %get3A_360] : memref<32x32x128xf32, #tpu.memory_space<vmem>>, vector<1x32x128xf32>
    %get3A_362 = vector.shape_cast %get3A_361 : vector<1x32x128xf32> to vector<32x128xf32>
    %gt3A_363 = arith.cmpf ogt, %get3A_362, %select_n3A_351 : vector<32x128xf32>
    %select_n3A_364 = arith.select %gt3A_363, %get3A_362, %select_n3A_351 : vector<32x128xi1>, vector<32x128xf32>
    %get3A_365 = arith.constant 28 : index
    %get3A_366 = arith.constant 0 : index
    %get3A_367 = arith.constant 0 : index
    %get3A_368 = vector.load %arg1[%get3A_365, %get3A_366, %get3A_367] : memref<32x32x128xf32, #tpu.memory_space<vmem>>, vector<1x32x128xf32>
    %get3A_369 = vector.shape_cast %get3A_368 : vector<1x32x128xf32> to vector<32x128xf32>
    %select_n3A_370 = arith.select %gt3A_363, %get3A_369, %select_n3A_357 : vector<32x128xi1>, vector<32x128xf32>
    %get3A_371 = arith.constant 29 : index
    %get3A_372 = arith.constant 0 : index
    %get3A_373 = arith.constant 0 : index
    %get3A_374 = vector.load %arg0[%get3A_371, %get3A_372, %get3A_373] : memref<32x32x128xf32, #tpu.memory_space<vmem>>, vector<1x32x128xf32>
    %get3A_375 = vector.shape_cast %get3A_374 : vector<1x32x128xf32> to vector<32x128xf32>
    %gt3A_376 = arith.cmpf ogt, %get3A_375, %select_n3A_364 : vector<32x128xf32>
    %select_n3A_377 = arith.select %gt3A_376, %get3A_375, %select_n3A_364 : vector<32x128xi1>, vector<32x128xf32>
    %get3A_378 = arith.constant 29 : index
    %get3A_379 = arith.constant 0 : index
    %get3A_380 = arith.constant 0 : index
    %get3A_381 = vector.load %arg1[%get3A_378, %get3A_379, %get3A_380] : memref<32x32x128xf32, #tpu.memory_space<vmem>>, vector<1x32x128xf32>
    %get3A_382 = vector.shape_cast %get3A_381 : vector<1x32x128xf32> to vector<32x128xf32>
    %select_n3A_383 = arith.select %gt3A_376, %get3A_382, %select_n3A_370 : vector<32x128xi1>, vector<32x128xf32>
    %get3A_384 = arith.constant 30 : index
    %get3A_385 = arith.constant 0 : index
    %get3A_386 = arith.constant 0 : index
    %get3A_387 = vector.load %arg0[%get3A_384, %get3A_385, %get3A_386] : memref<32x32x128xf32, #tpu.memory_space<vmem>>, vector<1x32x128xf32>
    %get3A_388 = vector.shape_cast %get3A_387 : vector<1x32x128xf32> to vector<32x128xf32>
    %gt3A_389 = arith.cmpf ogt, %get3A_388, %select_n3A_377 : vector<32x128xf32>
    %select_n3A_390 = arith.select %gt3A_389, %get3A_388, %select_n3A_377 : vector<32x128xi1>, vector<32x128xf32>
    %get3A_391 = arith.constant 30 : index
    %get3A_392 = arith.constant 0 : index
    %get3A_393 = arith.constant 0 : index
    %get3A_394 = vector.load %arg1[%get3A_391, %get3A_392, %get3A_393] : memref<32x32x128xf32, #tpu.memory_space<vmem>>, vector<1x32x128xf32>
    %get3A_395 = vector.shape_cast %get3A_394 : vector<1x32x128xf32> to vector<32x128xf32>
    %select_n3A_396 = arith.select %gt3A_389, %get3A_395, %select_n3A_383 : vector<32x128xi1>, vector<32x128xf32>
    %get3A_397 = arith.constant 31 : index
    %get3A_398 = arith.constant 0 : index
    %get3A_399 = arith.constant 0 : index
    %get3A_400 = vector.load %arg0[%get3A_397, %get3A_398, %get3A_399] : memref<32x32x128xf32, #tpu.memory_space<vmem>>, vector<1x32x128xf32>
    %get3A_401 = vector.shape_cast %get3A_400 : vector<1x32x128xf32> to vector<32x128xf32>
    %gt3A_402 = arith.cmpf ogt, %get3A_401, %select_n3A_390 : vector<32x128xf32>
    %select_n3A_403 = arith.select %gt3A_402, %get3A_401, %select_n3A_390 : vector<32x128xi1>, vector<32x128xf32>
    %get3A_404 = arith.constant 31 : index
    %get3A_405 = arith.constant 0 : index
    %get3A_406 = arith.constant 0 : index
    %get3A_407 = vector.load %arg1[%get3A_404, %get3A_405, %get3A_406] : memref<32x32x128xf32, #tpu.memory_space<vmem>>, vector<1x32x128xf32>
    %get3A_408 = vector.shape_cast %get3A_407 : vector<1x32x128xf32> to vector<32x128xf32>
    %select_n3A_409 = arith.select %gt3A_402, %get3A_408, %select_n3A_396 : vector<32x128xi1>, vector<32x128xf32>
    %get3A_410 = arith.constant 0 : index
    %get3A_411 = arith.constant 0 : index
    %get3A_412 = arith.constant 0 : index
    %get3A_413 = vector.load %arg2[%get3A_410, %get3A_411, %get3A_412] : memref<2x32x128xf32, #tpu.memory_space<vmem>>, vector<1x32x128xf32>
    %get3A_414 = vector.shape_cast %get3A_413 : vector<1x32x128xf32> to vector<32x128xf32>
    %get3A_415 = arith.constant 1 : index
    %get3A_416 = arith.constant 0 : index
    %get3A_417 = arith.constant 0 : index
    %get3A_418 = vector.load %arg2[%get3A_415, %get3A_416, %get3A_417] : memref<2x32x128xf32, #tpu.memory_space<vmem>>, vector<1x32x128xf32>
    %get3A_419 = vector.shape_cast %get3A_418 : vector<1x32x128xf32> to vector<32x128xf32>
    %add3A = arith.addf %get3A_414, %get3A_419 : vector<32x128xf32>
    %get3A_420 = arith.constant 0 : index
    %get3A_421 = arith.constant 0 : index
    %get3A_422 = arith.constant 0 : index
    %get3A_423 = vector.load %arg3[%get3A_420, %get3A_421, %get3A_422] : memref<2x32x128xf32, #tpu.memory_space<vmem>>, vector<1x32x128xf32>
    %get3A_424 = vector.shape_cast %get3A_423 : vector<1x32x128xf32> to vector<32x128xf32>
    %get3A_425 = arith.constant 1 : index
    %get3A_426 = arith.constant 0 : index
    %get3A_427 = arith.constant 0 : index
    %get3A_428 = vector.load %arg3[%get3A_425, %get3A_426, %get3A_427] : memref<2x32x128xf32, #tpu.memory_space<vmem>>, vector<1x32x128xf32>
    %get3A_429 = vector.shape_cast %get3A_428 : vector<1x32x128xf32> to vector<32x128xf32>
    %add3A_430 = arith.addf %get3A_424, %get3A_429 : vector<32x128xf32>
    %get3A_431 = arith.constant 0 : index
    %get3A_432 = arith.constant 0 : index
    %get3A_433 = vector.load %arg4[%get3A_431, %get3A_432] : memref<32x128xf32, #tpu.memory_space<vmem>>, vector<32x128xf32>
    %exp3A = math.exp %get3A_433 : vector<32x128xf32>
    %add3A_434 = arith.addf %add3A, %exp3A : vector<32x128xf32>
    %div3A = arith.constant 1.000000e+00 : f32
    %div3A_435 = vector.broadcast %div3A : f32 to vector<32x128xf32>
    %div3A_436 = arith.divf %div3A_435, %add3A_434 : vector<32x128xf32>
    %add3A_437 = arith.constant 1.000000e+00 : f32
    %add3A_438 = vector.broadcast %add3A_437 : f32 to vector<32x128xf32>
    %add3A_439 = arith.addf %add3A_430, %add3A_438 : vector<32x128xf32>
    %div3A_440 = arith.constant 1.000000e+00 : f32
    %div3A_441 = vector.broadcast %div3A_440 : f32 to vector<32x128xf32>
    %div3A_442 = arith.divf %div3A_441, %add3A_439 : vector<32x128xf32>
    %mul3A = arith.constant 0.899999976 : f32
    %mul3A_443 = vector.broadcast %mul3A : f32 to vector<32x128xf32>
    %mul3A_444 = arith.mulf %mul3A_443, %exp3A : vector<32x128xf32>
    %mul3A_445 = arith.mulf %mul3A_444, %div3A_436 : vector<32x128xf32>
    %mul3A_446 = arith.constant 1.000000e-01 : f32
    %mul3A_447 = vector.broadcast %mul3A_446 : f32 to vector<32x128xf32>
    %mul3A_448 = arith.mulf %mul3A_447, %div3A_442 : vector<32x128xf32>
    %add3A_449 = arith.addf %mul3A_445, %mul3A_448 : vector<32x128xf32>
    %jit3A = arith.constant 9.99999996E-13 : f32
    %max3A = vector.broadcast %jit3A : f32 to vector<32x128xf32>
    %max3A_450 = arith.maximumf %max3A, %add3A_449 : vector<32x128xf32>
    %log3A = math.log %max3A_450 : vector<32x128xf32>
    %jit3A_451 = arith.constant 9.99999996E-13 : f32
    %max3A_452 = vector.broadcast %jit3A_451 : f32 to vector<32x128xf32>
    %max3A_453 = arith.maximumf %max3A_452, %select_n3A_409 : vector<32x128xf32>
    %log3A_454 = math.log %max3A_453 : vector<32x128xf32>
    %ge3A = arith.cmpf oge, %add3A_449, %select_n3A_403 : vector<32x128xf32>
    %select_n3A_455 = arith.select %ge3A, %log3A, %log3A_454 : vector<32x128xi1>, vector<32x128xf32>
    %swap3A = arith.constant 0 : index
    %swap3A_456 = arith.constant 0 : index
    %swap3A_457 = vector.load %arg5[%swap3A, %swap3A_456] : memref<32x128xf32, #tpu.memory_space<vmem>>, vector<32x128xf32>
    tpu.vector_store %arg5[%swap3A, %swap3A_456], %select_n3A_455 {strides = array<i32>} : memref<32x128xf32, #tpu.memory_space<vmem>>, vector<32x128xf32>,
    return
  }
}

</mosaic_0001>

<sc_bundles>
// kernel: kernel.10.cloned.1.call-start
scs
__scs_entry_jumppad:
0x0: {  	(pc) =	sbr.rel $0x88, $3  }
0x1: {  	(tag) =	ssettag $0x0;
	lr =	simm.s32 $0x1  }
0x2: {  	[smem:$0x3F9C] =	sst lr;
	_ =	strace $0xD0000000  }
0x3: {  	_ = 	snop  }
0x4: {  	_ = 	snop  }
0x5: {  	_ = 	snop  }
0x6: {  	_ = 	snop  }
0x7: {  	_ = 	snop  }
__scs_overlays_trampoline_lowered:
0x8: {  	[smem:$0x3FAB] =	sst s0  }
0x9: {  	[smem:$0x3FAC] =	sst s1  }
0xa: {  	[smem:$0x3FAD] =	sst s2  }
0xb: {  	[smem:$0x3FAE] =	sst s3  }
0xc: {  	[smem:$0x3FAF] =	sst s4  }
0xd: {  	[smem:$0x3FB0] =	sst s5  }
0xe: {  	[smem:$0x3FB1] =	sst s6  }
0xf: {  	[smem:$0x3FB2] =	sst s7  }
0x10: {  	[smem:$0x3FB3] =	sst s8  }
0x11: {  	[smem:$0x3FB4] =	sst s9;
	s0 =	simm.s32 @!p0 $0x0  }
0x12: {  	s1 =	sld [smem:$0x3F9A];
	s0 =	simm.s32 @p0 $0x1  }
0x13: {  	[smem:$0x3FB5] =	sst s0;
	s0 =	simm.s32 @!p1 $0x0  }
0x14: {  	s2 =	sld [smem:$0x3F99];
	s0 =	simm.s32 @p1 $0x1  }
0x15: {  	[smem:$0x3FB6] =	sst s0;
	s0 =	simm.s32 @!p2 $0x0  }
0x16: {  	s3 =	sld [smem:$0x3FDB];
	s0 =	simm.s32 @p2 $0x1  }
0x17: {  	s4 =	simm.s32 $0x1BF5;
	[smem:$0x3FB8] =	sst s0  }
0x18: {  	s0 =	sld [smem:$0x3F9B];
	_ =	swait.ge [sflag:s4], $0x0  }
0x19: {  	s7 =	sld [smem:$0x3F9C]  }
0x1a: {  	s8 =	sadd.s32 $0xFFFFE003, lr  }
0x1b: {  	s9 =	sadd.s32 $0xFFFFFEF7, lr;
	s5 =	simm.s32 $0xFFFFFFFF;
	p2 =	slt.u32 s8, $0xFFFFF086  }
0x1c: {  	p1 =	slt.u32 s9, $0xF7A;
	s5 =	simm.s32 @!p2 $0x0  }
0x1d: {  	s5 =	simm.s32 @p1 $0x1;
	p0 =	seq.s32 s7, s2  }
0x1e: {  	s7 =	smul.u32 @!p0 $0xF7A, s2;
	p2 =	seq.s32 @!p0 s5, $0x0  }
0x1f: {  	s9 =	smul.u32 $0xF7A, s1;
	s8 =	simm.s32 @!p0 $0x1BF5;
	p2 =	por !p2, p0  }
0x20: {  	[sflag:s8] =	ssyncset.s32 @!p0 $0xFFFFF086;
	s6 =	sadd.s32 @!p0 s3, s7;
	s7 =	simm.s32 @!p0 $0x108  }
0x21: {  	s3 =	sadd.s32 s3, s9;
	s6 =	sadd.s32 @!p0 $0x88, s6;
	s7 =	simm.s32 @p2 $0x1082  }
0x22: {  	[simem:s7], [sflag:s8] =	dma.local @!p0 [hbm:s6], $0xF7A  }
0x23: {  	s9 =	sor.u32 $0xD0000000, s2;
	s6 =	simm.s32 $0x108;
	_ =	swait.ge @!p0 [sflag:s8], $0x0  }
0x24: {  	s3 =	sadd.s32 $0x88, s3;
	s6 =	simm.s32 @!p1 $0x1082;
	[sflag:s4] =	ssyncset.s32 $0xFFFFF086  }
0x25: {  	[simem:s6], [sflag:s4] =	dma.local [hbm:s3], $0xF7A  }
0x26: {  	[smem:$0x3F9C] =	sst s1;
	(tag) =	ssettag s2;
	_ =	strace s9  }
0x27: {  	s1 =	sld [smem:$0x3FAC]  }
0x28: {  	s2 =	sld [smem:$0x3FAD]  }
0x29: {  	s4 =	sld [smem:$0x3FAF]  }
0x2a: {  	p0 =	seq.s32 s5, $0x0;
	s5 =	sld [smem:$0x3FB0]  }
0x2b: {  	s6 =	sld [smem:$0x3FB1]  }
0x2c: {  	s7 =	sld [smem:$0x3FB2]  }
0x2d: {  	s3 =	simm.s32 $0x108;
	s8 =	sld [smem:$0x3FB3]  }
0x2e: {  	s3 =	simm.s32 @!p0 $0x1082;
	s9 =	sld [smem:$0x3FB4]  }
0x2f: {  	lr =	sadd.s32 s0, s3;
	s0 =	sld [smem:$0x3FAB]  }
0x30: {  	s3 =	sld [smem:$0x3FAE]  }
0x31: {  	[smem:$0x3FB7] =	sst s10  }
0x32: {  	s10 =	sld [smem:$0x3FB5];
	_ =	sdelay $0x3  }
0x33: {  	p0 =	seq.s32 s10, $0x1;
	s10 =	sld [smem:$0x3FB7];
	_ =	sdelay $0x3  }
0x34: {  	[smem:$0x3FB7] =	sst s10  }
0x35: {  	s10 =	sld [smem:$0x3FB6];
	_ =	sdelay $0x3  }
0x36: {  	p1 =	seq.s32 s10, $0x1;
	s10 =	sld [smem:$0x3FB7];
	_ =	sdelay $0x3  }
0x37: {  	[smem:$0x3FB7] =	sst s10  }
0x38: {  	s10 =	sld [smem:$0x3FB8]  }
0x39: {  	_ = 	snop;
	(pc) =	sbr.ind lr, $3  }
0x3a: {  	_ = 	snop  }
0x3b: {  	_ = 	snop  }
0x3c: {  	p2 =	seq.s32 s10, $0x1;
	s10 =	sld [smem:$0x3FB7]  }
0x3d: {  	_ =	shalt  }
0x3e: {  	_ =	shalt  }
0x3f: {  	_ =	shalt  }
0x40: {  	_ =	shalt  }
0x41: {  	_ =	shalt  }
0x42: {  	_ =	shalt  }
0x43: {  	_ =	shalt  }
0x44: {  	_ =	shalt  }
0x45: {  	_ =	shalt  }
0x46: {  	_ =	shalt  }
0x47: {  	_ =	shalt  }
0x48: {  	_ =	shalt  }
0x49: {  	_ =	shalt  }
0x4a: {  	_ =	shalt  }
0x4b: {  	_ =	shalt  }
0x4c: {  	_ =	shalt  }
0x4d: {  	_ =	shalt  }
0x4e: {  	_ =	shalt  }
0x4f: {  	_ =	shalt  }
0x50: {  	_ =	shalt  }
0x51: {  	_ =	shalt  }
0x52: {  	_ =	shalt  }
0x53: {  	_ =	shalt  }
0x54: {  	_ =	shalt  }
0x55: {  	_ =	shalt  }
0x56: {  	_ =	shalt  }
0x57: {  	_ =	shalt  }
0x58: {  	_ =	shalt  }
0x59: {  	_ =	shalt  }
0x5a: {  	_ =	shalt  }
0x5b: {  	_ =	shalt  }
0x5c: {  	_ =	shalt  }
0x5d: {  	_ =	shalt  }
0x5e: {  	_ =	shalt  }
0x5f: {  	_ =	shalt  }
0x60: {  	_ =	shalt  }
0x61: {  	_ =	shalt  }
0x62: {  	_ =	shalt  }
0x63: {  	_ =	shalt  }
0x64: {  	_ =	shalt  }
0x65: {  	_ =	shalt  }
0x66: {  	_ =	shalt  }
0x67: {  	_ =	shalt  }
0x68: {  	_ =	shalt  }
0x69: {  	_ =	shalt  }
0x6a: {  	_ =	shalt  }
0x6b: {  	_ =	shalt  }
0x6c: {  	_ =	shalt  }
0x6d: {  	_ =	shalt  }
0x6e: {  	_ =	shalt  }
0x6f: {  	_ =	shalt  }
0x70: {  	_ =	shalt  }
0x71: {  	_ =	shalt  }
0x72: {  	_ =	shalt  }
0x73: {  	_ =	shalt  }
0x74: {  	_ =	shalt  }
0x75: {  	_ =	shalt  }
0x76: {  	_ =	shalt  }
0x77: {  	_ =	shalt  }
0x78: {  	_ =	shalt  }
0x79: {  	_ =	shalt  }
0x7a: {  	_ =	shalt  }
0x7b: {  	_ =	shalt  }
0x7c: {  	_ =	shalt  }
0x7d: {  	_ =	shalt  }
0x7e: {  	_ =	shalt  }
0x7f: {  	_ =	shalt  }
0x80: {  	_ =	shalt  }
0x81: {  	_ =	shalt  }
0x82: {  	_ =	shalt  }
0x83: {  	_ =	shalt  }
0x84: {  	_ =	shalt  }
0x85: {  	_ =	shalt  }
0x86: {  	_ =	shalt  }
0x87: {  	_ =	shalt  }
.Lfunc_end0:
.L_simem_size_0:
called_computation.1_lowered:
.L_overlay_start_0:
0x88: {  	s2 =	sld [smem:$0x3FD9]  }
0x89: {  	s3 =	sld [smem:$0x3FFE];
	_ =	sdelay $0x1  }
0x8a: {  	s1 =	srdreg.scid  }
0x8b: {  	s0 =	sand.u32 $0x1, s1  }
0x8c: {  	s17 =	sshll.u32 s0, $0xA;
	s2 =	sadd.s32 s3, s2  }
0x8d: {  	s2 =	sadd.s32 s2, s17  }
0x8e: {  	[smem:$0x3FC3] =	sst s2  }
0x8f: {  	_ = 	snop  }
0x90: {  	s2 =	sld [smem:$0x3FC8]  }
0x91: {  	s18 =	sld [smem:$0x3FC5];
	(tm) =	ssettm $0x1  }
0x92: {  	s4 =	sld [smem:$0x3FFB];
	_ =	sdelay $0x3  }
0x93: {  	_ =	strace s4  }
0x94: {  	s4 =	sld [smem:$0x3FFC];
	_ =	sdelay $0x3  }
0x95: {  	_ =	strace s4  }
0x96: {  	s4 =	sld [smem:$0x3FFD];
	_ =	sdelay $0x3  }
0x97: {  	_ =	strace s4  }
0x98: {  	_ =	strace $0x8FFFFFFF  }
0x99: {  	s19 =	sld [smem:$0x3FDB];
	_ =	sdelay $0x1  }
0x9a: {  	s5 =	simm.s32 $_scs_section_size  }
0x9b: {  	s6 =	simm.s32 $_size__tile_overlayer_lowered;
	s7 =	simm.s32 $_tile_overlayer_lowered  }
0x9c: {  	s22 =	simm.s32 $0x1BFF;
	s21 =	sshll.u32 s7, $0x1;
	s4 =	sadd.s32 s5, s19  }
0x9d: {  	s8 =	simm.s32 $0x0;
	s20 =	sshll.u32 s6, $0x1;
	s6 =	sadd.s32 s21, s4  }
0x9e: {  	[timem:s8], [sflag:s22] =	dma.local [hbm:s6], s20  }
0x9f: {  	_ =	swait.ge [sflag:s22], s20  }
0xa0: {  	s5 =	ssub.s32 $0x0, s20;
	[sflag:s22] =	ssyncset.done $0x0  }
0xa1: {  	[sflag:s22] =	ssyncadd.s32 s5;
	_ =	sdelay $0x1  }
0xa2: {  	s23 =	simm.s32 $0x1B8B  }
0xa3: {  	_ =	swait.ge [sflag:s23], $0x1  }
0xa4: {  	[sflag:s23] =	ssyncset.done $0x0  }
0xa5: {  	s25 =	simm.s32 $0x1B8E;
	s24 =	sld [smem:$0x3FFE];
	[sflag:s23] =	ssyncadd.s32 $0xFFFFFFFF  }
0xa6: {  	s26 =	simm.s32 $execute0_lowered;
	[smem:$0x3FD2] =	sst s25  }
0xa7: {  	s6 =	sshll.u32 s26, $0x1;
	_ =	strace $0x80000049;
	[dreg:$0x1] =	wrdreg $0xFFFFFFFF  }
0xa8: {  	s28 =	simm.s32 $_size_execute0_lowered;
	s4 =	sadd.s32 s4, s6;
	[dreg:$0x0] =	wrdreg $0x0  }
0xa9: {  	s6 =	sshll.u32 s28, $0x1;
	[dreg:$0x2] =	wrdreg s4  }
0xaa: {  	[dreg:$0x3] =	wrdreg s6  }
0xab: {  	[dreg:$0x4] =	wrdreg $0xC0  }
0xac: {  	_ =	task [dreg:s8], $0x5FFFF  }
0xad: {  	[dreg:$0x1] =	wrdreg $0xFFFFFFFF  }
0xae: {  	[dreg:$0x0] =	wrdreg $0x60  }
0xaf: {  	[dreg:$0x2] =	wrdreg s18  }
0xb0: {  	[dreg:$0x3] =	wrdreg s24  }
0xb1: {  	[dreg:$0x4] =	wrdreg s2  }
0xb2: {  	[dreg:$0x5] =	wrdreg $0x9  }
0xb3: {  	_ =	task.clear_ibuf [dreg:s8], $0x6FFFF;
	_ =	strace $0x90000049  }
0xb4: {  	s29 =	simm.s32 $0x9;
	_ =	strace $0x8000004B  }
0xb5: {  	_ =	swait.ge [sflag:s29], $0x1  }
0xb6: {  	[sflag:s29] =	ssyncadd.s32 $0xFFFFFFFF  }
0xb7: {  	_ =	strace $0x9000004B  }
0xb8: {  	_ =	sfence  }
0xb9: {  	s30 =	sld [smem:$0x0];
	_ =	sdelay $0x2  }
0xba: {  	s31 =	sshll.u32 s1, $0xD;
	s1 =	sshrl.u32 s1, $0x2  }
0xbb: {  	s3 =	sand.u32 $0x4000, s31;
	s1 =	sadd.s32 s1, s30  }
0xbc: {  	s0 =	sor.u32 s3, s0;
	s1 =	sshll.u32 s1, $0x11  }
0xbd: {  	s0 =	sor.u32 s1, s0  }
0xbe: {  	s0 =	sadd.s32 $0x8F2B, s0  }
0xbf: {  	[sflag:s0] =	ssyncadd.remote.s32 $0x1  }
0xc0: {  	_ =	sfence.sel $0xFFFF  }
0xc1: {  	[dreg:$0x0] =	wrdreg $0xFFFFFFFF;
	(pc) =	sbr.abs _section_cstart, $3  }
0xc2: {  	[dreg:$0x1] =	wrdreg $0xFFFFFFFF  }
0xc3: {  	_ =	task.clear_ibuf [dreg:s8], $0x2FFFF;
	_ =	strace $0x9FFFFFFF  }
0xc4: {  	(tm) =	ssettm $0x7FFFFFFF  }
0xc5: {  	_ =	shalt  }
tec
execute0_lowered:
.L_overlay_start_1:
0x0: {  	(tag) =	ssettag $0x1  }
0x1: {  	s0 =	rddreg [dreg:$0x0]  }
0x2: {  	s1 =	rddreg [dreg:$0x1]  }
0x3: {  	s2 =	srdreg.scid;
	s3 =	stileid.u32;
	s28 =	simm.s32 $0x3000  }
0x4: {  	s29 =	simm.s32 $0x1;
	s30 =	simm.s32 $0x2;
	s31 =	simm.s32 $0x1000  }
0x5: {  	v0 =	vimm.s32 $0xEDCBA987;
	v1 =	vimm.s32 $0x65432100;
	s16 =	simm.s32 $0x400;
	s17 =	simm.s32 $0x3;
	s18 =	simm.s32 $0x0  }
0x6: {  	v4 =	vimm.s32 $0x54321000;
	v5 =	vimm.s32 $0xDCBA9876;
	v6 =	vimm.s32 $0xBA987654;
	s2 =	sand.u32 $0x1, s2;
	s4 =	sshll.u32 s3, $0x1;
	s3 =	simm.s32 $0x0  }
0x7: {  	v7 =	vimm.s32 $0x32100000;
	v8 =	vimm.s32 $0xE40000;
	v0 =	vunpack.c.l.s4.s8 v0;
	s6 =	sadd.s32 $0x2200, s1;
	s7 =	sadd.s32 $0x22A00, s1;
	s8 =	sadd.s32 $0x22200, s1  }
0x8: {  	vm0 =	vcmask $0x3F30;
	v2 =	vunpack.c.l.s4.s8 v1;
	v1 =	vlaneseq.u32;
	s22 =	sadd.s32 $0x22600, s1;
	s12 =	sadd.s32 $0x22210, s1;
	s13 =	sadd.s32 $0x22610, s1  }
0x9: {  	v5 =	vunpack.c.l.s4.s8 v5;
	v6 =	vunpack.c.l.s4.s8 v6;
	s4 =	sor.u32 s2, s4;
	[smem:$0x7FF] =	sst s3;
	s2 =	ssub.s32 $0x2, s2;
	v3 =	vunpack.c.0.s8.s32 v0  }
0xa: {  	v4 =	vunpack.c.l.s4.s8 v4;
	v7 =	vunpack.c.l.s4.s8 v7;
	s5 =	sshll.u32 s4, $0xC;
	_ =	strace $0x8000004A;
	v2 =	vunpack.c.0.s8.s32 v2;
	[dreg:$0x4] =	wrdreg s8  }
0xb: {  	v8 =	vunpack.c.l.s2.s4 v8;
	s4 =	sshll.u32 s4, $0x7;
	[dreg:$0x5] =	wrdreg s22;
	s23 =	sshrl.u32 s2, $0x1;
	v5 =	vunpack.c.0.s8.s32 v5;
	v3 =	vand.u32 $0xF, v3  }
0xc: {  	v6 =	vunpack.c.0.s8.s32 v6;
	s4 =	sor.u32 s4, s5;
	s2 =	ssub.s32 s2, s23;
	s24 =	sadd.s32 s0, s5;
	v2 =	vcombine.low v2, v3;
	v3 =	vunpack.c.0.s8.s32 v4  }
0xd: {  	s11 =	sor.u32 $0x800, s5;
	s25 =	sadd.s32 s6, s5;
	[dreg:$0x6] =	wrdreg s24;
	v4 =	vunpack.c.0.s8.s32 v7;
	v7 =	vunpack.c.l.s4.s8 v8;
	v8 =	vimm.s32 $0x87654321  }
0xe: {  	s5 =	sadd.s32 s7, s5;
	s23 =	simm.s32 $0x80;
	[dreg:$0x7] =	wrdreg s25;
	v5 =	vand.u32 $0xF, v5;
	v6 =	vand.u32 $0xF, v6;
	v8 =	vunpack.c.l.s4.s8 v8  }
0xf: {  	s4 =	sand.u32 $0x18380, s4;
	[dreg:$0x8] =	wrdreg s5;
	s0 =	sadd.s32 s0, s11;
	v4 =	vcombine.low v4, v6;
	v6 =	vunpack.c.0.s8.s32 v7;
	v7 =	vimm.s32 $0xFFEDCBA9  }
0x10: {  	s26 =	sadd.s32 s6, s11;
	s11 =	sadd.s32 s7, s11;
	s19 =	smax.u32 s2, $0x1;
	v3 =	vcombine.low v3, v5;
	v5 =	vimm.s32 $0x7060504;
	v7 =	vunpack.c.l.s4.s8 v7  }
0x11: {  	vm9 =	vmxor vm9, vm9;
	v9 =	vmul.u32 $0xFFFFFFFF, v1;
	s24 =	simm.s32 $0x100;
	s25 =	simm.s32 $0x2000;
	[dreg:$0x9] =	wrdreg s0;
	v5 =	vunpack.c.0.s8.s32 v5  }
0x12: {  	s2 =	simm.s32 $0x1E080;
	s4 =	sshrl.u32 s4, $0x3;
	[dreg:$0xa] =	wrdreg s26;
	v8 =	vunpack.c.0.s8.s32 v8;
	v6 =	vand.u32 $0x3, v6;
	v10 =	vunpack.c.0.s8.s32 v7  }
0x13: {  	vm13 =	vmmov $0x1;
	v0 =	vimm.s32 $0xFFFFFFFF;
	s26 =	simm.s32 $0x4;
	s0 =	simm.s32 $0x1D080;
	s4 =	sadd.s32 s4, s1;
	v5 =	vsel vm0, v5, v6  }
0x14: {  	s1 =	simm.s32 $0x1C080;
	s14 =	sadd.s32 $0x46A00, s4;
	s15 =	sadd.s32 $0x42A00, s4;
	v6 =	vimm.f32 $0.0e+00;
	v7 =	vadd.s32 $0xF, v9;
	v8 =	vcombine.low v8, v10  }
.LBB2_1:
0x15: {  	s4 =	rddreg [dreg:$0x6];
	s5 =	simm.s32 $0x4010  }
0x16: {  	[tilespmem:s5], [sflag:$0x1] =	stream.linear.gather [hbm4b:s4+s3], $0x4000, $0x38;
	[tilespmem:$0x1F080] =	vst v63  }
0x17: {  	s21 =	rddreg [dreg:$0x7];
	s22 =	simm.s32 $0xC080  }
0x18: {  	[tilespmem:s22], [sflag:$0x1] =	stream.linear.gather [hbm4b:s21+s3], $0x4000, $0x38;
	[tilespmem:$0x1F080] =	vst v63  }
0x19: {  	s6 =	rddreg [dreg:$0x8];
	s7 =	simm.s32 $0x14080  }
0x1a: {  	[tilespmem:s7], [sflag:$0x1] =	stream.linear.gather [hbm4b:s6+s3], $0x4000, $0x38;
	[tilespmem:$0x1F080] =	vst v63  }
0x1b: {  	s8 =	rddreg [dreg:$0x9];
	s9 =	simm.s32 $0x8010  }
0x1c: {  	[tilespmem:s9], [sflag:$0x2] =	stream.linear.gather [hbm4b:s8+s3], $0x4000, $0x38;
	[tilespmem:$0x1F080] =	vst v63  }
0x1d: {  	s10 =	rddreg [dreg:$0xa];
	s20 =	simm.s32 $0x10080  }
0x1e: {  	[tilespmem:s20], [sflag:$0x2] =	stream.linear.gather [hbm4b:s10+s3], $0x4000, $0x38;
	[tilespmem:$0x1F080] =	vst v63  }
0x1f: {  	s21 =	simm.s32 $0x18080  }
0x20: {  	[tilespmem:s21], [sflag:$0x2] =	stream.linear.gather [hbm4b:s11+s3], $0x4000, $0x38;
	[tilespmem:$0x1F080] =	vst v63  }
0x21: {  	[tilespmem:$0x4000] =	vst v0  }
0x22: {  	s22 =	rddreg [dreg:$0x4];
	[tilespmem:$0xC010] =	vst v0  }
0x23: {  	[tilespmem:s25], [sflag:$0x4] =	stream.strided.gather [hbm4b:s22+s23], $0x1000, s24, s23, $0x38;
	[tilespmem:$0x1F080] =	vst v63  }
0x24: {  	_ =	swait.ge [sflag:s26], $0x1000  }
0x25: {  	[sflag:s26] =	ssyncset.done $0x0  }
0x26: {  	[sflag:s26] =	ssyncadd.s32 $0xFFFFF000  }
0x27: {  	[tilespmem:s28], [sflag:$0x4] =	stream.strided.gather [hbm4b:s12+s23], $0x1000, s24, s23, $0x38;
	[tilespmem:$0x1F080] =	vst v63  }
0x28: {  	_ =	swait.ge [sflag:s26], $0x1000  }
0x29: {  	[sflag:s26] =	ssyncset.done $0x0  }
0x2a: {  	s4 =	simm.s32 $0x0;
	[sflag:s26] =	ssyncadd.s32 $0xFFFFF000  }
0x2b: {  	v9 =	vld [tilespmem:s4+$0x2000]  }
0x2c: {  	s5 =	simm.s32 $0x40;
	v10 =	vld [tilespmem:s4+$0x3000]  }
.LBB2_2:
0x2d: {  	_ = 	snop  }
0x2e: {  	p0 =	sne.s32 s5, $0x3FC0  }
.Ltmp0:
0x2f: {  	_ = 	snop;
	(pc) =	sbr.rel @p0 .LBB2_2-.Ltmp0, $4  }
0x30: {  	_ = 	snop  }
0x31: {  	s6 =	sshra.s32 s5, $0x2;
	v11 =	vadd.f32 v10, v9  }
0x32: {  	v9 =	vld [tilespmem:s6+$0x2000]  }
0x33: {  	s5 =	sadd.s32 $0x40, s5;
	v10 =	vld [tilespmem:s6+$0x3000];
	[tilespmem:s4+$0x0] =	vst v11;
	s4 =	smov.u32 s6  }
0x34: {  	_ =	sdelay $0x3  }
0x35: {  	v9 =	vadd.f32 v10, v9;
	_ =	sdelay $0x1  }
0x36: {  	s22 =	rddreg [dreg:$0x5];
	[tilespmem:s4+$0x0] =	vst v9  }
0x37: {  	[tilespmem:s25], [sflag:$0x4] =	stream.strided.gather [hbm4b:s22+s23], $0x1000, s24, s23, $0x38;
	[tilespmem:$0x1F080] =	vst v63  }
0x38: {  	_ =	swait.ge [sflag:s26], $0x1000  }
0x39: {  	[sflag:s26] =	ssyncset.done $0x0  }
0x3a: {  	[sflag:s26] =	ssyncadd.s32 $0xFFFFF000  }
0x3b: {  	[tilespmem:s28], [sflag:$0x4] =	stream.strided.gather [hbm4b:s13+s23], $0x1000, s24, s23, $0x38;
	[tilespmem:$0x1F080] =	vst v63  }
0x3c: {  	_ =	swait.ge [sflag:s26], $0x1000  }
0x3d: {  	[sflag:s26] =	ssyncset.done $0x0  }
0x3e: {  	s4 =	simm.s32 $0x0;
	[sflag:s26] =	ssyncadd.s32 $0xFFFFF000  }
0x3f: {  	v9 =	vld [tilespmem:s4+$0x2000]  }
0x40: {  	v10 =	vld [tilespmem:s4+$0x3000]  }
0x41: {  	s5 =	simm.s32 $0x10  }
0x42: {  	v11 =	vld [tilespmem:s5+$0x2000]  }
0x43: {  	v12 =	vld [tilespmem:s5+$0x3000];
	_ =	sdelay $0x1  }
0x44: {  	v9 =	vadd.f32 v10, v9;
	_ =	sdelay $0x1  }
0x45: {  	v9 =	vadd.f32 $1.000000000e+00, v9  }
0x46: {  	v10 =	vadd.f32 v12, v11  }
0x47: {  	(erf) = vrcp.f32 v9  }
0x48: {  	s6 =	simm.s32 $0x20;
	v11 =	vadd.f32 $1.000000000e+00, v10  }
0x49: {  	v10 =	vld [tilespmem:s6+$0x3000]  }
0x4a: {  	v9 =	vld [tilespmem:s6+$0x2000];
	(erf) = vrcp.f32 v11;
	_ =	sdelay $0x2  }
0x4b: {  	s7 =	simm.s32 $0xC0  }
.LBB2_4:
0x4c: {  	s20 =	sshra.s32 s7, $0x2;
	p0 =	sne.s32 s7, $0x3FC0  }
.Ltmp1:
0x4d: {  	s7 =	sadd.s32 $0x40, s7;
	v11 =	vadd.f32 v10, v9;
	v9 =	vld [tilespmem:s20+$0x2000];
	(pc) =	sbr.rel @p0 .LBB2_4-.Ltmp1, $4  }
0x4e: {  	v10 =	vld [tilespmem:s20+$0x3000];
	v12 =	vpop (erf)  }
0x4f: {  	v11 =	vadd.f32 $1.000000000e+00, v11;
	[tilespmem:s4+$0x1000] =	vst v12;
	s4 =	smov.u32 s5;
	s5 =	smov.u32 s6;
	s6 =	smov.u32 s20  }
0x50: {  	_ = 	snop  }
0x51: {  	(erf) = vrcp.f32 v11  }
0x52: {  	_ = 	snop  }
0x53: {  	v9 =	vadd.f32 v10, v9;
	_ =	sdelay $0x1  }
0x54: {  	v9 =	vadd.f32 $1.000000000e+00, v9;
	_ =	sdelay $0x1  }
0x55: {  	(erf) = vrcp.f32 v9;
	_ =	sdelay $0x6  }
0x56: {  	v9 =	vpop (erf)  }
0x57: {  	[tilespmem:s4+$0x1000] =	vst v9;
	v9 =	vpop (erf)  }
0x58: {  	[tilespmem:s5+$0x1000] =	vst v9;
	v9 =	vpop (erf)  }
0x59: {  	s21 =	simm.s32 $0x0;
	s22 =	rddreg [dreg:$0x2];
	[tilespmem:s6+$0x1000] =	vst v9  }
0x5a: {  	[tilespmem:s25], [sflag:$0x4] =	stream.linear.gather [hbm4b:s22+s21], $0x1000, $0x38;
	[tilespmem:$0x1F080] =	vst v63  }
0x5b: {  	_ =	swait.ge [sflag:s26], $0x1000  }
0x5c: {  	[sflag:s26] =	ssyncset.done $0x0  }
0x5d: {  	s4 =	simm.s32 $0x0;
	[sflag:s26] =	ssyncadd.s32 $0xFFFFF000  }
0x5e: {  	v9 =	vld [tilespmem:s4+$0x2000];
	_ =	sdelay $0x4  }
0x5f: {  	v9 =	vmul.f32 $1.442695020e+00, v9;
	_ =	sdelay $0x1  }
0x60: {  	(erf) = vpow2.f32 v9;
	_ =	sdelay $0x4  }
0x61: {  	v9 =	vld [tilespmem:s4+$0x0];
	_ =	sdelay $0x3  }
0x62: {  	v10 =	vpop (erf)  }
0x63: {  	[tilespmem:s4+$0x3000] =	vst v6;
	v9 =	vadd.f32 v10, v9  }
0x64: {  	s5 =	simm.s32 $0x10;
	[tilespmem:s4+$0x2000] =	vst v6  }
0x65: {  	(erf) = vrcp.f32 v9;
	v9 =	vld [tilespmem:s5+$0x2000];
	_ =	sdelay $0x4  }
0x66: {  	v9 =	vmul.f32 $1.442695020e+00, v9;
	_ =	sdelay $0x1  }
0x67: {  	(erf) = vpow2.f32 v9;
	_ =	sdelay $0x1  }
0x68: {  	[tilespmem:s5+$0x3000] =	vst v6  }
0x69: {  	s6 =	simm.s32 $0x80;
	[tilespmem:s5+$0x2000] =	vst v6;
	v9 =	vpop (erf)  }
.LBB2_6:
0x6a: {  	p0 =	sne.s32 s6, $0x3FC0;
	[tilespmem:s4+$0x0] =	vst v9;
	s7 =	smov.u32 s6;
	s6 =	sadd.s32 $0x40, s6  }
0x6b: {  	s4 =	smov.u32 s5;
	v9 =	vld [tilespmem:s5+$0x0];
	_ =	sdelay $0x3  }
0x6c: {  	v10 =	vpop (erf)  }
0x6d: {  	s5 =	sshra.s32 s7, $0x2;
	v9 =	vadd.f32 v10, v9  }
0x6e: {  	v10 =	vld [tilespmem:s5+$0x2000];
	[tilespmem:s5+$0x3000] =	vst v6  }
0x6f: {  	[tilespmem:s5+$0x2000] =	vst v6;
	(erf) = vrcp.f32 v9;
	_ =	sdelay $0x3  }
0x70: {  	v9 =	vmul.f32 $1.442695020e+00, v10  }
.Ltmp2:
0x71: {  	(pc) =	sbr.rel @p0 .LBB2_6-.Ltmp2, $2  }
0x72: {  	(erf) = vpow2.f32 v9;
	_ =	sdelay $0x2  }
0x73: {  	v9 =	vpop (erf)  }
0x74: {  	[tilespmem:s4+$0x0] =	vst v9  }
0x75: {  	v9 =	vld [tilespmem:s5+$0x0];
	_ =	sdelay $0x3  }
0x76: {  	v10 =	vpop (erf)  }
0x77: {  	v9 =	vadd.f32 v10, v9;
	_ =	sdelay $0x1  }
0x78: {  	(erf) = vrcp.f32 v9;
	_ =	sdelay $0x8  }
0x79: {  	v9 =	vpop (erf)  }
0x7a: {  	[tilespmem:s5+$0x0] =	vst v9  }
0x7b: {  	_ =	swait.ge [sflag:s29], $0x4000  }
0x7c: {  	[sflag:s29] =	ssyncset.done $0x0  }
0x7d: {  	[sflag:s29] =	ssyncadd.s32 $0xFFFFC000  }
0x7e: {  	_ =	swait.ge [sflag:s29], $0x4000  }
0x7f: {  	[sflag:s29] =	ssyncset.done $0x0  }
0x80: {  	[sflag:s29] =	ssyncadd.s32 $0xFFFFC000  }
0x81: {  	_ =	swait.ge [sflag:s29], $0x4000  }
0x82: {  	[sflag:s29] =	ssyncset.done $0x0  }
0x83: {  	[sflag:s29] =	ssyncadd.s32 $0xFFFFC000  }
0x84: {  	_ =	swait.ge [sflag:s30], $0x4000  }
0x85: {  	[sflag:s30] =	ssyncset.done $0x0  }
0x86: {  	[sflag:s30] =	ssyncadd.s32 $0xFFFFC000  }
0x87: {  	_ =	swait.ge [sflag:s30], $0x4000  }
0x88: {  	[sflag:s30] =	ssyncset.done $0x0  }
0x89: {  	[sflag:s30] =	ssyncadd.s32 $0xFFFFC000  }
0x8a: {  	_ =	swait.ge [sflag:s30], $0x4000  }
0x8b: {  	[sflag:s30] =	ssyncset.done $0x0  }
0x8c: {  	s5 =	simm.s32 $0x4021;
	[sflag:s30] =	ssyncadd.s32 $0xFFFFC000  }
0x8d: {  	s22 =	simm.s32 $0xC0A0;
	v9 =	vld [tilespmem:s5+$0xFFFFFFEF]  }
0x8e: {  	v16 =	vld [tilespmem:s22+$0x10]  }
0x8f: {  	v18 =	vld [tilespmem:s22+$0xFFFFFFE0]  }
0x90: {  	v19 =	vld [tilespmem:s22+$0xFFFFFFF0]  }
0x91: {  	v20 =	vld [tilespmem:s5+$0xFFFFFFEE]  }
0x92: {  	v11 =	vld [tilespmem:s5+$0x1F]  }
0x93: {  	v21 =	vld [tilespmem:s5+$0xFFFFFFFE]  }
0x94: {  	v15 =	vld [tilespmem:s5+$0xF]  }
0x95: {  	v22 =	vld [tilespmem:s5+$0x1E]  }
0x96: {  	v23 =	vld [tilespmem:s5+$0xE]  }
0x97: {  	s6 =	simm.s32 $0x4;
	s7 =	simm.s32 $0x2;
	v12 =	vld [tilespmem:s5+$0xFFFFFFFF]  }
0x98: {  	s21 =	simm.s32 $0x140A0;
	v14 =	vadd.s32 s6, v1;
	v13 =	vadd.s32 s7, v1;
	v26 =	vld [tilespmem:s22+$0x0];
	v17 =	vbroadcast v9, $0x0  }
0x99: {  	s8 =	simm.s32 $0x0;
	vm11 =	vlt.s32 v14, $0xFFF;
	vm12 =	vlt.s32 v13, $0xFFF;
	v32 =	vld [tilespmem:s21+$0x10]  }
0x9a: {  	v10 =	vadd.s32 s8, v1;
	v61 =	vld [tilespmem:s5+$0xFFFFFFF7];
	(v2sf) =	vpush v9, $0x0;
	vm0 =	vne.s32 v9, v17  }
0x9b: {  	s20 =	simm.s32 $0x0;
	v18 =	vmul.f32 $8.999999760e-01, v18;
	vm2 =	veq.s32 v20, v9;
	v25 =	vmctz.xlane vm0;
	v27 =	vld.idx.msk [tilespmem:v11+s31+$0x0], $0xffff  }
0x9c: {  	vm1 =	veq.s32 v22, v11;
	v16 =	vmul.f32 $8.999999760e-01, v16;
	v31 =	vbroadcast v12, $0x0;
	v28 =	vld.idx.msk [tilespmem:v15+s20+$0x0], $0xffff  }
0x9d: {  	(v2sf) =	vpush v20, $0x0;
	vm5 =	veq.s32 v9, v17;
	v17 =	vadd.s32 $0xFFFFFFFF, v25;
	v25 =	vld.idx.msk [tilespmem:v11+s20+$0x0], $0xffff  }
0x9e: {  	v26 =	vmul.f32 $8.999999760e-01, v26;
	vm3 =	veq.s32 v23, v15;
	(v2sf) =	vpush v21, $0x0;
	v29 =	vld.idx.msk [tilespmem:v15+s31+$0x0], $0xffff  }
0x9f: {  	vm10 =	veq.s32 v61, v12;
	v24 =	vld.idx.msk [tilespmem:v9+s20+$0x0], $0xffff;
	(v2sf) =	vpush v22, $0x0;
	v22 =	vbroadcast v11, $0x0  }
0xa0: {  	v20 =	vmul.f32 $8.999999760e-01, v19;
	v19 =	vbroadcast v15, $0x0;
	v30 =	vld.idx.msk [tilespmem:v9+s31+$0x0], $0xffff;
	(v2sf) =	vpush v11, $0x0  }
0xa1: {  	v33 =	vld [tilespmem:s21+$0xFFFFFFE0];
	vm0 =	vne.s32 v12, v31;
	(v2sf) =	vpush v23, $0x0;
	vm4 =	vne.s32 v11, v22  }
0xa2: {  	(v2sf) =	vpush v12, $0x0;
	v23 =	vmul.f32 $1.000000010e-01, v27;
	v27 =	vld.idx.msk [tilespmem:v12+s20+$0x0], $0xffff;
	v16 =	vmul.f32 v25, v16  }
0xa3: {  	v17 =	vnsel vm13, $0xF, v17;
	v26 =	vmul.f32 v28, v26;
	v28 =	vmul.f32 $1.000000010e-01, v29;
	v29 =	vld.idx.msk [tilespmem:v12+s31+$0x0], $0xffff  }
0xa4: {  	(v2sf) =	vpush v15, $0x0;
	v24 =	vmul.f32 v24, v18;
	v25 =	vld [tilespmem:s21+$0x0];
	v18 =	vadd.f32 v23, v16  }
0xa5: {  	v16 =	vmul.f32 $1.000000010e-01, v30;
	v30 =	vmctz.xlane vm0;
	vm0 =	vne.s32 v15, v19  }
0xa6: {  	v23 =	vadd.f32 v28, v26;
	v34 =	vmctz.xlane vm0;
	vm0 =	veq.s32 v11, v22;
	v22 =	vld [tilespmem:s5+$0xB]  }
0xa7: {  	v20 =	vmul.f32 v27, v20;
	v27 =	vld [tilespmem:s21+$0xFFFFFFF0];
	v26 =	vmul.f32 v18, v32;
	v16 =	vadd.f32 v16, v24  }
0xa8: {  	v29 =	vmul.f32 $1.000000010e-01, v29;
	v24 =	vmctz.xlane vm4;
	vm4 =	veq.s32 v21, v12  }
0xa9: {  	v21 =	vmul.f32 v23, v25;
	v25 =	vand.u32 $0xFFFFFFF0, v26;
	v26 =	vmul.f32 v16, v33  }
0xaa: {  	v28 =	vld [tilespmem:s5+$0x0];
	v20 =	vadd.f32 v29, v20;
	v24 =	vadd.s32 $0xFFFFFFFF, v24;
	v25 =	vor.u32 v7, v25  }
0xab: {  	v21 =	vand.u32 $0xFFFFFFF0, v21;
	v51 =	vperm.xlane v25, v2;
	v26 =	vand.u32 $0xFFFFFFF0, v26  }
0xac: {  	v35 =	vld [tilespmem:s5+$0x1B];
	v21 =	vor.u32 v7, v21;
	vm6 =	veq.s32 v22, v15;
	v27 =	vmul.f32 v20, v27  }
0xad: {  	v22 =	vld [tilespmem:s5+$0x1D];
	v29 =	vperm.xlane v21, v2;
	v26 =	vor.u32 v7, v26;
	v32 =	vmax.f32 v51, v25  }
0xae: {  	v53 =	vld [tilespmem:s5+$0xD];
	v52 =	vperm.xlane v26, v2;
	v27 =	vand.u32 $0xFFFFFFF0, v27;
	v25 =	vsel vm1, v32, v25  }
0xaf: {  	v29 =	vmax.f32 v29, v21;
	vm1 =	vne.s32 v12, v28;
	v27 =	vor.u32 v7, v27  }
0xb0: {  	v28 =	vld [tilespmem:s5+$0xFFFFFFED];
	v21 =	vsel vm3, v29, v21;
	v29 =	vmax.f32 v52, v26;
	v54 =	vperm.xlane v25, v3  }
0xb1: {  	vm3 =	veq.s32 v35, v11;
	v26 =	vsel vm2, v29, v26;
	v29 =	vperm.xlane v21, v3  }
0xb2: {  	v55 =	vld [tilespmem:s5+$0x7];
	vm2 =	veq.s32 v22, v11;
	v22 =	vperm.xlane v27, v2;
	v32 =	vmax.f32 v54, v25  }
0xb3: {  	v36 =	vld [tilespmem:s5+$0xFFFFFFFD];
	v25 =	vsel vm2, v32, v25;
	vm2 =	veq.s32 v53, v15;
	v29 =	vmax.f32 v29, v21  }
0xb4: {  	v57 =	vld [tilespmem:s5+$0xFFFFFFFB];
	v22 =	vmax.f32 v22, v27;
	v21 =	vsel vm2, v29, v21;
	v29 =	vperm.xlane v25, v4  }
0xb5: {  	vm2 =	veq.s32 v28, v9;
	v28 =	vld [tilespmem:s5+$0x17];
	v22 =	vsel vm4, v22, v27;
	v27 =	vperm.xlane v21, v4  }
0xb6: {  	v37 =	vperm.xlane v26, v3;
	v56 =	vperm.xlane v22, v3;
	v29 =	vmax.f32 v29, v25  }
0xb7: {  	vm4 =	veq.s32 v55, v15;
	v27 =	vmax.f32 v27, v21;
	v25 =	vsel vm3, v29, v25  }
0xb8: {  	s9 =	spop (v2sf);
	vm3 =	veq.s32 v36, v12;
	v29 =	vmax.f32 v56, v22;
	v27 =	vsel vm6, v27, v21  }
0xb9: {  	s10 =	spop (v2sf);
	v21 =	vperm.xlane v25, v5;
	v22 =	vsel vm3, v29, v22;
	vm6 =	veq.s32 v57, v12  }
0xba: {  	s7 =	spop (v2sf);
	vm3 =	veq.s32 v28, v11;
	v28 =	vmax.f32 v37, v26;
	v29 =	vperm.xlane v27, v5  }
0xbb: {  	s22 =	spop (v2sf);
	v59 =	vperm.xlane v22, v4;
	v26 =	vsel vm2, v28, v26;
	v21 =	vmax.f32 v21, v25  }
0xbc: {  	v58 =	vld [tilespmem:s5+$0xFFFFFFEB];
	p0 =	seq.s32 s10, s9;
	s8 =	spop (v2sf);
	vm2 =	vmmov vm9;
	v21 =	vsel vm3, v21, v25;
	v25 =	vmax.f32 v29, v27  }
0xbd: {  	s9 =	spop (v2sf);
	vm2 =	vmneg @p0 vm2;
	vm3 =	vmmov vm9;
	v28 =	vsel vm4, v25, v27  }
0xbe: {  	s10 =	spop (v2sf);
	p0 =	seq.s32 s22, s8;
	v25 =	vmax.f32 v59, v22;
	v27 =	vperm.xlane v26, v4;
	vm2 =	vmand vm5, vm2  }
0xbf: {  	p1 =	seq.s32 s7, s10;
	vm4 =	vmmov vm9;
	vm5 =	veq.s32 v12, v31;
	vm3 =	vmneg @p0 vm3  }
0xc0: {  	s22 =	spop (v2sf);
	v32 =	vsel vm6, v25, v22;
	vm4 =	vmneg @p1 vm4;
	vm0 =	vmand vm0, vm3  }
0xc1: {  	p0 =	seq.s32 s9, s22;
	v22 =	vld [tilespmem:s5+$0xFFFFFFE7];
	vm3 =	vmmov vm9;
	vm4 =	vmand vm5, vm4;
	vm5 =	veq.s32 v58, v9  }
0xc2: {  	v25 =	vmax.f32 v27, v26;
	vm3 =	vmneg @p0 vm3;
	vm0 =	vmneg vm0  }
0xc3: {  	v36 =	vperm.xlane v32, v5;
	v25 =	vsel vm5, v25, v26;
	vm4 =	vmneg vm4  }
0xc4: {  	v27 =	vld [tilespmem:s5+$0x10];
	vm5 =	veq.s32 v15, v19;
	v19 =	vshrl.u32 v17, $0x1B;
	v26 =	vadd.s32 $0xFFFFFFFF, v30  }
0xc5: {  	vm8 =	vmand vm1, vm4;
	vm4 =	vlt.s32 v10, $0xFFF;
	vm1 =	vmand vm5, vm3  }
0xc6: {  	v29 =	vld [tilespmem:s5+$0x20];
	v31 =	vperm.xlane v25, v5;
	vm3 =	veq.s32 v22, v9;
	v22 =	vadd.s32 $0xFFFFFFFF, v34  }
0xc7: {  	v19 =	vand.u32 $0x10, v19;
	vm1 =	vmneg vm1;
	v30 =	vnsel vm13, $0xF, v22  }
0xc8: {  	v22 =	vnsel vm13, $0xF, v26;
	v26 =	vmax.f32 v31, v25;
	v60 =	vshrl.u32 v30, $0x1B  }
0xc9: {  	v62 =	vshrl.u32 v22, $0x1B;
	v26 =	vsel vm3, v26, v25;
	vm3 =	vne.s32 v15, v27  }
0xca: {  	v27 =	vxor.u32 $0xF, v28;
	v63 =	vand.u32 $0x10, v60;
	vm1 =	vmand vm3, vm1  }
0xcb: {  	vm3 =	vne.s32 v11, v29;
	v25 =	vand.u32 $0x10, v62;
	v33 =	vperm.xlane v23, v27  }
0xcc: {  	v27 =	vnsel vm13, $0xF, v24;
	v29 =	vxor.u32 $0xF, v21;
	v30 =	vadd.s32 v30, v63  }
0xcd: {  	s4 =	simm.s32 $0x0;
	s6 =	simm.s32 $0x4061;
	vm7 =	vmand vm3, vm0;
	v23 =	vshrl.u32 v27, $0x1B;
	v31 =	vperm.xlane v28, v30  }
0xce: {  	v35 =	vld [tilespmem:s5+$0xFFFFFFF0];
	s7 =	simm.s32 $0xC0E0;
	s22 =	simm.s32 $0x6;
	s5 =	simm.s32 $0xE;
	vm0 =	vmneg vm2;
	v24 =	vperm.xlane v33, v30;
	v34 =	vperm.xlane v15, v30  }
.LBB2_8:
0xcf: {  	v37 =	vnsel vm11, $0xFFF, v14;
	v38 =	vand.u32 $0x10, v23;
	vm2 =	vmmov vm12  }
0xd0: {  	v25 =	vadd.s32 v22, v25;
	v42 =	vimm.s32 $0x0;
	v59 =	vimm.s32 $0x0  }
0xd1: {  	v30 =	vld [tilespmem:s6+$0xFFFFFFEF];
	s8 =	sadd.s32 $0xFFFFFFFE, s5;
	v46 =	vadd.s32 v17, v19;
	v18 =	vperm.xlane v18, v29;
	v51 =	vxor.u32 $0xF, v26  }
0xd2: {  	v39 =	vld [tilespmem:s6+$0xFFFFFFE7];
	s10 =	sadd.s32 $0xFFFFFFFC, s5;
	v36 =	vmax.f32 v36, v32;
	v14 =	vadd.s32 s8, v1;
	v40 =	vperm.xlane v12, v25  }
0xd3: {  	v57 =	vld [tilespmem:s7+$0x10];
	[tilespmem:v11+s25+$0x0] =	vst.idx.msk vm7, v21;
	v41 =	vadd.s32 s10, v1;
	v45 =	vnsel vm2, $0xFFF, v13;
	v29 =	vperm.xlane v9, v46  }
0xd4: {  	v22 =	vld [tilespmem:s6+$0x0];
	v27 =	vadd.s32 v27, v38;
	v16 =	vperm.xlane v16, v51;
	v23 =	vsel vm10, v36, v32  }
0xd5: {  	v43 =	vld [tilespmem:s7+$0xFFFFFFE0];
	vm3 =	vlt.s32 v14, $0xFFF;
	v21 =	vperm.xlane v21, v27;
	v32 =	vxor.u32 $0xF, v23;
	[tilespmem:v12+s25+$0x0] =	vst.idx.msk vm8, v23  }
0xd6: {  	v36 =	vperm.xlane v23, v25;
	v23 =	vld [tilespmem:s6+$0x7];
	v42 =	vsel vm3, $0xFFFFFFFF, v42;
	vm3 =	vlt.s32 v41, $0xFFF;
	[tilespmem:v15+s25+$0x0] =	vst.idx.msk vm1, v28  }
0xd7: {  	v58 =	vld [tilespmem:s6+$0xFFFFFFEE];
	v28 =	vimm.s32 $0x0;
	v32 =	vperm.xlane v20, v32;
	v20 =	vimm.s32 $0x0;
	[tilespmem:v15+s28+$0x0] =	vst.idx.msk vm1, v33  }
0xd8: {  	s9 =	sadd.s32 $0xFFFFFFFA, s5;
	v63 =	vld [tilespmem:s6+$0x1E];
	v15 =	vadd.s32 s22, v1;
	v20 =	vsel vm3, $0xFFFFFFFF, v20;
	v44 =	vbroadcast v30, $0x0;
	[tilespmem:v37+s1+$0x0] =	vst.idx.msk $0x3, v34  }
0xd9: {  	v19 =	vld [tilespmem:s6+$0x1F];
	vm2 =	vlt.s32 v15, $0xFFF;
	[tilespmem:$0x1FFA0] =	vst v20;
	v20 =	vnsel vm4, $0xFFF, v10;
	v10 =	vadd.s32 s9, v1  }
0xda: {  	v61 =	vld [tilespmem:s6+$0xFFFFFFFE];
	v62 =	vnsel vm2, $0xFFF, v15;
	[tilespmem:v37+s0+$0x0] =	vst.idx.msk $0x3, v31;
	vm3 =	vlt.s32 v10, $0xFFF;
	vm1 =	veq.s32 v30, v44  }
0xdb: {  	v13 =	vmovc v41;
	[tilespmem:v11+s28+$0x0] =	vst.idx.msk vm7, v18;
	v31 =	vld [tilespmem:s6+$0xE];
	v28 =	vsel vm3, $0xFFFFFFFF, v28;
	v41 =	vsel vm1, $0xFFFFFFFF, v59;
	vm1 =	vne.s32 v30, v44  }
0xdc: {  	v53 =	vimm.s32 $0x0;
	v38 =	vperm.xlane v11, v27;
	v50 =	vld [tilespmem:s6+$0xB];
	[tilespmem:$0x1FFF0] =	vst v28;
	v60 =	vmctz.xlane vm1  }
0xdd: {  	v48 =	vperm.xlane v18, v27;
	(v2sf) =	vpush v30, $0x0;
	vm12 =	veq.s32 v58, v30;
	v28 =	vld [tilespmem:s7+$0xFFFFFFF0];
	[tilespmem:v12+s28+$0x0] =	vst.idx.msk vm8, v32  }
0xde: {  	v47 =	vmul.f32 $8.999999760e-01, v43;
	v18 =	vld.idx.msk [tilespmem:v30+s20+$0x0], $0xffff;
	vm1 =	vne.s32 v9, v35;
	[tilespmem:v45+s1+$0x0] =	vst.idx.msk $0x3, v40;
	v15 =	vadd.s32 $0xFFFFFFFF, v60  }
0xdf: {  	v25 =	vperm.xlane v32, v25;
	vm0 =	vmand vm1, vm0;
	[tilespmem:v62+s1+$0x0] =	vst.idx.msk $0x3, v38;
	v17 =	vnsel vm13, $0xF, v15;
	v15 =	vld [tilespmem:s6+$0xF]  }
0xe0: {  	(v2sf) =	vpush v58, $0x0;
	vm15 =	veq.s32 v63, v19;
	v49 =	vbroadcast v19, $0x0;
	v11 =	vmovc v19;
	v12 =	vld [tilespmem:s6+$0xFFFFFFFF];
	[tilespmem:v45+s0+$0x0] =	vst.idx.msk $0x3, v36  }
0xe1: {  	v27 =	vimm.s32 $0x0;
	v58 =	vperm.xlane v16, v46;
	vm1 =	veq.s32 v39, v30;
	[tilespmem:v62+s0+$0x0] =	vst.idx.msk $0x3, v21;
	v21 =	vld.idx.msk [tilespmem:v30+s31+$0x0], $0xffff  }
0xe2: {  	s21 =	sadd.s32 $0x40, s21;
	v52 =	vld [tilespmem:s7+$0x0];
	(v2sf) =	vpush v61, $0x0;
	v27 =	vsel vm1, $0xFFFFFFFF, v27;
	vm1 =	veq.s32 v11, v49;
	[tilespmem:v37+s2+$0x0] =	vst.idx.msk $0x3, v24  }
0xe3: {  	(v2sf) =	vpush v63, $0x0;
	v39 =	vsel vm1, $0xFFFFFFFF, v53;
	vm1 =	vne.s32 v11, v49;
	[tilespmem:v62+s2+$0x0] =	vst.idx.msk $0x3, v48;
	v62 =	vld [tilespmem:s21+$0x0]  }
0xe4: {  	(v2sf) =	vpush v19, $0x0;
	[tilespmem:v45+s2+$0x0] =	vst.idx.msk $0x3, v25;
	v18 =	vmul.f32 v18, v47;
	v28 =	vmul.f32 $8.999999760e-01, v28;
	v24 =	vld.idx.msk [tilespmem:v19+s31+$0x0], $0xffff  }
0xe5: {  	(v2sf) =	vpush v31, $0x0;
	v25 =	vld.idx.msk [tilespmem:v11+s20+$0x0], $0xffff;
	[tilespmem:v9+s25+$0x0] =	vst.idx.msk vm0, v26;
	v26 =	vperm.xlane v26, v46;
	v54 =	vbroadcast v12, $0x0  }
0xe6: {  	[tilespmem:$0x1FFE0] =	vst v27;
	v27 =	vshrl.u32 v17, $0x1B;
	v55 =	vld [tilespmem:s21+$0xFFFFFFE0];
	v56 =	vbroadcast v15, $0x0;
	v21 =	vmul.f32 $1.000000010e-01, v21  }
0xe7: {  	v19 =	vand.u32 $0x10, v27;
	vm2 =	veq.s32 v31, v15;
	v31 =	vmul.f32 $8.999999760e-01, v57;
	[tilespmem:v9+s28+$0x0] =	vst.idx.msk vm0, v16;
	v57 =	vld.idx.msk [tilespmem:v15+s20+$0x0], $0xffff  }
0xe8: {  	vm3 =	vne.s32 v12, v54;
	vm0 =	vne.s32 v15, v56;
	v16 =	vadd.f32 v21, v18;
	v21 =	vld.idx.msk [tilespmem:v15+s31+$0x0], $0xffff  }
0xe9: {  	v9 =	vmovc v30;
	[tilespmem:v20+s1+$0x0] =	vst.idx.msk $0x3, v29;
	v27 =	vld.idx.msk [tilespmem:v12+s31+$0x0], $0xffff;
	v30 =	vmctz.xlane vm0;
	vm0 =	vne.s32 v12, v22;
	v22 =	vimm.s32 $0x0  }
0xea: {  	v18 =	vmctz.xlane vm3;
	v29 =	vld.idx.msk [tilespmem:v12+s20+$0x0], $0xffff;
	v59 =	vmul.f32 $1.000000010e-01, v24;
	[tilespmem:v20+s0+$0x0] =	vst.idx.msk $0x3, v26;
	v22 =	vsel vm0, $0xFFFFFFFF, v22  }
0xeb: {  	[tilespmem:$0x1FFC0] =	vst v22;
	v22 =	vmul.f32 $8.999999760e-01, v52;
	v26 =	vmul.f32 v16, v55;
	v24 =	vadd.s32 $0xFFFFFFFF, v30;
	v30 =	vld [tilespmem:s21+$0x10]  }
0xec: {  	vm8 =	veq.s32 v61, v12;
	v25 =	vmul.f32 v25, v31;
	v31 =	vld [tilespmem:s6+$0x1D];
	v18 =	vadd.s32 $0xFFFFFFFF, v18  }
0xed: {  	v60 =	vld [tilespmem:s6+$0xFFFFFFED];
	[tilespmem:v20+s2+$0x0] =	vst.idx.msk $0x3, v58;
	v20 =	vmul.f32 v57, v22;
	v22 =	vand.u32 $0xFFFFFFF0, v26;
	v21 =	vmul.f32 $1.000000010e-01, v21  }
0xee: {  	v61 =	vor.u32 v7, v22;
	v22 =	vnsel vm13, $0xF, v18;
	v18 =	vadd.f32 v59, v25  }
0xef: {  	v63 =	vmctz.xlane vm1;
	v44 =	vadd.f32 v21, v20  }
0xf0: {  	v28 =	vmul.f32 v29, v28;
	v20 =	vmul.f32 v18, v30  }
0xf1: {  	vm1 =	vmmov vm9;
	v29 =	vld [tilespmem:s21+$0xFFFFFFF0];
	v27 =	vmul.f32 $1.000000010e-01, v27;
	v30 =	vmul.f32 v44, v62  }
0xf2: {  	v49 =	vld [tilespmem:s6+$0xD];
	(v2sf) =	vpush v12, $0x0;
	vm5 =	veq.s32 v31, v11;
	v31 =	vand.u32 $0xFFFFFFF0, v20  }
0xf3: {  	v20 =	vadd.f32 v27, v28;
	v27 =	vor.u32 v7, v31;
	v30 =	vand.u32 $0xFFFFFFF0, v30  }
0xf4: {  	vm14 =	veq.s32 v50, v15;
	v45 =	vperm.xlane v27, v2;
	v30 =	vor.u32 v7, v30  }
0xf5: {  	vm4 =	veq.s32 v23, v15;
	vm7 =	veq.s32 v12, v54;
	v48 =	vperm.xlane v30, v2  }
0xf6: {  	vm11 =	veq.s32 v15, v56;
	v28 =	vld [tilespmem:s6+$0x17];
	v29 =	vmul.f32 v20, v29;
	v23 =	vmax.f32 v45, v27  }
0xf7: {  	vm0 =	veq.s32 v49, v15;
	v23 =	vsel vm15, v23, v27;
	v27 =	vmax.f32 v48, v30  }
0xf8: {  	v21 =	vperm.xlane v61, v2;
	v29 =	vand.u32 $0xFFFFFFF0, v29;
	v27 =	vsel vm2, v27, v30  }
0xf9: {  	v24 =	vnsel vm13, $0xF, v24;
	v31 =	vld [tilespmem:s6+$0x10];
	v29 =	vor.u32 v7, v29;
	v51 =	vperm.xlane v27, v3  }
0xfa: {  	v26 =	vshrl.u32 v24, $0x1B;
	v21 =	vmax.f32 v21, v61;
	v30 =	vperm.xlane v29, v2  }
0xfb: {  	v21 =	vsel vm12, v21, v61;
	vm15 =	veq.s32 v28, v11;
	v53 =	vmax.f32 v51, v27  }
0xfc: {  	v46 =	vld [tilespmem:s6+$0xFFFFFFFD];
	s9 =	spop (v2sf);
	v28 =	vperm.xlane v21, v3;
	v30 =	vmax.f32 v30, v29;
	v27 =	vsel vm0, v53, v27  }
0xfd: {  	v47 =	vld [tilespmem:s6+$0xFFFFFFFB];
	s10 =	spop (v2sf);
	v50 =	vperm.xlane v23, v3;
	v29 =	vsel vm8, v30, v29;
	v30 =	vperm.xlane v27, v4  }
0xfe: {  	v52 =	vld [tilespmem:s6+$0x1B];
	s8 =	spop (v2sf);
	vm3 =	veq.s32 v60, v9;
	vm2 =	vne.s32 v15, v31;
	v28 =	vmax.f32 v28, v21  }
0xff: {  	p1 =	seq.s32 s10, s9;
	s9 =	spop (v2sf);
	v31 =	vmax.f32 v50, v23;
	v55 =	vsel vm3, v28, v21;
	v21 =	vmax.f32 v30, v27;
	v30 =	vld [tilespmem:s6+$0xFFFFFFEB]  }
0x100: {  	(v2sf) =	vpush v15, $0x0;
	v26 =	vand.u32 $0x10, v26;
	s10 =	spop (v2sf);
	v23 =	vsel vm5, v31, v23  }
0x101: {  	vm6 =	veq.s32 v46, v12;
	p3 =	seq.s32 s9, s10;
	v26 =	vadd.s32 v24, v26;
	v31 =	vperm.xlane v23, v4  }
0x102: {  	v43 =	vshrl.u32 v22, $0x1B;
	vm1 =	vmneg @p3 vm1;
	v34 =	vperm.xlane v15, v26  }
0x103: {  	[tilespmem:$0x1FF90] =	vst v41;
	v54 =	vperm.xlane v29, v3;
	vm0 =	veq.s32 v52, v11;
	v31 =	vmax.f32 v31, v23  }
0x104: {  	vm12 =	veq.s32 v47, v12;
	v23 =	vsel vm0, v31, v23;
	vm3 =	veq.s32 v30, v9;
	v30 =	vld [tilespmem:$0x1FF90]  }
0x105: {  	v28 =	vmax.f32 v54, v29;
	v31 =	vsel vm14, v21, v27;
	v21 =	vperm.xlane v23, v5  }
0x106: {  	v56 =	vperm.xlane v55, v4;
	v58 =	vsel vm6, v28, v29;
	v57 =	vperm.xlane v31, v5  }
0x107: {  	vm0 =	vmmov vm9;
	v27 =	vadd.s32 $0xFFFFFFFF, v63;
	v21 =	vmax.f32 v21, v23  }
0x108: {  	[tilespmem:$0x1FFB0] =	vst v39;
	v28 =	vmax.f32 v57, v31;
	v21 =	vsel vm15, v21, v23;
	v23 =	vperm.xlane v58, v4  }
0x109: {  	v60 =	vld [tilespmem:$0x1FFB0];
	s9 =	spop (v2sf);
	vm0 =	vmneg @p1 vm0;
	v28 =	vsel vm4, v28, v31;
	vm4 =	vnez.u8 v30  }
0x10a: {  	v61 =	vld [tilespmem:$0x1FFC0];
	s10 =	spop (v2sf);
	v23 =	vmax.f32 v23, v58;
	v30 =	vxor.u32 $0xF, v28;
	vm0 =	vmand vm4, vm0  }
0x10b: {  	p2 =	seq.s32 s8, s10;
	v63 =	vld [tilespmem:$0x1FFE0];
	v33 =	vperm.xlane v44, v30;
	v30 =	vmax.f32 v56, v55;
	vm4 =	vmmov vm9  }
0x10c: {  	[tilespmem:$0x1FFD0] =	vst v42;
	v42 =	vld [tilespmem:s6+$0xFFFFFFF7];
	v31 =	vperm.xlane v28, v26;
	vm4 =	vmneg @p2 vm4;
	v30 =	vsel vm3, v30, v55  }
0x10d: {  	v59 =	vld [tilespmem:s6+$0x20];
	v32 =	vsel vm12, v23, v58;
	vm4 =	vmand vm7, vm4;
	v35 =	vperm.xlane v30, v5  }
0x10e: {  	v24 =	vperm.xlane v33, v26;
	vm3 =	vmneg vm4;
	vm4 =	vnez.u8 v60  }
0x10f: {  	v23 =	vld [tilespmem:$0x1FFA0];
	vm1 =	vmand vm4, vm1;
	vm4 =	vnez.u8 v61;
	v26 =	vmax.f32 v35, v30  }
0x110: {  	s4 =	sadd.s32 $0x4, s4;
	v62 =	vld [tilespmem:$0x1FFD0];
	vm8 =	vmand vm4, vm3;
	vm4 =	vmneg vm1;
	vm1 =	vnez.u8 v63  }
0x111: {  	p0 =	slt.u32 s4, $0x7FC;
	vm10 =	veq.s32 v42, v12;
	v25 =	vand.u32 $0x10, v43;
	s10 =	spop (v2sf);
	v26 =	vsel vm1, v26, v30;
	v30 =	vld [tilespmem:$0x1FFF0]  }
.Ltmp3:
0x112: {  	p3 =	seq.s32 s9, s10;
	vm5 =	vne.s32 v11, v59;
	v27 =	vnsel vm13, $0xF, v27;
	vm3 =	vmmov vm9;
	(pc) =	sbr.rel @p0 .LBB2_8-.Ltmp3, $4  }
0x113: {  	v29 =	vxor.u32 $0xF, v21;
	v36 =	vperm.xlane v32, v5;
	vm3 =	vmneg @p3 vm3  }
0x114: {  	vm12 =	vnez.u8 v23;
	v23 =	vshrl.u32 v27, $0x1B;
	vm3 =	vmand vm11, vm3  }
0x115: {  	s22 =	smov.u32 s5;
	vm0 =	vmneg vm0;
	vm7 =	vmand vm5, vm4;
	vm3 =	vmneg vm3  }
0x116: {  	s5 =	sadd.s32 $0x8, s5;
	s7 =	sadd.s32 $0x40, s7;
	v35 =	vld [tilespmem:s6+$0xFFFFFFF0];
	s6 =	sadd.s32 $0x40, s6;
	vm11 =	vnez.u8 v62;
	vm1 =	vmand vm2, vm3;
	vm4 =	vnez.u8 v30  }
0x117: {  	_ =	sdelay $0x4  }
0x118: {  	v14 =	vnsel vm11, $0xFFF, v14;
	[tilespmem:v15+s25+$0x0] =	vst.idx.msk vm1, v28  }
0x119: {  	v30 =	vmax.f32 v36, v32;
	vm2 =	vmmov vm12;
	[tilespmem:v11+s25+$0x0] =	vst.idx.msk vm7, v21  }
0x11a: {  	v55 =	vadd.s32 s22, v1;
	v18 =	vperm.xlane v18, v29;
	v30 =	vsel vm10, v30, v32;
	[tilespmem:v15+s28+$0x0] =	vst.idx.msk vm1, v33  }
0x11b: {  	v13 =	vnsel vm2, $0xFFF, v13;
	vm1 =	vlt.s32 v55, $0xFFF;
	[tilespmem:v12+s25+$0x0] =	vst.idx.msk vm8, v30;
	v56 =	vxor.u32 $0xF, v30  }
0x11c: {  	v15 =	vnsel vm1, $0xFFF, v55;
	[tilespmem:v11+s28+$0x0] =	vst.idx.msk vm7, v18;
	v20 =	vperm.xlane v20, v56  }
0x11d: {  	v22 =	vadd.s32 v22, v25;
	v23 =	vand.u32 $0x10, v23;
	[tilespmem:v14+s1+$0x0] =	vst.idx.msk $0x3, v34  }
0x11e: {  	v57 =	vperm.xlane v12, v22;
	v58 =	vadd.s32 v27, v23;
	[tilespmem:v12+s28+$0x0] =	vst.idx.msk vm8, v20  }
0x11f: {  	v23 =	vperm.xlane v11, v58;
	vm2 =	vne.s32 v9, v35;
	[tilespmem:v14+s0+$0x0] =	vst.idx.msk $0x3, v31  }
0x120: {  	vm0 =	vmand vm2, vm0;
	[tilespmem:v13+s1+$0x0] =	vst.idx.msk $0x3, v57  }
0x121: {  	v60 =	vperm.xlane v30, v22;
	[tilespmem:v15+s1+$0x0] =	vst.idx.msk $0x3, v23  }
0x122: {  	v59 =	vperm.xlane v21, v58;
	[tilespmem:v14+s2+$0x0] =	vst.idx.msk $0x3, v24  }
0x123: {  	v11 =	vperm.xlane v18, v58;
	[tilespmem:v13+s0+$0x0] =	vst.idx.msk $0x3, v60  }
0x124: {  	v10 =	vnsel vm4, $0xFFF, v10;
	[tilespmem:v15+s0+$0x0] =	vst.idx.msk $0x3, v59  }
0x125: {  	v61 =	vxor.u32 $0xF, v26;
	[tilespmem:v15+s2+$0x0] =	vst.idx.msk $0x3, v11;
	v11 =	vperm.xlane v20, v22  }
0x126: {  	v62 =	vadd.s32 v17, v19;
	v15 =	vperm.xlane v16, v61;
	[tilespmem:v9+s25+$0x0] =	vst.idx.msk vm0, v26  }
0x127: {  	v63 =	vperm.xlane v9, v62;
	[tilespmem:v13+s2+$0x0] =	vst.idx.msk $0x3, v11  }
0x128: {  	v11 =	vperm.xlane v26, v62;
	[tilespmem:v9+s28+$0x0] =	vst.idx.msk vm0, v15  }
0x129: {  	v9 =	vperm.xlane v15, v62;
	[tilespmem:v10+s1+$0x0] =	vst.idx.msk $0x3, v63  }
0x12a: {  	[tilespmem:v10+s0+$0x0] =	vst.idx.msk $0x3, v11  }
0x12b: {  	s5 =	simm.s32 $0x0;
	[tilespmem:v10+s2+$0x0] =	vst.idx.msk $0x3, v9  }
0x12c: {  	v10 =	vld [tilespmem:s5+$0x1D080]  }
0x12d: {  	s4 =	simm.s32 $0x40;
	vm5 =	vcmask $0x3F3C;
	v9 =	vld [tilespmem:s5+$0x1C080]  }
.LBB2_10:
0x12e: {  	p0 =	sne.s32 s4, $0x3FC0;
	_ =	sdelay $0x3  }
0x12f: {  	v11 =	vperm.xlane v10, v2;
	v12 =	vperm.xlane v9, v2;
	_ =	sdelay $0x1  }
0x130: {  	vm1 =	veq.s32 v12, v9;
	v12 =	vmax.f32 v11, v10  }
0x131: {  	v12 =	vsel vm1, v12, v10  }
0x132: {  	v14 =	vperm.xlane v9, v3;
	v13 =	vperm.xlane v12, v3;
	_ =	sdelay $0x1  }
0x133: {  	vm2 =	veq.s32 v14, v9;
	v15 =	vld [tilespmem:s5+$0x1E080];
	v14 =	vmax.f32 v13, v12  }
0x134: {  	v14 =	vsel vm2, v14, v12  }
0x135: {  	v17 =	vperm.xlane v9, v4;
	v16 =	vperm.xlane v14, v4;
	_ =	sdelay $0x1  }
0x136: {  	vm0 =	veq.s32 v17, v9;
	v17 =	vmax.f32 v16, v14;
	v18 =	vld.idx.msk [tilespmem:v9+s25+$0x0], $0xffff  }
0x137: {  	v20 =	vperm.xlane v9, v8;
	v19 =	vperm.xlane v15, v2;
	v17 =	vsel vm0, v17, v14  }
0x138: {  	vm3 =	vge.f32 v11, v10;
	v11 =	vperm.xlane v9, v5;
	v10 =	vperm.xlane v17, v5  }
0x139: {  	vm1 =	vmand vm3, vm1;
	vm3 =	vne.s32 v9, v20  }
0x13a: {  	v15 =	vsel vm1, v19, v15;
	vm1 =	veq.s32 v11, v9;
	v11 =	vmax.f32 v10, v17  }
0x13b: {  	vm4 =	vge.f32 v13, v12;
	v19 =	vperm.xlane v15, v3;
	v11 =	vsel vm1, v11, v17  }
0x13c: {  	vm3 =	vmor vm3, vm5;
	vm2 =	vmand vm4, vm2;
	vm4 =	vgt.f32 v11, v18  }
0x13d: {  	v12 =	vsel vm2, v19, v15;
	vm2 =	vmand vm3, vm4  }
0x13e: {  	v13 =	vperm.xlane v12, v4;
	vm3 =	vge.f32 v16, v14  }
0x13f: {  	vm0 =	vmand vm3, vm0  }
0x140: {  	v12 =	vsel vm0, v13, v12  }
0x141: {  	vm0 =	vge.f32 v10, v17;
	v13 =	vperm.xlane v12, v5  }
.Ltmp4:
0x142: {  	vm0 =	vmand vm0, vm1;
	(pc) =	sbr.rel @p0 .LBB2_10-.Ltmp4, $4  }
0x143: {  	v10 =	vsel vm0, v13, v12;
	[tilespmem:v9+s25+$0x0] =	vst.idx.msk vm2, v11  }
0x144: {  	s5 =	sshra.s32 s4, $0x2;
	[tilespmem:v9+s28+$0x0] =	vst.idx.msk vm2, v10  }
0x145: {  	v10 =	vld [tilespmem:s5+$0x1D080]  }
0x146: {  	s4 =	sadd.s32 $0x40, s4;
	v9 =	vld [tilespmem:s5+$0x1C080]  }
0x147: {  	_ =	sdelay $0x3  }
0x148: {  	v11 =	vperm.xlane v10, v2;
	v12 =	vperm.xlane v9, v2;
	_ =	sdelay $0x1  }
0x149: {  	v59 =	vmax.f32 v11, v10;
	vm0 =	veq.s32 v12, v9  }
0x14a: {  	v12 =	vsel vm0, v59, v10  }
0x14b: {  	v14 =	vperm.xlane v9, v3;
	v13 =	vperm.xlane v12, v3;
	_ =	sdelay $0x1  }
0x14c: {  	v15 =	vld [tilespmem:s5+$0x1E080];
	vm1 =	veq.s32 v14, v9;
	v60 =	vmax.f32 v13, v12  }
0x14d: {  	v14 =	vsel vm1, v60, v12  }
0x14e: {  	v17 =	vperm.xlane v9, v4;
	v16 =	vperm.xlane v14, v4;
	_ =	sdelay $0x1  }
0x14f: {  	vm2 =	veq.s32 v17, v9;
	v61 =	vmax.f32 v16, v14  }
0x150: {  	v18 =	vld.idx.msk [tilespmem:v9+s25+$0x0], $0xffff;
	v20 =	vperm.xlane v9, v8;
	v19 =	vperm.xlane v15, v2;
	v17 =	vsel vm2, v61, v14  }
0x151: {  	vm3 =	vge.f32 v11, v10;
	v11 =	vperm.xlane v9, v5;
	v10 =	vperm.xlane v17, v5  }
0x152: {  	vm0 =	vmand vm3, vm0;
	vm3 =	vne.s32 v9, v20  }
0x153: {  	v15 =	vsel vm0, v19, v15;
	vm0 =	veq.s32 v11, v9;
	v11 =	vmax.f32 v10, v17  }
0x154: {  	v19 =	vperm.xlane v15, v3;
	vm4 =	vge.f32 v13, v12;
	v11 =	vsel vm0, v11, v17  }
0x155: {  	vm3 =	vmor vm3, vm5;
	vm1 =	vmand vm4, vm1;
	vm4 =	vgt.f32 v11, v18  }
0x156: {  	v62 =	vsel vm1, v19, v15;
	vm1 =	vmand vm3, vm4  }
0x157: {  	v63 =	vperm.xlane v62, v4;
	vm6 =	vge.f32 v16, v14  }
0x158: {  	vm2 =	vmand vm6, vm2  }
0x159: {  	v12 =	vsel vm2, v63, v62  }
0x15a: {  	v13 =	vperm.xlane v12, v5;
	vm7 =	vge.f32 v10, v17  }
0x15b: {  	vm0 =	vmand vm7, vm0  }
0x15c: {  	v10 =	vsel vm0, v13, v12;
	[tilespmem:v9+s25+$0x0] =	vst.idx.msk vm1, v11  }
0x15d: {  	[tilespmem:v9+s28+$0x0] =	vst.idx.msk vm1, v10  }
0x15e: {  	[hbm4b:s14+s23] =	stream.strided.scatter [tilespmem:s25], [sflag:$0x3], $0x1000, s16, s23, $0x38;
	[tilespmem:$0x1F080] =	vst v63  }
0x15f: {  	s18 =	sadd.s32 $0x1, s18  }
0x160: {  	[hbm4b:s15+s23] =	stream.strided.scatter [tilespmem:s28], [sflag:$0x3], $0x1000, s16, s23, $0x38;
	[tilespmem:$0x1F080] =	vst v63  }
0x161: {  	p0 =	sne.s32 s18, s19;
	_ =	swait.ge [sflag:s17], $0x1000  }
.Ltmp5:
0x162: {  	[sflag:s17] =	ssyncset.done $0x0;
	(pc) =	sbr.rel @p0 .LBB2_1-.Ltmp5, $4  }
0x163: {  	[sflag:s17] =	ssyncadd.s32 $0xFFFFF000  }
0x164: {  	_ =	swait.ge [sflag:s17], $0x1000  }
0x165: {  	[sflag:s17] =	ssyncset.done $0x0  }
0x166: {  	[sflag:s17] =	ssyncadd.s32 $0xFFFFF000  }
0x167: {  	_ =	sfence.sel $0x180000  }
0x168: {  	[bflag:$0x0] =	sbarrier.arrive $0xFFFF  }
0x169: {  	_ =	strace $0x9000004A  }
0x16a: {  	s0 =	stileid.u32;
	[bflag:$0x2] =	sbarrier.arrive $0xFFFF  }
0x16b: {  	p0 =	sne.s32 s0, $0x0;
	s0 =	rddreg [dreg:$0x3]  }
0x16c: {  	s0 =	sadd.s32 @!p0 $0x100000, s0  }
0x16d: {  	[sflag:s0] =	ssyncadd.tile.s32 @!p0 $0x1;
	_ =	shalt  }
.Lfunc_end2:
_tile_overlayer_lowered:
.L_overlay_start_2:
0x16e: {  	(tag) =	ssettag $0x2  }
0x16f: {  	s0 =	rddreg [dreg:$0x0];
	s2 =	stileid.u32  }
0x170: {  	s1 =	rddreg [dreg:$0x1];
	p0 =	sne.s32 s2, $0x0  }
0x171: {  	s3 =	rddreg [dreg:$0x2];
	[bflag:$0x3] =	sbarrier.arrive $0xFFFF;
	s2 =	simm.s32 @!p0 $0x1C04  }
0x172: {  	[timem:s3], [sflag:s2] =	dma.local @!p0 [hbm:s0], s1  }
0x173: {  	s0 =	simm.s32 @!p0 $0x4  }
0x174: {  	_ =	swait.ge @!p0 [sflag:s0], s1  }
0x175: {  	s1 =	ssub.s32 @!p0 $0x0, s1;
	[sflag:s0] =	ssyncset.done @!p0 $0x0  }
0x176: {  	[sflag:s0] =	ssyncadd.s32 @!p0 s1  }
0x177: {  	[bflag:$0x3] =	sbarrier.arrive $0xFFFF  }
0x178: {  	_ =	shalt  }

// kernel: kernel.7.cloned.1.call-start
scs
__scs_entry_jumppad:
0x0: {  	(pc) =	sbr.rel $0x88, $3  }
0x1: {  	(tag) =	ssettag $0x0;
	lr =	simm.s32 $0x1  }
0x2: {  	[smem:$0x3F9C] =	sst lr;
	_ =	strace $0xD0000000  }
0x3: {  	_ = 	snop  }
0x4: {  	_ = 	snop  }
0x5: {  	_ = 	snop  }
0x6: {  	_ = 	snop  }
0x7: {  	_ = 	snop  }
__scs_overlays_trampoline_lowered:
0x8: {  	[smem:$0x3FAB] =	sst s0  }
0x9: {  	[smem:$0x3FAC] =	sst s1  }
0xa: {  	[smem:$0x3FAD] =	sst s2  }
0xb: {  	[smem:$0x3FAE] =	sst s3  }
0xc: {  	[smem:$0x3FAF] =	sst s4  }
0xd: {  	[smem:$0x3FB0] =	sst s5  }
0xe: {  	[smem:$0x3FB1] =	sst s6  }
0xf: {  	[smem:$0x3FB2] =	sst s7  }
0x10: {  	[smem:$0x3FB3] =	sst s8  }
0x11: {  	[smem:$0x3FB4] =	sst s9;
	s0 =	simm.s32 @!p0 $0x0  }
0x12: {  	s1 =	sld [smem:$0x3F9A];
	s0 =	simm.s32 @p0 $0x1  }
0x13: {  	[smem:$0x3FB5] =	sst s0;
	s0 =	simm.s32 @!p1 $0x0  }
0x14: {  	s2 =	sld [smem:$0x3F99];
	s0 =	simm.s32 @p1 $0x1  }
0x15: {  	[smem:$0x3FB6] =	sst s0;
	s0 =	simm.s32 @!p2 $0x0  }
0x16: {  	s3 =	sld [smem:$0x3FDB];
	s0 =	simm.s32 @p2 $0x1  }
0x17: {  	s4 =	simm.s32 $0x1BF5;
	[smem:$0x3FB8] =	sst s0  }
0x18: {  	s0 =	sld [smem:$0x3F9B];
	_ =	swait.ge [sflag:s4], $0x0  }
0x19: {  	s7 =	sld [smem:$0x3F9C]  }
0x1a: {  	s8 =	sadd.s32 $0xFFFFE003, lr  }
0x1b: {  	s9 =	sadd.s32 $0xFFFFFEF7, lr;
	s5 =	simm.s32 $0xFFFFFFFF;
	p2 =	slt.u32 s8, $0xFFFFF086  }
0x1c: {  	p1 =	slt.u32 s9, $0xF7A;
	s5 =	simm.s32 @!p2 $0x0  }
0x1d: {  	s5 =	simm.s32 @p1 $0x1;
	p0 =	seq.s32 s7, s2  }
0x1e: {  	s7 =	smul.u32 @!p0 $0xF7A, s2;
	p2 =	seq.s32 @!p0 s5, $0x0  }
0x1f: {  	s9 =	smul.u32 $0xF7A, s1;
	s8 =	simm.s32 @!p0 $0x1BF5;
	p2 =	por !p2, p0  }
0x20: {  	[sflag:s8] =	ssyncset.s32 @!p0 $0xFFFFF086;
	s6 =	sadd.s32 @!p0 s3, s7;
	s7 =	simm.s32 @!p0 $0x108  }
0x21: {  	s3 =	sadd.s32 s3, s9;
	s6 =	sadd.s32 @!p0 $0x88, s6;
	s7 =	simm.s32 @p2 $0x1082  }
0x22: {  	[simem:s7], [sflag:s8] =	dma.local @!p0 [hbm:s6], $0xF7A  }
0x23: {  	s9 =	sor.u32 $0xD0000000, s2;
	s6 =	simm.s32 $0x108;
	_ =	swait.ge @!p0 [sflag:s8], $0x0  }
0x24: {  	s3 =	sadd.s32 $0x88, s3;
	s6 =	simm.s32 @!p1 $0x1082;
	[sflag:s4] =	ssyncset.s32 $0xFFFFF086  }
0x25: {  	[simem:s6], [sflag:s4] =	dma.local [hbm:s3], $0xF7A  }
0x26: {  	[smem:$0x3F9C] =	sst s1;
	(tag) =	ssettag s2;
	_ =	strace s9  }
0x27: {  	s1 =	sld [smem:$0x3FAC]  }
0x28: {  	s2 =	sld [smem:$0x3FAD]  }
0x29: {  	s4 =	sld [smem:$0x3FAF]  }
0x2a: {  	p0 =	seq.s32 s5, $0x0;
	s5 =	sld [smem:$0x3FB0]  }
0x2b: {  	s6 =	sld [smem:$0x3FB1]  }
0x2c: {  	s7 =	sld [smem:$0x3FB2]  }
0x2d: {  	s3 =	simm.s32 $0x108;
	s8 =	sld [smem:$0x3FB3]  }
0x2e: {  	s3 =	simm.s32 @!p0 $0x1082;
	s9 =	sld [smem:$0x3FB4]  }
0x2f: {  	lr =	sadd.s32 s0, s3;
	s0 =	sld [smem:$0x3FAB]  }
0x30: {  	s3 =	sld [smem:$0x3FAE]  }
0x31: {  	[smem:$0x3FB7] =	sst s10  }
0x32: {  	s10 =	sld [smem:$0x3FB5];
	_ =	sdelay $0x3  }
0x33: {  	p0 =	seq.s32 s10, $0x1;
	s10 =	sld [smem:$0x3FB7];
	_ =	sdelay $0x3  }
0x34: {  	[smem:$0x3FB7] =	sst s10  }
0x35: {  	s10 =	sld [smem:$0x3FB6];
	_ =	sdelay $0x3  }
0x36: {  	p1 =	seq.s32 s10, $0x1;
	s10 =	sld [smem:$0x3FB7];
	_ =	sdelay $0x3  }
0x37: {  	[smem:$0x3FB7] =	sst s10  }
0x38: {  	s10 =	sld [smem:$0x3FB8]  }
0x39: {  	_ = 	snop;
	(pc) =	sbr.ind lr, $3  }
0x3a: {  	_ = 	snop  }
0x3b: {  	_ = 	snop  }
0x3c: {  	p2 =	seq.s32 s10, $0x1;
	s10 =	sld [smem:$0x3FB7]  }
0x3d: {  	_ =	shalt  }
0x3e: {  	_ =	shalt  }
0x3f: {  	_ =	shalt  }
0x40: {  	_ =	shalt  }
0x41: {  	_ =	shalt  }
0x42: {  	_ =	shalt  }
0x43: {  	_ =	shalt  }
0x44: {  	_ =	shalt  }
0x45: {  	_ =	shalt  }
0x46: {  	_ =	shalt  }
0x47: {  	_ =	shalt  }
0x48: {  	_ =	shalt  }
0x49: {  	_ =	shalt  }
0x4a: {  	_ =	shalt  }
0x4b: {  	_ =	shalt  }
0x4c: {  	_ =	shalt  }
0x4d: {  	_ =	shalt  }
0x4e: {  	_ =	shalt  }
0x4f: {  	_ =	shalt  }
0x50: {  	_ =	shalt  }
0x51: {  	_ =	shalt  }
0x52: {  	_ =	shalt  }
0x53: {  	_ =	shalt  }
0x54: {  	_ =	shalt  }
0x55: {  	_ =	shalt  }
0x56: {  	_ =	shalt  }
0x57: {  	_ =	shalt  }
0x58: {  	_ =	shalt  }
0x59: {  	_ =	shalt  }
0x5a: {  	_ =	shalt  }
0x5b: {  	_ =	shalt  }
0x5c: {  	_ =	shalt  }
0x5d: {  	_ =	shalt  }
0x5e: {  	_ =	shalt  }
0x5f: {  	_ =	shalt  }
0x60: {  	_ =	shalt  }
0x61: {  	_ =	shalt  }
0x62: {  	_ =	shalt  }
0x63: {  	_ =	shalt  }
0x64: {  	_ =	shalt  }
0x65: {  	_ =	shalt  }
0x66: {  	_ =	shalt  }
0x67: {  	_ =	shalt  }
0x68: {  	_ =	shalt  }
0x69: {  	_ =	shalt  }
0x6a: {  	_ =	shalt  }
0x6b: {  	_ =	shalt  }
0x6c: {  	_ =	shalt  }
0x6d: {  	_ =	shalt  }
0x6e: {  	_ =	shalt  }
0x6f: {  	_ =	shalt  }
0x70: {  	_ =	shalt  }
0x71: {  	_ =	shalt  }
0x72: {  	_ =	shalt  }
0x73: {  	_ =	shalt  }
0x74: {  	_ =	shalt  }
0x75: {  	_ =	shalt  }
0x76: {  	_ =	shalt  }
0x77: {  	_ =	shalt  }
0x78: {  	_ =	shalt  }
0x79: {  	_ =	shalt  }
0x7a: {  	_ =	shalt  }
0x7b: {  	_ =	shalt  }
0x7c: {  	_ =	shalt  }
0x7d: {  	_ =	shalt  }
0x7e: {  	_ =	shalt  }
0x7f: {  	_ =	shalt  }
0x80: {  	_ =	shalt  }
0x81: {  	_ =	shalt  }
0x82: {  	_ =	shalt  }
0x83: {  	_ =	shalt  }
0x84: {  	_ =	shalt  }
0x85: {  	_ =	shalt  }
0x86: {  	_ =	shalt  }
0x87: {  	_ =	shalt  }
.Lfunc_end0:
.L_simem_size_0:
called_computation_lowered:
.L_overlay_start_0:
0x88: {  	s2 =	sld [smem:$0x3FD9]  }
0x89: {  	s3 =	sld [smem:$0x3FFE];
	_ =	sdelay $0x1  }
0x8a: {  	s1 =	srdreg.scid  }
0x8b: {  	s0 =	sand.u32 $0x1, s1  }
0x8c: {  	s17 =	sshll.u32 s0, $0xA;
	s2 =	sadd.s32 s3, s2  }
0x8d: {  	s2 =	sadd.s32 s2, s17  }
0x8e: {  	[smem:$0x3FC3] =	sst s2  }
0x8f: {  	_ = 	snop  }
0x90: {  	s2 =	sld [smem:$0x3FC5];
	(tm) =	ssettm $0x1  }
0x91: {  	s18 =	sld [smem:$0x3FFB];
	_ =	sdelay $0x3  }
0x92: {  	_ =	strace s18  }
0x93: {  	s3 =	sld [smem:$0x3FFC];
	_ =	sdelay $0x3  }
0x94: {  	_ =	strace s3  }
0x95: {  	s3 =	sld [smem:$0x3FFD];
	_ =	sdelay $0x3  }
0x96: {  	_ =	strace s3  }
0x97: {  	_ =	strace $0x8FFFFFFF  }
0x98: {  	s19 =	sld [smem:$0x3FDB];
	_ =	sdelay $0x1  }
0x99: {  	s4 =	simm.s32 $_scs_section_size  }
0x9a: {  	s5 =	simm.s32 $_size__tile_overlayer_lowered;
	s6 =	simm.s32 $_tile_overlayer_lowered  }
0x9b: {  	s22 =	simm.s32 $0x1BFF;
	s21 =	sshll.u32 s6, $0x1;
	s3 =	sadd.s32 s4, s19  }
0x9c: {  	s7 =	simm.s32 $0x0;
	s20 =	sshll.u32 s5, $0x1;
	s5 =	sadd.s32 s21, s3  }
0x9d: {  	[timem:s7], [sflag:s22] =	dma.local [hbm:s5], s20  }
0x9e: {  	_ =	swait.ge [sflag:s22], s20  }
0x9f: {  	s4 =	ssub.s32 $0x0, s20;
	[sflag:s22] =	ssyncset.done $0x0  }
0xa0: {  	[sflag:s22] =	ssyncadd.s32 s4;
	_ =	sdelay $0x1  }
0xa1: {  	s23 =	simm.s32 $0x1B8B  }
0xa2: {  	_ =	swait.ge [sflag:s23], $0x1  }
0xa3: {  	[sflag:s23] =	ssyncset.done $0x0  }
0xa4: {  	s25 =	simm.s32 $0x1B8E;
	s24 =	sld [smem:$0x3FFE];
	[sflag:s23] =	ssyncadd.s32 $0xFFFFFFFF  }
0xa5: {  	s26 =	simm.s32 $execute0_lowered;
	[smem:$0x3FD2] =	sst s25  }
0xa6: {  	s5 =	sshll.u32 s26, $0x1;
	_ =	strace $0x80000046;
	[dreg:$0x1] =	wrdreg $0xFFFFFFFF  }
0xa7: {  	s28 =	simm.s32 $_size_execute0_lowered;
	s3 =	sadd.s32 s3, s5;
	[dreg:$0x0] =	wrdreg $0x0  }
0xa8: {  	s5 =	sshll.u32 s28, $0x1;
	[dreg:$0x2] =	wrdreg s3  }
0xa9: {  	[dreg:$0x3] =	wrdreg s5  }
0xaa: {  	[dreg:$0x4] =	wrdreg $0xC0  }
0xab: {  	_ =	task [dreg:s7], $0x5FFFF  }
0xac: {  	[dreg:$0x1] =	wrdreg $0xFFFFFFFF  }
0xad: {  	[dreg:$0x0] =	wrdreg $0x60  }
0xae: {  	[dreg:$0x2] =	wrdreg s2  }
0xaf: {  	[dreg:$0x3] =	wrdreg s24  }
0xb0: {  	[dreg:$0x4] =	wrdreg $0x142000  }
0xb1: {  	[dreg:$0x5] =	wrdreg $0x152000  }
0xb2: {  	[dreg:$0x6] =	wrdreg $0x9  }
0xb3: {  	_ =	task.clear_ibuf [dreg:s7], $0x7FFFF;
	_ =	strace $0x90000046  }
0xb4: {  	s29 =	simm.s32 $0x9;
	_ =	strace $0x80000048  }
0xb5: {  	_ =	swait.ge [sflag:s29], $0x1  }
0xb6: {  	[sflag:s29] =	ssyncadd.s32 $0xFFFFFFFF  }
0xb7: {  	_ =	strace $0x90000048  }
0xb8: {  	_ =	sfence  }
0xb9: {  	s30 =	sld [smem:$0x0];
	_ =	sdelay $0x2  }
0xba: {  	s31 =	sshll.u32 s1, $0xD;
	s1 =	sshrl.u32 s1, $0x2  }
0xbb: {  	s3 =	sand.u32 $0x4000, s31;
	s1 =	sadd.s32 s1, s30  }
0xbc: {  	s0 =	sor.u32 s3, s0;
	s1 =	sshll.u32 s1, $0x11  }
0xbd: {  	s0 =	sor.u32 s1, s0  }
0xbe: {  	s0 =	sadd.s32 $0x8F2B, s0  }
0xbf: {  	[sflag:s0] =	ssyncadd.remote.s32 $0x1  }
0xc0: {  	_ =	sfence.sel $0xFFFF  }
0xc1: {  	[dreg:$0x0] =	wrdreg $0xFFFFFFFF;
	(pc) =	sbr.abs _section_cstart, $3  }
0xc2: {  	[dreg:$0x1] =	wrdreg $0xFFFFFFFF  }
0xc3: {  	_ =	task.clear_ibuf [dreg:s7], $0x2FFFF;
	_ =	strace $0x9FFFFFFF  }
0xc4: {  	(tm) =	ssettm $0x7FFFFFFF  }
0xc5: {  	_ =	shalt  }
tec
execute0_lowered:
.L_overlay_start_1:
0x0: {  	(tag) =	ssettag $0x1  }
0x1: {  	s0 =	rddreg [dreg:$0x0]  }
0x2: {  	s1 =	rddreg [dreg:$0x1]  }
0x3: {  	s4 =	rddreg [dreg:$0x2]  }
0x4: {  	s2 =	srdreg.scid;
	s5 =	rddreg [dreg:$0x3]  }
0x5: {  	s11 =	stileid.u32;
	s7 =	simm.s32 $0x0;
	s2 =	sand.u32 $0x1, s2  }
0x6: {  	s3 =	sshll.u32 s11, $0xD;
	[smem:$0x7FF] =	sst s7;
	s15 =	sshll.u32 s11, $0x6  }
0x7: {  	s16 =	sshll.u32 s11, $0x8;
	s9 =	sshll.u32 s11, $0x7;
	s6 =	sshll.u32 s2, $0xC  }
0x8: {  	s8 =	sshll.u32 s2, $0x4;
	s2 =	ssub.s32 $0x2, s2;
	s10 =	sand.u32 $0x800, s16  }
0x9: {  	s9 =	sand.u32 $0x380, s9;
	s3 =	sor.u32 s6, s3;
	s7 =	sor.u32 s8, s15  }
0xa: {  	s17 =	sshrl.u32 s2, $0x1;
	s6 =	sadd.s32 s3, s1;
	s8 =	sadd.s32 s7, s1  }
0xb: {  	s7 =	sor.u32 s9, s10;
	s9 =	ssub.s32 s2, s17;
	s0 =	sadd.s32 s0, s3  }
0xc: {  	[dreg:$0x5] =	wrdreg s0;
	s18 =	sor.u32 $0x1000, s7;
	s20 =	sor.u32 $0x2000, s7  }
0xd: {  	s22 =	sor.u32 $0x3000, s7;
	s24 =	sor.u32 $0x4000, s7;
	s19 =	sadd.s32 s18, s4  }
0xe: {  	s26 =	sor.u32 $0x5000, s7;
	s0 =	sadd.s32 s18, s5;
	[dreg:$0x6] =	wrdreg s19  }
0xf: {  	s2 =	sor.u32 $0x6000, s7;
	s21 =	sadd.s32 s20, s4;
	[dreg:$0x7] =	wrdreg s0  }
0x10: {  	s10 =	sor.u32 $0x7000, s7;
	s23 =	sadd.s32 s22, s4;
	[dreg:$0x8] =	wrdreg s21  }
0x11: {  	s13 =	sor.u32 $0x8000, s7;
	s25 =	sadd.s32 s24, s4;
	[dreg:$0xa] =	wrdreg s23  }
0x12: {  	s15 =	sor.u32 $0x9000, s7;
	s28 =	sadd.s32 s26, s4;
	[dreg:$0xc] =	wrdreg s25  }
0x13: {  	s17 =	sor.u32 $0xA000, s7;
	s3 =	sadd.s32 s2, s4;
	[dreg:$0xe] =	wrdreg s28  }
0x14: {  	s30 =	sadd.s32 s7, s4;
	s12 =	sadd.s32 s10, s4;
	[dreg:$0x10] =	wrdreg s3  }
0x15: {  	s31 =	sadd.s32 s7, s5;
	s14 =	sadd.s32 s13, s4;
	[dreg:$0x12] =	wrdreg s12  }
0x16: {  	s6 =	sadd.s32 $0x2200, s6;
	s16 =	sadd.s32 s15, s4;
	[dreg:$0x14] =	wrdreg s14  }
0x17: {  	s9 =	smax.u32 s9, $0x1;
	s18 =	sadd.s32 s17, s4;
	[dreg:$0x16] =	wrdreg s16  }
0x18: {  	v0 =	vimm.s32 $0xEDCBA987;
	s0 =	sadd.s32 s20, s5;
	[dreg:$0x18] =	wrdreg s18;
	s19 =	sor.u32 $0xB000, s7  }
0x19: {  	v1 =	vimm.s32 $0x65432100;
	s21 =	sor.u32 $0xC000, s7;
	s23 =	sor.u32 $0xD000, s7;
	s25 =	sor.u32 $0xE000, s7  }
0x1a: {  	v2 =	vimm.s32 $0xDCBA9876;
	v3 =	vimm.s32 $0x54321000;
	v4 =	vimm.s32 $0x32100000;
	s28 =	sshll.u32 s11, $0xC;
	s11 =	simm.s32 $0x2;
	s12 =	simm.s32 $0x10000  }
0x1b: {  	v5 =	vimm.s32 $0xE40000;
	v6 =	vimm.s32 $0x87654321;
	v0 =	vunpack.c.l.s4.s8 v0;
	s14 =	simm.s32 $0x80;
	[dreg:$0x9] =	wrdreg s0;
	s0 =	sadd.s32 s22, s5  }
0x1c: {  	v7 =	vimm.f32 $1.000000000e+00;
	v8 =	vimm.s32 $0x7060504;
	v1 =	vunpack.c.l.s4.s8 v1;
	s16 =	simm.s32 $0x3;
	s20 =	sadd.s32 s19, s4;
	[dreg:$0xb] =	wrdreg s0  }
0x1d: {  	vm0 =	vcmask $0x3F04;
	v2 =	vunpack.c.l.s4.s8 v2;
	v0 =	vunpack.c.0.s8.s32 v0;
	s18 =	simm.s32 $0x0;
	s22 =	sadd.s32 s21, s4;
	[dreg:$0x1a] =	wrdreg s20  }
0x1e: {  	vm3 =	vcmask $0x3F30;
	v3 =	vunpack.c.l.s4.s8 v3;
	v1 =	vunpack.c.0.s8.s32 v1;
	s29 =	sadd.s32 s23, s5;
	s0 =	sadd.s32 s24, s5;
	[dreg:$0x1c] =	wrdreg s22  }
0x1f: {  	v5 =	vunpack.c.l.s2.s4 v5;
	v2 =	vunpack.c.0.s8.s32 v2;
	v0 =	vand.u32 $0xF, v0;
	s1 =	sadd.s32 s25, s5;
	s24 =	sadd.s32 s23, s4;
	[dreg:$0xd] =	wrdreg s0  }
0x20: {  	vm1 =	vcmask $0x3F08;
	v0 =	vcombine.low v1, v0;
	v1 =	vunpack.c.0.s8.s32 v3;
	s0 =	sadd.s32 s26, s5;
	[dreg:$0x1e] =	wrdreg s24;
	s26 =	sor.u32 $0xF000, s7  }
0x21: {  	v5 =	vunpack.c.l.s4.s8 v5;
	v2 =	vand.u32 $0xF, v2;
	v3 =	vimm.s32 $0xBA987654;
	s7 =	sadd.s32 $0x22200, s8;
	[dreg:$0xf] =	wrdreg s0;
	s0 =	sadd.s32 s2, s5  }
0x22: {  	v1 =	vcombine.low v1, v2;
	v2 =	vunpack.c.l.s4.s8 v4;
	v4 =	vimm.s32 $0xFFEDCBA9;
	s8 =	sadd.s32 $0x22600, s8;
	[dreg:$0x11] =	wrdreg s0;
	s0 =	sadd.s32 s10, s5  }
0x23: {  	v6 =	vunpack.c.l.s4.s8 v6;
	v3 =	vunpack.c.l.s4.s8 v3;
	v4 =	vunpack.c.l.s4.s8 v4;
	s2 =	sadd.s32 s26, s4;
	[dreg:$0x13] =	wrdreg s0;
	s0 =	sadd.s32 s13, s5  }
0x24: {  	vm2 =	vcmask $0x3F10;
	vm4 =	vcmask $0x3F3C;
	v5 =	vunpack.c.0.s8.s32 v5;
	s3 =	sadd.s32 s26, s5;
	[dreg:$0x15] =	wrdreg s0;
	s0 =	sadd.s32 s15, s5  }
0x25: {  	v6 =	vunpack.c.0.s8.s32 v6;
	v3 =	vunpack.c.0.s8.s32 v3;
	v4 =	vunpack.c.0.s8.s32 v4;
	s10 =	simm.s32 $0x1;
	[dreg:$0x17] =	wrdreg s0;
	s0 =	sadd.s32 s17, s5  }
0x26: {  	v8 =	vunpack.c.0.s8.s32 v8;
	v5 =	vand.u32 $0x3, v5;
	v2 =	vunpack.c.0.s8.s32 v2;
	s13 =	simm.s32 $0x11000;
	[dreg:$0x19] =	wrdreg s0;
	s0 =	sadd.s32 s19, s5  }
0x27: {  	v7 =	vperm.xlane v7, v0;
	v3 =	vand.u32 $0xF, v3;
	v6 =	vcombine.low v6, v4;
	s15 =	simm.s32 $0x400;
	[dreg:$0x1b] =	wrdreg s0;
	s0 =	sadd.s32 s21, s5  }
0x28: {  	v5 =	vsel vm3, v8, v5;
	vm3 =	vcmask $0x3F20;
	v2 =	vcombine.low v2, v3;
	s17 =	simm.s32 $0x100;
	s5 =	sadd.s32 s28, s5;
	[dreg:$0x1d] =	wrdreg s0  }
0x29: {  	v3 =	vimm.f32 $0.0e+00;
	v4 =	vadd.f32 $1.000000000e+00, v7;
	v6 =	vand.u32 $0xF, v6;
	s0 =	sadd.s32 s25, s4;
	s4 =	sadd.s32 s28, s4;
	_ =	strace $0x80000047  }
.LBB2_1:
0x2a: {  	s19 =	simm.s32 $0x0;
	s20 =	rddreg [dreg:$0x5]  }
0x2b: {  	[tilespmem:s19], [sflag:$0x1] =	stream.linear.gather [hbm4b:s20+s19], $0x8000, $0x38;
	[tilespmem:$0x16200] =	vst v63  }
0x2c: {  	s28 =	simm.s32 $0x8000  }
0x2d: {  	[tilespmem:s28], [sflag:$0x2] =	stream.linear.gather [hbm4b:s6+s19], $0x8000, $0x38;
	[tilespmem:$0x16200] =	vst v63  }
0x2e: {  	s19 =	simm.s32 $0x0  }
.LBB2_2:
0x2f: {  	p0 =	sne.s32 s19, $0x3FC0  }
.Ltmp0:
0x30: {  	_ = 	snop;
	(pc) =	sbr.rel @p0 .LBB2_2-.Ltmp0, $3  }
0x31: {  	_ =	sdelay $0x1  }
0x32: {  	s20 =	sshra.s32 s19, $0x2  }
0x33: {  	s19 =	sadd.s32 $0x40, s19;
	[tilespmem:s20+$0x10000] =	vst v3  }
0x34: {  	s19 =	simm.s32 $0x40;
	s20 =	simm.s32 $0x0  }
.LBB2_4:
0x35: {  	p0 =	sne.s32 s19, $0x3FC0;
	[tilespmem:s20+$0x11000] =	vst v3;
	s20 =	smov.u32 s19;
	s19 =	sadd.s32 $0x40, s19  }
.Ltmp1:
0x36: {  	(pc) =	sbr.rel @p0 .LBB2_4-.Ltmp1, $2  }
0x37: {  	_ =	sdelay $0x2  }
0x38: {  	s20 =	sshra.s32 s20, $0x2  }
0x39: {  	[tilespmem:s20+$0x11000] =	vst v3  }
0x3a: {  	_ =	swait.ge [sflag:s10], $0x8000  }
0x3b: {  	[sflag:s10] =	ssyncset.done $0x0  }
0x3c: {  	[sflag:s10] =	ssyncadd.s32 $0xFFFF8000  }
0x3d: {  	_ =	swait.ge [sflag:s11], $0x8000  }
0x3e: {  	[sflag:s11] =	ssyncset.done $0x0  }
0x3f: {  	s28 =	simm.s32 $0x20;
	[sflag:s11] =	ssyncadd.s32 $0xFFFF8000  }
0x40: {  	s19 =	simm.s32 $0x8020;
	v10 =	vld [tilespmem:s28+$0x10]  }
0x41: {  	v11 =	vld [tilespmem:s19+$0x10]  }
0x42: {  	v12 =	vld [tilespmem:s19+$0xFFFFFFE0]  }
0x43: {  	v8 =	vld [tilespmem:s28+$0xFFFFFFF0]  }
0x44: {  	v7 =	vld [tilespmem:s28+$0x0]  }
0x45: {  	v9 =	vld [tilespmem:s28+$0xFFFFFFE0]  }
0x46: {  	v15 =	vld [tilespmem:s19+$0x0]  }
0x47: {  	v13 =	vld [tilespmem:s19+$0xFFFFFFF0];
	v14 =	vperm.xlane v10, v0  }
0x48: {  	v16 =	vperm.xlane v11, v0;
	v17 =	vperm.xlane v12, v0  }
0x49: {  	v18 =	vperm.xlane v8, v0;
	v19 =	vperm.xlane v7, v0  }
0x4a: {  	v20 =	vperm.xlane v10, v1;
	v22 =	vperm.xlane v9, v0  }
0x4b: {  	v23 =	vperm.xlane v15, v0;
	v24 =	vperm.xlane v8, v1;
	vm5 =	veq.s32 v14, v10  }
0x4c: {  	v14 =	vadd.f32 v16, v11;
	v16 =	vadd.f32 v17, v12;
	v17 =	vperm.xlane v13, v0  }
0x4d: {  	vm6 =	veq.s32 v20, v10;
	vm7 =	veq.s32 v22, v9;
	vm8 =	veq.s32 v19, v7  }
0x4e: {  	v19 =	vadd.f32 v23, v15;
	v22 =	vperm.xlane v10, v6;
	vm5 =	vmand vm5, vm0  }
0x4f: {  	vm6 =	vmand vm6, vm1;
	v11 =	vsel vm5, v14, v11;
	v14 =	vnsel vm5, $0x3F800000, v4  }
0x50: {  	vm5 =	veq.s32 v18, v8;
	v18 =	vperm.xlane v11, v1;
	v21 =	vperm.xlane v14, v1  }
0x51: {  	vm8 =	vmand vm8, vm0;
	v17 =	vadd.f32 v17, v13;
	vm9 =	vne.s32 v10, v22  }
0x52: {  	v15 =	vsel vm8, v19, v15;
	v18 =	vadd.f32 v18, v11;
	v20 =	vadd.f32 v21, v14  }
0x53: {  	v19 =	vnsel vm8, $0x3F800000, v4;
	v22 =	vperm.xlane v9, v1;
	v25 =	vperm.xlane v15, v1  }
0x54: {  	v11 =	vsel vm6, v18, v11;
	v14 =	vsel vm6, v20, v14;
	v18 =	vperm.xlane v10, v2  }
0x55: {  	vm5 =	vmand vm5, vm0;
	v20 =	vperm.xlane v11, v2;
	v21 =	vperm.xlane v14, v2  }
0x56: {  	v13 =	vsel vm5, v17, v13;
	v25 =	vadd.f32 v25, v15;
	vm6 =	vmand vm7, vm0  }
0x57: {  	vm7 =	veq.s32 v18, v10;
	v18 =	vadd.f32 v20, v11;
	v20 =	vadd.f32 v21, v14  }
0x58: {  	v12 =	vsel vm6, v16, v12;
	v16 =	vnsel vm6, $0x3F800000, v4;
	vm7 =	vmand vm7, vm2  }
0x59: {  	v11 =	vsel vm7, v18, v11;
	v14 =	vsel vm7, v20, v14;
	v18 =	vperm.xlane v10, v5  }
0x5a: {  	vm7 =	veq.s32 v24, v8;
	v24 =	vperm.xlane v7, v1;
	v20 =	vperm.xlane v11, v5  }
0x5b: {  	v21 =	vperm.xlane v14, v5;
	vm7 =	vmand vm7, vm1;
	vm6 =	veq.s32 v18, v10  }
0x5c: {  	v18 =	vnsel vm5, $0x3F800000, v4;
	vm14 =	veq.s32 v24, v7;
	v17 =	vadd.f32 v20, v11  }
0x5d: {  	vm5 =	vmand vm6, vm3;
	v20 =	vadd.f32 v21, v14;
	v21 =	vperm.xlane v16, v1  }
0x5e: {  	v23 =	vperm.xlane v18, v1;
	vm6 =	veq.s32 v22, v9;
	v22 =	vperm.xlane v19, v1  }
0x5f: {  	vm8 =	vmand vm14, vm1;
	v11 =	vsel vm5, v17, v11;
	v17 =	vperm.xlane v12, v1  }
0x60: {  	v20 =	vsel vm5, v20, v14;
	v14 =	vperm.xlane v13, v1;
	v21 =	vadd.f32 v21, v16  }
0x61: {  	vm6 =	vmand vm6, vm1;
	v23 =	vadd.f32 v23, v18;
	v22 =	vadd.f32 v22, v19  }
0x62: {  	vm5 =	vmor vm9, vm4;
	v17 =	vadd.f32 v17, v12;
	v14 =	vadd.f32 v14, v13  }
0x63: {  	v16 =	vsel vm6, v21, v16;
	v21 =	vsel vm8, v25, v15;
	v25 =	vperm.xlane v8, v2  }
0x64: {  	v15 =	vperm.xlane v16, v2;
	v24 =	vperm.xlane v21, v2;
	v12 =	vsel vm6, v17, v12  }
0x65: {  	v13 =	vsel vm7, v14, v13;
	v17 =	vsel vm7, v23, v18;
	v18 =	vperm.xlane v9, v2  }
0x66: {  	vm7 =	veq.s32 v25, v8;
	v25 =	vperm.xlane v7, v2;
	v14 =	vperm.xlane v12, v2  }
0x67: {  	v19 =	vsel vm8, v22, v19;
	v22 =	vperm.xlane v13, v2;
	v23 =	vperm.xlane v17, v2  }
0x68: {  	v15 =	vadd.f32 v15, v16;
	vm6 =	veq.s32 v18, v9;
	v18 =	vperm.xlane v19, v2  }
0x69: {  	vm7 =	vmand vm7, vm2;
	[tilespmem:v10+s12+$0x0] =	vst.idx.add.f32.msk vm5, v11;
	vm15 =	veq.s32 v25, v7;
	v14 =	vadd.f32 v14, v12  }
0x6a: {  	v22 =	vadd.f32 v22, v13;
	vm6 =	vmand vm6, vm2;
	[tilespmem:v10+s13+$0x0] =	vst.idx.add.f32.msk vm5, v20;
	vm5 =	vmand vm15, vm2  }
0x6b: {  	v16 =	vsel vm6, v15, v16;
	v14 =	vsel vm6, v14, v12;
	v12 =	vadd.f32 v23, v17  }
0x6c: {  	v23 =	vadd.f32 v24, v21;
	v15 =	vsel vm7, v22, v13;
	v22 =	vperm.xlane v9, v5  }
0x6d: {  	v11 =	vadd.f32 v18, v19;
	v24 =	vperm.xlane v8, v5;
	v10 =	vperm.xlane v14, v5  }
0x6e: {  	v20 =	vperm.xlane v15, v5;
	v18 =	vsel vm7, v12, v17;
	v13 =	vsel vm5, v23, v21  }
0x6f: {  	v17 =	vsel vm5, v11, v19;
	v19 =	vperm.xlane v16, v5;
	v21 =	vperm.xlane v7, v5  }
0x70: {  	v12 =	vadd.f32 v10, v14;
	v23 =	vperm.xlane v18, v5;
	v11 =	vperm.xlane v13, v5  }
0x71: {  	s20 =	simm.s32 $0x0;
	s21 =	simm.s32 $0x60;
	v10 =	vperm.xlane v17, v5;
	v20 =	vadd.f32 v20, v15;
	v19 =	vadd.f32 v19, v16  }
.LBB2_6:
0x72: {  	v25 =	vld [tilespmem:s21+$0x10];
	v26 =	vperm.xlane v9, v6;
	v23 =	vadd.f32 v23, v18;
	v27 =	vperm.xlane v8, v6;
	s19 =	sadd.s32 $0x40, s19  }
0x73: {  	v29 =	vadd.f32 v11, v13;
	v30 =	vadd.f32 v10, v17;
	v10 =	vperm.xlane v7, v6;
	v28 =	vld [tilespmem:s19+$0x10]  }
0x74: {  	s20 =	sadd.s32 $0x4, s20;
	vm8 =	veq.s32 v22, v9;
	vm9 =	veq.s32 v24, v8;
	vm10 =	veq.s32 v21, v7;
	v31 =	vld [tilespmem:s19+$0xFFFFFFE0]  }
0x75: {  	p0 =	slt.u32 s20, $0x7FC;
	vm7 =	vne.s32 v9, v26;
	vm6 =	vne.s32 v8, v27;
	vm5 =	vne.s32 v7, v10;
	v11 =	vld [tilespmem:s21+$0xFFFFFFF0]  }
0x76: {  	vm8 =	vmand vm8, vm3;
	vm9 =	vmand vm9, vm3;
	vm10 =	vmand vm10, vm3;
	v21 =	vld [tilespmem:s19+$0xFFFFFFF0]  }
0x77: {  	v22 =	vsel vm8, v12, v14;
	v16 =	vsel vm8, v19, v16;
	v15 =	vsel vm9, v20, v15;
	v10 =	vld [tilespmem:s21+$0x0]  }
0x78: {  	v14 =	vsel vm9, v23, v18;
	v20 =	vperm.xlane v25, v0;
	v19 =	vld [tilespmem:s19+$0x0];
	v24 =	vperm.xlane v28, v0  }
0x79: {  	v13 =	vsel vm10, v29, v13;
	v12 =	vsel vm10, v30, v17;
	v18 =	vld [tilespmem:s21+$0xFFFFFFE0];
	v23 =	vperm.xlane v31, v0  }
0x7a: {  	vm8 =	veq.s32 v20, v25;
	v17 =	vperm.xlane v11, v0;
	v20 =	vadd.f32 v24, v28  }
0x7b: {  	vm8 =	vmand vm8, vm0;
	v23 =	vadd.f32 v23, v31;
	v24 =	vperm.xlane v21, v0  }
0x7c: {  	vm9 =	veq.s32 v17, v11;
	v17 =	vperm.xlane v10, v0;
	v20 =	vsel vm8, v20, v28  }
0x7d: {  	v27 =	vperm.xlane v25, v1;
	v26 =	vnsel vm8, $0x3F800000, v4;
	v28 =	vperm.xlane v20, v1  }
0x7e: {  	v30 =	vperm.xlane v26, v1;
	v24 =	vadd.f32 v24, v21;
	v29 =	vperm.xlane v18, v0  }
0x7f: {  	vm8 =	veq.s32 v27, v25;
	v32 =	vperm.xlane v19, v0;
	v27 =	vadd.f32 v28, v20  }
0x80: {  	vm8 =	vmand vm8, vm1;
	v28 =	vadd.f32 v30, v26;
	vm10 =	veq.s32 v29, v18  }
0x81: {  	vm11 =	veq.s32 v17, v10;
	v17 =	vadd.f32 v32, v19;
	v20 =	vsel vm8, v27, v20  }
0x82: {  	v26 =	vsel vm8, v28, v26;
	v27 =	vperm.xlane v25, v2;
	v28 =	vperm.xlane v20, v2  }
0x83: {  	v30 =	vperm.xlane v25, v6;
	vm8 =	vmand vm10, vm0;
	v29 =	vperm.xlane v26, v2  }
0x84: {  	vm9 =	vmand vm9, vm0;
	vm10 =	veq.s32 v27, v25;
	v27 =	vadd.f32 v28, v20  }
0x85: {  	vm12 =	vne.s32 v25, v30;
	vm10 =	vmand vm10, vm2;
	v28 =	vadd.f32 v29, v26  }
0x86: {  	vm11 =	vmand vm11, vm0;
	vm12 =	vmor vm12, vm4;
	v20 =	vsel vm10, v27, v20  }
0x87: {  	v26 =	vsel vm10, v28, v26;
	v27 =	vperm.xlane v25, v5;
	v28 =	vperm.xlane v20, v5  }
0x88: {  	v23 =	vsel vm8, v23, v31;
	v29 =	vnsel vm8, $0x3F800000, v4;
	v30 =	vperm.xlane v26, v5  }
0x89: {  	v21 =	vsel vm9, v24, v21;
	vm8 =	veq.s32 v27, v25;
	v24 =	vadd.f32 v28, v20  }
0x8a: {  	v27 =	vnsel vm9, $0x3F800000, v4;
	vm8 =	vmand vm8, vm3;
	v28 =	vadd.f32 v30, v26  }
0x8b: {  	v17 =	vsel vm11, v17, v19;
	v19 =	vnsel vm11, $0x3F800000, v4;
	v20 =	vsel vm8, v24, v20  }
0x8c: {  	vm7 =	vmor vm7, vm4;
	v24 =	vperm.xlane v23, v1;
	v26 =	vsel vm8, v28, v26;
	[tilespmem:v25+s12+$0x0] =	vst.idx.add.f32.msk vm12, v20  }
0x8d: {  	vm6 =	vmor vm6, vm4;
	v28 =	vperm.xlane v21, v1;
	v20 =	vperm.xlane v29, v1;
	[tilespmem:v25+s13+$0x0] =	vst.idx.add.f32.msk vm12, v26  }
0x8e: {  	v24 =	vadd.f32 v24, v23;
	v25 =	vperm.xlane v27, v1;
	v26 =	vperm.xlane v17, v1  }
0x8f: {  	v31 =	vperm.xlane v19, v1;
	v30 =	vperm.xlane v18, v1;
	v20 =	vadd.f32 v20, v29  }
0x90: {  	v33 =	vperm.xlane v10, v1;
	v32 =	vperm.xlane v11, v1;
	v28 =	vadd.f32 v28, v21  }
0x91: {  	vm8 =	veq.s32 v30, v18;
	v25 =	vadd.f32 v25, v27;
	v26 =	vadd.f32 v26, v17  }
0x92: {  	vm10 =	veq.s32 v33, v10;
	vm9 =	veq.s32 v32, v11;
	v30 =	vadd.f32 v31, v19  }
0x93: {  	vm10 =	vmand vm10, vm1;
	vm9 =	vmand vm9, vm1;
	vm8 =	vmand vm8, vm1;
	[tilespmem:v9+s12+$0x0] =	vst.idx.add.f32.msk vm7, v22  }
0x94: {  	v21 =	vsel vm9, v28, v21;
	v20 =	vsel vm8, v20, v29;
	v22 =	vsel vm8, v24, v23  }
0x95: {  	v19 =	vsel vm10, v30, v19;
	v17 =	vsel vm10, v26, v17;
	v23 =	vsel vm9, v25, v27  }
0x96: {  	vm5 =	vmor vm5, vm4;
	v25 =	vperm.xlane v20, v2;
	v24 =	vperm.xlane v22, v2;
	[tilespmem:v9+s13+$0x0] =	vst.idx.add.f32.msk vm7, v16  }
0x97: {  	v26 =	vperm.xlane v23, v2;
	v16 =	vperm.xlane v21, v2;
	v9 =	vmov v18;
	[tilespmem:v8+s12+$0x0] =	vst.idx.add.f32.msk vm6, v15  }
0x98: {  	v18 =	vperm.xlane v17, v2;
	v15 =	vadd.f32 v24, v22;
	v24 =	vperm.xlane v19, v2  }
0x99: {  	v28 =	vperm.xlane v11, v2;
	v25 =	vadd.f32 v25, v20;
	v27 =	vperm.xlane v9, v2  }
0x9a: {  	v26 =	vadd.f32 v26, v23;
	v29 =	vadd.f32 v16, v21;
	v16 =	vperm.xlane v10, v2  }
0x9b: {  	vm7 =	veq.s32 v27, v9;
	v27 =	vadd.f32 v18, v17;
	v24 =	vadd.f32 v24, v19  }
0x9c: {  	vm8 =	veq.s32 v28, v11;
	vm7 =	vmand vm7, vm2;
	vm9 =	veq.s32 v16, v10;
	[tilespmem:v8+s13+$0x0] =	vst.idx.add.f32.msk vm6, v14  }
0x9d: {  	v14 =	vsel vm7, v15, v22;
	vm6 =	vmand vm8, vm2;
	vm8 =	vmand vm9, vm2;
	v8 =	vmovc v11;
	[tilespmem:v7+s12+$0x0] =	vst.idx.add.f32.msk vm5, v13  }
0x9e: {  	v16 =	vsel vm7, v25, v20;
	v15 =	vsel vm6, v29, v21;
	v18 =	vsel vm6, v26, v23  }
.Ltmp2:
0x9f: {  	v11 =	vperm.xlane v14, v5;
	v13 =	vsel vm8, v27, v17;
	v17 =	vsel vm8, v24, v19;
	(pc) =	sbr.rel @p0 .LBB2_6-.Ltmp2, $4  }
0xa0: {  	v19 =	vperm.xlane v16, v5;
	v20 =	vperm.xlane v15, v5;
	[tilespmem:v7+s13+$0x0] =	vst.idx.add.f32.msk vm5, v12;
	v7 =	vmov v10  }
0xa1: {  	v23 =	vperm.xlane v18, v5;
	v12 =	vadd.f32 v11, v14;
	v11 =	vperm.xlane v13, v5  }
0xa2: {  	v22 =	vperm.xlane v9, v5;
	v19 =	vadd.f32 v19, v16;
	v10 =	vperm.xlane v17, v5  }
0xa3: {  	s21 =	sadd.s32 $0x40, s21;
	v24 =	vperm.xlane v8, v5;
	v20 =	vadd.f32 v20, v15;
	v21 =	vperm.xlane v7, v5  }
0xa4: {  	v25 =	vperm.xlane v9, v6  }
0xa5: {  	v26 =	vperm.xlane v8, v6  }
0xa6: {  	vm5 =	vne.s32 v9, v25  }
0xa7: {  	vm6 =	vne.s32 v8, v26;
	vm5 =	vmor vm5, vm4  }
0xa8: {  	v28 =	vperm.xlane v7, v6;
	vm6 =	vmor vm6, vm4;
	_ =	sdelay $0x1  }
0xa9: {  	vm7 =	veq.s32 v22, v9;
	vm8 =	vne.s32 v7, v28  }
0xaa: {  	vm7 =	vmand vm7, vm3;
	vm9 =	veq.s32 v24, v8;
	vm8 =	vmor vm8, vm4  }
0xab: {  	v29 =	vadd.f32 v23, v18;
	v12 =	vsel vm7, v12, v14;
	vm9 =	vmand vm9, vm3  }
0xac: {  	v11 =	vadd.f32 v11, v13;
	v31 =	vsel vm9, v20, v15;
	[tilespmem:v9+s12+$0x0] =	vst.idx.add.f32.msk vm5, v12  }
0xad: {  	v30 =	vsel vm7, v19, v16;
	vm7 =	veq.s32 v21, v7;
	[tilespmem:v8+s12+$0x0] =	vst.idx.add.f32.msk vm6, v31  }
0xae: {  	v32 =	vadd.f32 v10, v17;
	v33 =	vsel vm9, v29, v18;
	[tilespmem:v9+s13+$0x0] =	vst.idx.add.f32.msk vm5, v30;
	vm5 =	vmand vm7, vm3  }
0xaf: {  	[tilespmem:v8+s13+$0x0] =	vst.idx.add.f32.msk vm6, v33;
	v11 =	vsel vm5, v11, v13  }
0xb0: {  	v8 =	vsel vm5, v32, v17;
	[tilespmem:v7+s12+$0x0] =	vst.idx.add.f32.msk vm8, v11  }
0xb1: {  	[tilespmem:v7+s13+$0x0] =	vst.idx.add.f32.msk vm8, v8  }
0xb2: {  	[spmem:s30] =	stream.strided.scatter [tilespmem:s12], [sflag:$0x3], $0x100, s15, s14, $0x38;
	[tilespmem:$0x16200] =	vst v63  }
0xb3: {  	_ =	swait.ge [sflag:s16], $0x100  }
0xb4: {  	[sflag:s16] =	ssyncset.done $0x0  }
0xb5: {  	[sflag:s16] =	ssyncadd.s32 $0xFFFFFF00  }
0xb6: {  	[spmem:s31] =	stream.strided.scatter [tilespmem:s13], [sflag:$0x3], $0x100, s15, s14, $0x38;
	[tilespmem:$0x16200] =	vst v63  }
0xb7: {  	_ =	swait.ge [sflag:s16], $0x100  }
0xb8: {  	[sflag:s16] =	ssyncset.done $0x0  }
0xb9: {  	s20 =	simm.s32 $0x10100;
	s19 =	rddreg [dreg:$0x6];
	[sflag:s16] =	ssyncadd.s32 $0xFFFFFF00  }
0xba: {  	[spmem:s19] =	stream.strided.scatter [tilespmem:s20], [sflag:$0x3], $0x100, s15, s14, $0x38;
	[tilespmem:$0x16200] =	vst v63  }
0xbb: {  	_ =	swait.ge [sflag:s16], $0x100  }
0xbc: {  	[sflag:s16] =	ssyncset.done $0x0  }
0xbd: {  	s26 =	simm.s32 $0x11100;
	s25 =	rddreg [dreg:$0x7];
	[sflag:s16] =	ssyncadd.s32 $0xFFFFFF00  }
0xbe: {  	[spmem:s25] =	stream.strided.scatter [tilespmem:s26], [sflag:$0x3], $0x100, s15, s14, $0x38;
	[tilespmem:$0x16200] =	vst v63  }
0xbf: {  	_ =	swait.ge [sflag:s16], $0x100  }
0xc0: {  	[sflag:s16] =	ssyncset.done $0x0  }
0xc1: {  	s22 =	simm.s32 $0x10200;
	s21 =	rddreg [dreg:$0x8];
	[sflag:s16] =	ssyncadd.s32 $0xFFFFFF00  }
0xc2: {  	[spmem:s21] =	stream.strided.scatter [tilespmem:s22], [sflag:$0x3], $0x100, s15, s14, $0x38;
	[tilespmem:$0x16200] =	vst v63  }
0xc3: {  	_ =	swait.ge [sflag:s16], $0x100  }
0xc4: {  	[sflag:s16] =	ssyncset.done $0x0  }
0xc5: {  	s24 =	simm.s32 $0x11200;
	s23 =	rddreg [dreg:$0x9];
	[sflag:s16] =	ssyncadd.s32 $0xFFFFFF00  }
0xc6: {  	[spmem:s23] =	stream.strided.scatter [tilespmem:s24], [sflag:$0x3], $0x100, s15, s14, $0x38;
	[tilespmem:$0x16200] =	vst v63  }
0xc7: {  	_ =	swait.ge [sflag:s16], $0x100  }
0xc8: {  	[sflag:s16] =	ssyncset.done $0x0  }
0xc9: {  	s26 =	simm.s32 $0x10300;
	s25 =	rddreg [dreg:$0xa];
	[sflag:s16] =	ssyncadd.s32 $0xFFFFFF00  }
0xca: {  	[spmem:s25] =	stream.strided.scatter [tilespmem:s26], [sflag:$0x3], $0x100, s15, s14, $0x38;
	[tilespmem:$0x16200] =	vst v63  }
0xcb: {  	_ =	swait.ge [sflag:s16], $0x100  }
0xcc: {  	[sflag:s16] =	ssyncset.done $0x0  }
0xcd: {  	s22 =	simm.s32 $0x11300;
	s21 =	rddreg [dreg:$0xb];
	[sflag:s16] =	ssyncadd.s32 $0xFFFFFF00  }
0xce: {  	[spmem:s21] =	stream.strided.scatter [tilespmem:s22], [sflag:$0x3], $0x100, s15, s14, $0x38;
	[tilespmem:$0x16200] =	vst v63  }
0xcf: {  	_ =	swait.ge [sflag:s16], $0x100  }
0xd0: {  	[sflag:s16] =	ssyncset.done $0x0  }
0xd1: {  	s24 =	simm.s32 $0x10400;
	s23 =	rddreg [dreg:$0xc];
	[sflag:s16] =	ssyncadd.s32 $0xFFFFFF00  }
0xd2: {  	[spmem:s23] =	stream.strided.scatter [tilespmem:s24], [sflag:$0x3], $0x100, s15, s14, $0x38;
	[tilespmem:$0x16200] =	vst v63  }
0xd3: {  	_ =	swait.ge [sflag:s16], $0x100  }
0xd4: {  	[sflag:s16] =	ssyncset.done $0x0  }
0xd5: {  	s26 =	simm.s32 $0x11400;
	s25 =	rddreg [dreg:$0xd];
	[sflag:s16] =	ssyncadd.s32 $0xFFFFFF00  }
0xd6: {  	[spmem:s25] =	stream.strided.scatter [tilespmem:s26], [sflag:$0x3], $0x100, s15, s14, $0x38;
	[tilespmem:$0x16200] =	vst v63  }
0xd7: {  	_ =	swait.ge [sflag:s16], $0x100  }
0xd8: {  	[sflag:s16] =	ssyncset.done $0x0  }
0xd9: {  	s22 =	simm.s32 $0x10500;
	s21 =	rddreg [dreg:$0xe];
	[sflag:s16] =	ssyncadd.s32 $0xFFFFFF00  }
0xda: {  	[spmem:s21] =	stream.strided.scatter [tilespmem:s22], [sflag:$0x3], $0x100, s15, s14, $0x38;
	[tilespmem:$0x16200] =	vst v63  }
0xdb: {  	_ =	swait.ge [sflag:s16], $0x100  }
0xdc: {  	[sflag:s16] =	ssyncset.done $0x0  }
0xdd: {  	s24 =	simm.s32 $0x11500;
	s23 =	rddreg [dreg:$0xf];
	[sflag:s16] =	ssyncadd.s32 $0xFFFFFF00  }
0xde: {  	[spmem:s23] =	stream.strided.scatter [tilespmem:s24], [sflag:$0x3], $0x100, s15, s14, $0x38;
	[tilespmem:$0x16200] =	vst v63  }
0xdf: {  	_ =	swait.ge [sflag:s16], $0x100  }
0xe0: {  	[sflag:s16] =	ssyncset.done $0x0  }
0xe1: {  	s26 =	simm.s32 $0x10600;
	s25 =	rddreg [dreg:$0x10];
	[sflag:s16] =	ssyncadd.s32 $0xFFFFFF00  }
0xe2: {  	[spmem:s25] =	stream.strided.scatter [tilespmem:s26], [sflag:$0x3], $0x100, s15, s14, $0x38;
	[tilespmem:$0x16200] =	vst v63  }
0xe3: {  	_ =	swait.ge [sflag:s16], $0x100  }
0xe4: {  	[sflag:s16] =	ssyncset.done $0x0  }
0xe5: {  	s22 =	simm.s32 $0x11600;
	s21 =	rddreg [dreg:$0x11];
	[sflag:s16] =	ssyncadd.s32 $0xFFFFFF00  }
0xe6: {  	[spmem:s21] =	stream.strided.scatter [tilespmem:s22], [sflag:$0x3], $0x100, s15, s14, $0x38;
	[tilespmem:$0x16200] =	vst v63  }
0xe7: {  	_ =	swait.ge [sflag:s16], $0x100  }
0xe8: {  	[sflag:s16] =	ssyncset.done $0x0  }
0xe9: {  	s24 =	simm.s32 $0x10700;
	s23 =	rddreg [dreg:$0x12];
	[sflag:s16] =	ssyncadd.s32 $0xFFFFFF00  }
0xea: {  	[spmem:s23] =	stream.strided.scatter [tilespmem:s24], [sflag:$0x3], $0x100, s15, s14, $0x38;
	[tilespmem:$0x16200] =	vst v63  }
0xeb: {  	_ =	swait.ge [sflag:s16], $0x100  }
0xec: {  	[sflag:s16] =	ssyncset.done $0x0  }
0xed: {  	s26 =	simm.s32 $0x11700;
	s25 =	rddreg [dreg:$0x13];
	[sflag:s16] =	ssyncadd.s32 $0xFFFFFF00  }
0xee: {  	[spmem:s25] =	stream.strided.scatter [tilespmem:s26], [sflag:$0x3], $0x100, s15, s14, $0x38;
	[tilespmem:$0x16200] =	vst v63  }
0xef: {  	_ =	swait.ge [sflag:s16], $0x100  }
0xf0: {  	[sflag:s16] =	ssyncset.done $0x0  }
0xf1: {  	s22 =	simm.s32 $0x10800;
	s21 =	rddreg [dreg:$0x14];
	[sflag:s16] =	ssyncadd.s32 $0xFFFFFF00  }
0xf2: {  	[spmem:s21] =	stream.strided.scatter [tilespmem:s22], [sflag:$0x3], $0x100, s15, s14, $0x38;
	[tilespmem:$0x16200] =	vst v63  }
0xf3: {  	_ =	swait.ge [sflag:s16], $0x100  }
0xf4: {  	[sflag:s16] =	ssyncset.done $0x0  }
0xf5: {  	s24 =	simm.s32 $0x11800;
	s23 =	rddreg [dreg:$0x15];
	[sflag:s16] =	ssyncadd.s32 $0xFFFFFF00  }
0xf6: {  	[spmem:s23] =	stream.strided.scatter [tilespmem:s24], [sflag:$0x3], $0x100, s15, s14, $0x38;
	[tilespmem:$0x16200] =	vst v63  }
0xf7: {  	_ =	swait.ge [sflag:s16], $0x100  }
0xf8: {  	[sflag:s16] =	ssyncset.done $0x0  }
0xf9: {  	s26 =	simm.s32 $0x10900;
	s25 =	rddreg [dreg:$0x16];
	[sflag:s16] =	ssyncadd.s32 $0xFFFFFF00  }
0xfa: {  	[spmem:s25] =	stream.strided.scatter [tilespmem:s26], [sflag:$0x3], $0x100, s15, s14, $0x38;
	[tilespmem:$0x16200] =	vst v63  }
0xfb: {  	_ =	swait.ge [sflag:s16], $0x100  }
0xfc: {  	[sflag:s16] =	ssyncset.done $0x0  }
0xfd: {  	s22 =	simm.s32 $0x11900;
	s21 =	rddreg [dreg:$0x17];
	[sflag:s16] =	ssyncadd.s32 $0xFFFFFF00  }
0xfe: {  	[spmem:s21] =	stream.strided.scatter [tilespmem:s22], [sflag:$0x3], $0x100, s15, s14, $0x38;
	[tilespmem:$0x16200] =	vst v63  }
0xff: {  	_ =	swait.ge [sflag:s16], $0x100  }
0x100: {  	[sflag:s16] =	ssyncset.done $0x0  }
0x101: {  	s24 =	simm.s32 $0x10A00;
	s23 =	rddreg [dreg:$0x18];
	[sflag:s16] =	ssyncadd.s32 $0xFFFFFF00  }
0x102: {  	[spmem:s23] =	stream.strided.scatter [tilespmem:s24], [sflag:$0x3], $0x100, s15, s14, $0x38;
	[tilespmem:$0x16200] =	vst v63  }
0x103: {  	_ =	swait.ge [sflag:s16], $0x100  }
0x104: {  	[sflag:s16] =	ssyncset.done $0x0  }
0x105: {  	s26 =	simm.s32 $0x11A00;
	s25 =	rddreg [dreg:$0x19];
	[sflag:s16] =	ssyncadd.s32 $0xFFFFFF00  }
0x106: {  	[spmem:s25] =	stream.strided.scatter [tilespmem:s26], [sflag:$0x3], $0x100, s15, s14, $0x38;
	[tilespmem:$0x16200] =	vst v63  }
0x107: {  	_ =	swait.ge [sflag:s16], $0x100  }
0x108: {  	[sflag:s16] =	ssyncset.done $0x0  }
0x109: {  	s22 =	simm.s32 $0x10B00;
	s21 =	rddreg [dreg:$0x1a];
	[sflag:s16] =	ssyncadd.s32 $0xFFFFFF00  }
0x10a: {  	[spmem:s21] =	stream.strided.scatter [tilespmem:s22], [sflag:$0x3], $0x100, s15, s14, $0x38;
	[tilespmem:$0x16200] =	vst v63  }
0x10b: {  	_ =	swait.ge [sflag:s16], $0x100  }
0x10c: {  	[sflag:s16] =	ssyncset.done $0x0  }
0x10d: {  	s24 =	simm.s32 $0x11B00;
	s23 =	rddreg [dreg:$0x1b];
	[sflag:s16] =	ssyncadd.s32 $0xFFFFFF00  }
0x10e: {  	[spmem:s23] =	stream.strided.scatter [tilespmem:s24], [sflag:$0x3], $0x100, s15, s14, $0x38;
	[tilespmem:$0x16200] =	vst v63  }
0x10f: {  	_ =	swait.ge [sflag:s16], $0x100  }
0x110: {  	[sflag:s16] =	ssyncset.done $0x0  }
0x111: {  	s26 =	simm.s32 $0x10C00;
	s25 =	rddreg [dreg:$0x1c];
	[sflag:s16] =	ssyncadd.s32 $0xFFFFFF00  }
0x112: {  	[spmem:s25] =	stream.strided.scatter [tilespmem:s26], [sflag:$0x3], $0x100, s15, s14, $0x38;
	[tilespmem:$0x16200] =	vst v63  }
0x113: {  	_ =	swait.ge [sflag:s16], $0x100  }
0x114: {  	[sflag:s16] =	ssyncset.done $0x0  }
0x115: {  	s21 =	simm.s32 $0x11C00;
	s20 =	rddreg [dreg:$0x1d];
	[sflag:s16] =	ssyncadd.s32 $0xFFFFFF00  }
0x116: {  	[spmem:s20] =	stream.strided.scatter [tilespmem:s21], [sflag:$0x3], $0x100, s15, s14, $0x38;
	[tilespmem:$0x16200] =	vst v63  }
0x117: {  	_ =	swait.ge [sflag:s16], $0x100  }
0x118: {  	[sflag:s16] =	ssyncset.done $0x0  }
0x119: {  	s23 =	simm.s32 $0x10D00;
	s22 =	rddreg [dreg:$0x1e];
	[sflag:s16] =	ssyncadd.s32 $0xFFFFFF00  }
0x11a: {  	[spmem:s22] =	stream.strided.scatter [tilespmem:s23], [sflag:$0x3], $0x100, s15, s14, $0x38;
	[tilespmem:$0x16200] =	vst v63  }
0x11b: {  	_ =	swait.ge [sflag:s16], $0x100  }
0x11c: {  	[sflag:s16] =	ssyncset.done $0x0  }
0x11d: {  	s24 =	simm.s32 $0x11D00;
	[sflag:s16] =	ssyncadd.s32 $0xFFFFFF00  }
0x11e: {  	[spmem:s29] =	stream.strided.scatter [tilespmem:s24], [sflag:$0x3], $0x100, s15, s14, $0x38;
	[tilespmem:$0x16200] =	vst v63  }
0x11f: {  	_ =	swait.ge [sflag:s16], $0x100  }
0x120: {  	[sflag:s16] =	ssyncset.done $0x0  }
0x121: {  	s25 =	simm.s32 $0x10E00;
	[sflag:s16] =	ssyncadd.s32 $0xFFFFFF00  }
0x122: {  	[spmem:s0] =	stream.strided.scatter [tilespmem:s25], [sflag:$0x3], $0x100, s15, s14, $0x38;
	[tilespmem:$0x16200] =	vst v63  }
0x123: {  	_ =	swait.ge [sflag:s16], $0x100  }
0x124: {  	[sflag:s16] =	ssyncset.done $0x0  }
0x125: {  	s26 =	simm.s32 $0x11E00;
	[sflag:s16] =	ssyncadd.s32 $0xFFFFFF00  }
0x126: {  	[spmem:s1] =	stream.strided.scatter [tilespmem:s26], [sflag:$0x3], $0x100, s15, s14, $0x38;
	[tilespmem:$0x16200] =	vst v63  }
0x127: {  	_ =	swait.ge [sflag:s16], $0x100  }
0x128: {  	[sflag:s16] =	ssyncset.done $0x0  }
0x129: {  	s20 =	simm.s32 $0x10F00;
	[sflag:s16] =	ssyncadd.s32 $0xFFFFFF00  }
0x12a: {  	[spmem:s2] =	stream.strided.scatter [tilespmem:s20], [sflag:$0x3], $0x100, s15, s14, $0x38;
	[tilespmem:$0x16200] =	vst v63  }
0x12b: {  	_ =	swait.ge [sflag:s16], $0x100  }
0x12c: {  	[sflag:s16] =	ssyncset.done $0x0  }
0x12d: {  	s21 =	simm.s32 $0x11F00;
	[sflag:s16] =	ssyncadd.s32 $0xFFFFFF00  }
0x12e: {  	[spmem:s3] =	stream.strided.scatter [tilespmem:s21], [sflag:$0x3], $0x100, s15, s14, $0x38;
	[tilespmem:$0x16200] =	vst v63  }
0x12f: {  	_ =	swait.ge [sflag:s16], $0x100  }
0x130: {  	[sflag:s16] =	ssyncset.done $0x0  }
0x131: {  	[sflag:s16] =	ssyncadd.s32 $0xFFFFFF00  }
0x132: {  	s22 =	simm.s32 $0x12000;
	[bflag:$0x0] =	sbarrier.arrive $0xFFFF  }
0x133: {  	[tilespmem:s22], [sflag:$0x3] =	stream.linear.gather [spmem:s4], $0x1000, $0x38;
	[tilespmem:$0x16200] =	vst v63  }
0x134: {  	_ =	swait.ge [sflag:s16], $0x1000  }
0x135: {  	[sflag:s16] =	ssyncset.done $0x0  }
0x136: {  	s19 =	simm.s32 $0x0;
	s23 =	simm.s32 $0x13000;
	[sflag:s16] =	ssyncadd.s32 $0xFFFFF000  }
0x137: {  	[tilespmem:s23], [sflag:$0x3] =	stream.linear.gather [spmem:s5], $0x1000, $0x38;
	[tilespmem:$0x16200] =	vst v63  }
0x138: {  	s24 =	sand.u32 $0xFFFFFC00, s19;
	_ =	swait.ge [sflag:s16], $0x1000  }
0x139: {  	s20 =	sadd.s32 $0x0, s24;
	[sflag:s16] =	ssyncset.done $0x0  }
0x13a: {  	s21 =	sor.u32 $0x80, s20;
	[sflag:s16] =	ssyncadd.s32 $0xFFFFF000  }
0x13b: {  	s22 =	sand.u32 $0x70, s19;
	s23 =	sand.u32 $0x400, s19;
	v7 =	vld [tilespmem:s21+$0x13000]  }
0x13c: {  	s22 =	sor.u32 s22, s23;
	v8 =	vld [tilespmem:s21+$0x12000]  }
0x13d: {  	v34 =	vld [tilespmem:s22+$0x12000]  }
0x13e: {  	v35 =	vld [tilespmem:s22+$0x13000]  }
0x13f: {  	v36 =	vld [tilespmem:s22+$0x12100]  }
0x140: {  	s25 =	sor.u32 $0x180, s20;
	v37 =	vld [tilespmem:s22+$0x13100]  }
0x141: {  	v38 =	vld [tilespmem:s25+$0x12000]  }
0x142: {  	v39 =	vld [tilespmem:s25+$0x13000];
	v8 =	vadd.f32 v8, v34  }
0x143: {  	v40 =	vld [tilespmem:s22+$0x12200];
	v7 =	vadd.f32 v7, v35  }
0x144: {  	s26 =	sor.u32 $0x280, s20;
	v41 =	vld [tilespmem:s22+$0x13200];
	v8 =	vadd.f32 v36, v8  }
0x145: {  	v42 =	vld [tilespmem:s26+$0x12000];
	v7 =	vadd.f32 v37, v7  }
0x146: {  	v43 =	vld [tilespmem:s26+$0x13000];
	v8 =	vadd.f32 v38, v8  }
0x147: {  	s19 =	sor.u32 s19, s19;
	v44 =	vld [tilespmem:s22+$0x12300];
	v7 =	vadd.f32 v39, v7  }
0x148: {  	s23 =	sor.u32 $0x380, s19;
	v45 =	vld [tilespmem:s22+$0x13300];
	v8 =	vadd.f32 v40, v8  }
0x149: {  	v46 =	vld [tilespmem:s23+$0x12000];
	v7 =	vadd.f32 v41, v7  }
0x14a: {  	v47 =	vld [tilespmem:s23+$0x13000];
	v8 =	vadd.f32 v42, v8  }
0x14b: {  	v48 =	vld [tilespmem:s22+$0x12800];
	v7 =	vadd.f32 v43, v7  }
0x14c: {  	s24 =	sor.u32 $0x880, s20;
	v49 =	vld [tilespmem:s22+$0x13800];
	v8 =	vadd.f32 v44, v8  }
0x14d: {  	v50 =	vld [tilespmem:s24+$0x12000];
	v7 =	vadd.f32 v45, v7  }
0x14e: {  	v51 =	vld [tilespmem:s24+$0x13000];
	v8 =	vadd.f32 v46, v8  }
0x14f: {  	v52 =	vld [tilespmem:s22+$0x12900];
	v7 =	vadd.f32 v47, v7  }
0x150: {  	v53 =	vld [tilespmem:s22+$0x13900];
	s25 =	sor.u32 $0x980, s20;
	v8 =	vadd.f32 v48, v8  }
0x151: {  	v54 =	vld [tilespmem:s25+$0x12000];
	v7 =	vadd.f32 v49, v7  }
0x152: {  	v55 =	vld [tilespmem:s25+$0x13000];
	v8 =	vadd.f32 v50, v8  }
0x153: {  	v56 =	vld [tilespmem:s22+$0x12A00];
	v7 =	vadd.f32 v51, v7  }
0x154: {  	v57 =	vld [tilespmem:s22+$0x13A00];
	s20 =	sor.u32 $0xA80, s20;
	v8 =	vadd.f32 v52, v8  }
0x155: {  	v58 =	vld [tilespmem:s20+$0x12000];
	v7 =	vadd.f32 v53, v7  }
0x156: {  	v59 =	vld [tilespmem:s20+$0x13000];
	v8 =	vadd.f32 v54, v8  }
0x157: {  	v60 =	vld [tilespmem:s22+$0x12B00];
	v7 =	vadd.f32 v55, v7  }
0x158: {  	s19 =	sor.u32 $0xB80, s19;
	v61 =	vld [tilespmem:s22+$0x13B00];
	v8 =	vadd.f32 v56, v8  }
0x159: {  	v62 =	vld [tilespmem:s19+$0x12000];
	v7 =	vadd.f32 v57, v7  }
0x15a: {  	v63 =	vld [tilespmem:s19+$0x13000];
	v8 =	vadd.f32 v58, v8  }
0x15b: {  	v7 =	vadd.f32 v59, v7  }
0x15c: {  	v8 =	vadd.f32 v60, v8  }
0x15d: {  	v7 =	vadd.f32 v61, v7  }
0x15e: {  	s21 =	simm.s32 $0x80;
	v8 =	vadd.f32 v62, v8  }
0x15f: {  	s19 =	simm.s32 $0x14000;
	s26 =	sand.u32 $0xFFFFFC00, s21;
	v7 =	vadd.f32 v63, v7  }
0x160: {  	s20 =	simm.s32 $0x14100;
	s23 =	sadd.s32 $0x10, s26;
	[tilespmem:s19+$0x0] =	vst v8  }
0x161: {  	s22 =	simm.s32 $0x10;
	s26 =	sor.u32 $0x80, s23;
	[tilespmem:s20+$0x0] =	vst v7  }
0x162: {  	s24 =	simm.s32 $0x20;
	s25 =	sand.u32 $0x70, s22;
	s28 =	sand.u32 $0x400, s21;
	v7 =	vld [tilespmem:s26+$0x13000]  }
.LBB2_8:
0x163: {  	p0 =	sne.s32 s24, $0xF0;
	s25 =	sor.u32 s25, s28;
	v8 =	vld [tilespmem:s26+$0x12000]  }
0x164: {  	v9 =	vld [tilespmem:s25+$0x12000]  }
0x165: {  	v10 =	vld [tilespmem:s25+$0x13000]  }
0x166: {  	v11 =	vld [tilespmem:s25+$0x12100]  }
0x167: {  	s26 =	sor.u32 $0x180, s23;
	v12 =	vld [tilespmem:s25+$0x13100]  }
0x168: {  	v13 =	vld [tilespmem:s26+$0x12000]  }
0x169: {  	v8 =	vadd.f32 v8, v9;
	v9 =	vld [tilespmem:s26+$0x13000]  }
0x16a: {  	v7 =	vadd.f32 v7, v10;
	v10 =	vld [tilespmem:s25+$0x12200]  }
0x16b: {  	s26 =	sor.u32 $0x280, s23;
	v8 =	vadd.f32 v11, v8;
	v11 =	vld [tilespmem:s25+$0x13200]  }
0x16c: {  	v7 =	vadd.f32 v12, v7;
	v12 =	vld [tilespmem:s26+$0x12000]  }
0x16d: {  	v8 =	vadd.f32 v13, v8;
	v13 =	vld [tilespmem:s26+$0x13000]  }
0x16e: {  	s26 =	sor.u32 s22, s21;
	s22 =	smov.u32 s24;
	v7 =	vadd.f32 v9, v7;
	v9 =	vld [tilespmem:s25+$0x12300]  }
0x16f: {  	s28 =	sor.u32 $0x380, s26;
	v8 =	vadd.f32 v10, v8;
	v10 =	vld [tilespmem:s25+$0x13300]  }
0x170: {  	v7 =	vadd.f32 v11, v7;
	v11 =	vld [tilespmem:s28+$0x12000]  }
0x171: {  	v8 =	vadd.f32 v12, v8;
	v12 =	vld [tilespmem:s28+$0x13000]  }
0x172: {  	v7 =	vadd.f32 v13, v7;
	v13 =	vld [tilespmem:s25+$0x12800]  }
0x173: {  	s28 =	sor.u32 $0x880, s23;
	v8 =	vadd.f32 v9, v8;
	v9 =	vld [tilespmem:s25+$0x13800]  }
0x174: {  	v7 =	vadd.f32 v10, v7;
	v10 =	vld [tilespmem:s28+$0x12000]  }
0x175: {  	v8 =	vadd.f32 v11, v8;
	v11 =	vld [tilespmem:s28+$0x13000]  }
0x176: {  	v7 =	vadd.f32 v12, v7;
	v12 =	vld [tilespmem:s25+$0x12900]  }
0x177: {  	s28 =	sor.u32 $0x980, s23;
	v8 =	vadd.f32 v13, v8;
	v13 =	vld [tilespmem:s25+$0x13900]  }
0x178: {  	v7 =	vadd.f32 v9, v7;
	v9 =	vld [tilespmem:s28+$0x12000]  }
0x179: {  	v8 =	vadd.f32 v10, v8;
	v10 =	vld [tilespmem:s28+$0x13000]  }
0x17a: {  	v7 =	vadd.f32 v11, v7;
	v11 =	vld [tilespmem:s25+$0x12A00]  }
0x17b: {  	s23 =	sor.u32 $0xA80, s23;
	v8 =	vadd.f32 v12, v8;
	v12 =	vld [tilespmem:s25+$0x13A00]  }
0x17c: {  	v7 =	vadd.f32 v13, v7;
	v13 =	vld [tilespmem:s23+$0x12000]  }
0x17d: {  	v8 =	vadd.f32 v9, v8;
	v9 =	vld [tilespmem:s23+$0x13000]  }
0x17e: {  	v7 =	vadd.f32 v10, v7;
	v10 =	vld [tilespmem:s25+$0x12B00]  }
0x17f: {  	s23 =	sor.u32 $0xB80, s26;
	v8 =	vadd.f32 v11, v8;
	v11 =	vld [tilespmem:s25+$0x13B00]  }
0x180: {  	v7 =	vadd.f32 v12, v7;
	v12 =	vld [tilespmem:s23+$0x12000]  }
0x181: {  	v8 =	vadd.f32 v13, v8;
	v13 =	vld [tilespmem:s23+$0x13000]  }
0x182: {  	v7 =	vadd.f32 v9, v7  }
0x183: {  	v8 =	vadd.f32 v10, v8  }
0x184: {  	v7 =	vadd.f32 v11, v7  }
.Ltmp3:
0x185: {  	s21 =	sadd.s32 $0x80, s21;
	v8 =	vadd.f32 v12, v8;
	(pc) =	sbr.rel @p0 .LBB2_8-.Ltmp3, $4  }
0x186: {  	s19 =	sadd.s32 $0x10, s19;
	s23 =	sand.u32 $0xFFFFFC00, s21;
	v7 =	vadd.f32 v13, v7  }
0x187: {  	s20 =	sadd.s32 $0x10, s20;
	s23 =	sadd.s32 s23, s24;
	[tilespmem:s19+$0x0] =	vst v8  }
0x188: {  	s26 =	sor.u32 $0x80, s23;
	[tilespmem:s20+$0x0] =	vst v7  }
0x189: {  	s28 =	sand.u32 $0x400, s21;
	s25 =	sand.u32 $0x70, s22;
	s24 =	sadd.s32 $0x10, s24;
	v7 =	vld [tilespmem:s26+$0x13000]  }
0x18a: {  	s24 =	sor.u32 s25, s28;
	v8 =	vld [tilespmem:s26+$0x12000]  }
0x18b: {  	v9 =	vld [tilespmem:s24+$0x12000]  }
0x18c: {  	v10 =	vld [tilespmem:s24+$0x13000]  }
0x18d: {  	v11 =	vld [tilespmem:s24+$0x12100]  }
0x18e: {  	s26 =	sor.u32 $0x180, s23;
	v12 =	vld [tilespmem:s24+$0x13100]  }
0x18f: {  	v13 =	vld [tilespmem:s26+$0x12000]  }
0x190: {  	v39 =	vld [tilespmem:s26+$0x13000];
	v8 =	vadd.f32 v8, v9  }
0x191: {  	v40 =	vld [tilespmem:s24+$0x12200];
	v7 =	vadd.f32 v7, v10  }
0x192: {  	s28 =	sor.u32 $0x280, s23;
	v41 =	vld [tilespmem:s24+$0x13200];
	v8 =	vadd.f32 v11, v8  }
0x193: {  	v42 =	vld [tilespmem:s28+$0x12000];
	v7 =	vadd.f32 v12, v7  }
0x194: {  	v43 =	vld [tilespmem:s28+$0x13000];
	v8 =	vadd.f32 v13, v8  }
0x195: {  	s21 =	sor.u32 s22, s21;
	v44 =	vld [tilespmem:s24+$0x12300];
	v7 =	vadd.f32 v39, v7  }
0x196: {  	v45 =	vld [tilespmem:s24+$0x13300];
	s22 =	sor.u32 $0x380, s21;
	v8 =	vadd.f32 v40, v8  }
0x197: {  	v46 =	vld [tilespmem:s22+$0x12000];
	v7 =	vadd.f32 v41, v7  }
0x198: {  	v47 =	vld [tilespmem:s22+$0x13000];
	v8 =	vadd.f32 v42, v8  }
0x199: {  	v48 =	vld [tilespmem:s24+$0x12800];
	v7 =	vadd.f32 v43, v7  }
0x19a: {  	v49 =	vld [tilespmem:s24+$0x13800];
	s26 =	sor.u32 $0x880, s23;
	v8 =	vadd.f32 v44, v8  }
0x19b: {  	v50 =	vld [tilespmem:s26+$0x12000];
	v7 =	vadd.f32 v45, v7  }
0x19c: {  	v51 =	vld [tilespmem:s26+$0x13000];
	v8 =	vadd.f32 v46, v8  }
0x19d: {  	v52 =	vld [tilespmem:s24+$0x12900];
	v7 =	vadd.f32 v47, v7  }
0x19e: {  	v53 =	vld [tilespmem:s24+$0x13900];
	s28 =	sor.u32 $0x980, s23;
	v8 =	vadd.f32 v48, v8  }
0x19f: {  	v54 =	vld [tilespmem:s28+$0x12000];
	v7 =	vadd.f32 v49, v7  }
0x1a0: {  	v55 =	vld [tilespmem:s28+$0x13000];
	v8 =	vadd.f32 v50, v8  }
0x1a1: {  	v56 =	vld [tilespmem:s24+$0x12A00];
	v7 =	vadd.f32 v51, v7  }
0x1a2: {  	v57 =	vld [tilespmem:s24+$0x13A00];
	s23 =	sor.u32 $0xA80, s23;
	v8 =	vadd.f32 v52, v8  }
0x1a3: {  	v58 =	vld [tilespmem:s23+$0x12000];
	v7 =	vadd.f32 v53, v7  }
0x1a4: {  	v59 =	vld [tilespmem:s23+$0x13000];
	v8 =	vadd.f32 v54, v8  }
0x1a5: {  	v60 =	vld [tilespmem:s24+$0x12B00];
	v7 =	vadd.f32 v55, v7  }
0x1a6: {  	v61 =	vld [tilespmem:s24+$0x13B00];
	s21 =	sor.u32 $0xB80, s21;
	v8 =	vadd.f32 v56, v8  }
0x1a7: {  	v62 =	vld [tilespmem:s21+$0x12000];
	v7 =	vadd.f32 v57, v7  }
0x1a8: {  	v63 =	vld [tilespmem:s21+$0x13000];
	v8 =	vadd.f32 v58, v8  }
0x1a9: {  	v7 =	vadd.f32 v59, v7  }
0x1aa: {  	v8 =	vadd.f32 v60, v8  }
0x1ab: {  	v7 =	vadd.f32 v61, v7  }
0x1ac: {  	v8 =	vadd.f32 v62, v8  }
0x1ad: {  	s19 =	sadd.s32 $0x10, s19;
	v7 =	vadd.f32 v63, v7  }
0x1ae: {  	s25 =	sadd.s32 $0x10, s20;
	[tilespmem:s19+$0x0] =	vst v8  }
0x1af: {  	s26 =	simm.s32 $0x14000;
	[tilespmem:s25+$0x0] =	vst v7  }
0x1b0: {  	[hbm4b:s7+s14] =	stream.strided.scatter [tilespmem:s26], [sflag:$0x3], $0x100, s17, s14, $0x38;
	[tilespmem:$0x16200] =	vst v63  }
0x1b1: {  	s18 =	sadd.s32 $0x1, s18;
	_ =	swait.ge [sflag:s16], $0x100  }
0x1b2: {  	p0 =	sne.s32 s18, s9;
	[sflag:s16] =	ssyncset.done $0x0  }
.Ltmp4:
0x1b3: {  	s28 =	simm.s32 $0x14100;
	[sflag:s16] =	ssyncadd.s32 $0xFFFFFF00;
	(pc) =	sbr.rel @p0 .LBB2_1-.Ltmp4, $4  }
0x1b4: {  	[hbm4b:s8+s14] =	stream.strided.scatter [tilespmem:s28], [sflag:$0x3], $0x100, s17, s14, $0x38;
	[tilespmem:$0x16200] =	vst v63  }
0x1b5: {  	_ =	swait.ge [sflag:s16], $0x100  }
0x1b6: {  	[sflag:s16] =	ssyncset.done $0x0  }
0x1b7: {  	[sflag:s16] =	ssyncadd.s32 $0xFFFFFF00  }
0x1b8: {  	_ =	sfence.sel $0x180000  }
0x1b9: {  	[bflag:$0x0] =	sbarrier.arrive $0xFFFF  }
0x1ba: {  	_ =	strace $0x90000047  }
0x1bb: {  	s0 =	stileid.u32;
	[bflag:$0x2] =	sbarrier.arrive $0xFFFF  }
0x1bc: {  	p0 =	sne.s32 s0, $0x0;
	s0 =	rddreg [dreg:$0x4]  }
0x1bd: {  	s0 =	sadd.s32 @!p0 $0x100000, s0  }
0x1be: {  	[sflag:s0] =	ssyncadd.tile.s32 @!p0 $0x1;
	_ =	shalt  }
.Lfunc_end2:
_tile_overlayer_lowered:
.L_overlay_start_2:
0x1bf: {  	(tag) =	ssettag $0x2  }
0x1c0: {  	s0 =	rddreg [dreg:$0x0];
	s2 =	stileid.u32  }
0x1c1: {  	s1 =	rddreg [dreg:$0x1];
	p0 =	sne.s32 s2, $0x0  }
0x1c2: {  	s3 =	rddreg [dreg:$0x2];
	[bflag:$0x3] =	sbarrier.arrive $0xFFFF;
	s2 =	simm.s32 @!p0 $0x1C03  }
0x1c3: {  	[timem:s3], [sflag:s2] =	dma.local @!p0 [hbm:s0], s1  }
0x1c4: {  	s0 =	simm.s32 @!p0 $0x3  }
0x1c5: {  	_ =	swait.ge @!p0 [sflag:s0], s1  }
0x1c6: {  	s1 =	ssub.s32 @!p0 $0x0, s1;
	[sflag:s0] =	ssyncset.done @!p0 $0x0  }
0x1c7: {  	[sflag:s0] =	ssyncadd.s32 @!p0 s1  }
0x1c8: {  	[bflag:$0x3] =	sbarrier.arrive $0xFFFF  }
0x1c9: {  	_ =	shalt  }

</sc_bundles>
